<compile_context>
chip_gen: v7x
topology: tpu7x:2x2x1
jax: 0.10.2.dev20260603
libtpu: 0.0.44.dev20260713+nightly
codegen_flags: <defaults>
</compile_context>

<pallas_src>
import functools

import jax
import jax.numpy as jnp
from jax import lax
from jax.experimental import pallas as pl
from jax.experimental.pallas import tpu as pltpu
from jax.experimental.pallas import tpu_sc as plsc

_N = 10000
_E = 640000
_G = 64

_CH = 128
_NC = 2
_NS = 16
_NW = _NC * _NS
_CHUNKS = 160
_EPAD = _NW * _CH * _CHUNKS
_NPAD = 10112
_RPT = _NPAD // _NS
_RSTG = _N // _NS


def _sc_segment_sum(table, edges3, zeros, d, split_features):
    mesh = plsc.VectorSubcoreMesh(core_axis_name="c", subcore_axis_name="s")
    nch = _CHUNKS * (2 if split_features else 1)
    ns, gp, sl = (5, 2, 3) if split_features else (8, 3, 4)
    bs = 2 * ns
    nblk = nch // bs

    @functools.partial(
        pl.kernel,
        out_type=jax.ShapeDtypeStruct((_NC, _NPAD, d), jnp.float32),
        mesh=mesh,
        compiler_params=pltpu.CompilerParams(use_tc_tiling_on_sc=False),
        scratch_types=[
            pltpu.VMEM((bs, 2, _CH), jnp.int32),
            pltpu.VMEM((bs, 2, _CH), jnp.int32),
        ] + [pltpu.VMEM((_CH, d), jnp.float32) for _ in range(ns)] + [
            pltpu.VMEM_SHARED((_NPAD, d), jnp.float32),
            pltpu.VMEM_SHARED((_N, d), jnp.float32),
            pltpu.SemaphoreType.DMA,
            pltpu.SemaphoreType.DMA,
            pltpu.SemaphoreType.DMA,
        ],
    )
    def k(table_h, edges_h, zeros_h, out_h, ib0, ib1, *rest):
        ibufs = (ib0, ib1)
        dbufs = rest[:ns]
        acc_s, tab_s, isem, gsem, ssem = rest[ns:]
        cid = lax.axis_index("c")
        sid = lax.axis_index("s")
        wid = sid * _NC + cid
        row0 = (sid if split_features else wid) * nch
        r0 = pl.multiple_of(sid * _RPT, 8)
        sr0 = sid * _RSTG

        def idxblk(b, h):
            return pltpu.make_async_copy(
                edges_h.at[pl.ds(row0 + b * bs, bs), :, :], ibufs[h], isem)

        def irow(half, q, which):
            hh, qq = (half + q // bs) % 2, q % bs
            return ibufs[hh].at[qq, which]

        def gather(half, q, g):
            return pltpu.make_async_copy(
                tab_s.at[irow(half, q, 0)], dbufs[g % ns], gsem)

        def scatter(half, q, g):
            return pltpu.make_async_copy(
                dbufs[g % ns], acc_s.at[irow(half, q, 1)], ssem)

        pltpu.sync_copy(zeros_h.at[pl.ds(r0, _RPT), :],
                        acc_s.at[pl.ds(r0, _RPT), :])
        if split_features:
            pltpu.sync_copy(table_h.at[cid, pl.ds(sr0, _RSTG), :],
                            tab_s.at[pl.ds(sr0, _RSTG), :])
        else:
            pltpu.sync_copy(table_h.at[pl.ds(sr0, _RSTG), :],
                            tab_s.at[pl.ds(sr0, _RSTG), :])
        plsc.subcore_barrier()

        idxblk(0, 0).start()
        idxblk(0, 0).wait()
        for j in range(gp):
            gather(0, j, j).start()

        def body(it, _):
            for half in range(2):
                b = it * 2 + half
                for q in range(bs):
                    g = b * bs + q
                    gather(half, q, q).wait()
                    scatter(half, q, q).start(add=True)

                    @pl.when(g >= sl)
                    def _drain_scatter():
                        scatter(half, q - sl, q - sl).wait()

                    if q == sl:
                        @pl.when(b + 1 < nblk)
                        def _next_idxblk():
                            idxblk(b + 1, 1 - half).start()

                    if q == bs - gp:
                        @pl.when(b + 1 < nblk)
                        def _wait_idxblk():
                            idxblk(b + 1, 1 - half).wait()

                    @pl.when(g + gp < nch)
                    def _next_gather():
                        gather(half, q + gp, q + gp).start()
            return 0
        lax.fori_loop(0, nch // (2 * bs), body, 0)
        for t in range(sl):
            q = bs - sl + t
            scatter(1, q, q).wait()
        plsc.subcore_barrier()

        pltpu.sync_copy(acc_s.at[pl.ds(r0, _RPT), :],
                        out_h.at[cid, pl.ds(r0, _RPT), :])

    return k(table, edges3, zeros)


def _tc_layer1(x0p, parts, w_root, w_rel, b):
    nb = 1000
    grid = _N // nb

    def body(x_r, p_r, wr_r, wl_r, b_r, o_r):
        agg = p_r[0] + p_r[1]
        acc = jnp.dot(x_r[...], wr_r[...], preferred_element_type=jnp.float32)
        acc += jnp.dot(agg, wl_r[...], preferred_element_type=jnp.float32)
        x1 = jnp.maximum(acc + b_r[...], 0.0)
        o_r[0] = x1[:, :64]
        o_r[1] = x1[:, 64:]

    return pl.pallas_call(
        body,
        grid=(grid,),
        in_specs=[
            pl.BlockSpec((nb, 8), lambda i: (i, 0)),
            pl.BlockSpec((2, nb, 8), lambda i: (0, i, 0)),
            pl.BlockSpec((8, 128), lambda i: (0, 0)),
            pl.BlockSpec((8, 128), lambda i: (0, 0)),
            pl.BlockSpec((1, 128), lambda i: (0, 0)),
        ],
        out_specs=pl.BlockSpec((2, nb, 64), lambda i: (0, i, 0)),
        out_shape=jax.ShapeDtypeStruct((2, _N, 64), jnp.float32),
    )(x0p, parts, w_root, w_rel, b)


def _tc_layer2_head(x1, parts, batch3, expad, w_root, w_rel, b2,
                    wl1a, wl1b, bl1, wl2, bl2, wl3, bl3):
    nb = 1000
    grid = _N // nb

    def body(x1_r, p_r, bt_r, ex_r, wr_r, wl_r, b2_r,
             w1a_r, w1b_r, b1_r, w2_r, b2h_r, w3_r, b3_r, o_r, pool):
        i = pl.program_id(0)

        @pl.when(i == 0)
        def _init():
            pool[...] = jnp.full((_G, 256), -jnp.inf, jnp.float32)

        x1b = jnp.concatenate([x1_r[0], x1_r[1]], axis=1)
        agg = jnp.concatenate([p_r[0], p_r[1]], axis=1)
        x2 = jnp.dot(x1b, wr_r[...], preferred_element_type=jnp.float32)
        x2 += jnp.dot(agg, wl_r[...], preferred_element_type=jnp.float32)
        x2 = jnp.maximum(x2 + b2_r[...], 0.0)

        bt = bt_r[0]
        g0 = jnp.min(bt)
        g1 = jnp.max(bt)

        def upd(g, _):
            m = bt == g
            m1 = jnp.max(jnp.where(m, x1b, -jnp.inf), axis=0, keepdims=True)
            m2 = jnp.max(jnp.where(m, x2, -jnp.inf), axis=0, keepdims=True)
            row = jnp.concatenate([m1, m2], axis=1)
            pool[pl.ds(g, 1), :] = jnp.maximum(pool[pl.ds(g, 1), :], row)
            return 0
        lax.fori_loop(g0, g1 + 1, upd, 0)

        @pl.when(i == grid - 1)
        def _head():
            p = pool[...]
            p = jnp.where(jnp.isfinite(p), p, 0.0)
            h = jnp.dot(p, w1a_r[...], preferred_element_type=jnp.float32)
            h += jnp.dot(ex_r[...], w1b_r[...], preferred_element_type=jnp.float32)
            h = jnp.maximum(h + b1_r[...], 0.0)
            h = jnp.maximum(jnp.dot(h, w2_r[...], preferred_element_type=jnp.float32) + b2h_r[...], 0.0)
            z = jnp.dot(h, w3_r[...], preferred_element_type=jnp.float32) + b3_r[...]
            zm = z - jnp.max(z, axis=-1, keepdims=True)
            o_r[...] = zm - jnp.log(jnp.sum(jnp.exp(zm), axis=-1, keepdims=True))

    return pl.pallas_call(
        body,
        grid=(grid,),
        in_specs=[
            pl.BlockSpec((2, nb, 64), lambda i: (0, i, 0)),
            pl.BlockSpec((2, nb, 64), lambda i: (0, i, 0)),
            pl.BlockSpec((1, nb, 1), lambda i: (i, 0, 0)),
            pl.BlockSpec((_G, 16), lambda i: (0, 0)),
            pl.BlockSpec((128, 128), lambda i: (0, 0)),
            pl.BlockSpec((128, 128), lambda i: (0, 0)),
            pl.BlockSpec((1, 128), lambda i: (0, 0)),
            pl.BlockSpec((256, 64), lambda i: (0, 0)),
            pl.BlockSpec((16, 64), lambda i: (0, 0)),
            pl.BlockSpec((1, 64), lambda i: (0, 0)),
            pl.BlockSpec((64, 32), lambda i: (0, 0)),
            pl.BlockSpec((1, 32), lambda i: (0, 0)),
            pl.BlockSpec((32, 10), lambda i: (0, 0)),
            pl.BlockSpec((1, 10), lambda i: (0, 0)),
        ],
        out_specs=pl.BlockSpec((_G, 10), lambda i: (0, 0)),
        out_shape=jax.ShapeDtypeStruct((_G, 10), jnp.float32),
        scratch_shapes=[pltpu.VMEM((_G, 256), jnp.float32)],
    )(x1, parts, batch3, expad, w_root, w_rel, b2,
      wl1a, wl1b, bl1, wl2, bl2, wl3, bl3)


def kernel(x, edge_index, batch, exinfo, W1_root, W1_rel, b1,
           W2_root, W2_rel, b2, Wl1, bl1, Wl2, bl2, Wl3, bl3):
    src = edge_index[0]
    dst = edge_index[1]
    pad = _EPAD - _E
    srcp = jnp.concatenate([src, jnp.zeros((pad,), jnp.int32)]).reshape(-1, _CH)
    dstp = jnp.concatenate([dst, jnp.full((pad,), _N, jnp.int32)]).reshape(-1, _CH)
    edges3 = jnp.stack([srcp, dstp], axis=1)

    x0p = jnp.pad(x[:, 2:5], ((0, 0), (0, 5)))
    w1r = jnp.pad(W1_root, ((0, 5), (0, 0)))
    w1l = jnp.pad(W1_rel, ((0, 5), (0, 0)))

    z8 = jnp.zeros((_NPAD, 8), jnp.float32)
    z64 = jnp.zeros((_NPAD, 64), jnp.float32)

    agg0 = _sc_segment_sum(x0p, edges3, z8, 8, False)
    x1 = _tc_layer1(x0p, agg0, w1r, w1l, b1.reshape(1, 128))

    agg1 = _sc_segment_sum(x1, edges3, z64, 64, True)

    batch3 = batch.reshape(_N // 1000, 1000, 1)
    expad = jnp.pad(exinfo, ((0, 0), (0, 6)))
    wl1a = Wl1[:256]
    wl1b = jnp.pad(Wl1[256:], ((0, 6), (0, 0)))

    return _tc_layer2_head(
        x1, agg1, batch3, expad, W2_root, W2_rel, b2.reshape(1, 128),
        wl1a, wl1b, bl1.reshape(1, 64), Wl2, bl2.reshape(1, 32),
        Wl3, bl3.reshape(1, 10))

# --- scband reference (transcript-rebuilt; emitter-appended) ---
"""Pipeline reference for scband-net-43533788512497 (READ-ONLY COPY).

The authoritative reference and input builder live on the scoring server;
editing this copy changes nothing except your own understanding.
"""

import jax, jax.numpy as jnp
import numpy as np

N = 10000
E = 640000
G = 64
NUM_CLASSES = 10


def setup_inputs(seed: int = 0) -> dict:
    key = jax.random.key(seed)
    ks = jax.random.split(key, 20)
    inp = {}
    inp["x"] = jax.random.normal(ks[0], (N, 5), dtype=jnp.float32)
    inp["edge_index"] = jax.random.randint(ks[1], (2, E), 0, N, dtype=jnp.int32)
    inp["batch"] = jnp.sort(jax.random.randint(ks[2], (N,), 0, G, dtype=jnp.int32))
    inp["exinfo"] = jax.random.normal(ks[3], (G, 10), dtype=jnp.float32)
    inp["W1_root"] = jax.random.normal(ks[4], (3, 128), dtype=jnp.float32) * 0.1
    inp["W1_rel"] = jax.random.normal(ks[5], (3, 128), dtype=jnp.float32) * 0.1
    inp["b1"] = jnp.zeros((128,), dtype=jnp.float32)
    inp["W2_root"] = jax.random.normal(ks[6], (128, 128), dtype=jnp.float32) * 0.05
    inp["W2_rel"] = jax.random.normal(ks[7], (128, 128), dtype=jnp.float32) * 0.05
    inp["b2"] = jnp.zeros((128,), dtype=jnp.float32)
    inp["Wl1"] = jax.random.normal(ks[8], (266, 64), dtype=jnp.float32) * 0.05
    inp["bl1"] = jnp.zeros((64,), dtype=jnp.float32)
    inp["Wl2"] = jax.random.normal(ks[9], (64, 32), dtype=jnp.float32) * 0.1
    inp["bl2"] = jnp.zeros((32,), dtype=jnp.float32)
    inp["Wl3"] = jax.random.normal(ks[10], (32, NUM_CLASSES), dtype=jnp.float32) * 0.1
    inp["bl3"] = jnp.zeros((NUM_CLASSES,), dtype=jnp.float32)
    return inp


def _graph_conv(x, src, dst, W_root, W_rel, b):
    # PyG GraphConv (aggr='add'): out_i = x_i @ W_root + (sum_{j->i} x_j) @ W_rel + b
    msg = jnp.take(x, src, axis=0)
    agg = jax.ops.segment_sum(msg, dst, num_segments=x.shape[0])
    return x @ W_root + agg @ W_rel + b


def reference(x, edge_index, batch, exinfo, W1_root, W1_rel, b1, W2_root, W2_rel, b2, Wl1, bl1, Wl2, bl2, Wl3, bl3):
    src = edge_index[0]
    dst = edge_index[1]
    x0 = x[:, 2:5]
    x1 = jax.nn.relu(_graph_conv(x0, src, dst, W1_root, W1_rel, b1))
    # dropout p=0.2 is identity in eval mode
    x2 = jax.nn.relu(_graph_conv(x1, src, dst, W2_root, W2_rel, b2))
    xc = jnp.concatenate([x1, x2], axis=-1)
    pooled = jax.ops.segment_max(xc, batch, num_segments=G)
    pooled = jnp.where(jnp.isfinite(pooled), pooled, 0.0)  # empty-segment guard
    h = jnp.concatenate([pooled, exinfo], axis=-1)
    h = jax.nn.relu(h @ Wl1 + bl1)
    h = jax.nn.relu(h @ Wl2 + bl2)
    return jax.nn.log_softmax(h @ Wl3 + bl3, axis=-1)

if __name__ == "__main__":
    import jax
    _d = setup_inputs()
    print(jax.jit(kernel)(*tuple(_d.values())))

</pallas_src>

<mosaic_0001>
#map = affine_map<(d0, d1) -> (0, 0)>
#map1 = affine_map<(d0, d1) -> (0, 0, 0)>
module attributes {stable_mosaic.version = 14 : i64} {
  func.func @k(%arg0: i32, %arg1: i32, %arg2: memref<10000x8xf32, #tpu.memory_space<hbm>>, %arg3: memref<5120x2x128xi32, #tpu.memory_space<hbm>>, %arg4: memref<10112x8xf32, #tpu.memory_space<hbm>>, %arg5: memref<2x10112x8xf32, #tpu.memory_space<hbm>>, %arg6: memref<16x2x128xi32, #tpu.memory_space<vmem>>, %arg7: memref<16x2x128xi32, #tpu.memory_space<vmem>>, %arg8: memref<128x8xf32, #tpu.memory_space<vmem>>, %arg9: memref<128x8xf32, #tpu.memory_space<vmem>>, %arg10: memref<128x8xf32, #tpu.memory_space<vmem>>, %arg11: memref<128x8xf32, #tpu.memory_space<vmem>>, %arg12: memref<128x8xf32, #tpu.memory_space<vmem>>, %arg13: memref<128x8xf32, #tpu.memory_space<vmem>>, %arg14: memref<128x8xf32, #tpu.memory_space<vmem>>, %arg15: memref<128x8xf32, #tpu.memory_space<vmem>>, %arg16: memref<10112x8xf32, #tpu.memory_space<vmem_shared>>, %arg17: memref<10000x8xf32, #tpu.memory_space<vmem_shared>>, %arg18: memref<!tpu.dma_semaphore, #tpu.memory_space<semaphore_mem>>, %arg19: memref<!tpu.dma_semaphore, #tpu.memory_space<semaphore_mem>>, %arg20: memref<!tpu.dma_semaphore, #tpu.memory_space<semaphore_mem>>) attributes {dimension_semantics = [#tpu.dimension_semantics<core_parallel>, #tpu.dimension_semantics<subcore_parallel>], iteration_bounds = array<i64: 2, 16>, scalar_prefetch = 0 : i64, scratch_operands = 15 : i64, tpu.core_type = #tpu.core_type<sc_vector_subcore>, window_params = [{transform_indices = #map}, {transform_indices = #map1}, {transform_indices = #map}, {transform_indices = #map1}]} {
    %mul3A = arith.constant 2 : i32
    %mul3A_0 = arith.muli %arg1, %mul3A : i32
    %add3A = arith.addi %mul3A_0, %arg0 : i32
    %mul3A_1 = arith.constant 160 : i32
    %mul3A_2 = arith.muli %add3A, %mul3A_1 : i32
    %mul3A_3 = arith.constant 632 : i32
    %mul3A_4 = arith.muli %arg1, %mul3A_3 : i32
    %multiple_of3A = tpu.assume_multiple %mul3A_4, 8 : i32
    %mul3A_5 = arith.constant 625 : i32
    %mul3A_6 = arith.muli %arg1, %mul3A_5 : i32
    "tpu.region"() ({
      %run_scoped3A = tpu.sem_alloc : memref<!tpu.dma_semaphore, #tpu.memory_space<semaphore_mem>>
      %dma_start3A_84 = arith.constant 0 : i32
      %dma_start3A_85 = tpu.memref_slice %arg16[%multiple_of3A, %dma_start3A_84] : memref<10112x8xf32, #tpu.memory_space<vmem_shared>> -> memref<632x8xf32, #tpu.memory_space<vmem_shared>>
      %dma_start3A_86 = arith.constant 0 : i32
      %dma_start3A_87 = tpu.memref_slice %arg4[%multiple_of3A, %dma_start3A_86] : memref<10112x8xf32, #tpu.memory_space<hbm>> -> memref<632x8xf32, #tpu.memory_space<hbm>>
      tpu.enqueue_dma source(%dma_start3A_87 : memref<632x8xf32, #tpu.memory_space<hbm>>) target(%dma_start3A_85 : memref<632x8xf32, #tpu.memory_space<vmem_shared>>) target_semaphore(%run_scoped3A : memref<!tpu.dma_semaphore, #tpu.memory_space<semaphore_mem>>)
      %dma_wait3A_88 = arith.constant 0 : i32
      %dma_wait3A_89 = tpu.memref_slice %arg16[%multiple_of3A, %dma_wait3A_88] : memref<10112x8xf32, #tpu.memory_space<vmem_shared>> -> memref<632x8xf32, #tpu.memory_space<vmem_shared>>
      %dma_wait3A_90 = arith.constant 0 : i32
      %dma_wait3A_91 = tpu.memref_slice %arg4[%multiple_of3A, %dma_wait3A_90] : memref<10112x8xf32, #tpu.memory_space<hbm>> -> memref<632x8xf32, #tpu.memory_space<hbm>>
      tpu.wait_dma2 semaphore(%run_scoped3A : memref<!tpu.dma_semaphore, #tpu.memory_space<semaphore_mem>>) src(%dma_wait3A_91 : memref<632x8xf32, #tpu.memory_space<hbm>>) dst(%dma_wait3A_89 : memref<632x8xf32, #tpu.memory_space<vmem_shared>>)
      tpu.yield
    }) : () -> ()
    "tpu.region"() ({
      %run_scoped3A = tpu.sem_alloc : memref<!tpu.dma_semaphore, #tpu.memory_space<semaphore_mem>>
      %dma_start3A_84 = arith.constant 0 : i32
      %dma_start3A_85 = tpu.memref_slice %arg17[%mul3A_6, %dma_start3A_84] : memref<10000x8xf32, #tpu.memory_space<vmem_shared>> -> memref<625x8xf32, #tpu.memory_space<vmem_shared>>
      %dma_start3A_86 = arith.constant 0 : i32
      %dma_start3A_87 = tpu.memref_slice %arg2[%mul3A_6, %dma_start3A_86] : memref<10000x8xf32, #tpu.memory_space<hbm>> -> memref<625x8xf32, #tpu.memory_space<hbm>>
      tpu.enqueue_dma source(%dma_start3A_87 : memref<625x8xf32, #tpu.memory_space<hbm>>) target(%dma_start3A_85 : memref<625x8xf32, #tpu.memory_space<vmem_shared>>) target_semaphore(%run_scoped3A : memref<!tpu.dma_semaphore, #tpu.memory_space<semaphore_mem>>)
      %dma_wait3A_88 = arith.constant 0 : i32
      %dma_wait3A_89 = tpu.memref_slice %arg17[%mul3A_6, %dma_wait3A_88] : memref<10000x8xf32, #tpu.memory_space<vmem_shared>> -> memref<625x8xf32, #tpu.memory_space<vmem_shared>>
      %dma_wait3A_90 = arith.constant 0 : i32
      %dma_wait3A_91 = tpu.memref_slice %arg2[%mul3A_6, %dma_wait3A_90] : memref<10000x8xf32, #tpu.memory_space<hbm>> -> memref<625x8xf32, #tpu.memory_space<hbm>>
      tpu.wait_dma2 semaphore(%run_scoped3A : memref<!tpu.dma_semaphore, #tpu.memory_space<semaphore_mem>>) src(%dma_wait3A_91 : memref<625x8xf32, #tpu.memory_space<hbm>>) dst(%dma_wait3A_89 : memref<625x8xf32, #tpu.memory_space<vmem_shared>>)
      tpu.yield
    }) : () -> ()
    %barrier3A = arith.constant 0 : index
    tpu.barrier barrier_id(%barrier3A)
    %add3A_7 = arith.constant 0 : i32
    %add3A_8 = arith.addi %mul3A_2, %add3A_7 : i32
    %dma_start3A = arith.constant 0 : i32
    %dma_start3A_9 = arith.constant 0 : i32
    %dma_start3A_10 = tpu.memref_slice %arg3[%add3A_8, %dma_start3A, %dma_start3A_9] : memref<5120x2x128xi32, #tpu.memory_space<hbm>> -> memref<16x2x128xi32, #tpu.memory_space<hbm>>
    %dma_start3A_11 = arith.constant 0 : i32
    %dma_start3A_12 = arith.constant 0 : i32
    %dma_start3A_13 = tpu.memref_slice %arg3[%add3A_8, %dma_start3A_11, %dma_start3A_12] : memref<5120x2x128xi32, #tpu.memory_space<hbm>> -> memref<16x2x128xi32, #tpu.memory_space<hbm>>
    tpu.enqueue_dma source(%dma_start3A_13 : memref<16x2x128xi32, #tpu.memory_space<hbm>>) target(%arg6 : memref<16x2x128xi32, #tpu.memory_space<vmem>>) target_semaphore(%arg18 : memref<!tpu.dma_semaphore, #tpu.memory_space<semaphore_mem>>)
    %add3A_14 = arith.constant 0 : i32
    %add3A_15 = arith.addi %mul3A_2, %add3A_14 : i32
    %dma_wait3A = arith.constant 0 : i32
    %dma_wait3A_16 = arith.constant 0 : i32
    %dma_wait3A_17 = tpu.memref_slice %arg3[%add3A_15, %dma_wait3A, %dma_wait3A_16] : memref<5120x2x128xi32, #tpu.memory_space<hbm>> -> memref<16x2x128xi32, #tpu.memory_space<hbm>>
    %dma_wait3A_18 = arith.constant 0 : i32
    %dma_wait3A_19 = arith.constant 0 : i32
    %dma_wait3A_20 = tpu.memref_slice %arg3[%add3A_15, %dma_wait3A_18, %dma_wait3A_19] : memref<5120x2x128xi32, #tpu.memory_space<hbm>> -> memref<16x2x128xi32, #tpu.memory_space<hbm>>
    tpu.wait_dma2 semaphore(%arg18 : memref<!tpu.dma_semaphore, #tpu.memory_space<semaphore_mem>>) src(%dma_wait3A_20 : memref<16x2x128xi32, #tpu.memory_space<hbm>>) dst(%arg6 : memref<16x2x128xi32, #tpu.memory_space<vmem>>)
    %dma_start3A_21 = arith.constant 0 : i32
    %dma_start3A_22 = arith.constant 0 : i32
    %dma_start3A_23 = arith.constant 0 : i32
    %dma_start3A_24 = tpu.memref_slice %arg6[%dma_start3A_21, %dma_start3A_22, %dma_start3A_23] : memref<16x2x128xi32, #tpu.memory_space<vmem>> -> memref<1x1x128xi32, #tpu.memory_space<vmem>>
    %dma_start3A_25 = tpu.memref_squeeze %dma_start3A_24 : memref<1x1x128xi32, #tpu.memory_space<vmem>> -> memref<128xi32, #tpu.memory_space<vmem>>
    %dma_start3A_26 = arith.constant 0 : i32
    %dma_start3A_27 = arith.constant 0 : i32
    %dma_start3A_28 = tpu.memref_slice %arg17[%dma_start3A_26, %dma_start3A_27] : memref<10000x8xf32, #tpu.memory_space<vmem_shared>> -> memref<10000x8xf32, #tpu.memory_space<vmem_shared>>
    tpu.enqueue_indirect_dma source(%dma_start3A_28 : memref<10000x8xf32, #tpu.memory_space<vmem_shared>>) target(%arg8 : memref<128x8xf32, #tpu.memory_space<vmem>>) offsets(%dma_start3A_25 : memref<128xi32, #tpu.memory_space<vmem>>) semaphore(%arg19 : memref<!tpu.dma_semaphore, #tpu.memory_space<semaphore_mem>>)
    %dma_start3A_29 = arith.constant 1 : i32
    %dma_start3A_30 = arith.constant 0 : i32
    %dma_start3A_31 = arith.constant 0 : i32
    %dma_start3A_32 = tpu.memref_slice %arg6[%dma_start3A_29, %dma_start3A_30, %dma_start3A_31] : memref<16x2x128xi32, #tpu.memory_space<vmem>> -> memref<1x1x128xi32, #tpu.memory_space<vmem>>
    %dma_start3A_33 = tpu.memref_squeeze %dma_start3A_32 : memref<1x1x128xi32, #tpu.memory_space<vmem>> -> memref<128xi32, #tpu.memory_space<vmem>>
    %dma_start3A_34 = arith.constant 0 : i32
    %dma_start3A_35 = arith.constant 0 : i32
    %dma_start3A_36 = tpu.memref_slice %arg17[%dma_start3A_34, %dma_start3A_35] : memref<10000x8xf32, #tpu.memory_space<vmem_shared>> -> memref<10000x8xf32, #tpu.memory_space<vmem_shared>>
    tpu.enqueue_indirect_dma source(%dma_start3A_36 : memref<10000x8xf32, #tpu.memory_space<vmem_shared>>) target(%arg9 : memref<128x8xf32, #tpu.memory_space<vmem>>) offsets(%dma_start3A_33 : memref<128xi32, #tpu.memory_space<vmem>>) semaphore(%arg19 : memref<!tpu.dma_semaphore, #tpu.memory_space<semaphore_mem>>)
    %dma_start3A_37 = arith.constant 2 : i32
    %dma_start3A_38 = arith.constant 0 : i32
    %dma_start3A_39 = arith.constant 0 : i32
    %dma_start3A_40 = tpu.memref_slice %arg6[%dma_start3A_37, %dma_start3A_38, %dma_start3A_39] : memref<16x2x128xi32, #tpu.memory_space<vmem>> -> memref<1x1x128xi32, #tpu.memory_space<vmem>>
    %dma_start3A_41 = tpu.memref_squeeze %dma_start3A_40 : memref<1x1x128xi32, #tpu.memory_space<vmem>> -> memref<128xi32, #tpu.memory_space<vmem>>
    %dma_start3A_42 = arith.constant 0 : i32
    %dma_start3A_43 = arith.constant 0 : i32
    %dma_start3A_44 = tpu.memref_slice %arg17[%dma_start3A_42, %dma_start3A_43] : memref<10000x8xf32, #tpu.memory_space<vmem_shared>> -> memref<10000x8xf32, #tpu.memory_space<vmem_shared>>
    tpu.enqueue_indirect_dma source(%dma_start3A_44 : memref<10000x8xf32, #tpu.memory_space<vmem_shared>>) target(%arg10 : memref<128x8xf32, #tpu.memory_space<vmem>>) offsets(%dma_start3A_41 : memref<128xi32, #tpu.memory_space<vmem>>) semaphore(%arg19 : memref<!tpu.dma_semaphore, #tpu.memory_space<semaphore_mem>>)
    %scan3A = arith.constant 0 : i32
    %scan3A_45 = arith.constant 0 : i32
    %scan3A_46 = arith.constant 5 : i32
    %scan3A_47 = arith.addi %scan3A_45, %scan3A_46 : i32
    %scan3A_48 = arith.constant 1 : i32
    %scan3A_49 = scf.for %scan3A_84 = %scan3A_45 to %scan3A_47 step %scan3A_48 iter_args(%scan3A_85 = %scan3A) -> (i32)  : i32 {
      %mul3A_86 = arith.constant 2 : i32
      %mul3A_87 = arith.muli %scan3A_84, %mul3A_86 : i32
      %add3A_88 = arith.constant 0 : i32
      %add3A_89 = arith.addi %mul3A_87, %add3A_88 : i32
      %mul3A_90 = arith.constant 16 : i32
      %mul3A_91 = arith.muli %add3A_89, %mul3A_90 : i32
      %add3A_92 = arith.constant 0 : i32
      %add3A_93 = arith.addi %mul3A_91, %add3A_92 : i32
      %dma_wait3A_94 = arith.constant 0 : i32
      %dma_wait3A_95 = arith.constant 0 : i32
      %dma_wait3A_96 = arith.constant 0 : i32
      %dma_wait3A_97 = tpu.memref_slice %arg6[%dma_wait3A_94, %dma_wait3A_95, %dma_wait3A_96] : memref<16x2x128xi32, #tpu.memory_space<vmem>> -> memref<1x1x128xi32, #tpu.memory_space<vmem>>
      %dma_wait3A_98 = tpu.memref_squeeze %dma_wait3A_97 : memref<1x1x128xi32, #tpu.memory_space<vmem>> -> memref<128xi32, #tpu.memory_space<vmem>>
      %dma_wait3A_99 = arith.constant 0 : i32
      %dma_wait3A_100 = arith.constant 0 : i32
      %dma_wait3A_101 = tpu.memref_slice %arg17[%dma_wait3A_99, %dma_wait3A_100] : memref<10000x8xf32, #tpu.memory_space<vmem_shared>> -> memref<10000x8xf32, #tpu.memory_space<vmem_shared>>
      tpu.wait_indirect_dma semaphore(%arg19 : memref<!tpu.dma_semaphore, #tpu.memory_space<semaphore_mem>>) src(%dma_wait3A_101 : memref<10000x8xf32, #tpu.memory_space<vmem_shared>>) dst(%arg8 : memref<128x8xf32, #tpu.memory_space<vmem>>)
      %dma_start3A_102 = arith.constant 0 : i32
      %dma_start3A_103 = arith.constant 1 : i32
      %dma_start3A_104 = arith.constant 0 : i32
      %dma_start3A_105 = tpu.memref_slice %arg6[%dma_start3A_102, %dma_start3A_103, %dma_start3A_104] : memref<16x2x128xi32, #tpu.memory_space<vmem>> -> memref<1x1x128xi32, #tpu.memory_space<vmem>>
      %dma_start3A_106 = tpu.memref_squeeze %dma_start3A_105 : memref<1x1x128xi32, #tpu.memory_space<vmem>> -> memref<128xi32, #tpu.memory_space<vmem>>
      %dma_start3A_107 = arith.constant 0 : i32
      %dma_start3A_108 = arith.constant 0 : i32
      %dma_start3A_109 = tpu.memref_slice %arg16[%dma_start3A_107, %dma_start3A_108] : memref<10112x8xf32, #tpu.memory_space<vmem_shared>> -> memref<10112x8xf32, #tpu.memory_space<vmem_shared>>
      tpu.enqueue_indirect_dma source(%arg8 : memref<128x8xf32, #tpu.memory_space<vmem>>) target(%dma_start3A_109 : memref<10112x8xf32, #tpu.memory_space<vmem_shared>>) offsets(%dma_start3A_106 : memref<128xi32, #tpu.memory_space<vmem>>) semaphore(%arg20 : memref<!tpu.dma_semaphore, #tpu.memory_space<semaphore_mem>>) {add = true}
      %ge3A = arith.constant 4 : i32
      %ge3A_110 = arith.cmpi sge, %add3A_93, %ge3A : i32
      %convert_element_type3A = arith.extui %ge3A_110 : i1 to i32
      %cond3A = arith.constant 0 : i32
      %cond3A_111 = arith.cmpi ne, %convert_element_type3A, %cond3A : i32
      scf.if %cond3A_111 {
        %dma_wait3A_1143 = arith.constant 12 : i32
        %dma_wait3A_1144 = arith.constant 1 : i32
        %dma_wait3A_1145 = arith.constant 0 : i32
        %dma_wait3A_1146 = tpu.memref_slice %arg7[%dma_wait3A_1143, %dma_wait3A_1144, %dma_wait3A_1145] : memref<16x2x128xi32, #tpu.memory_space<vmem>> -> memref<1x1x128xi32, #tpu.memory_space<vmem>>
        %dma_wait3A_1147 = tpu.memref_squeeze %dma_wait3A_1146 : memref<1x1x128xi32, #tpu.memory_space<vmem>> -> memref<128xi32, #tpu.memory_space<vmem>>
        %dma_wait3A_1148 = arith.constant 0 : i32
        %dma_wait3A_1149 = arith.constant 0 : i32
        %dma_wait3A_1150 = tpu.memref_slice %arg16[%dma_wait3A_1148, %dma_wait3A_1149] : memref<10112x8xf32, #tpu.memory_space<vmem_shared>> -> memref<10112x8xf32, #tpu.memory_space<vmem_shared>>
        tpu.wait_indirect_dma semaphore(%arg20 : memref<!tpu.dma_semaphore, #tpu.memory_space<semaphore_mem>>) src(%arg12 : memref<128x8xf32, #tpu.memory_space<vmem>>) dst(%dma_wait3A_1150 : memref<10112x8xf32, #tpu.memory_space<vmem_shared>>)
      } else {
      }
      %add3A_112 = arith.constant 3 : i32
      %add3A_113 = arith.addi %add3A_93, %add3A_112 : i32
      %lt3A = arith.constant 160 : i32
      %lt3A_114 = arith.cmpi slt, %add3A_113, %lt3A : i32
      %convert_element_type3A_115 = arith.extui %lt3A_114 : i1 to i32
      %cond3A_116 = arith.constant 0 : i32
      %cond3A_117 = arith.cmpi ne, %convert_element_type3A_115, %cond3A_116 : i32
      scf.if %cond3A_117 {
        %dma_start3A_1143 = arith.constant 3 : i32
        %dma_start3A_1144 = arith.constant 0 : i32
        %dma_start3A_1145 = arith.constant 0 : i32
        %dma_start3A_1146 = tpu.memref_slice %arg6[%dma_start3A_1143, %dma_start3A_1144, %dma_start3A_1145] : memref<16x2x128xi32, #tpu.memory_space<vmem>> -> memref<1x1x128xi32, #tpu.memory_space<vmem>>
        %dma_start3A_1147 = tpu.memref_squeeze %dma_start3A_1146 : memref<1x1x128xi32, #tpu.memory_space<vmem>> -> memref<128xi32, #tpu.memory_space<vmem>>
        %dma_start3A_1148 = arith.constant 0 : i32
        %dma_start3A_1149 = arith.constant 0 : i32
        %dma_start3A_1150 = tpu.memref_slice %arg17[%dma_start3A_1148, %dma_start3A_1149] : memref<10000x8xf32, #tpu.memory_space<vmem_shared>> -> memref<10000x8xf32, #tpu.memory_space<vmem_shared>>
        tpu.enqueue_indirect_dma source(%dma_start3A_1150 : memref<10000x8xf32, #tpu.memory_space<vmem_shared>>) target(%arg11 : memref<128x8xf32, #tpu.memory_space<vmem>>) offsets(%dma_start3A_1147 : memref<128xi32, #tpu.memory_space<vmem>>) semaphore(%arg19 : memref<!tpu.dma_semaphore, #tpu.memory_space<semaphore_mem>>)
      } else {
      }
      %mul3A_118 = arith.constant 16 : i32
      %mul3A_119 = arith.muli %add3A_89, %mul3A_118 : i32
      %add3A_120 = arith.constant 1 : i32
      %add3A_121 = arith.addi %mul3A_119, %add3A_120 : i32
      %dma_wait3A_122 = arith.constant 1 : i32
      %dma_wait3A_123 = arith.constant 0 : i32
      %dma_wait3A_124 = arith.constant 0 : i32
      %dma_wait3A_125 = tpu.memref_slice %arg6[%dma_wait3A_122, %dma_wait3A_123, %dma_wait3A_124] : memref<16x2x128xi32, #tpu.memory_space<vmem>> -> memref<1x1x128xi32, #tpu.memory_space<vmem>>
      %dma_wait3A_126 = tpu.memref_squeeze %dma_wait3A_125 : memref<1x1x128xi32, #tpu.memory_space<vmem>> -> memref<128xi32, #tpu.memory_space<vmem>>
      %dma_wait3A_127 = arith.constant 0 : i32
      %dma_wait3A_128 = arith.constant 0 : i32
      %dma_wait3A_129 = tpu.memref_slice %arg17[%dma_wait3A_127, %dma_wait3A_128] : memref<10000x8xf32, #tpu.memory_space<vmem_shared>> -> memref<10000x8xf32, #tpu.memory_space<vmem_shared>>
      tpu.wait_indirect_dma semaphore(%arg19 : memref<!tpu.dma_semaphore, #tpu.memory_space<semaphore_mem>>) src(%dma_wait3A_129 : memref<10000x8xf32, #tpu.memory_space<vmem_shared>>) dst(%arg9 : memref<128x8xf32, #tpu.memory_space<vmem>>)
      %dma_start3A_130 = arith.constant 1 : i32
      %dma_start3A_131 = arith.constant 1 : i32
      %dma_start3A_132 = arith.constant 0 : i32
      %dma_start3A_133 = tpu.memref_slice %arg6[%dma_start3A_130, %dma_start3A_131, %dma_start3A_132] : memref<16x2x128xi32, #tpu.memory_space<vmem>> -> memref<1x1x128xi32, #tpu.memory_space<vmem>>
      %dma_start3A_134 = tpu.memref_squeeze %dma_start3A_133 : memref<1x1x128xi32, #tpu.memory_space<vmem>> -> memref<128xi32, #tpu.memory_space<vmem>>
      %dma_start3A_135 = arith.constant 0 : i32
      %dma_start3A_136 = arith.constant 0 : i32
      %dma_start3A_137 = tpu.memref_slice %arg16[%dma_start3A_135, %dma_start3A_136] : memref<10112x8xf32, #tpu.memory_space<vmem_shared>> -> memref<10112x8xf32, #tpu.memory_space<vmem_shared>>
      tpu.enqueue_indirect_dma source(%arg9 : memref<128x8xf32, #tpu.memory_space<vmem>>) target(%dma_start3A_137 : memref<10112x8xf32, #tpu.memory_space<vmem_shared>>) offsets(%dma_start3A_134 : memref<128xi32, #tpu.memory_space<vmem>>) semaphore(%arg20 : memref<!tpu.dma_semaphore, #tpu.memory_space<semaphore_mem>>) {add = true}
      %ge3A_138 = arith.constant 4 : i32
      %ge3A_139 = arith.cmpi sge, %add3A_121, %ge3A_138 : i32
      %convert_element_type3A_140 = arith.extui %ge3A_139 : i1 to i32
      %cond3A_141 = arith.constant 0 : i32
      %cond3A_142 = arith.cmpi ne, %convert_element_type3A_140, %cond3A_141 : i32
      scf.if %cond3A_142 {
        %dma_wait3A_1143 = arith.constant 13 : i32
        %dma_wait3A_1144 = arith.constant 1 : i32
        %dma_wait3A_1145 = arith.constant 0 : i32
        %dma_wait3A_1146 = tpu.memref_slice %arg7[%dma_wait3A_1143, %dma_wait3A_1144, %dma_wait3A_1145] : memref<16x2x128xi32, #tpu.memory_space<vmem>> -> memref<1x1x128xi32, #tpu.memory_space<vmem>>
        %dma_wait3A_1147 = tpu.memref_squeeze %dma_wait3A_1146 : memref<1x1x128xi32, #tpu.memory_space<vmem>> -> memref<128xi32, #tpu.memory_space<vmem>>
        %dma_wait3A_1148 = arith.constant 0 : i32
        %dma_wait3A_1149 = arith.constant 0 : i32
        %dma_wait3A_1150 = tpu.memref_slice %arg16[%dma_wait3A_1148, %dma_wait3A_1149] : memref<10112x8xf32, #tpu.memory_space<vmem_shared>> -> memref<10112x8xf32, #tpu.memory_space<vmem_shared>>
        tpu.wait_indirect_dma semaphore(%arg20 : memref<!tpu.dma_semaphore, #tpu.memory_space<semaphore_mem>>) src(%arg13 : memref<128x8xf32, #tpu.memory_space<vmem>>) dst(%dma_wait3A_1150 : memref<10112x8xf32, #tpu.memory_space<vmem_shared>>)
      } else {
      }
      %add3A_143 = arith.constant 3 : i32
      %add3A_144 = arith.addi %add3A_121, %add3A_143 : i32
      %lt3A_145 = arith.constant 160 : i32
      %lt3A_146 = arith.cmpi slt, %add3A_144, %lt3A_145 : i32
      %convert_element_type3A_147 = arith.extui %lt3A_146 : i1 to i32
      %cond3A_148 = arith.constant 0 : i32
      %cond3A_149 = arith.cmpi ne, %convert_element_type3A_147, %cond3A_148 : i32
      scf.if %cond3A_149 {
        %dma_start3A_1143 = arith.constant 4 : i32
        %dma_start3A_1144 = arith.constant 0 : i32
        %dma_start3A_1145 = arith.constant 0 : i32
        %dma_start3A_1146 = tpu.memref_slice %arg6[%dma_start3A_1143, %dma_start3A_1144, %dma_start3A_1145] : memref<16x2x128xi32, #tpu.memory_space<vmem>> -> memref<1x1x128xi32, #tpu.memory_space<vmem>>
        %dma_start3A_1147 = tpu.memref_squeeze %dma_start3A_1146 : memref<1x1x128xi32, #tpu.memory_space<vmem>> -> memref<128xi32, #tpu.memory_space<vmem>>
        %dma_start3A_1148 = arith.constant 0 : i32
        %dma_start3A_1149 = arith.constant 0 : i32
        %dma_start3A_1150 = tpu.memref_slice %arg17[%dma_start3A_1148, %dma_start3A_1149] : memref<10000x8xf32, #tpu.memory_space<vmem_shared>> -> memref<10000x8xf32, #tpu.memory_space<vmem_shared>>
        tpu.enqueue_indirect_dma source(%dma_start3A_1150 : memref<10000x8xf32, #tpu.memory_space<vmem_shared>>) target(%arg12 : memref<128x8xf32, #tpu.memory_space<vmem>>) offsets(%dma_start3A_1147 : memref<128xi32, #tpu.memory_space<vmem>>) semaphore(%arg19 : memref<!tpu.dma_semaphore, #tpu.memory_space<semaphore_mem>>)
      } else {
      }
      %mul3A_150 = arith.constant 16 : i32
      %mul3A_151 = arith.muli %add3A_89, %mul3A_150 : i32
      %add3A_152 = arith.constant 2 : i32
      %add3A_153 = arith.addi %mul3A_151, %add3A_152 : i32
      %dma_wait3A_154 = arith.constant 2 : i32
      %dma_wait3A_155 = arith.constant 0 : i32
      %dma_wait3A_156 = arith.constant 0 : i32
      %dma_wait3A_157 = tpu.memref_slice %arg6[%dma_wait3A_154, %dma_wait3A_155, %dma_wait3A_156] : memref<16x2x128xi32, #tpu.memory_space<vmem>> -> memref<1x1x128xi32, #tpu.memory_space<vmem>>
      %dma_wait3A_158 = tpu.memref_squeeze %dma_wait3A_157 : memref<1x1x128xi32, #tpu.memory_space<vmem>> -> memref<128xi32, #tpu.memory_space<vmem>>
      %dma_wait3A_159 = arith.constant 0 : i32
      %dma_wait3A_160 = arith.constant 0 : i32
      %dma_wait3A_161 = tpu.memref_slice %arg17[%dma_wait3A_159, %dma_wait3A_160] : memref<10000x8xf32, #tpu.memory_space<vmem_shared>> -> memref<10000x8xf32, #tpu.memory_space<vmem_shared>>
      tpu.wait_indirect_dma semaphore(%arg19 : memref<!tpu.dma_semaphore, #tpu.memory_space<semaphore_mem>>) src(%dma_wait3A_161 : memref<10000x8xf32, #tpu.memory_space<vmem_shared>>) dst(%arg10 : memref<128x8xf32, #tpu.memory_space<vmem>>)
      %dma_start3A_162 = arith.constant 2 : i32
      %dma_start3A_163 = arith.constant 1 : i32
      %dma_start3A_164 = arith.constant 0 : i32
      %dma_start3A_165 = tpu.memref_slice %arg6[%dma_start3A_162, %dma_start3A_163, %dma_start3A_164] : memref<16x2x128xi32, #tpu.memory_space<vmem>> -> memref<1x1x128xi32, #tpu.memory_space<vmem>>
      %dma_start3A_166 = tpu.memref_squeeze %dma_start3A_165 : memref<1x1x128xi32, #tpu.memory_space<vmem>> -> memref<128xi32, #tpu.memory_space<vmem>>
      %dma_start3A_167 = arith.constant 0 : i32
      %dma_start3A_168 = arith.constant 0 : i32
      %dma_start3A_169 = tpu.memref_slice %arg16[%dma_start3A_167, %dma_start3A_168] : memref<10112x8xf32, #tpu.memory_space<vmem_shared>> -> memref<10112x8xf32, #tpu.memory_space<vmem_shared>>
      tpu.enqueue_indirect_dma source(%arg10 : memref<128x8xf32, #tpu.memory_space<vmem>>) target(%dma_start3A_169 : memref<10112x8xf32, #tpu.memory_space<vmem_shared>>) offsets(%dma_start3A_166 : memref<128xi32, #tpu.memory_space<vmem>>) semaphore(%arg20 : memref<!tpu.dma_semaphore, #tpu.memory_space<semaphore_mem>>) {add = true}
      %ge3A_170 = arith.constant 4 : i32
      %ge3A_171 = arith.cmpi sge, %add3A_153, %ge3A_170 : i32
      %convert_element_type3A_172 = arith.extui %ge3A_171 : i1 to i32
      %cond3A_173 = arith.constant 0 : i32
      %cond3A_174 = arith.cmpi ne, %convert_element_type3A_172, %cond3A_173 : i32
      scf.if %cond3A_174 {
        %dma_wait3A_1143 = arith.constant 14 : i32
        %dma_wait3A_1144 = arith.constant 1 : i32
        %dma_wait3A_1145 = arith.constant 0 : i32
        %dma_wait3A_1146 = tpu.memref_slice %arg7[%dma_wait3A_1143, %dma_wait3A_1144, %dma_wait3A_1145] : memref<16x2x128xi32, #tpu.memory_space<vmem>> -> memref<1x1x128xi32, #tpu.memory_space<vmem>>
        %dma_wait3A_1147 = tpu.memref_squeeze %dma_wait3A_1146 : memref<1x1x128xi32, #tpu.memory_space<vmem>> -> memref<128xi32, #tpu.memory_space<vmem>>
        %dma_wait3A_1148 = arith.constant 0 : i32
        %dma_wait3A_1149 = arith.constant 0 : i32
        %dma_wait3A_1150 = tpu.memref_slice %arg16[%dma_wait3A_1148, %dma_wait3A_1149] : memref<10112x8xf32, #tpu.memory_space<vmem_shared>> -> memref<10112x8xf32, #tpu.memory_space<vmem_shared>>
        tpu.wait_indirect_dma semaphore(%arg20 : memref<!tpu.dma_semaphore, #tpu.memory_space<semaphore_mem>>) src(%arg14 : memref<128x8xf32, #tpu.memory_space<vmem>>) dst(%dma_wait3A_1150 : memref<10112x8xf32, #tpu.memory_space<vmem_shared>>)
      } else {
      }
      %add3A_175 = arith.constant 3 : i32
      %add3A_176 = arith.addi %add3A_153, %add3A_175 : i32
      %lt3A_177 = arith.constant 160 : i32
      %lt3A_178 = arith.cmpi slt, %add3A_176, %lt3A_177 : i32
      %convert_element_type3A_179 = arith.extui %lt3A_178 : i1 to i32
      %cond3A_180 = arith.constant 0 : i32
      %cond3A_181 = arith.cmpi ne, %convert_element_type3A_179, %cond3A_180 : i32
      scf.if %cond3A_181 {
        %dma_start3A_1143 = arith.constant 5 : i32
        %dma_start3A_1144 = arith.constant 0 : i32
        %dma_start3A_1145 = arith.constant 0 : i32
        %dma_start3A_1146 = tpu.memref_slice %arg6[%dma_start3A_1143, %dma_start3A_1144, %dma_start3A_1145] : memref<16x2x128xi32, #tpu.memory_space<vmem>> -> memref<1x1x128xi32, #tpu.memory_space<vmem>>
        %dma_start3A_1147 = tpu.memref_squeeze %dma_start3A_1146 : memref<1x1x128xi32, #tpu.memory_space<vmem>> -> memref<128xi32, #tpu.memory_space<vmem>>
        %dma_start3A_1148 = arith.constant 0 : i32
        %dma_start3A_1149 = arith.constant 0 : i32
        %dma_start3A_1150 = tpu.memref_slice %arg17[%dma_start3A_1148, %dma_start3A_1149] : memref<10000x8xf32, #tpu.memory_space<vmem_shared>> -> memref<10000x8xf32, #tpu.memory_space<vmem_shared>>
        tpu.enqueue_indirect_dma source(%dma_start3A_1150 : memref<10000x8xf32, #tpu.memory_space<vmem_shared>>) target(%arg13 : memref<128x8xf32, #tpu.memory_space<vmem>>) offsets(%dma_start3A_1147 : memref<128xi32, #tpu.memory_space<vmem>>) semaphore(%arg19 : memref<!tpu.dma_semaphore, #tpu.memory_space<semaphore_mem>>)
      } else {
      }
      %mul3A_182 = arith.constant 16 : i32
      %mul3A_183 = arith.muli %add3A_89, %mul3A_182 : i32
      %add3A_184 = arith.constant 3 : i32
      %add3A_185 = arith.addi %mul3A_183, %add3A_184 : i32
      %dma_wait3A_186 = arith.constant 3 : i32
      %dma_wait3A_187 = arith.constant 0 : i32
      %dma_wait3A_188 = arith.constant 0 : i32
      %dma_wait3A_189 = tpu.memref_slice %arg6[%dma_wait3A_186, %dma_wait3A_187, %dma_wait3A_188] : memref<16x2x128xi32, #tpu.memory_space<vmem>> -> memref<1x1x128xi32, #tpu.memory_space<vmem>>
      %dma_wait3A_190 = tpu.memref_squeeze %dma_wait3A_189 : memref<1x1x128xi32, #tpu.memory_space<vmem>> -> memref<128xi32, #tpu.memory_space<vmem>>
      %dma_wait3A_191 = arith.constant 0 : i32
      %dma_wait3A_192 = arith.constant 0 : i32
      %dma_wait3A_193 = tpu.memref_slice %arg17[%dma_wait3A_191, %dma_wait3A_192] : memref<10000x8xf32, #tpu.memory_space<vmem_shared>> -> memref<10000x8xf32, #tpu.memory_space<vmem_shared>>
      tpu.wait_indirect_dma semaphore(%arg19 : memref<!tpu.dma_semaphore, #tpu.memory_space<semaphore_mem>>) src(%dma_wait3A_193 : memref<10000x8xf32, #tpu.memory_space<vmem_shared>>) dst(%arg11 : memref<128x8xf32, #tpu.memory_space<vmem>>)
      %dma_start3A_194 = arith.constant 3 : i32
      %dma_start3A_195 = arith.constant 1 : i32
      %dma_start3A_196 = arith.constant 0 : i32
      %dma_start3A_197 = tpu.memref_slice %arg6[%dma_start3A_194, %dma_start3A_195, %dma_start3A_196] : memref<16x2x128xi32, #tpu.memory_space<vmem>> -> memref<1x1x128xi32, #tpu.memory_space<vmem>>
      %dma_start3A_198 = tpu.memref_squeeze %dma_start3A_197 : memref<1x1x128xi32, #tpu.memory_space<vmem>> -> memref<128xi32, #tpu.memory_space<vmem>>
      %dma_start3A_199 = arith.constant 0 : i32
      %dma_start3A_200 = arith.constant 0 : i32
      %dma_start3A_201 = tpu.memref_slice %arg16[%dma_start3A_199, %dma_start3A_200] : memref<10112x8xf32, #tpu.memory_space<vmem_shared>> -> memref<10112x8xf32, #tpu.memory_space<vmem_shared>>
      tpu.enqueue_indirect_dma source(%arg11 : memref<128x8xf32, #tpu.memory_space<vmem>>) target(%dma_start3A_201 : memref<10112x8xf32, #tpu.memory_space<vmem_shared>>) offsets(%dma_start3A_198 : memref<128xi32, #tpu.memory_space<vmem>>) semaphore(%arg20 : memref<!tpu.dma_semaphore, #tpu.memory_space<semaphore_mem>>) {add = true}
      %ge3A_202 = arith.constant 4 : i32
      %ge3A_203 = arith.cmpi sge, %add3A_185, %ge3A_202 : i32
      %convert_element_type3A_204 = arith.extui %ge3A_203 : i1 to i32
      %cond3A_205 = arith.constant 0 : i32
      %cond3A_206 = arith.cmpi ne, %convert_element_type3A_204, %cond3A_205 : i32
      scf.if %cond3A_206 {
        %dma_wait3A_1143 = arith.constant 15 : i32
        %dma_wait3A_1144 = arith.constant 1 : i32
        %dma_wait3A_1145 = arith.constant 0 : i32
        %dma_wait3A_1146 = tpu.memref_slice %arg7[%dma_wait3A_1143, %dma_wait3A_1144, %dma_wait3A_1145] : memref<16x2x128xi32, #tpu.memory_space<vmem>> -> memref<1x1x128xi32, #tpu.memory_space<vmem>>
        %dma_wait3A_1147 = tpu.memref_squeeze %dma_wait3A_1146 : memref<1x1x128xi32, #tpu.memory_space<vmem>> -> memref<128xi32, #tpu.memory_space<vmem>>
        %dma_wait3A_1148 = arith.constant 0 : i32
        %dma_wait3A_1149 = arith.constant 0 : i32
        %dma_wait3A_1150 = tpu.memref_slice %arg16[%dma_wait3A_1148, %dma_wait3A_1149] : memref<10112x8xf32, #tpu.memory_space<vmem_shared>> -> memref<10112x8xf32, #tpu.memory_space<vmem_shared>>
        tpu.wait_indirect_dma semaphore(%arg20 : memref<!tpu.dma_semaphore, #tpu.memory_space<semaphore_mem>>) src(%arg15 : memref<128x8xf32, #tpu.memory_space<vmem>>) dst(%dma_wait3A_1150 : memref<10112x8xf32, #tpu.memory_space<vmem_shared>>)
      } else {
      }
      %add3A_207 = arith.constant 3 : i32
      %add3A_208 = arith.addi %add3A_185, %add3A_207 : i32
      %lt3A_209 = arith.constant 160 : i32
      %lt3A_210 = arith.cmpi slt, %add3A_208, %lt3A_209 : i32
      %convert_element_type3A_211 = arith.extui %lt3A_210 : i1 to i32
      %cond3A_212 = arith.constant 0 : i32
      %cond3A_213 = arith.cmpi ne, %convert_element_type3A_211, %cond3A_212 : i32
      scf.if %cond3A_213 {
        %dma_start3A_1143 = arith.constant 6 : i32
        %dma_start3A_1144 = arith.constant 0 : i32
        %dma_start3A_1145 = arith.constant 0 : i32
        %dma_start3A_1146 = tpu.memref_slice %arg6[%dma_start3A_1143, %dma_start3A_1144, %dma_start3A_1145] : memref<16x2x128xi32, #tpu.memory_space<vmem>> -> memref<1x1x128xi32, #tpu.memory_space<vmem>>
        %dma_start3A_1147 = tpu.memref_squeeze %dma_start3A_1146 : memref<1x1x128xi32, #tpu.memory_space<vmem>> -> memref<128xi32, #tpu.memory_space<vmem>>
        %dma_start3A_1148 = arith.constant 0 : i32
        %dma_start3A_1149 = arith.constant 0 : i32
        %dma_start3A_1150 = tpu.memref_slice %arg17[%dma_start3A_1148, %dma_start3A_1149] : memref<10000x8xf32, #tpu.memory_space<vmem_shared>> -> memref<10000x8xf32, #tpu.memory_space<vmem_shared>>
        tpu.enqueue_indirect_dma source(%dma_start3A_1150 : memref<10000x8xf32, #tpu.memory_space<vmem_shared>>) target(%arg14 : memref<128x8xf32, #tpu.memory_space<vmem>>) offsets(%dma_start3A_1147 : memref<128xi32, #tpu.memory_space<vmem>>) semaphore(%arg19 : memref<!tpu.dma_semaphore, #tpu.memory_space<semaphore_mem>>)
      } else {
      }
      %mul3A_214 = arith.constant 16 : i32
      %mul3A_215 = arith.muli %add3A_89, %mul3A_214 : i32
      %add3A_216 = arith.constant 4 : i32
      %add3A_217 = arith.addi %mul3A_215, %add3A_216 : i32
      %dma_wait3A_218 = arith.constant 4 : i32
      %dma_wait3A_219 = arith.constant 0 : i32
      %dma_wait3A_220 = arith.constant 0 : i32
      %dma_wait3A_221 = tpu.memref_slice %arg6[%dma_wait3A_218, %dma_wait3A_219, %dma_wait3A_220] : memref<16x2x128xi32, #tpu.memory_space<vmem>> -> memref<1x1x128xi32, #tpu.memory_space<vmem>>
      %dma_wait3A_222 = tpu.memref_squeeze %dma_wait3A_221 : memref<1x1x128xi32, #tpu.memory_space<vmem>> -> memref<128xi32, #tpu.memory_space<vmem>>
      %dma_wait3A_223 = arith.constant 0 : i32
      %dma_wait3A_224 = arith.constant 0 : i32
      %dma_wait3A_225 = tpu.memref_slice %arg17[%dma_wait3A_223, %dma_wait3A_224] : memref<10000x8xf32, #tpu.memory_space<vmem_shared>> -> memref<10000x8xf32, #tpu.memory_space<vmem_shared>>
      tpu.wait_indirect_dma semaphore(%arg19 : memref<!tpu.dma_semaphore, #tpu.memory_space<semaphore_mem>>) src(%dma_wait3A_225 : memref<10000x8xf32, #tpu.memory_space<vmem_shared>>) dst(%arg12 : memref<128x8xf32, #tpu.memory_space<vmem>>)
      %dma_start3A_226 = arith.constant 4 : i32
      %dma_start3A_227 = arith.constant 1 : i32
      %dma_start3A_228 = arith.constant 0 : i32
      %dma_start3A_229 = tpu.memref_slice %arg6[%dma_start3A_226, %dma_start3A_227, %dma_start3A_228] : memref<16x2x128xi32, #tpu.memory_space<vmem>> -> memref<1x1x128xi32, #tpu.memory_space<vmem>>
      %dma_start3A_230 = tpu.memref_squeeze %dma_start3A_229 : memref<1x1x128xi32, #tpu.memory_space<vmem>> -> memref<128xi32, #tpu.memory_space<vmem>>
      %dma_start3A_231 = arith.constant 0 : i32
      %dma_start3A_232 = arith.constant 0 : i32
      %dma_start3A_233 = tpu.memref_slice %arg16[%dma_start3A_231, %dma_start3A_232] : memref<10112x8xf32, #tpu.memory_space<vmem_shared>> -> memref<10112x8xf32, #tpu.memory_space<vmem_shared>>
      tpu.enqueue_indirect_dma source(%arg12 : memref<128x8xf32, #tpu.memory_space<vmem>>) target(%dma_start3A_233 : memref<10112x8xf32, #tpu.memory_space<vmem_shared>>) offsets(%dma_start3A_230 : memref<128xi32, #tpu.memory_space<vmem>>) semaphore(%arg20 : memref<!tpu.dma_semaphore, #tpu.memory_space<semaphore_mem>>) {add = true}
      %ge3A_234 = arith.constant 4 : i32
      %ge3A_235 = arith.cmpi sge, %add3A_217, %ge3A_234 : i32
      %convert_element_type3A_236 = arith.extui %ge3A_235 : i1 to i32
      %cond3A_237 = arith.constant 0 : i32
      %cond3A_238 = arith.cmpi ne, %convert_element_type3A_236, %cond3A_237 : i32
      scf.if %cond3A_238 {
        %dma_wait3A_1143 = arith.constant 0 : i32
        %dma_wait3A_1144 = arith.constant 1 : i32
        %dma_wait3A_1145 = arith.constant 0 : i32
        %dma_wait3A_1146 = tpu.memref_slice %arg6[%dma_wait3A_1143, %dma_wait3A_1144, %dma_wait3A_1145] : memref<16x2x128xi32, #tpu.memory_space<vmem>> -> memref<1x1x128xi32, #tpu.memory_space<vmem>>
        %dma_wait3A_1147 = tpu.memref_squeeze %dma_wait3A_1146 : memref<1x1x128xi32, #tpu.memory_space<vmem>> -> memref<128xi32, #tpu.memory_space<vmem>>
        %dma_wait3A_1148 = arith.constant 0 : i32
        %dma_wait3A_1149 = arith.constant 0 : i32
        %dma_wait3A_1150 = tpu.memref_slice %arg16[%dma_wait3A_1148, %dma_wait3A_1149] : memref<10112x8xf32, #tpu.memory_space<vmem_shared>> -> memref<10112x8xf32, #tpu.memory_space<vmem_shared>>
        tpu.wait_indirect_dma semaphore(%arg20 : memref<!tpu.dma_semaphore, #tpu.memory_space<semaphore_mem>>) src(%arg8 : memref<128x8xf32, #tpu.memory_space<vmem>>) dst(%dma_wait3A_1150 : memref<10112x8xf32, #tpu.memory_space<vmem_shared>>)
      } else {
      }
      %add3A_239 = arith.constant 1 : i32
      %add3A_240 = arith.addi %add3A_89, %add3A_239 : i32
      %lt3A_241 = arith.constant 10 : i32
      %lt3A_242 = arith.cmpi slt, %add3A_240, %lt3A_241 : i32
      %convert_element_type3A_243 = arith.extui %lt3A_242 : i1 to i32
      %cond3A_244 = arith.constant 0 : i32
      %cond3A_245 = arith.cmpi ne, %convert_element_type3A_243, %cond3A_244 : i32
      scf.if %cond3A_245 {
        %add3A_1143 = arith.constant 1 : i32
        %add3A_1144 = arith.addi %add3A_89, %add3A_1143 : i32
        %mul3A_1145 = arith.constant 16 : i32
        %mul3A_1146 = arith.muli %add3A_1144, %mul3A_1145 : i32
        %add3A_1147 = arith.addi %mul3A_2, %mul3A_1146 : i32
        %dma_start3A_1148 = arith.constant 0 : i32
        %dma_start3A_1149 = arith.constant 0 : i32
        %dma_start3A_1150 = tpu.memref_slice %arg3[%add3A_1147, %dma_start3A_1148, %dma_start3A_1149] : memref<5120x2x128xi32, #tpu.memory_space<hbm>> -> memref<16x2x128xi32, #tpu.memory_space<hbm>>
        %dma_start3A_1151 = arith.constant 0 : i32
        %dma_start3A_1152 = arith.constant 0 : i32
        %dma_start3A_1153 = tpu.memref_slice %arg3[%add3A_1147, %dma_start3A_1151, %dma_start3A_1152] : memref<5120x2x128xi32, #tpu.memory_space<hbm>> -> memref<16x2x128xi32, #tpu.memory_space<hbm>>
        tpu.enqueue_dma source(%dma_start3A_1153 : memref<16x2x128xi32, #tpu.memory_space<hbm>>) target(%arg7 : memref<16x2x128xi32, #tpu.memory_space<vmem>>) target_semaphore(%arg18 : memref<!tpu.dma_semaphore, #tpu.memory_space<semaphore_mem>>)
      } else {
      }
      %add3A_246 = arith.constant 3 : i32
      %add3A_247 = arith.addi %add3A_217, %add3A_246 : i32
      %lt3A_248 = arith.constant 160 : i32
      %lt3A_249 = arith.cmpi slt, %add3A_247, %lt3A_248 : i32
      %convert_element_type3A_250 = arith.extui %lt3A_249 : i1 to i32
      %cond3A_251 = arith.constant 0 : i32
      %cond3A_252 = arith.cmpi ne, %convert_element_type3A_250, %cond3A_251 : i32
      scf.if %cond3A_252 {
        %dma_start3A_1143 = arith.constant 7 : i32
        %dma_start3A_1144 = arith.constant 0 : i32
        %dma_start3A_1145 = arith.constant 0 : i32
        %dma_start3A_1146 = tpu.memref_slice %arg6[%dma_start3A_1143, %dma_start3A_1144, %dma_start3A_1145] : memref<16x2x128xi32, #tpu.memory_space<vmem>> -> memref<1x1x128xi32, #tpu.memory_space<vmem>>
        %dma_start3A_1147 = tpu.memref_squeeze %dma_start3A_1146 : memref<1x1x128xi32, #tpu.memory_space<vmem>> -> memref<128xi32, #tpu.memory_space<vmem>>
        %dma_start3A_1148 = arith.constant 0 : i32
        %dma_start3A_1149 = arith.constant 0 : i32
        %dma_start3A_1150 = tpu.memref_slice %arg17[%dma_start3A_1148, %dma_start3A_1149] : memref<10000x8xf32, #tpu.memory_space<vmem_shared>> -> memref<10000x8xf32, #tpu.memory_space<vmem_shared>>
        tpu.enqueue_indirect_dma source(%dma_start3A_1150 : memref<10000x8xf32, #tpu.memory_space<vmem_shared>>) target(%arg15 : memref<128x8xf32, #tpu.memory_space<vmem>>) offsets(%dma_start3A_1147 : memref<128xi32, #tpu.memory_space<vmem>>) semaphore(%arg19 : memref<!tpu.dma_semaphore, #tpu.memory_space<semaphore_mem>>)
      } else {
      }
      %mul3A_253 = arith.constant 16 : i32
      %mul3A_254 = arith.muli %add3A_89, %mul3A_253 : i32
      %add3A_255 = arith.constant 5 : i32
      %add3A_256 = arith.addi %mul3A_254, %add3A_255 : i32
      %dma_wait3A_257 = arith.constant 5 : i32
      %dma_wait3A_258 = arith.constant 0 : i32
      %dma_wait3A_259 = arith.constant 0 : i32
      %dma_wait3A_260 = tpu.memref_slice %arg6[%dma_wait3A_257, %dma_wait3A_258, %dma_wait3A_259] : memref<16x2x128xi32, #tpu.memory_space<vmem>> -> memref<1x1x128xi32, #tpu.memory_space<vmem>>
      %dma_wait3A_261 = tpu.memref_squeeze %dma_wait3A_260 : memref<1x1x128xi32, #tpu.memory_space<vmem>> -> memref<128xi32, #tpu.memory_space<vmem>>
      %dma_wait3A_262 = arith.constant 0 : i32
      %dma_wait3A_263 = arith.constant 0 : i32
      %dma_wait3A_264 = tpu.memref_slice %arg17[%dma_wait3A_262, %dma_wait3A_263] : memref<10000x8xf32, #tpu.memory_space<vmem_shared>> -> memref<10000x8xf32, #tpu.memory_space<vmem_shared>>
      tpu.wait_indirect_dma semaphore(%arg19 : memref<!tpu.dma_semaphore, #tpu.memory_space<semaphore_mem>>) src(%dma_wait3A_264 : memref<10000x8xf32, #tpu.memory_space<vmem_shared>>) dst(%arg13 : memref<128x8xf32, #tpu.memory_space<vmem>>)
      %dma_start3A_265 = arith.constant 5 : i32
      %dma_start3A_266 = arith.constant 1 : i32
      %dma_start3A_267 = arith.constant 0 : i32
      %dma_start3A_268 = tpu.memref_slice %arg6[%dma_start3A_265, %dma_start3A_266, %dma_start3A_267] : memref<16x2x128xi32, #tpu.memory_space<vmem>> -> memref<1x1x128xi32, #tpu.memory_space<vmem>>
      %dma_start3A_269 = tpu.memref_squeeze %dma_start3A_268 : memref<1x1x128xi32, #tpu.memory_space<vmem>> -> memref<128xi32, #tpu.memory_space<vmem>>
      %dma_start3A_270 = arith.constant 0 : i32
      %dma_start3A_271 = arith.constant 0 : i32
      %dma_start3A_272 = tpu.memref_slice %arg16[%dma_start3A_270, %dma_start3A_271] : memref<10112x8xf32, #tpu.memory_space<vmem_shared>> -> memref<10112x8xf32, #tpu.memory_space<vmem_shared>>
      tpu.enqueue_indirect_dma source(%arg13 : memref<128x8xf32, #tpu.memory_space<vmem>>) target(%dma_start3A_272 : memref<10112x8xf32, #tpu.memory_space<vmem_shared>>) offsets(%dma_start3A_269 : memref<128xi32, #tpu.memory_space<vmem>>) semaphore(%arg20 : memref<!tpu.dma_semaphore, #tpu.memory_space<semaphore_mem>>) {add = true}
      %ge3A_273 = arith.constant 4 : i32
      %ge3A_274 = arith.cmpi sge, %add3A_256, %ge3A_273 : i32
      %convert_element_type3A_275 = arith.extui %ge3A_274 : i1 to i32
      %cond3A_276 = arith.constant 0 : i32
      %cond3A_277 = arith.cmpi ne, %convert_element_type3A_275, %cond3A_276 : i32
      scf.if %cond3A_277 {
        %dma_wait3A_1143 = arith.constant 1 : i32
        %dma_wait3A_1144 = arith.constant 1 : i32
        %dma_wait3A_1145 = arith.constant 0 : i32
        %dma_wait3A_1146 = tpu.memref_slice %arg6[%dma_wait3A_1143, %dma_wait3A_1144, %dma_wait3A_1145] : memref<16x2x128xi32, #tpu.memory_space<vmem>> -> memref<1x1x128xi32, #tpu.memory_space<vmem>>
        %dma_wait3A_1147 = tpu.memref_squeeze %dma_wait3A_1146 : memref<1x1x128xi32, #tpu.memory_space<vmem>> -> memref<128xi32, #tpu.memory_space<vmem>>
        %dma_wait3A_1148 = arith.constant 0 : i32
        %dma_wait3A_1149 = arith.constant 0 : i32
        %dma_wait3A_1150 = tpu.memref_slice %arg16[%dma_wait3A_1148, %dma_wait3A_1149] : memref<10112x8xf32, #tpu.memory_space<vmem_shared>> -> memref<10112x8xf32, #tpu.memory_space<vmem_shared>>
        tpu.wait_indirect_dma semaphore(%arg20 : memref<!tpu.dma_semaphore, #tpu.memory_space<semaphore_mem>>) src(%arg9 : memref<128x8xf32, #tpu.memory_space<vmem>>) dst(%dma_wait3A_1150 : memref<10112x8xf32, #tpu.memory_space<vmem_shared>>)
      } else {
      }
      %add3A_278 = arith.constant 3 : i32
      %add3A_279 = arith.addi %add3A_256, %add3A_278 : i32
      %lt3A_280 = arith.constant 160 : i32
      %lt3A_281 = arith.cmpi slt, %add3A_279, %lt3A_280 : i32
      %convert_element_type3A_282 = arith.extui %lt3A_281 : i1 to i32
      %cond3A_283 = arith.constant 0 : i32
      %cond3A_284 = arith.cmpi ne, %convert_element_type3A_282, %cond3A_283 : i32
      scf.if %cond3A_284 {
        %dma_start3A_1143 = arith.constant 8 : i32
        %dma_start3A_1144 = arith.constant 0 : i32
        %dma_start3A_1145 = arith.constant 0 : i32
        %dma_start3A_1146 = tpu.memref_slice %arg6[%dma_start3A_1143, %dma_start3A_1144, %dma_start3A_1145] : memref<16x2x128xi32, #tpu.memory_space<vmem>> -> memref<1x1x128xi32, #tpu.memory_space<vmem>>
        %dma_start3A_1147 = tpu.memref_squeeze %dma_start3A_1146 : memref<1x1x128xi32, #tpu.memory_space<vmem>> -> memref<128xi32, #tpu.memory_space<vmem>>
        %dma_start3A_1148 = arith.constant 0 : i32
        %dma_start3A_1149 = arith.constant 0 : i32
        %dma_start3A_1150 = tpu.memref_slice %arg17[%dma_start3A_1148, %dma_start3A_1149] : memref<10000x8xf32, #tpu.memory_space<vmem_shared>> -> memref<10000x8xf32, #tpu.memory_space<vmem_shared>>
        tpu.enqueue_indirect_dma source(%dma_start3A_1150 : memref<10000x8xf32, #tpu.memory_space<vmem_shared>>) target(%arg8 : memref<128x8xf32, #tpu.memory_space<vmem>>) offsets(%dma_start3A_1147 : memref<128xi32, #tpu.memory_space<vmem>>) semaphore(%arg19 : memref<!tpu.dma_semaphore, #tpu.memory_space<semaphore_mem>>)
      } else {
      }
      %mul3A_285 = arith.constant 16 : i32
      %mul3A_286 = arith.muli %add3A_89, %mul3A_285 : i32
      %add3A_287 = arith.constant 6 : i32
      %add3A_288 = arith.addi %mul3A_286, %add3A_287 : i32
      %dma_wait3A_289 = arith.constant 6 : i32
      %dma_wait3A_290 = arith.constant 0 : i32
      %dma_wait3A_291 = arith.constant 0 : i32
      %dma_wait3A_292 = tpu.memref_slice %arg6[%dma_wait3A_289, %dma_wait3A_290, %dma_wait3A_291] : memref<16x2x128xi32, #tpu.memory_space<vmem>> -> memref<1x1x128xi32, #tpu.memory_space<vmem>>
      %dma_wait3A_293 = tpu.memref_squeeze %dma_wait3A_292 : memref<1x1x128xi32, #tpu.memory_space<vmem>> -> memref<128xi32, #tpu.memory_space<vmem>>
      %dma_wait3A_294 = arith.constant 0 : i32
      %dma_wait3A_295 = arith.constant 0 : i32
      %dma_wait3A_296 = tpu.memref_slice %arg17[%dma_wait3A_294, %dma_wait3A_295] : memref<10000x8xf32, #tpu.memory_space<vmem_shared>> -> memref<10000x8xf32, #tpu.memory_space<vmem_shared>>
      tpu.wait_indirect_dma semaphore(%arg19 : memref<!tpu.dma_semaphore, #tpu.memory_space<semaphore_mem>>) src(%dma_wait3A_296 : memref<10000x8xf32, #tpu.memory_space<vmem_shared>>) dst(%arg14 : memref<128x8xf32, #tpu.memory_space<vmem>>)
      %dma_start3A_297 = arith.constant 6 : i32
      %dma_start3A_298 = arith.constant 1 : i32
      %dma_start3A_299 = arith.constant 0 : i32
      %dma_start3A_300 = tpu.memref_slice %arg6[%dma_start3A_297, %dma_start3A_298, %dma_start3A_299] : memref<16x2x128xi32, #tpu.memory_space<vmem>> -> memref<1x1x128xi32, #tpu.memory_space<vmem>>
      %dma_start3A_301 = tpu.memref_squeeze %dma_start3A_300 : memref<1x1x128xi32, #tpu.memory_space<vmem>> -> memref<128xi32, #tpu.memory_space<vmem>>
      %dma_start3A_302 = arith.constant 0 : i32
      %dma_start3A_303 = arith.constant 0 : i32
      %dma_start3A_304 = tpu.memref_slice %arg16[%dma_start3A_302, %dma_start3A_303] : memref<10112x8xf32, #tpu.memory_space<vmem_shared>> -> memref<10112x8xf32, #tpu.memory_space<vmem_shared>>
      tpu.enqueue_indirect_dma source(%arg14 : memref<128x8xf32, #tpu.memory_space<vmem>>) target(%dma_start3A_304 : memref<10112x8xf32, #tpu.memory_space<vmem_shared>>) offsets(%dma_start3A_301 : memref<128xi32, #tpu.memory_space<vmem>>) semaphore(%arg20 : memref<!tpu.dma_semaphore, #tpu.memory_space<semaphore_mem>>) {add = true}
      %ge3A_305 = arith.constant 4 : i32
      %ge3A_306 = arith.cmpi sge, %add3A_288, %ge3A_305 : i32
      %convert_element_type3A_307 = arith.extui %ge3A_306 : i1 to i32
      %cond3A_308 = arith.constant 0 : i32
      %cond3A_309 = arith.cmpi ne, %convert_element_type3A_307, %cond3A_308 : i32
      scf.if %cond3A_309 {
        %dma_wait3A_1143 = arith.constant 2 : i32
        %dma_wait3A_1144 = arith.constant 1 : i32
        %dma_wait3A_1145 = arith.constant 0 : i32
        %dma_wait3A_1146 = tpu.memref_slice %arg6[%dma_wait3A_1143, %dma_wait3A_1144, %dma_wait3A_1145] : memref<16x2x128xi32, #tpu.memory_space<vmem>> -> memref<1x1x128xi32, #tpu.memory_space<vmem>>
        %dma_wait3A_1147 = tpu.memref_squeeze %dma_wait3A_1146 : memref<1x1x128xi32, #tpu.memory_space<vmem>> -> memref<128xi32, #tpu.memory_space<vmem>>
        %dma_wait3A_1148 = arith.constant 0 : i32
        %dma_wait3A_1149 = arith.constant 0 : i32
        %dma_wait3A_1150 = tpu.memref_slice %arg16[%dma_wait3A_1148, %dma_wait3A_1149] : memref<10112x8xf32, #tpu.memory_space<vmem_shared>> -> memref<10112x8xf32, #tpu.memory_space<vmem_shared>>
        tpu.wait_indirect_dma semaphore(%arg20 : memref<!tpu.dma_semaphore, #tpu.memory_space<semaphore_mem>>) src(%arg10 : memref<128x8xf32, #tpu.memory_space<vmem>>) dst(%dma_wait3A_1150 : memref<10112x8xf32, #tpu.memory_space<vmem_shared>>)
      } else {
      }
      %add3A_310 = arith.constant 3 : i32
      %add3A_311 = arith.addi %add3A_288, %add3A_310 : i32
      %lt3A_312 = arith.constant 160 : i32
      %lt3A_313 = arith.cmpi slt, %add3A_311, %lt3A_312 : i32
      %convert_element_type3A_314 = arith.extui %lt3A_313 : i1 to i32
      %cond3A_315 = arith.constant 0 : i32
      %cond3A_316 = arith.cmpi ne, %convert_element_type3A_314, %cond3A_315 : i32
      scf.if %cond3A_316 {
        %dma_start3A_1143 = arith.constant 9 : i32
        %dma_start3A_1144 = arith.constant 0 : i32
        %dma_start3A_1145 = arith.constant 0 : i32
        %dma_start3A_1146 = tpu.memref_slice %arg6[%dma_start3A_1143, %dma_start3A_1144, %dma_start3A_1145] : memref<16x2x128xi32, #tpu.memory_space<vmem>> -> memref<1x1x128xi32, #tpu.memory_space<vmem>>
        %dma_start3A_1147 = tpu.memref_squeeze %dma_start3A_1146 : memref<1x1x128xi32, #tpu.memory_space<vmem>> -> memref<128xi32, #tpu.memory_space<vmem>>
        %dma_start3A_1148 = arith.constant 0 : i32
        %dma_start3A_1149 = arith.constant 0 : i32
        %dma_start3A_1150 = tpu.memref_slice %arg17[%dma_start3A_1148, %dma_start3A_1149] : memref<10000x8xf32, #tpu.memory_space<vmem_shared>> -> memref<10000x8xf32, #tpu.memory_space<vmem_shared>>
        tpu.enqueue_indirect_dma source(%dma_start3A_1150 : memref<10000x8xf32, #tpu.memory_space<vmem_shared>>) target(%arg9 : memref<128x8xf32, #tpu.memory_space<vmem>>) offsets(%dma_start3A_1147 : memref<128xi32, #tpu.memory_space<vmem>>) semaphore(%arg19 : memref<!tpu.dma_semaphore, #tpu.memory_space<semaphore_mem>>)
      } else {
      }
      %mul3A_317 = arith.constant 16 : i32
      %mul3A_318 = arith.muli %add3A_89, %mul3A_317 : i32
      %add3A_319 = arith.constant 7 : i32
      %add3A_320 = arith.addi %mul3A_318, %add3A_319 : i32
      %dma_wait3A_321 = arith.constant 7 : i32
      %dma_wait3A_322 = arith.constant 0 : i32
      %dma_wait3A_323 = arith.constant 0 : i32
      %dma_wait3A_324 = tpu.memref_slice %arg6[%dma_wait3A_321, %dma_wait3A_322, %dma_wait3A_323] : memref<16x2x128xi32, #tpu.memory_space<vmem>> -> memref<1x1x128xi32, #tpu.memory_space<vmem>>
      %dma_wait3A_325 = tpu.memref_squeeze %dma_wait3A_324 : memref<1x1x128xi32, #tpu.memory_space<vmem>> -> memref<128xi32, #tpu.memory_space<vmem>>
      %dma_wait3A_326 = arith.constant 0 : i32
      %dma_wait3A_327 = arith.constant 0 : i32
      %dma_wait3A_328 = tpu.memref_slice %arg17[%dma_wait3A_326, %dma_wait3A_327] : memref<10000x8xf32, #tpu.memory_space<vmem_shared>> -> memref<10000x8xf32, #tpu.memory_space<vmem_shared>>
      tpu.wait_indirect_dma semaphore(%arg19 : memref<!tpu.dma_semaphore, #tpu.memory_space<semaphore_mem>>) src(%dma_wait3A_328 : memref<10000x8xf32, #tpu.memory_space<vmem_shared>>) dst(%arg15 : memref<128x8xf32, #tpu.memory_space<vmem>>)
      %dma_start3A_329 = arith.constant 7 : i32
      %dma_start3A_330 = arith.constant 1 : i32
      %dma_start3A_331 = arith.constant 0 : i32
      %dma_start3A_332 = tpu.memref_slice %arg6[%dma_start3A_329, %dma_start3A_330, %dma_start3A_331] : memref<16x2x128xi32, #tpu.memory_space<vmem>> -> memref<1x1x128xi32, #tpu.memory_space<vmem>>
      %dma_start3A_333 = tpu.memref_squeeze %dma_start3A_332 : memref<1x1x128xi32, #tpu.memory_space<vmem>> -> memref<128xi32, #tpu.memory_space<vmem>>
      %dma_start3A_334 = arith.constant 0 : i32
      %dma_start3A_335 = arith.constant 0 : i32
      %dma_start3A_336 = tpu.memref_slice %arg16[%dma_start3A_334, %dma_start3A_335] : memref<10112x8xf32, #tpu.memory_space<vmem_shared>> -> memref<10112x8xf32, #tpu.memory_space<vmem_shared>>
      tpu.enqueue_indirect_dma source(%arg15 : memref<128x8xf32, #tpu.memory_space<vmem>>) target(%dma_start3A_336 : memref<10112x8xf32, #tpu.memory_space<vmem_shared>>) offsets(%dma_start3A_333 : memref<128xi32, #tpu.memory_space<vmem>>) semaphore(%arg20 : memref<!tpu.dma_semaphore, #tpu.memory_space<semaphore_mem>>) {add = true}
      %ge3A_337 = arith.constant 4 : i32
      %ge3A_338 = arith.cmpi sge, %add3A_320, %ge3A_337 : i32
      %convert_element_type3A_339 = arith.extui %ge3A_338 : i1 to i32
      %cond3A_340 = arith.constant 0 : i32
      %cond3A_341 = arith.cmpi ne, %convert_element_type3A_339, %cond3A_340 : i32
      scf.if %cond3A_341 {
        %dma_wait3A_1143 = arith.constant 3 : i32
        %dma_wait3A_1144 = arith.constant 1 : i32
        %dma_wait3A_1145 = arith.constant 0 : i32
        %dma_wait3A_1146 = tpu.memref_slice %arg6[%dma_wait3A_1143, %dma_wait3A_1144, %dma_wait3A_1145] : memref<16x2x128xi32, #tpu.memory_space<vmem>> -> memref<1x1x128xi32, #tpu.memory_space<vmem>>
        %dma_wait3A_1147 = tpu.memref_squeeze %dma_wait3A_1146 : memref<1x1x128xi32, #tpu.memory_space<vmem>> -> memref<128xi32, #tpu.memory_space<vmem>>
        %dma_wait3A_1148 = arith.constant 0 : i32
        %dma_wait3A_1149 = arith.constant 0 : i32
        %dma_wait3A_1150 = tpu.memref_slice %arg16[%dma_wait3A_1148, %dma_wait3A_1149] : memref<10112x8xf32, #tpu.memory_space<vmem_shared>> -> memref<10112x8xf32, #tpu.memory_space<vmem_shared>>
        tpu.wait_indirect_dma semaphore(%arg20 : memref<!tpu.dma_semaphore, #tpu.memory_space<semaphore_mem>>) src(%arg11 : memref<128x8xf32, #tpu.memory_space<vmem>>) dst(%dma_wait3A_1150 : memref<10112x8xf32, #tpu.memory_space<vmem_shared>>)
      } else {
      }
      %add3A_342 = arith.constant 3 : i32
      %add3A_343 = arith.addi %add3A_320, %add3A_342 : i32
      %lt3A_344 = arith.constant 160 : i32
      %lt3A_345 = arith.cmpi slt, %add3A_343, %lt3A_344 : i32
      %convert_element_type3A_346 = arith.extui %lt3A_345 : i1 to i32
      %cond3A_347 = arith.constant 0 : i32
      %cond3A_348 = arith.cmpi ne, %convert_element_type3A_346, %cond3A_347 : i32
      scf.if %cond3A_348 {
        %dma_start3A_1143 = arith.constant 10 : i32
        %dma_start3A_1144 = arith.constant 0 : i32
        %dma_start3A_1145 = arith.constant 0 : i32
        %dma_start3A_1146 = tpu.memref_slice %arg6[%dma_start3A_1143, %dma_start3A_1144, %dma_start3A_1145] : memref<16x2x128xi32, #tpu.memory_space<vmem>> -> memref<1x1x128xi32, #tpu.memory_space<vmem>>
        %dma_start3A_1147 = tpu.memref_squeeze %dma_start3A_1146 : memref<1x1x128xi32, #tpu.memory_space<vmem>> -> memref<128xi32, #tpu.memory_space<vmem>>
        %dma_start3A_1148 = arith.constant 0 : i32
        %dma_start3A_1149 = arith.constant 0 : i32
        %dma_start3A_1150 = tpu.memref_slice %arg17[%dma_start3A_1148, %dma_start3A_1149] : memref<10000x8xf32, #tpu.memory_space<vmem_shared>> -> memref<10000x8xf32, #tpu.memory_space<vmem_shared>>
        tpu.enqueue_indirect_dma source(%dma_start3A_1150 : memref<10000x8xf32, #tpu.memory_space<vmem_shared>>) target(%arg10 : memref<128x8xf32, #tpu.memory_space<vmem>>) offsets(%dma_start3A_1147 : memref<128xi32, #tpu.memory_space<vmem>>) semaphore(%arg19 : memref<!tpu.dma_semaphore, #tpu.memory_space<semaphore_mem>>)
      } else {
      }
      %mul3A_349 = arith.constant 16 : i32
      %mul3A_350 = arith.muli %add3A_89, %mul3A_349 : i32
      %add3A_351 = arith.constant 8 : i32
      %add3A_352 = arith.addi %mul3A_350, %add3A_351 : i32
      %dma_wait3A_353 = arith.constant 8 : i32
      %dma_wait3A_354 = arith.constant 0 : i32
      %dma_wait3A_355 = arith.constant 0 : i32
      %dma_wait3A_356 = tpu.memref_slice %arg6[%dma_wait3A_353, %dma_wait3A_354, %dma_wait3A_355] : memref<16x2x128xi32, #tpu.memory_space<vmem>> -> memref<1x1x128xi32, #tpu.memory_space<vmem>>
      %dma_wait3A_357 = tpu.memref_squeeze %dma_wait3A_356 : memref<1x1x128xi32, #tpu.memory_space<vmem>> -> memref<128xi32, #tpu.memory_space<vmem>>
      %dma_wait3A_358 = arith.constant 0 : i32
      %dma_wait3A_359 = arith.constant 0 : i32
      %dma_wait3A_360 = tpu.memref_slice %arg17[%dma_wait3A_358, %dma_wait3A_359] : memref<10000x8xf32, #tpu.memory_space<vmem_shared>> -> memref<10000x8xf32, #tpu.memory_space<vmem_shared>>
      tpu.wait_indirect_dma semaphore(%arg19 : memref<!tpu.dma_semaphore, #tpu.memory_space<semaphore_mem>>) src(%dma_wait3A_360 : memref<10000x8xf32, #tpu.memory_space<vmem_shared>>) dst(%arg8 : memref<128x8xf32, #tpu.memory_space<vmem>>)
      %dma_start3A_361 = arith.constant 8 : i32
      %dma_start3A_362 = arith.constant 1 : i32
      %dma_start3A_363 = arith.constant 0 : i32
      %dma_start3A_364 = tpu.memref_slice %arg6[%dma_start3A_361, %dma_start3A_362, %dma_start3A_363] : memref<16x2x128xi32, #tpu.memory_space<vmem>> -> memref<1x1x128xi32, #tpu.memory_space<vmem>>
      %dma_start3A_365 = tpu.memref_squeeze %dma_start3A_364 : memref<1x1x128xi32, #tpu.memory_space<vmem>> -> memref<128xi32, #tpu.memory_space<vmem>>
      %dma_start3A_366 = arith.constant 0 : i32
      %dma_start3A_367 = arith.constant 0 : i32
      %dma_start3A_368 = tpu.memref_slice %arg16[%dma_start3A_366, %dma_start3A_367] : memref<10112x8xf32, #tpu.memory_space<vmem_shared>> -> memref<10112x8xf32, #tpu.memory_space<vmem_shared>>
      tpu.enqueue_indirect_dma source(%arg8 : memref<128x8xf32, #tpu.memory_space<vmem>>) target(%dma_start3A_368 : memref<10112x8xf32, #tpu.memory_space<vmem_shared>>) offsets(%dma_start3A_365 : memref<128xi32, #tpu.memory_space<vmem>>) semaphore(%arg20 : memref<!tpu.dma_semaphore, #tpu.memory_space<semaphore_mem>>) {add = true}
      %ge3A_369 = arith.constant 4 : i32
      %ge3A_370 = arith.cmpi sge, %add3A_352, %ge3A_369 : i32
      %convert_element_type3A_371 = arith.extui %ge3A_370 : i1 to i32
      %cond3A_372 = arith.constant 0 : i32
      %cond3A_373 = arith.cmpi ne, %convert_element_type3A_371, %cond3A_372 : i32
      scf.if %cond3A_373 {
        %dma_wait3A_1143 = arith.constant 4 : i32
        %dma_wait3A_1144 = arith.constant 1 : i32
        %dma_wait3A_1145 = arith.constant 0 : i32
        %dma_wait3A_1146 = tpu.memref_slice %arg6[%dma_wait3A_1143, %dma_wait3A_1144, %dma_wait3A_1145] : memref<16x2x128xi32, #tpu.memory_space<vmem>> -> memref<1x1x128xi32, #tpu.memory_space<vmem>>
        %dma_wait3A_1147 = tpu.memref_squeeze %dma_wait3A_1146 : memref<1x1x128xi32, #tpu.memory_space<vmem>> -> memref<128xi32, #tpu.memory_space<vmem>>
        %dma_wait3A_1148 = arith.constant 0 : i32
        %dma_wait3A_1149 = arith.constant 0 : i32
        %dma_wait3A_1150 = tpu.memref_slice %arg16[%dma_wait3A_1148, %dma_wait3A_1149] : memref<10112x8xf32, #tpu.memory_space<vmem_shared>> -> memref<10112x8xf32, #tpu.memory_space<vmem_shared>>
        tpu.wait_indirect_dma semaphore(%arg20 : memref<!tpu.dma_semaphore, #tpu.memory_space<semaphore_mem>>) src(%arg12 : memref<128x8xf32, #tpu.memory_space<vmem>>) dst(%dma_wait3A_1150 : memref<10112x8xf32, #tpu.memory_space<vmem_shared>>)
      } else {
      }
      %add3A_374 = arith.constant 3 : i32
      %add3A_375 = arith.addi %add3A_352, %add3A_374 : i32
      %lt3A_376 = arith.constant 160 : i32
      %lt3A_377 = arith.cmpi slt, %add3A_375, %lt3A_376 : i32
      %convert_element_type3A_378 = arith.extui %lt3A_377 : i1 to i32
      %cond3A_379 = arith.constant 0 : i32
      %cond3A_380 = arith.cmpi ne, %convert_element_type3A_378, %cond3A_379 : i32
      scf.if %cond3A_380 {
        %dma_start3A_1143 = arith.constant 11 : i32
        %dma_start3A_1144 = arith.constant 0 : i32
        %dma_start3A_1145 = arith.constant 0 : i32
        %dma_start3A_1146 = tpu.memref_slice %arg6[%dma_start3A_1143, %dma_start3A_1144, %dma_start3A_1145] : memref<16x2x128xi32, #tpu.memory_space<vmem>> -> memref<1x1x128xi32, #tpu.memory_space<vmem>>
        %dma_start3A_1147 = tpu.memref_squeeze %dma_start3A_1146 : memref<1x1x128xi32, #tpu.memory_space<vmem>> -> memref<128xi32, #tpu.memory_space<vmem>>
        %dma_start3A_1148 = arith.constant 0 : i32
        %dma_start3A_1149 = arith.constant 0 : i32
        %dma_start3A_1150 = tpu.memref_slice %arg17[%dma_start3A_1148, %dma_start3A_1149] : memref<10000x8xf32, #tpu.memory_space<vmem_shared>> -> memref<10000x8xf32, #tpu.memory_space<vmem_shared>>
        tpu.enqueue_indirect_dma source(%dma_start3A_1150 : memref<10000x8xf32, #tpu.memory_space<vmem_shared>>) target(%arg11 : memref<128x8xf32, #tpu.memory_space<vmem>>) offsets(%dma_start3A_1147 : memref<128xi32, #tpu.memory_space<vmem>>) semaphore(%arg19 : memref<!tpu.dma_semaphore, #tpu.memory_space<semaphore_mem>>)
      } else {
      }
      %mul3A_381 = arith.constant 16 : i32
      %mul3A_382 = arith.muli %add3A_89, %mul3A_381 : i32
      %add3A_383 = arith.constant 9 : i32
      %add3A_384 = arith.addi %mul3A_382, %add3A_383 : i32
      %dma_wait3A_385 = arith.constant 9 : i32
      %dma_wait3A_386 = arith.constant 0 : i32
      %dma_wait3A_387 = arith.constant 0 : i32
      %dma_wait3A_388 = tpu.memref_slice %arg6[%dma_wait3A_385, %dma_wait3A_386, %dma_wait3A_387] : memref<16x2x128xi32, #tpu.memory_space<vmem>> -> memref<1x1x128xi32, #tpu.memory_space<vmem>>
      %dma_wait3A_389 = tpu.memref_squeeze %dma_wait3A_388 : memref<1x1x128xi32, #tpu.memory_space<vmem>> -> memref<128xi32, #tpu.memory_space<vmem>>
      %dma_wait3A_390 = arith.constant 0 : i32
      %dma_wait3A_391 = arith.constant 0 : i32
      %dma_wait3A_392 = tpu.memref_slice %arg17[%dma_wait3A_390, %dma_wait3A_391] : memref<10000x8xf32, #tpu.memory_space<vmem_shared>> -> memref<10000x8xf32, #tpu.memory_space<vmem_shared>>
      tpu.wait_indirect_dma semaphore(%arg19 : memref<!tpu.dma_semaphore, #tpu.memory_space<semaphore_mem>>) src(%dma_wait3A_392 : memref<10000x8xf32, #tpu.memory_space<vmem_shared>>) dst(%arg9 : memref<128x8xf32, #tpu.memory_space<vmem>>)
      %dma_start3A_393 = arith.constant 9 : i32
      %dma_start3A_394 = arith.constant 1 : i32
      %dma_start3A_395 = arith.constant 0 : i32
      %dma_start3A_396 = tpu.memref_slice %arg6[%dma_start3A_393, %dma_start3A_394, %dma_start3A_395] : memref<16x2x128xi32, #tpu.memory_space<vmem>> -> memref<1x1x128xi32, #tpu.memory_space<vmem>>
      %dma_start3A_397 = tpu.memref_squeeze %dma_start3A_396 : memref<1x1x128xi32, #tpu.memory_space<vmem>> -> memref<128xi32, #tpu.memory_space<vmem>>
      %dma_start3A_398 = arith.constant 0 : i32
      %dma_start3A_399 = arith.constant 0 : i32
      %dma_start3A_400 = tpu.memref_slice %arg16[%dma_start3A_398, %dma_start3A_399] : memref<10112x8xf32, #tpu.memory_space<vmem_shared>> -> memref<10112x8xf32, #tpu.memory_space<vmem_shared>>
      tpu.enqueue_indirect_dma source(%arg9 : memref<128x8xf32, #tpu.memory_space<vmem>>) target(%dma_start3A_400 : memref<10112x8xf32, #tpu.memory_space<vmem_shared>>) offsets(%dma_start3A_397 : memref<128xi32, #tpu.memory_space<vmem>>) semaphore(%arg20 : memref<!tpu.dma_semaphore, #tpu.memory_space<semaphore_mem>>) {add = true}
      %ge3A_401 = arith.constant 4 : i32
      %ge3A_402 = arith.cmpi sge, %add3A_384, %ge3A_401 : i32
      %convert_element_type3A_403 = arith.extui %ge3A_402 : i1 to i32
      %cond3A_404 = arith.constant 0 : i32
      %cond3A_405 = arith.cmpi ne, %convert_element_type3A_403, %cond3A_404 : i32
      scf.if %cond3A_405 {
        %dma_wait3A_1143 = arith.constant 5 : i32
        %dma_wait3A_1144 = arith.constant 1 : i32
        %dma_wait3A_1145 = arith.constant 0 : i32
        %dma_wait3A_1146 = tpu.memref_slice %arg6[%dma_wait3A_1143, %dma_wait3A_1144, %dma_wait3A_1145] : memref<16x2x128xi32, #tpu.memory_space<vmem>> -> memref<1x1x128xi32, #tpu.memory_space<vmem>>
        %dma_wait3A_1147 = tpu.memref_squeeze %dma_wait3A_1146 : memref<1x1x128xi32, #tpu.memory_space<vmem>> -> memref<128xi32, #tpu.memory_space<vmem>>
        %dma_wait3A_1148 = arith.constant 0 : i32
        %dma_wait3A_1149 = arith.constant 0 : i32
        %dma_wait3A_1150 = tpu.memref_slice %arg16[%dma_wait3A_1148, %dma_wait3A_1149] : memref<10112x8xf32, #tpu.memory_space<vmem_shared>> -> memref<10112x8xf32, #tpu.memory_space<vmem_shared>>
        tpu.wait_indirect_dma semaphore(%arg20 : memref<!tpu.dma_semaphore, #tpu.memory_space<semaphore_mem>>) src(%arg13 : memref<128x8xf32, #tpu.memory_space<vmem>>) dst(%dma_wait3A_1150 : memref<10112x8xf32, #tpu.memory_space<vmem_shared>>)
      } else {
      }
      %add3A_406 = arith.constant 3 : i32
      %add3A_407 = arith.addi %add3A_384, %add3A_406 : i32
      %lt3A_408 = arith.constant 160 : i32
      %lt3A_409 = arith.cmpi slt, %add3A_407, %lt3A_408 : i32
      %convert_element_type3A_410 = arith.extui %lt3A_409 : i1 to i32
      %cond3A_411 = arith.constant 0 : i32
      %cond3A_412 = arith.cmpi ne, %convert_element_type3A_410, %cond3A_411 : i32
      scf.if %cond3A_412 {
        %dma_start3A_1143 = arith.constant 12 : i32
        %dma_start3A_1144 = arith.constant 0 : i32
        %dma_start3A_1145 = arith.constant 0 : i32
        %dma_start3A_1146 = tpu.memref_slice %arg6[%dma_start3A_1143, %dma_start3A_1144, %dma_start3A_1145] : memref<16x2x128xi32, #tpu.memory_space<vmem>> -> memref<1x1x128xi32, #tpu.memory_space<vmem>>
        %dma_start3A_1147 = tpu.memref_squeeze %dma_start3A_1146 : memref<1x1x128xi32, #tpu.memory_space<vmem>> -> memref<128xi32, #tpu.memory_space<vmem>>
        %dma_start3A_1148 = arith.constant 0 : i32
        %dma_start3A_1149 = arith.constant 0 : i32
        %dma_start3A_1150 = tpu.memref_slice %arg17[%dma_start3A_1148, %dma_start3A_1149] : memref<10000x8xf32, #tpu.memory_space<vmem_shared>> -> memref<10000x8xf32, #tpu.memory_space<vmem_shared>>
        tpu.enqueue_indirect_dma source(%dma_start3A_1150 : memref<10000x8xf32, #tpu.memory_space<vmem_shared>>) target(%arg12 : memref<128x8xf32, #tpu.memory_space<vmem>>) offsets(%dma_start3A_1147 : memref<128xi32, #tpu.memory_space<vmem>>) semaphore(%arg19 : memref<!tpu.dma_semaphore, #tpu.memory_space<semaphore_mem>>)
      } else {
      }
      %mul3A_413 = arith.constant 16 : i32
      %mul3A_414 = arith.muli %add3A_89, %mul3A_413 : i32
      %add3A_415 = arith.constant 10 : i32
      %add3A_416 = arith.addi %mul3A_414, %add3A_415 : i32
      %dma_wait3A_417 = arith.constant 10 : i32
      %dma_wait3A_418 = arith.constant 0 : i32
      %dma_wait3A_419 = arith.constant 0 : i32
      %dma_wait3A_420 = tpu.memref_slice %arg6[%dma_wait3A_417, %dma_wait3A_418, %dma_wait3A_419] : memref<16x2x128xi32, #tpu.memory_space<vmem>> -> memref<1x1x128xi32, #tpu.memory_space<vmem>>
      %dma_wait3A_421 = tpu.memref_squeeze %dma_wait3A_420 : memref<1x1x128xi32, #tpu.memory_space<vmem>> -> memref<128xi32, #tpu.memory_space<vmem>>
      %dma_wait3A_422 = arith.constant 0 : i32
      %dma_wait3A_423 = arith.constant 0 : i32
      %dma_wait3A_424 = tpu.memref_slice %arg17[%dma_wait3A_422, %dma_wait3A_423] : memref<10000x8xf32, #tpu.memory_space<vmem_shared>> -> memref<10000x8xf32, #tpu.memory_space<vmem_shared>>
      tpu.wait_indirect_dma semaphore(%arg19 : memref<!tpu.dma_semaphore, #tpu.memory_space<semaphore_mem>>) src(%dma_wait3A_424 : memref<10000x8xf32, #tpu.memory_space<vmem_shared>>) dst(%arg10 : memref<128x8xf32, #tpu.memory_space<vmem>>)
      %dma_start3A_425 = arith.constant 10 : i32
      %dma_start3A_426 = arith.constant 1 : i32
      %dma_start3A_427 = arith.constant 0 : i32
      %dma_start3A_428 = tpu.memref_slice %arg6[%dma_start3A_425, %dma_start3A_426, %dma_start3A_427] : memref<16x2x128xi32, #tpu.memory_space<vmem>> -> memref<1x1x128xi32, #tpu.memory_space<vmem>>
      %dma_start3A_429 = tpu.memref_squeeze %dma_start3A_428 : memref<1x1x128xi32, #tpu.memory_space<vmem>> -> memref<128xi32, #tpu.memory_space<vmem>>
      %dma_start3A_430 = arith.constant 0 : i32
      %dma_start3A_431 = arith.constant 0 : i32
      %dma_start3A_432 = tpu.memref_slice %arg16[%dma_start3A_430, %dma_start3A_431] : memref<10112x8xf32, #tpu.memory_space<vmem_shared>> -> memref<10112x8xf32, #tpu.memory_space<vmem_shared>>
      tpu.enqueue_indirect_dma source(%arg10 : memref<128x8xf32, #tpu.memory_space<vmem>>) target(%dma_start3A_432 : memref<10112x8xf32, #tpu.memory_space<vmem_shared>>) offsets(%dma_start3A_429 : memref<128xi32, #tpu.memory_space<vmem>>) semaphore(%arg20 : memref<!tpu.dma_semaphore, #tpu.memory_space<semaphore_mem>>) {add = true}
      %ge3A_433 = arith.constant 4 : i32
      %ge3A_434 = arith.cmpi sge, %add3A_416, %ge3A_433 : i32
      %convert_element_type3A_435 = arith.extui %ge3A_434 : i1 to i32
      %cond3A_436 = arith.constant 0 : i32
      %cond3A_437 = arith.cmpi ne, %convert_element_type3A_435, %cond3A_436 : i32
      scf.if %cond3A_437 {
        %dma_wait3A_1143 = arith.constant 6 : i32
        %dma_wait3A_1144 = arith.constant 1 : i32
        %dma_wait3A_1145 = arith.constant 0 : i32
        %dma_wait3A_1146 = tpu.memref_slice %arg6[%dma_wait3A_1143, %dma_wait3A_1144, %dma_wait3A_1145] : memref<16x2x128xi32, #tpu.memory_space<vmem>> -> memref<1x1x128xi32, #tpu.memory_space<vmem>>
        %dma_wait3A_1147 = tpu.memref_squeeze %dma_wait3A_1146 : memref<1x1x128xi32, #tpu.memory_space<vmem>> -> memref<128xi32, #tpu.memory_space<vmem>>
        %dma_wait3A_1148 = arith.constant 0 : i32
        %dma_wait3A_1149 = arith.constant 0 : i32
        %dma_wait3A_1150 = tpu.memref_slice %arg16[%dma_wait3A_1148, %dma_wait3A_1149] : memref<10112x8xf32, #tpu.memory_space<vmem_shared>> -> memref<10112x8xf32, #tpu.memory_space<vmem_shared>>
        tpu.wait_indirect_dma semaphore(%arg20 : memref<!tpu.dma_semaphore, #tpu.memory_space<semaphore_mem>>) src(%arg14 : memref<128x8xf32, #tpu.memory_space<vmem>>) dst(%dma_wait3A_1150 : memref<10112x8xf32, #tpu.memory_space<vmem_shared>>)
      } else {
      }
      %add3A_438 = arith.constant 3 : i32
      %add3A_439 = arith.addi %add3A_416, %add3A_438 : i32
      %lt3A_440 = arith.constant 160 : i32
      %lt3A_441 = arith.cmpi slt, %add3A_439, %lt3A_440 : i32
      %convert_element_type3A_442 = arith.extui %lt3A_441 : i1 to i32
      %cond3A_443 = arith.constant 0 : i32
      %cond3A_444 = arith.cmpi ne, %convert_element_type3A_442, %cond3A_443 : i32
      scf.if %cond3A_444 {
        %dma_start3A_1143 = arith.constant 13 : i32
        %dma_start3A_1144 = arith.constant 0 : i32
        %dma_start3A_1145 = arith.constant 0 : i32
        %dma_start3A_1146 = tpu.memref_slice %arg6[%dma_start3A_1143, %dma_start3A_1144, %dma_start3A_1145] : memref<16x2x128xi32, #tpu.memory_space<vmem>> -> memref<1x1x128xi32, #tpu.memory_space<vmem>>
        %dma_start3A_1147 = tpu.memref_squeeze %dma_start3A_1146 : memref<1x1x128xi32, #tpu.memory_space<vmem>> -> memref<128xi32, #tpu.memory_space<vmem>>
        %dma_start3A_1148 = arith.constant 0 : i32
        %dma_start3A_1149 = arith.constant 0 : i32
        %dma_start3A_1150 = tpu.memref_slice %arg17[%dma_start3A_1148, %dma_start3A_1149] : memref<10000x8xf32, #tpu.memory_space<vmem_shared>> -> memref<10000x8xf32, #tpu.memory_space<vmem_shared>>
        tpu.enqueue_indirect_dma source(%dma_start3A_1150 : memref<10000x8xf32, #tpu.memory_space<vmem_shared>>) target(%arg13 : memref<128x8xf32, #tpu.memory_space<vmem>>) offsets(%dma_start3A_1147 : memref<128xi32, #tpu.memory_space<vmem>>) semaphore(%arg19 : memref<!tpu.dma_semaphore, #tpu.memory_space<semaphore_mem>>)
      } else {
      }
      %mul3A_445 = arith.constant 16 : i32
      %mul3A_446 = arith.muli %add3A_89, %mul3A_445 : i32
      %add3A_447 = arith.constant 11 : i32
      %add3A_448 = arith.addi %mul3A_446, %add3A_447 : i32
      %dma_wait3A_449 = arith.constant 11 : i32
      %dma_wait3A_450 = arith.constant 0 : i32
      %dma_wait3A_451 = arith.constant 0 : i32
      %dma_wait3A_452 = tpu.memref_slice %arg6[%dma_wait3A_449, %dma_wait3A_450, %dma_wait3A_451] : memref<16x2x128xi32, #tpu.memory_space<vmem>> -> memref<1x1x128xi32, #tpu.memory_space<vmem>>
      %dma_wait3A_453 = tpu.memref_squeeze %dma_wait3A_452 : memref<1x1x128xi32, #tpu.memory_space<vmem>> -> memref<128xi32, #tpu.memory_space<vmem>>
      %dma_wait3A_454 = arith.constant 0 : i32
      %dma_wait3A_455 = arith.constant 0 : i32
      %dma_wait3A_456 = tpu.memref_slice %arg17[%dma_wait3A_454, %dma_wait3A_455] : memref<10000x8xf32, #tpu.memory_space<vmem_shared>> -> memref<10000x8xf32, #tpu.memory_space<vmem_shared>>
      tpu.wait_indirect_dma semaphore(%arg19 : memref<!tpu.dma_semaphore, #tpu.memory_space<semaphore_mem>>) src(%dma_wait3A_456 : memref<10000x8xf32, #tpu.memory_space<vmem_shared>>) dst(%arg11 : memref<128x8xf32, #tpu.memory_space<vmem>>)
      %dma_start3A_457 = arith.constant 11 : i32
      %dma_start3A_458 = arith.constant 1 : i32
      %dma_start3A_459 = arith.constant 0 : i32
      %dma_start3A_460 = tpu.memref_slice %arg6[%dma_start3A_457, %dma_start3A_458, %dma_start3A_459] : memref<16x2x128xi32, #tpu.memory_space<vmem>> -> memref<1x1x128xi32, #tpu.memory_space<vmem>>
      %dma_start3A_461 = tpu.memref_squeeze %dma_start3A_460 : memref<1x1x128xi32, #tpu.memory_space<vmem>> -> memref<128xi32, #tpu.memory_space<vmem>>
      %dma_start3A_462 = arith.constant 0 : i32
      %dma_start3A_463 = arith.constant 0 : i32
      %dma_start3A_464 = tpu.memref_slice %arg16[%dma_start3A_462, %dma_start3A_463] : memref<10112x8xf32, #tpu.memory_space<vmem_shared>> -> memref<10112x8xf32, #tpu.memory_space<vmem_shared>>
      tpu.enqueue_indirect_dma source(%arg11 : memref<128x8xf32, #tpu.memory_space<vmem>>) target(%dma_start3A_464 : memref<10112x8xf32, #tpu.memory_space<vmem_shared>>) offsets(%dma_start3A_461 : memref<128xi32, #tpu.memory_space<vmem>>) semaphore(%arg20 : memref<!tpu.dma_semaphore, #tpu.memory_space<semaphore_mem>>) {add = true}
      %ge3A_465 = arith.constant 4 : i32
      %ge3A_466 = arith.cmpi sge, %add3A_448, %ge3A_465 : i32
      %convert_element_type3A_467 = arith.extui %ge3A_466 : i1 to i32
      %cond3A_468 = arith.constant 0 : i32
      %cond3A_469 = arith.cmpi ne, %convert_element_type3A_467, %cond3A_468 : i32
      scf.if %cond3A_469 {
        %dma_wait3A_1143 = arith.constant 7 : i32
        %dma_wait3A_1144 = arith.constant 1 : i32
        %dma_wait3A_1145 = arith.constant 0 : i32
        %dma_wait3A_1146 = tpu.memref_slice %arg6[%dma_wait3A_1143, %dma_wait3A_1144, %dma_wait3A_1145] : memref<16x2x128xi32, #tpu.memory_space<vmem>> -> memref<1x1x128xi32, #tpu.memory_space<vmem>>
        %dma_wait3A_1147 = tpu.memref_squeeze %dma_wait3A_1146 : memref<1x1x128xi32, #tpu.memory_space<vmem>> -> memref<128xi32, #tpu.memory_space<vmem>>
        %dma_wait3A_1148 = arith.constant 0 : i32
        %dma_wait3A_1149 = arith.constant 0 : i32
        %dma_wait3A_1150 = tpu.memref_slice %arg16[%dma_wait3A_1148, %dma_wait3A_1149] : memref<10112x8xf32, #tpu.memory_space<vmem_shared>> -> memref<10112x8xf32, #tpu.memory_space<vmem_shared>>
        tpu.wait_indirect_dma semaphore(%arg20 : memref<!tpu.dma_semaphore, #tpu.memory_space<semaphore_mem>>) src(%arg15 : memref<128x8xf32, #tpu.memory_space<vmem>>) dst(%dma_wait3A_1150 : memref<10112x8xf32, #tpu.memory_space<vmem_shared>>)
      } else {
      }
      %add3A_470 = arith.constant 3 : i32
      %add3A_471 = arith.addi %add3A_448, %add3A_470 : i32
      %lt3A_472 = arith.constant 160 : i32
      %lt3A_473 = arith.cmpi slt, %add3A_471, %lt3A_472 : i32
      %convert_element_type3A_474 = arith.extui %lt3A_473 : i1 to i32
      %cond3A_475 = arith.constant 0 : i32
      %cond3A_476 = arith.cmpi ne, %convert_element_type3A_474, %cond3A_475 : i32
      scf.if %cond3A_476 {
        %dma_start3A_1143 = arith.constant 14 : i32
        %dma_start3A_1144 = arith.constant 0 : i32
        %dma_start3A_1145 = arith.constant 0 : i32
        %dma_start3A_1146 = tpu.memref_slice %arg6[%dma_start3A_1143, %dma_start3A_1144, %dma_start3A_1145] : memref<16x2x128xi32, #tpu.memory_space<vmem>> -> memref<1x1x128xi32, #tpu.memory_space<vmem>>
        %dma_start3A_1147 = tpu.memref_squeeze %dma_start3A_1146 : memref<1x1x128xi32, #tpu.memory_space<vmem>> -> memref<128xi32, #tpu.memory_space<vmem>>
        %dma_start3A_1148 = arith.constant 0 : i32
        %dma_start3A_1149 = arith.constant 0 : i32
        %dma_start3A_1150 = tpu.memref_slice %arg17[%dma_start3A_1148, %dma_start3A_1149] : memref<10000x8xf32, #tpu.memory_space<vmem_shared>> -> memref<10000x8xf32, #tpu.memory_space<vmem_shared>>
        tpu.enqueue_indirect_dma source(%dma_start3A_1150 : memref<10000x8xf32, #tpu.memory_space<vmem_shared>>) target(%arg14 : memref<128x8xf32, #tpu.memory_space<vmem>>) offsets(%dma_start3A_1147 : memref<128xi32, #tpu.memory_space<vmem>>) semaphore(%arg19 : memref<!tpu.dma_semaphore, #tpu.memory_space<semaphore_mem>>)
      } else {
      }
      %mul3A_477 = arith.constant 16 : i32
      %mul3A_478 = arith.muli %add3A_89, %mul3A_477 : i32
      %add3A_479 = arith.constant 12 : i32
      %add3A_480 = arith.addi %mul3A_478, %add3A_479 : i32
      %dma_wait3A_481 = arith.constant 12 : i32
      %dma_wait3A_482 = arith.constant 0 : i32
      %dma_wait3A_483 = arith.constant 0 : i32
      %dma_wait3A_484 = tpu.memref_slice %arg6[%dma_wait3A_481, %dma_wait3A_482, %dma_wait3A_483] : memref<16x2x128xi32, #tpu.memory_space<vmem>> -> memref<1x1x128xi32, #tpu.memory_space<vmem>>
      %dma_wait3A_485 = tpu.memref_squeeze %dma_wait3A_484 : memref<1x1x128xi32, #tpu.memory_space<vmem>> -> memref<128xi32, #tpu.memory_space<vmem>>
      %dma_wait3A_486 = arith.constant 0 : i32
      %dma_wait3A_487 = arith.constant 0 : i32
      %dma_wait3A_488 = tpu.memref_slice %arg17[%dma_wait3A_486, %dma_wait3A_487] : memref<10000x8xf32, #tpu.memory_space<vmem_shared>> -> memref<10000x8xf32, #tpu.memory_space<vmem_shared>>
      tpu.wait_indirect_dma semaphore(%arg19 : memref<!tpu.dma_semaphore, #tpu.memory_space<semaphore_mem>>) src(%dma_wait3A_488 : memref<10000x8xf32, #tpu.memory_space<vmem_shared>>) dst(%arg12 : memref<128x8xf32, #tpu.memory_space<vmem>>)
      %dma_start3A_489 = arith.constant 12 : i32
      %dma_start3A_490 = arith.constant 1 : i32
      %dma_start3A_491 = arith.constant 0 : i32
      %dma_start3A_492 = tpu.memref_slice %arg6[%dma_start3A_489, %dma_start3A_490, %dma_start3A_491] : memref<16x2x128xi32, #tpu.memory_space<vmem>> -> memref<1x1x128xi32, #tpu.memory_space<vmem>>
      %dma_start3A_493 = tpu.memref_squeeze %dma_start3A_492 : memref<1x1x128xi32, #tpu.memory_space<vmem>> -> memref<128xi32, #tpu.memory_space<vmem>>
      %dma_start3A_494 = arith.constant 0 : i32
      %dma_start3A_495 = arith.constant 0 : i32
      %dma_start3A_496 = tpu.memref_slice %arg16[%dma_start3A_494, %dma_start3A_495] : memref<10112x8xf32, #tpu.memory_space<vmem_shared>> -> memref<10112x8xf32, #tpu.memory_space<vmem_shared>>
      tpu.enqueue_indirect_dma source(%arg12 : memref<128x8xf32, #tpu.memory_space<vmem>>) target(%dma_start3A_496 : memref<10112x8xf32, #tpu.memory_space<vmem_shared>>) offsets(%dma_start3A_493 : memref<128xi32, #tpu.memory_space<vmem>>) semaphore(%arg20 : memref<!tpu.dma_semaphore, #tpu.memory_space<semaphore_mem>>) {add = true}
      %ge3A_497 = arith.constant 4 : i32
      %ge3A_498 = arith.cmpi sge, %add3A_480, %ge3A_497 : i32
      %convert_element_type3A_499 = arith.extui %ge3A_498 : i1 to i32
      %cond3A_500 = arith.constant 0 : i32
      %cond3A_501 = arith.cmpi ne, %convert_element_type3A_499, %cond3A_500 : i32
      scf.if %cond3A_501 {
        %dma_wait3A_1143 = arith.constant 8 : i32
        %dma_wait3A_1144 = arith.constant 1 : i32
        %dma_wait3A_1145 = arith.constant 0 : i32
        %dma_wait3A_1146 = tpu.memref_slice %arg6[%dma_wait3A_1143, %dma_wait3A_1144, %dma_wait3A_1145] : memref<16x2x128xi32, #tpu.memory_space<vmem>> -> memref<1x1x128xi32, #tpu.memory_space<vmem>>
        %dma_wait3A_1147 = tpu.memref_squeeze %dma_wait3A_1146 : memref<1x1x128xi32, #tpu.memory_space<vmem>> -> memref<128xi32, #tpu.memory_space<vmem>>
        %dma_wait3A_1148 = arith.constant 0 : i32
        %dma_wait3A_1149 = arith.constant 0 : i32
        %dma_wait3A_1150 = tpu.memref_slice %arg16[%dma_wait3A_1148, %dma_wait3A_1149] : memref<10112x8xf32, #tpu.memory_space<vmem_shared>> -> memref<10112x8xf32, #tpu.memory_space<vmem_shared>>
        tpu.wait_indirect_dma semaphore(%arg20 : memref<!tpu.dma_semaphore, #tpu.memory_space<semaphore_mem>>) src(%arg8 : memref<128x8xf32, #tpu.memory_space<vmem>>) dst(%dma_wait3A_1150 : memref<10112x8xf32, #tpu.memory_space<vmem_shared>>)
      } else {
      }
      %add3A_502 = arith.constant 3 : i32
      %add3A_503 = arith.addi %add3A_480, %add3A_502 : i32
      %lt3A_504 = arith.constant 160 : i32
      %lt3A_505 = arith.cmpi slt, %add3A_503, %lt3A_504 : i32
      %convert_element_type3A_506 = arith.extui %lt3A_505 : i1 to i32
      %cond3A_507 = arith.constant 0 : i32
      %cond3A_508 = arith.cmpi ne, %convert_element_type3A_506, %cond3A_507 : i32
      scf.if %cond3A_508 {
        %dma_start3A_1143 = arith.constant 15 : i32
        %dma_start3A_1144 = arith.constant 0 : i32
        %dma_start3A_1145 = arith.constant 0 : i32
        %dma_start3A_1146 = tpu.memref_slice %arg6[%dma_start3A_1143, %dma_start3A_1144, %dma_start3A_1145] : memref<16x2x128xi32, #tpu.memory_space<vmem>> -> memref<1x1x128xi32, #tpu.memory_space<vmem>>
        %dma_start3A_1147 = tpu.memref_squeeze %dma_start3A_1146 : memref<1x1x128xi32, #tpu.memory_space<vmem>> -> memref<128xi32, #tpu.memory_space<vmem>>
        %dma_start3A_1148 = arith.constant 0 : i32
        %dma_start3A_1149 = arith.constant 0 : i32
        %dma_start3A_1150 = tpu.memref_slice %arg17[%dma_start3A_1148, %dma_start3A_1149] : memref<10000x8xf32, #tpu.memory_space<vmem_shared>> -> memref<10000x8xf32, #tpu.memory_space<vmem_shared>>
        tpu.enqueue_indirect_dma source(%dma_start3A_1150 : memref<10000x8xf32, #tpu.memory_space<vmem_shared>>) target(%arg15 : memref<128x8xf32, #tpu.memory_space<vmem>>) offsets(%dma_start3A_1147 : memref<128xi32, #tpu.memory_space<vmem>>) semaphore(%arg19 : memref<!tpu.dma_semaphore, #tpu.memory_space<semaphore_mem>>)
      } else {
      }
      %mul3A_509 = arith.constant 16 : i32
      %mul3A_510 = arith.muli %add3A_89, %mul3A_509 : i32
      %add3A_511 = arith.constant 13 : i32
      %add3A_512 = arith.addi %mul3A_510, %add3A_511 : i32
      %dma_wait3A_513 = arith.constant 13 : i32
      %dma_wait3A_514 = arith.constant 0 : i32
      %dma_wait3A_515 = arith.constant 0 : i32
      %dma_wait3A_516 = tpu.memref_slice %arg6[%dma_wait3A_513, %dma_wait3A_514, %dma_wait3A_515] : memref<16x2x128xi32, #tpu.memory_space<vmem>> -> memref<1x1x128xi32, #tpu.memory_space<vmem>>
      %dma_wait3A_517 = tpu.memref_squeeze %dma_wait3A_516 : memref<1x1x128xi32, #tpu.memory_space<vmem>> -> memref<128xi32, #tpu.memory_space<vmem>>
      %dma_wait3A_518 = arith.constant 0 : i32
      %dma_wait3A_519 = arith.constant 0 : i32
      %dma_wait3A_520 = tpu.memref_slice %arg17[%dma_wait3A_518, %dma_wait3A_519] : memref<10000x8xf32, #tpu.memory_space<vmem_shared>> -> memref<10000x8xf32, #tpu.memory_space<vmem_shared>>
      tpu.wait_indirect_dma semaphore(%arg19 : memref<!tpu.dma_semaphore, #tpu.memory_space<semaphore_mem>>) src(%dma_wait3A_520 : memref<10000x8xf32, #tpu.memory_space<vmem_shared>>) dst(%arg13 : memref<128x8xf32, #tpu.memory_space<vmem>>)
      %dma_start3A_521 = arith.constant 13 : i32
      %dma_start3A_522 = arith.constant 1 : i32
      %dma_start3A_523 = arith.constant 0 : i32
      %dma_start3A_524 = tpu.memref_slice %arg6[%dma_start3A_521, %dma_start3A_522, %dma_start3A_523] : memref<16x2x128xi32, #tpu.memory_space<vmem>> -> memref<1x1x128xi32, #tpu.memory_space<vmem>>
      %dma_start3A_525 = tpu.memref_squeeze %dma_start3A_524 : memref<1x1x128xi32, #tpu.memory_space<vmem>> -> memref<128xi32, #tpu.memory_space<vmem>>
      %dma_start3A_526 = arith.constant 0 : i32
      %dma_start3A_527 = arith.constant 0 : i32
      %dma_start3A_528 = tpu.memref_slice %arg16[%dma_start3A_526, %dma_start3A_527] : memref<10112x8xf32, #tpu.memory_space<vmem_shared>> -> memref<10112x8xf32, #tpu.memory_space<vmem_shared>>
      tpu.enqueue_indirect_dma source(%arg13 : memref<128x8xf32, #tpu.memory_space<vmem>>) target(%dma_start3A_528 : memref<10112x8xf32, #tpu.memory_space<vmem_shared>>) offsets(%dma_start3A_525 : memref<128xi32, #tpu.memory_space<vmem>>) semaphore(%arg20 : memref<!tpu.dma_semaphore, #tpu.memory_space<semaphore_mem>>) {add = true}
      %ge3A_529 = arith.constant 4 : i32
      %ge3A_530 = arith.cmpi sge, %add3A_512, %ge3A_529 : i32
      %convert_element_type3A_531 = arith.extui %ge3A_530 : i1 to i32
      %cond3A_532 = arith.constant 0 : i32
      %cond3A_533 = arith.cmpi ne, %convert_element_type3A_531, %cond3A_532 : i32
      scf.if %cond3A_533 {
        %dma_wait3A_1143 = arith.constant 9 : i32
        %dma_wait3A_1144 = arith.constant 1 : i32
        %dma_wait3A_1145 = arith.constant 0 : i32
        %dma_wait3A_1146 = tpu.memref_slice %arg6[%dma_wait3A_1143, %dma_wait3A_1144, %dma_wait3A_1145] : memref<16x2x128xi32, #tpu.memory_space<vmem>> -> memref<1x1x128xi32, #tpu.memory_space<vmem>>
        %dma_wait3A_1147 = tpu.memref_squeeze %dma_wait3A_1146 : memref<1x1x128xi32, #tpu.memory_space<vmem>> -> memref<128xi32, #tpu.memory_space<vmem>>
        %dma_wait3A_1148 = arith.constant 0 : i32
        %dma_wait3A_1149 = arith.constant 0 : i32
        %dma_wait3A_1150 = tpu.memref_slice %arg16[%dma_wait3A_1148, %dma_wait3A_1149] : memref<10112x8xf32, #tpu.memory_space<vmem_shared>> -> memref<10112x8xf32, #tpu.memory_space<vmem_shared>>
        tpu.wait_indirect_dma semaphore(%arg20 : memref<!tpu.dma_semaphore, #tpu.memory_space<semaphore_mem>>) src(%arg9 : memref<128x8xf32, #tpu.memory_space<vmem>>) dst(%dma_wait3A_1150 : memref<10112x8xf32, #tpu.memory_space<vmem_shared>>)
      } else {
      }
      %add3A_534 = arith.constant 1 : i32
      %add3A_535 = arith.addi %add3A_89, %add3A_534 : i32
      %lt3A_536 = arith.constant 10 : i32
      %lt3A_537 = arith.cmpi slt, %add3A_535, %lt3A_536 : i32
      %convert_element_type3A_538 = arith.extui %lt3A_537 : i1 to i32
      %cond3A_539 = arith.constant 0 : i32
      %cond3A_540 = arith.cmpi ne, %convert_element_type3A_538, %cond3A_539 : i32
      scf.if %cond3A_540 {
        %add3A_1143 = arith.constant 1 : i32
        %add3A_1144 = arith.addi %add3A_89, %add3A_1143 : i32
        %mul3A_1145 = arith.constant 16 : i32
        %mul3A_1146 = arith.muli %add3A_1144, %mul3A_1145 : i32
        %add3A_1147 = arith.addi %mul3A_2, %mul3A_1146 : i32
        %dma_wait3A_1148 = arith.constant 0 : i32
        %dma_wait3A_1149 = arith.constant 0 : i32
        %dma_wait3A_1150 = tpu.memref_slice %arg3[%add3A_1147, %dma_wait3A_1148, %dma_wait3A_1149] : memref<5120x2x128xi32, #tpu.memory_space<hbm>> -> memref<16x2x128xi32, #tpu.memory_space<hbm>>
        %dma_wait3A_1151 = arith.constant 0 : i32
        %dma_wait3A_1152 = arith.constant 0 : i32
        %dma_wait3A_1153 = tpu.memref_slice %arg3[%add3A_1147, %dma_wait3A_1151, %dma_wait3A_1152] : memref<5120x2x128xi32, #tpu.memory_space<hbm>> -> memref<16x2x128xi32, #tpu.memory_space<hbm>>
        tpu.wait_dma2 semaphore(%arg18 : memref<!tpu.dma_semaphore, #tpu.memory_space<semaphore_mem>>) src(%dma_wait3A_1153 : memref<16x2x128xi32, #tpu.memory_space<hbm>>) dst(%arg7 : memref<16x2x128xi32, #tpu.memory_space<vmem>>)
      } else {
      }
      %add3A_541 = arith.constant 3 : i32
      %add3A_542 = arith.addi %add3A_512, %add3A_541 : i32
      %lt3A_543 = arith.constant 160 : i32
      %lt3A_544 = arith.cmpi slt, %add3A_542, %lt3A_543 : i32
      %convert_element_type3A_545 = arith.extui %lt3A_544 : i1 to i32
      %cond3A_546 = arith.constant 0 : i32
      %cond3A_547 = arith.cmpi ne, %convert_element_type3A_545, %cond3A_546 : i32
      scf.if %cond3A_547 {
        %dma_start3A_1143 = arith.constant 0 : i32
        %dma_start3A_1144 = arith.constant 0 : i32
        %dma_start3A_1145 = arith.constant 0 : i32
        %dma_start3A_1146 = tpu.memref_slice %arg7[%dma_start3A_1143, %dma_start3A_1144, %dma_start3A_1145] : memref<16x2x128xi32, #tpu.memory_space<vmem>> -> memref<1x1x128xi32, #tpu.memory_space<vmem>>
        %dma_start3A_1147 = tpu.memref_squeeze %dma_start3A_1146 : memref<1x1x128xi32, #tpu.memory_space<vmem>> -> memref<128xi32, #tpu.memory_space<vmem>>
        %dma_start3A_1148 = arith.constant 0 : i32
        %dma_start3A_1149 = arith.constant 0 : i32
        %dma_start3A_1150 = tpu.memref_slice %arg17[%dma_start3A_1148, %dma_start3A_1149] : memref<10000x8xf32, #tpu.memory_space<vmem_shared>> -> memref<10000x8xf32, #tpu.memory_space<vmem_shared>>
        tpu.enqueue_indirect_dma source(%dma_start3A_1150 : memref<10000x8xf32, #tpu.memory_space<vmem_shared>>) target(%arg8 : memref<128x8xf32, #tpu.memory_space<vmem>>) offsets(%dma_start3A_1147 : memref<128xi32, #tpu.memory_space<vmem>>) semaphore(%arg19 : memref<!tpu.dma_semaphore, #tpu.memory_space<semaphore_mem>>)
      } else {
      }
      %mul3A_548 = arith.constant 16 : i32
      %mul3A_549 = arith.muli %add3A_89, %mul3A_548 : i32
      %add3A_550 = arith.constant 14 : i32
      %add3A_551 = arith.addi %mul3A_549, %add3A_550 : i32
      %dma_wait3A_552 = arith.constant 14 : i32
      %dma_wait3A_553 = arith.constant 0 : i32
      %dma_wait3A_554 = arith.constant 0 : i32
      %dma_wait3A_555 = tpu.memref_slice %arg6[%dma_wait3A_552, %dma_wait3A_553, %dma_wait3A_554] : memref<16x2x128xi32, #tpu.memory_space<vmem>> -> memref<1x1x128xi32, #tpu.memory_space<vmem>>
      %dma_wait3A_556 = tpu.memref_squeeze %dma_wait3A_555 : memref<1x1x128xi32, #tpu.memory_space<vmem>> -> memref<128xi32, #tpu.memory_space<vmem>>
      %dma_wait3A_557 = arith.constant 0 : i32
      %dma_wait3A_558 = arith.constant 0 : i32
      %dma_wait3A_559 = tpu.memref_slice %arg17[%dma_wait3A_557, %dma_wait3A_558] : memref<10000x8xf32, #tpu.memory_space<vmem_shared>> -> memref<10000x8xf32, #tpu.memory_space<vmem_shared>>
      tpu.wait_indirect_dma semaphore(%arg19 : memref<!tpu.dma_semaphore, #tpu.memory_space<semaphore_mem>>) src(%dma_wait3A_559 : memref<10000x8xf32, #tpu.memory_space<vmem_shared>>) dst(%arg14 : memref<128x8xf32, #tpu.memory_space<vmem>>)
      %dma_start3A_560 = arith.constant 14 : i32
      %dma_start3A_561 = arith.constant 1 : i32
      %dma_start3A_562 = arith.constant 0 : i32
      %dma_start3A_563 = tpu.memref_slice %arg6[%dma_start3A_560, %dma_start3A_561, %dma_start3A_562] : memref<16x2x128xi32, #tpu.memory_space<vmem>> -> memref<1x1x128xi32, #tpu.memory_space<vmem>>
      %dma_start3A_564 = tpu.memref_squeeze %dma_start3A_563 : memref<1x1x128xi32, #tpu.memory_space<vmem>> -> memref<128xi32, #tpu.memory_space<vmem>>
      %dma_start3A_565 = arith.constant 0 : i32
      %dma_start3A_566 = arith.constant 0 : i32
      %dma_start3A_567 = tpu.memref_slice %arg16[%dma_start3A_565, %dma_start3A_566] : memref<10112x8xf32, #tpu.memory_space<vmem_shared>> -> memref<10112x8xf32, #tpu.memory_space<vmem_shared>>
      tpu.enqueue_indirect_dma source(%arg14 : memref<128x8xf32, #tpu.memory_space<vmem>>) target(%dma_start3A_567 : memref<10112x8xf32, #tpu.memory_space<vmem_shared>>) offsets(%dma_start3A_564 : memref<128xi32, #tpu.memory_space<vmem>>) semaphore(%arg20 : memref<!tpu.dma_semaphore, #tpu.memory_space<semaphore_mem>>) {add = true}
      %ge3A_568 = arith.constant 4 : i32
      %ge3A_569 = arith.cmpi sge, %add3A_551, %ge3A_568 : i32
      %convert_element_type3A_570 = arith.extui %ge3A_569 : i1 to i32
      %cond3A_571 = arith.constant 0 : i32
      %cond3A_572 = arith.cmpi ne, %convert_element_type3A_570, %cond3A_571 : i32
      scf.if %cond3A_572 {
        %dma_wait3A_1143 = arith.constant 10 : i32
        %dma_wait3A_1144 = arith.constant 1 : i32
        %dma_wait3A_1145 = arith.constant 0 : i32
        %dma_wait3A_1146 = tpu.memref_slice %arg6[%dma_wait3A_1143, %dma_wait3A_1144, %dma_wait3A_1145] : memref<16x2x128xi32, #tpu.memory_space<vmem>> -> memref<1x1x128xi32, #tpu.memory_space<vmem>>
        %dma_wait3A_1147 = tpu.memref_squeeze %dma_wait3A_1146 : memref<1x1x128xi32, #tpu.memory_space<vmem>> -> memref<128xi32, #tpu.memory_space<vmem>>
        %dma_wait3A_1148 = arith.constant 0 : i32
        %dma_wait3A_1149 = arith.constant 0 : i32
        %dma_wait3A_1150 = tpu.memref_slice %arg16[%dma_wait3A_1148, %dma_wait3A_1149] : memref<10112x8xf32, #tpu.memory_space<vmem_shared>> -> memref<10112x8xf32, #tpu.memory_space<vmem_shared>>
        tpu.wait_indirect_dma semaphore(%arg20 : memref<!tpu.dma_semaphore, #tpu.memory_space<semaphore_mem>>) src(%arg10 : memref<128x8xf32, #tpu.memory_space<vmem>>) dst(%dma_wait3A_1150 : memref<10112x8xf32, #tpu.memory_space<vmem_shared>>)
      } else {
      }
      %add3A_573 = arith.constant 3 : i32
      %add3A_574 = arith.addi %add3A_551, %add3A_573 : i32
      %lt3A_575 = arith.constant 160 : i32
      %lt3A_576 = arith.cmpi slt, %add3A_574, %lt3A_575 : i32
      %convert_element_type3A_577 = arith.extui %lt3A_576 : i1 to i32
      %cond3A_578 = arith.constant 0 : i32
      %cond3A_579 = arith.cmpi ne, %convert_element_type3A_577, %cond3A_578 : i32
      scf.if %cond3A_579 {
        %dma_start3A_1143 = arith.constant 1 : i32
        %dma_start3A_1144 = arith.constant 0 : i32
        %dma_start3A_1145 = arith.constant 0 : i32
        %dma_start3A_1146 = tpu.memref_slice %arg7[%dma_start3A_1143, %dma_start3A_1144, %dma_start3A_1145] : memref<16x2x128xi32, #tpu.memory_space<vmem>> -> memref<1x1x128xi32, #tpu.memory_space<vmem>>
        %dma_start3A_1147 = tpu.memref_squeeze %dma_start3A_1146 : memref<1x1x128xi32, #tpu.memory_space<vmem>> -> memref<128xi32, #tpu.memory_space<vmem>>
        %dma_start3A_1148 = arith.constant 0 : i32
        %dma_start3A_1149 = arith.constant 0 : i32
        %dma_start3A_1150 = tpu.memref_slice %arg17[%dma_start3A_1148, %dma_start3A_1149] : memref<10000x8xf32, #tpu.memory_space<vmem_shared>> -> memref<10000x8xf32, #tpu.memory_space<vmem_shared>>
        tpu.enqueue_indirect_dma source(%dma_start3A_1150 : memref<10000x8xf32, #tpu.memory_space<vmem_shared>>) target(%arg9 : memref<128x8xf32, #tpu.memory_space<vmem>>) offsets(%dma_start3A_1147 : memref<128xi32, #tpu.memory_space<vmem>>) semaphore(%arg19 : memref<!tpu.dma_semaphore, #tpu.memory_space<semaphore_mem>>)
      } else {
      }
      %mul3A_580 = arith.constant 16 : i32
      %mul3A_581 = arith.muli %add3A_89, %mul3A_580 : i32
      %add3A_582 = arith.constant 15 : i32
      %add3A_583 = arith.addi %mul3A_581, %add3A_582 : i32
      %dma_wait3A_584 = arith.constant 15 : i32
      %dma_wait3A_585 = arith.constant 0 : i32
      %dma_wait3A_586 = arith.constant 0 : i32
      %dma_wait3A_587 = tpu.memref_slice %arg6[%dma_wait3A_584, %dma_wait3A_585, %dma_wait3A_586] : memref<16x2x128xi32, #tpu.memory_space<vmem>> -> memref<1x1x128xi32, #tpu.memory_space<vmem>>
      %dma_wait3A_588 = tpu.memref_squeeze %dma_wait3A_587 : memref<1x1x128xi32, #tpu.memory_space<vmem>> -> memref<128xi32, #tpu.memory_space<vmem>>
      %dma_wait3A_589 = arith.constant 0 : i32
      %dma_wait3A_590 = arith.constant 0 : i32
      %dma_wait3A_591 = tpu.memref_slice %arg17[%dma_wait3A_589, %dma_wait3A_590] : memref<10000x8xf32, #tpu.memory_space<vmem_shared>> -> memref<10000x8xf32, #tpu.memory_space<vmem_shared>>
      tpu.wait_indirect_dma semaphore(%arg19 : memref<!tpu.dma_semaphore, #tpu.memory_space<semaphore_mem>>) src(%dma_wait3A_591 : memref<10000x8xf32, #tpu.memory_space<vmem_shared>>) dst(%arg15 : memref<128x8xf32, #tpu.memory_space<vmem>>)
      %dma_start3A_592 = arith.constant 15 : i32
      %dma_start3A_593 = arith.constant 1 : i32
      %dma_start3A_594 = arith.constant 0 : i32
      %dma_start3A_595 = tpu.memref_slice %arg6[%dma_start3A_592, %dma_start3A_593, %dma_start3A_594] : memref<16x2x128xi32, #tpu.memory_space<vmem>> -> memref<1x1x128xi32, #tpu.memory_space<vmem>>
      %dma_start3A_596 = tpu.memref_squeeze %dma_start3A_595 : memref<1x1x128xi32, #tpu.memory_space<vmem>> -> memref<128xi32, #tpu.memory_space<vmem>>
      %dma_start3A_597 = arith.constant 0 : i32
      %dma_start3A_598 = arith.constant 0 : i32
      %dma_start3A_599 = tpu.memref_slice %arg16[%dma_start3A_597, %dma_start3A_598] : memref<10112x8xf32, #tpu.memory_space<vmem_shared>> -> memref<10112x8xf32, #tpu.memory_space<vmem_shared>>
      tpu.enqueue_indirect_dma source(%arg15 : memref<128x8xf32, #tpu.memory_space<vmem>>) target(%dma_start3A_599 : memref<10112x8xf32, #tpu.memory_space<vmem_shared>>) offsets(%dma_start3A_596 : memref<128xi32, #tpu.memory_space<vmem>>) semaphore(%arg20 : memref<!tpu.dma_semaphore, #tpu.memory_space<semaphore_mem>>) {add = true}
      %ge3A_600 = arith.constant 4 : i32
      %ge3A_601 = arith.cmpi sge, %add3A_583, %ge3A_600 : i32
      %convert_element_type3A_602 = arith.extui %ge3A_601 : i1 to i32
      %cond3A_603 = arith.constant 0 : i32
      %cond3A_604 = arith.cmpi ne, %convert_element_type3A_602, %cond3A_603 : i32
      scf.if %cond3A_604 {
        %dma_wait3A_1143 = arith.constant 11 : i32
        %dma_wait3A_1144 = arith.constant 1 : i32
        %dma_wait3A_1145 = arith.constant 0 : i32
        %dma_wait3A_1146 = tpu.memref_slice %arg6[%dma_wait3A_1143, %dma_wait3A_1144, %dma_wait3A_1145] : memref<16x2x128xi32, #tpu.memory_space<vmem>> -> memref<1x1x128xi32, #tpu.memory_space<vmem>>
        %dma_wait3A_1147 = tpu.memref_squeeze %dma_wait3A_1146 : memref<1x1x128xi32, #tpu.memory_space<vmem>> -> memref<128xi32, #tpu.memory_space<vmem>>
        %dma_wait3A_1148 = arith.constant 0 : i32
        %dma_wait3A_1149 = arith.constant 0 : i32
        %dma_wait3A_1150 = tpu.memref_slice %arg16[%dma_wait3A_1148, %dma_wait3A_1149] : memref<10112x8xf32, #tpu.memory_space<vmem_shared>> -> memref<10112x8xf32, #tpu.memory_space<vmem_shared>>
        tpu.wait_indirect_dma semaphore(%arg20 : memref<!tpu.dma_semaphore, #tpu.memory_space<semaphore_mem>>) src(%arg11 : memref<128x8xf32, #tpu.memory_space<vmem>>) dst(%dma_wait3A_1150 : memref<10112x8xf32, #tpu.memory_space<vmem_shared>>)
      } else {
      }
      %add3A_605 = arith.constant 3 : i32
      %add3A_606 = arith.addi %add3A_583, %add3A_605 : i32
      %lt3A_607 = arith.constant 160 : i32
      %lt3A_608 = arith.cmpi slt, %add3A_606, %lt3A_607 : i32
      %convert_element_type3A_609 = arith.extui %lt3A_608 : i1 to i32
      %cond3A_610 = arith.constant 0 : i32
      %cond3A_611 = arith.cmpi ne, %convert_element_type3A_609, %cond3A_610 : i32
      scf.if %cond3A_611 {
        %dma_start3A_1143 = arith.constant 2 : i32
        %dma_start3A_1144 = arith.constant 0 : i32
        %dma_start3A_1145 = arith.constant 0 : i32
        %dma_start3A_1146 = tpu.memref_slice %arg7[%dma_start3A_1143, %dma_start3A_1144, %dma_start3A_1145] : memref<16x2x128xi32, #tpu.memory_space<vmem>> -> memref<1x1x128xi32, #tpu.memory_space<vmem>>
        %dma_start3A_1147 = tpu.memref_squeeze %dma_start3A_1146 : memref<1x1x128xi32, #tpu.memory_space<vmem>> -> memref<128xi32, #tpu.memory_space<vmem>>
        %dma_start3A_1148 = arith.constant 0 : i32
        %dma_start3A_1149 = arith.constant 0 : i32
        %dma_start3A_1150 = tpu.memref_slice %arg17[%dma_start3A_1148, %dma_start3A_1149] : memref<10000x8xf32, #tpu.memory_space<vmem_shared>> -> memref<10000x8xf32, #tpu.memory_space<vmem_shared>>
        tpu.enqueue_indirect_dma source(%dma_start3A_1150 : memref<10000x8xf32, #tpu.memory_space<vmem_shared>>) target(%arg10 : memref<128x8xf32, #tpu.memory_space<vmem>>) offsets(%dma_start3A_1147 : memref<128xi32, #tpu.memory_space<vmem>>) semaphore(%arg19 : memref<!tpu.dma_semaphore, #tpu.memory_space<semaphore_mem>>)
      } else {
      }
      %mul3A_612 = arith.constant 2 : i32
      %mul3A_613 = arith.muli %scan3A_84, %mul3A_612 : i32
      %add3A_614 = arith.constant 1 : i32
      %add3A_615 = arith.addi %mul3A_613, %add3A_614 : i32
      %mul3A_616 = arith.constant 16 : i32
      %mul3A_617 = arith.muli %add3A_615, %mul3A_616 : i32
      %add3A_618 = arith.constant 0 : i32
      %add3A_619 = arith.addi %mul3A_617, %add3A_618 : i32
      %dma_wait3A_620 = arith.constant 0 : i32
      %dma_wait3A_621 = arith.constant 0 : i32
      %dma_wait3A_622 = arith.constant 0 : i32
      %dma_wait3A_623 = tpu.memref_slice %arg7[%dma_wait3A_620, %dma_wait3A_621, %dma_wait3A_622] : memref<16x2x128xi32, #tpu.memory_space<vmem>> -> memref<1x1x128xi32, #tpu.memory_space<vmem>>
      %dma_wait3A_624 = tpu.memref_squeeze %dma_wait3A_623 : memref<1x1x128xi32, #tpu.memory_space<vmem>> -> memref<128xi32, #tpu.memory_space<vmem>>
      %dma_wait3A_625 = arith.constant 0 : i32
      %dma_wait3A_626 = arith.constant 0 : i32
      %dma_wait3A_627 = tpu.memref_slice %arg17[%dma_wait3A_625, %dma_wait3A_626] : memref<10000x8xf32, #tpu.memory_space<vmem_shared>> -> memref<10000x8xf32, #tpu.memory_space<vmem_shared>>
      tpu.wait_indirect_dma semaphore(%arg19 : memref<!tpu.dma_semaphore, #tpu.memory_space<semaphore_mem>>) src(%dma_wait3A_627 : memref<10000x8xf32, #tpu.memory_space<vmem_shared>>) dst(%arg8 : memref<128x8xf32, #tpu.memory_space<vmem>>)
      %dma_start3A_628 = arith.constant 0 : i32
      %dma_start3A_629 = arith.constant 1 : i32
      %dma_start3A_630 = arith.constant 0 : i32
      %dma_start3A_631 = tpu.memref_slice %arg7[%dma_start3A_628, %dma_start3A_629, %dma_start3A_630] : memref<16x2x128xi32, #tpu.memory_space<vmem>> -> memref<1x1x128xi32, #tpu.memory_space<vmem>>
      %dma_start3A_632 = tpu.memref_squeeze %dma_start3A_631 : memref<1x1x128xi32, #tpu.memory_space<vmem>> -> memref<128xi32, #tpu.memory_space<vmem>>
      %dma_start3A_633 = arith.constant 0 : i32
      %dma_start3A_634 = arith.constant 0 : i32
      %dma_start3A_635 = tpu.memref_slice %arg16[%dma_start3A_633, %dma_start3A_634] : memref<10112x8xf32, #tpu.memory_space<vmem_shared>> -> memref<10112x8xf32, #tpu.memory_space<vmem_shared>>
      tpu.enqueue_indirect_dma source(%arg8 : memref<128x8xf32, #tpu.memory_space<vmem>>) target(%dma_start3A_635 : memref<10112x8xf32, #tpu.memory_space<vmem_shared>>) offsets(%dma_start3A_632 : memref<128xi32, #tpu.memory_space<vmem>>) semaphore(%arg20 : memref<!tpu.dma_semaphore, #tpu.memory_space<semaphore_mem>>) {add = true}
      %ge3A_636 = arith.constant 4 : i32
      %ge3A_637 = arith.cmpi sge, %add3A_619, %ge3A_636 : i32
      %convert_element_type3A_638 = arith.extui %ge3A_637 : i1 to i32
      %cond3A_639 = arith.constant 0 : i32
      %cond3A_640 = arith.cmpi ne, %convert_element_type3A_638, %cond3A_639 : i32
      scf.if %cond3A_640 {
        %dma_wait3A_1143 = arith.constant 12 : i32
        %dma_wait3A_1144 = arith.constant 1 : i32
        %dma_wait3A_1145 = arith.constant 0 : i32
        %dma_wait3A_1146 = tpu.memref_slice %arg6[%dma_wait3A_1143, %dma_wait3A_1144, %dma_wait3A_1145] : memref<16x2x128xi32, #tpu.memory_space<vmem>> -> memref<1x1x128xi32, #tpu.memory_space<vmem>>
        %dma_wait3A_1147 = tpu.memref_squeeze %dma_wait3A_1146 : memref<1x1x128xi32, #tpu.memory_space<vmem>> -> memref<128xi32, #tpu.memory_space<vmem>>
        %dma_wait3A_1148 = arith.constant 0 : i32
        %dma_wait3A_1149 = arith.constant 0 : i32
        %dma_wait3A_1150 = tpu.memref_slice %arg16[%dma_wait3A_1148, %dma_wait3A_1149] : memref<10112x8xf32, #tpu.memory_space<vmem_shared>> -> memref<10112x8xf32, #tpu.memory_space<vmem_shared>>
        tpu.wait_indirect_dma semaphore(%arg20 : memref<!tpu.dma_semaphore, #tpu.memory_space<semaphore_mem>>) src(%arg12 : memref<128x8xf32, #tpu.memory_space<vmem>>) dst(%dma_wait3A_1150 : memref<10112x8xf32, #tpu.memory_space<vmem_shared>>)
      } else {
      }
      %add3A_641 = arith.constant 3 : i32
      %add3A_642 = arith.addi %add3A_619, %add3A_641 : i32
      %lt3A_643 = arith.constant 160 : i32
      %lt3A_644 = arith.cmpi slt, %add3A_642, %lt3A_643 : i32
      %convert_element_type3A_645 = arith.extui %lt3A_644 : i1 to i32
      %cond3A_646 = arith.constant 0 : i32
      %cond3A_647 = arith.cmpi ne, %convert_element_type3A_645, %cond3A_646 : i32
      scf.if %cond3A_647 {
        %dma_start3A_1143 = arith.constant 3 : i32
        %dma_start3A_1144 = arith.constant 0 : i32
        %dma_start3A_1145 = arith.constant 0 : i32
        %dma_start3A_1146 = tpu.memref_slice %arg7[%dma_start3A_1143, %dma_start3A_1144, %dma_start3A_1145] : memref<16x2x128xi32, #tpu.memory_space<vmem>> -> memref<1x1x128xi32, #tpu.memory_space<vmem>>
        %dma_start3A_1147 = tpu.memref_squeeze %dma_start3A_1146 : memref<1x1x128xi32, #tpu.memory_space<vmem>> -> memref<128xi32, #tpu.memory_space<vmem>>
        %dma_start3A_1148 = arith.constant 0 : i32
        %dma_start3A_1149 = arith.constant 0 : i32
        %dma_start3A_1150 = tpu.memref_slice %arg17[%dma_start3A_1148, %dma_start3A_1149] : memref<10000x8xf32, #tpu.memory_space<vmem_shared>> -> memref<10000x8xf32, #tpu.memory_space<vmem_shared>>
        tpu.enqueue_indirect_dma source(%dma_start3A_1150 : memref<10000x8xf32, #tpu.memory_space<vmem_shared>>) target(%arg11 : memref<128x8xf32, #tpu.memory_space<vmem>>) offsets(%dma_start3A_1147 : memref<128xi32, #tpu.memory_space<vmem>>) semaphore(%arg19 : memref<!tpu.dma_semaphore, #tpu.memory_space<semaphore_mem>>)
      } else {
      }
      %mul3A_648 = arith.constant 16 : i32
      %mul3A_649 = arith.muli %add3A_615, %mul3A_648 : i32
      %add3A_650 = arith.constant 1 : i32
      %add3A_651 = arith.addi %mul3A_649, %add3A_650 : i32
      %dma_wait3A_652 = arith.constant 1 : i32
      %dma_wait3A_653 = arith.constant 0 : i32
      %dma_wait3A_654 = arith.constant 0 : i32
      %dma_wait3A_655 = tpu.memref_slice %arg7[%dma_wait3A_652, %dma_wait3A_653, %dma_wait3A_654] : memref<16x2x128xi32, #tpu.memory_space<vmem>> -> memref<1x1x128xi32, #tpu.memory_space<vmem>>
      %dma_wait3A_656 = tpu.memref_squeeze %dma_wait3A_655 : memref<1x1x128xi32, #tpu.memory_space<vmem>> -> memref<128xi32, #tpu.memory_space<vmem>>
      %dma_wait3A_657 = arith.constant 0 : i32
      %dma_wait3A_658 = arith.constant 0 : i32
      %dma_wait3A_659 = tpu.memref_slice %arg17[%dma_wait3A_657, %dma_wait3A_658] : memref<10000x8xf32, #tpu.memory_space<vmem_shared>> -> memref<10000x8xf32, #tpu.memory_space<vmem_shared>>
      tpu.wait_indirect_dma semaphore(%arg19 : memref<!tpu.dma_semaphore, #tpu.memory_space<semaphore_mem>>) src(%dma_wait3A_659 : memref<10000x8xf32, #tpu.memory_space<vmem_shared>>) dst(%arg9 : memref<128x8xf32, #tpu.memory_space<vmem>>)
      %dma_start3A_660 = arith.constant 1 : i32
      %dma_start3A_661 = arith.constant 1 : i32
      %dma_start3A_662 = arith.constant 0 : i32
      %dma_start3A_663 = tpu.memref_slice %arg7[%dma_start3A_660, %dma_start3A_661, %dma_start3A_662] : memref<16x2x128xi32, #tpu.memory_space<vmem>> -> memref<1x1x128xi32, #tpu.memory_space<vmem>>
      %dma_start3A_664 = tpu.memref_squeeze %dma_start3A_663 : memref<1x1x128xi32, #tpu.memory_space<vmem>> -> memref<128xi32, #tpu.memory_space<vmem>>
      %dma_start3A_665 = arith.constant 0 : i32
      %dma_start3A_666 = arith.constant 0 : i32
      %dma_start3A_667 = tpu.memref_slice %arg16[%dma_start3A_665, %dma_start3A_666] : memref<10112x8xf32, #tpu.memory_space<vmem_shared>> -> memref<10112x8xf32, #tpu.memory_space<vmem_shared>>
      tpu.enqueue_indirect_dma source(%arg9 : memref<128x8xf32, #tpu.memory_space<vmem>>) target(%dma_start3A_667 : memref<10112x8xf32, #tpu.memory_space<vmem_shared>>) offsets(%dma_start3A_664 : memref<128xi32, #tpu.memory_space<vmem>>) semaphore(%arg20 : memref<!tpu.dma_semaphore, #tpu.memory_space<semaphore_mem>>) {add = true}
      %ge3A_668 = arith.constant 4 : i32
      %ge3A_669 = arith.cmpi sge, %add3A_651, %ge3A_668 : i32
      %convert_element_type3A_670 = arith.extui %ge3A_669 : i1 to i32
      %cond3A_671 = arith.constant 0 : i32
      %cond3A_672 = arith.cmpi ne, %convert_element_type3A_670, %cond3A_671 : i32
      scf.if %cond3A_672 {
        %dma_wait3A_1143 = arith.constant 13 : i32
        %dma_wait3A_1144 = arith.constant 1 : i32
        %dma_wait3A_1145 = arith.constant 0 : i32
        %dma_wait3A_1146 = tpu.memref_slice %arg6[%dma_wait3A_1143, %dma_wait3A_1144, %dma_wait3A_1145] : memref<16x2x128xi32, #tpu.memory_space<vmem>> -> memref<1x1x128xi32, #tpu.memory_space<vmem>>
        %dma_wait3A_1147 = tpu.memref_squeeze %dma_wait3A_1146 : memref<1x1x128xi32, #tpu.memory_space<vmem>> -> memref<128xi32, #tpu.memory_space<vmem>>
        %dma_wait3A_1148 = arith.constant 0 : i32
        %dma_wait3A_1149 = arith.constant 0 : i32
        %dma_wait3A_1150 = tpu.memref_slice %arg16[%dma_wait3A_1148, %dma_wait3A_1149] : memref<10112x8xf32, #tpu.memory_space<vmem_shared>> -> memref<10112x8xf32, #tpu.memory_space<vmem_shared>>
        tpu.wait_indirect_dma semaphore(%arg20 : memref<!tpu.dma_semaphore, #tpu.memory_space<semaphore_mem>>) src(%arg13 : memref<128x8xf32, #tpu.memory_space<vmem>>) dst(%dma_wait3A_1150 : memref<10112x8xf32, #tpu.memory_space<vmem_shared>>)
      } else {
      }
      %add3A_673 = arith.constant 3 : i32
      %add3A_674 = arith.addi %add3A_651, %add3A_673 : i32
      %lt3A_675 = arith.constant 160 : i32
      %lt3A_676 = arith.cmpi slt, %add3A_674, %lt3A_675 : i32
      %convert_element_type3A_677 = arith.extui %lt3A_676 : i1 to i32
      %cond3A_678 = arith.constant 0 : i32
      %cond3A_679 = arith.cmpi ne, %convert_element_type3A_677, %cond3A_678 : i32
      scf.if %cond3A_679 {
        %dma_start3A_1143 = arith.constant 4 : i32
        %dma_start3A_1144 = arith.constant 0 : i32
        %dma_start3A_1145 = arith.constant 0 : i32
        %dma_start3A_1146 = tpu.memref_slice %arg7[%dma_start3A_1143, %dma_start3A_1144, %dma_start3A_1145] : memref<16x2x128xi32, #tpu.memory_space<vmem>> -> memref<1x1x128xi32, #tpu.memory_space<vmem>>
        %dma_start3A_1147 = tpu.memref_squeeze %dma_start3A_1146 : memref<1x1x128xi32, #tpu.memory_space<vmem>> -> memref<128xi32, #tpu.memory_space<vmem>>
        %dma_start3A_1148 = arith.constant 0 : i32
        %dma_start3A_1149 = arith.constant 0 : i32
        %dma_start3A_1150 = tpu.memref_slice %arg17[%dma_start3A_1148, %dma_start3A_1149] : memref<10000x8xf32, #tpu.memory_space<vmem_shared>> -> memref<10000x8xf32, #tpu.memory_space<vmem_shared>>
        tpu.enqueue_indirect_dma source(%dma_start3A_1150 : memref<10000x8xf32, #tpu.memory_space<vmem_shared>>) target(%arg12 : memref<128x8xf32, #tpu.memory_space<vmem>>) offsets(%dma_start3A_1147 : memref<128xi32, #tpu.memory_space<vmem>>) semaphore(%arg19 : memref<!tpu.dma_semaphore, #tpu.memory_space<semaphore_mem>>)
      } else {
      }
      %mul3A_680 = arith.constant 16 : i32
      %mul3A_681 = arith.muli %add3A_615, %mul3A_680 : i32
      %add3A_682 = arith.constant 2 : i32
      %add3A_683 = arith.addi %mul3A_681, %add3A_682 : i32
      %dma_wait3A_684 = arith.constant 2 : i32
      %dma_wait3A_685 = arith.constant 0 : i32
      %dma_wait3A_686 = arith.constant 0 : i32
      %dma_wait3A_687 = tpu.memref_slice %arg7[%dma_wait3A_684, %dma_wait3A_685, %dma_wait3A_686] : memref<16x2x128xi32, #tpu.memory_space<vmem>> -> memref<1x1x128xi32, #tpu.memory_space<vmem>>
      %dma_wait3A_688 = tpu.memref_squeeze %dma_wait3A_687 : memref<1x1x128xi32, #tpu.memory_space<vmem>> -> memref<128xi32, #tpu.memory_space<vmem>>
      %dma_wait3A_689 = arith.constant 0 : i32
      %dma_wait3A_690 = arith.constant 0 : i32
      %dma_wait3A_691 = tpu.memref_slice %arg17[%dma_wait3A_689, %dma_wait3A_690] : memref<10000x8xf32, #tpu.memory_space<vmem_shared>> -> memref<10000x8xf32, #tpu.memory_space<vmem_shared>>
      tpu.wait_indirect_dma semaphore(%arg19 : memref<!tpu.dma_semaphore, #tpu.memory_space<semaphore_mem>>) src(%dma_wait3A_691 : memref<10000x8xf32, #tpu.memory_space<vmem_shared>>) dst(%arg10 : memref<128x8xf32, #tpu.memory_space<vmem>>)
      %dma_start3A_692 = arith.constant 2 : i32
      %dma_start3A_693 = arith.constant 1 : i32
      %dma_start3A_694 = arith.constant 0 : i32
      %dma_start3A_695 = tpu.memref_slice %arg7[%dma_start3A_692, %dma_start3A_693, %dma_start3A_694] : memref<16x2x128xi32, #tpu.memory_space<vmem>> -> memref<1x1x128xi32, #tpu.memory_space<vmem>>
      %dma_start3A_696 = tpu.memref_squeeze %dma_start3A_695 : memref<1x1x128xi32, #tpu.memory_space<vmem>> -> memref<128xi32, #tpu.memory_space<vmem>>
      %dma_start3A_697 = arith.constant 0 : i32
      %dma_start3A_698 = arith.constant 0 : i32
      %dma_start3A_699 = tpu.memref_slice %arg16[%dma_start3A_697, %dma_start3A_698] : memref<10112x8xf32, #tpu.memory_space<vmem_shared>> -> memref<10112x8xf32, #tpu.memory_space<vmem_shared>>
      tpu.enqueue_indirect_dma source(%arg10 : memref<128x8xf32, #tpu.memory_space<vmem>>) target(%dma_start3A_699 : memref<10112x8xf32, #tpu.memory_space<vmem_shared>>) offsets(%dma_start3A_696 : memref<128xi32, #tpu.memory_space<vmem>>) semaphore(%arg20 : memref<!tpu.dma_semaphore, #tpu.memory_space<semaphore_mem>>) {add = true}
      %ge3A_700 = arith.constant 4 : i32
      %ge3A_701 = arith.cmpi sge, %add3A_683, %ge3A_700 : i32
      %convert_element_type3A_702 = arith.extui %ge3A_701 : i1 to i32
      %cond3A_703 = arith.constant 0 : i32
      %cond3A_704 = arith.cmpi ne, %convert_element_type3A_702, %cond3A_703 : i32
      scf.if %cond3A_704 {
        %dma_wait3A_1143 = arith.constant 14 : i32
        %dma_wait3A_1144 = arith.constant 1 : i32
        %dma_wait3A_1145 = arith.constant 0 : i32
        %dma_wait3A_1146 = tpu.memref_slice %arg6[%dma_wait3A_1143, %dma_wait3A_1144, %dma_wait3A_1145] : memref<16x2x128xi32, #tpu.memory_space<vmem>> -> memref<1x1x128xi32, #tpu.memory_space<vmem>>
        %dma_wait3A_1147 = tpu.memref_squeeze %dma_wait3A_1146 : memref<1x1x128xi32, #tpu.memory_space<vmem>> -> memref<128xi32, #tpu.memory_space<vmem>>
        %dma_wait3A_1148 = arith.constant 0 : i32
        %dma_wait3A_1149 = arith.constant 0 : i32
        %dma_wait3A_1150 = tpu.memref_slice %arg16[%dma_wait3A_1148, %dma_wait3A_1149] : memref<10112x8xf32, #tpu.memory_space<vmem_shared>> -> memref<10112x8xf32, #tpu.memory_space<vmem_shared>>
        tpu.wait_indirect_dma semaphore(%arg20 : memref<!tpu.dma_semaphore, #tpu.memory_space<semaphore_mem>>) src(%arg14 : memref<128x8xf32, #tpu.memory_space<vmem>>) dst(%dma_wait3A_1150 : memref<10112x8xf32, #tpu.memory_space<vmem_shared>>)
      } else {
      }
      %add3A_705 = arith.constant 3 : i32
      %add3A_706 = arith.addi %add3A_683, %add3A_705 : i32
      %lt3A_707 = arith.constant 160 : i32
      %lt3A_708 = arith.cmpi slt, %add3A_706, %lt3A_707 : i32
      %convert_element_type3A_709 = arith.extui %lt3A_708 : i1 to i32
      %cond3A_710 = arith.constant 0 : i32
      %cond3A_711 = arith.cmpi ne, %convert_element_type3A_709, %cond3A_710 : i32
      scf.if %cond3A_711 {
        %dma_start3A_1143 = arith.constant 5 : i32
        %dma_start3A_1144 = arith.constant 0 : i32
        %dma_start3A_1145 = arith.constant 0 : i32
        %dma_start3A_1146 = tpu.memref_slice %arg7[%dma_start3A_1143, %dma_start3A_1144, %dma_start3A_1145] : memref<16x2x128xi32, #tpu.memory_space<vmem>> -> memref<1x1x128xi32, #tpu.memory_space<vmem>>
        %dma_start3A_1147 = tpu.memref_squeeze %dma_start3A_1146 : memref<1x1x128xi32, #tpu.memory_space<vmem>> -> memref<128xi32, #tpu.memory_space<vmem>>
        %dma_start3A_1148 = arith.constant 0 : i32
        %dma_start3A_1149 = arith.constant 0 : i32
        %dma_start3A_1150 = tpu.memref_slice %arg17[%dma_start3A_1148, %dma_start3A_1149] : memref<10000x8xf32, #tpu.memory_space<vmem_shared>> -> memref<10000x8xf32, #tpu.memory_space<vmem_shared>>
        tpu.enqueue_indirect_dma source(%dma_start3A_1150 : memref<10000x8xf32, #tpu.memory_space<vmem_shared>>) target(%arg13 : memref<128x8xf32, #tpu.memory_space<vmem>>) offsets(%dma_start3A_1147 : memref<128xi32, #tpu.memory_space<vmem>>) semaphore(%arg19 : memref<!tpu.dma_semaphore, #tpu.memory_space<semaphore_mem>>)
      } else {
      }
      %mul3A_712 = arith.constant 16 : i32
      %mul3A_713 = arith.muli %add3A_615, %mul3A_712 : i32
      %add3A_714 = arith.constant 3 : i32
      %add3A_715 = arith.addi %mul3A_713, %add3A_714 : i32
      %dma_wait3A_716 = arith.constant 3 : i32
      %dma_wait3A_717 = arith.constant 0 : i32
      %dma_wait3A_718 = arith.constant 0 : i32
      %dma_wait3A_719 = tpu.memref_slice %arg7[%dma_wait3A_716, %dma_wait3A_717, %dma_wait3A_718] : memref<16x2x128xi32, #tpu.memory_space<vmem>> -> memref<1x1x128xi32, #tpu.memory_space<vmem>>
      %dma_wait3A_720 = tpu.memref_squeeze %dma_wait3A_719 : memref<1x1x128xi32, #tpu.memory_space<vmem>> -> memref<128xi32, #tpu.memory_space<vmem>>
      %dma_wait3A_721 = arith.constant 0 : i32
      %dma_wait3A_722 = arith.constant 0 : i32
      %dma_wait3A_723 = tpu.memref_slice %arg17[%dma_wait3A_721, %dma_wait3A_722] : memref<10000x8xf32, #tpu.memory_space<vmem_shared>> -> memref<10000x8xf32, #tpu.memory_space<vmem_shared>>
      tpu.wait_indirect_dma semaphore(%arg19 : memref<!tpu.dma_semaphore, #tpu.memory_space<semaphore_mem>>) src(%dma_wait3A_723 : memref<10000x8xf32, #tpu.memory_space<vmem_shared>>) dst(%arg11 : memref<128x8xf32, #tpu.memory_space<vmem>>)
      %dma_start3A_724 = arith.constant 3 : i32
      %dma_start3A_725 = arith.constant 1 : i32
      %dma_start3A_726 = arith.constant 0 : i32
      %dma_start3A_727 = tpu.memref_slice %arg7[%dma_start3A_724, %dma_start3A_725, %dma_start3A_726] : memref<16x2x128xi32, #tpu.memory_space<vmem>> -> memref<1x1x128xi32, #tpu.memory_space<vmem>>
      %dma_start3A_728 = tpu.memref_squeeze %dma_start3A_727 : memref<1x1x128xi32, #tpu.memory_space<vmem>> -> memref<128xi32, #tpu.memory_space<vmem>>
      %dma_start3A_729 = arith.constant 0 : i32
      %dma_start3A_730 = arith.constant 0 : i32
      %dma_start3A_731 = tpu.memref_slice %arg16[%dma_start3A_729, %dma_start3A_730] : memref<10112x8xf32, #tpu.memory_space<vmem_shared>> -> memref<10112x8xf32, #tpu.memory_space<vmem_shared>>
      tpu.enqueue_indirect_dma source(%arg11 : memref<128x8xf32, #tpu.memory_space<vmem>>) target(%dma_start3A_731 : memref<10112x8xf32, #tpu.memory_space<vmem_shared>>) offsets(%dma_start3A_728 : memref<128xi32, #tpu.memory_space<vmem>>) semaphore(%arg20 : memref<!tpu.dma_semaphore, #tpu.memory_space<semaphore_mem>>) {add = true}
      %ge3A_732 = arith.constant 4 : i32
      %ge3A_733 = arith.cmpi sge, %add3A_715, %ge3A_732 : i32
      %convert_element_type3A_734 = arith.extui %ge3A_733 : i1 to i32
      %cond3A_735 = arith.constant 0 : i32
      %cond3A_736 = arith.cmpi ne, %convert_element_type3A_734, %cond3A_735 : i32
      scf.if %cond3A_736 {
        %dma_wait3A_1143 = arith.constant 15 : i32
        %dma_wait3A_1144 = arith.constant 1 : i32
        %dma_wait3A_1145 = arith.constant 0 : i32
        %dma_wait3A_1146 = tpu.memref_slice %arg6[%dma_wait3A_1143, %dma_wait3A_1144, %dma_wait3A_1145] : memref<16x2x128xi32, #tpu.memory_space<vmem>> -> memref<1x1x128xi32, #tpu.memory_space<vmem>>
        %dma_wait3A_1147 = tpu.memref_squeeze %dma_wait3A_1146 : memref<1x1x128xi32, #tpu.memory_space<vmem>> -> memref<128xi32, #tpu.memory_space<vmem>>
        %dma_wait3A_1148 = arith.constant 0 : i32
        %dma_wait3A_1149 = arith.constant 0 : i32
        %dma_wait3A_1150 = tpu.memref_slice %arg16[%dma_wait3A_1148, %dma_wait3A_1149] : memref<10112x8xf32, #tpu.memory_space<vmem_shared>> -> memref<10112x8xf32, #tpu.memory_space<vmem_shared>>
        tpu.wait_indirect_dma semaphore(%arg20 : memref<!tpu.dma_semaphore, #tpu.memory_space<semaphore_mem>>) src(%arg15 : memref<128x8xf32, #tpu.memory_space<vmem>>) dst(%dma_wait3A_1150 : memref<10112x8xf32, #tpu.memory_space<vmem_shared>>)
      } else {
      }
      %add3A_737 = arith.constant 3 : i32
      %add3A_738 = arith.addi %add3A_715, %add3A_737 : i32
      %lt3A_739 = arith.constant 160 : i32
      %lt3A_740 = arith.cmpi slt, %add3A_738, %lt3A_739 : i32
      %convert_element_type3A_741 = arith.extui %lt3A_740 : i1 to i32
      %cond3A_742 = arith.constant 0 : i32
      %cond3A_743 = arith.cmpi ne, %convert_element_type3A_741, %cond3A_742 : i32
      scf.if %cond3A_743 {
        %dma_start3A_1143 = arith.constant 6 : i32
        %dma_start3A_1144 = arith.constant 0 : i32
        %dma_start3A_1145 = arith.constant 0 : i32
        %dma_start3A_1146 = tpu.memref_slice %arg7[%dma_start3A_1143, %dma_start3A_1144, %dma_start3A_1145] : memref<16x2x128xi32, #tpu.memory_space<vmem>> -> memref<1x1x128xi32, #tpu.memory_space<vmem>>
        %dma_start3A_1147 = tpu.memref_squeeze %dma_start3A_1146 : memref<1x1x128xi32, #tpu.memory_space<vmem>> -> memref<128xi32, #tpu.memory_space<vmem>>
        %dma_start3A_1148 = arith.constant 0 : i32
        %dma_start3A_1149 = arith.constant 0 : i32
        %dma_start3A_1150 = tpu.memref_slice %arg17[%dma_start3A_1148, %dma_start3A_1149] : memref<10000x8xf32, #tpu.memory_space<vmem_shared>> -> memref<10000x8xf32, #tpu.memory_space<vmem_shared>>
        tpu.enqueue_indirect_dma source(%dma_start3A_1150 : memref<10000x8xf32, #tpu.memory_space<vmem_shared>>) target(%arg14 : memref<128x8xf32, #tpu.memory_space<vmem>>) offsets(%dma_start3A_1147 : memref<128xi32, #tpu.memory_space<vmem>>) semaphore(%arg19 : memref<!tpu.dma_semaphore, #tpu.memory_space<semaphore_mem>>)
      } else {
      }
      %mul3A_744 = arith.constant 16 : i32
      %mul3A_745 = arith.muli %add3A_615, %mul3A_744 : i32
      %add3A_746 = arith.constant 4 : i32
      %add3A_747 = arith.addi %mul3A_745, %add3A_746 : i32
      %dma_wait3A_748 = arith.constant 4 : i32
      %dma_wait3A_749 = arith.constant 0 : i32
      %dma_wait3A_750 = arith.constant 0 : i32
      %dma_wait3A_751 = tpu.memref_slice %arg7[%dma_wait3A_748, %dma_wait3A_749, %dma_wait3A_750] : memref<16x2x128xi32, #tpu.memory_space<vmem>> -> memref<1x1x128xi32, #tpu.memory_space<vmem>>
      %dma_wait3A_752 = tpu.memref_squeeze %dma_wait3A_751 : memref<1x1x128xi32, #tpu.memory_space<vmem>> -> memref<128xi32, #tpu.memory_space<vmem>>
      %dma_wait3A_753 = arith.constant 0 : i32
      %dma_wait3A_754 = arith.constant 0 : i32
      %dma_wait3A_755 = tpu.memref_slice %arg17[%dma_wait3A_753, %dma_wait3A_754] : memref<10000x8xf32, #tpu.memory_space<vmem_shared>> -> memref<10000x8xf32, #tpu.memory_space<vmem_shared>>
      tpu.wait_indirect_dma semaphore(%arg19 : memref<!tpu.dma_semaphore, #tpu.memory_space<semaphore_mem>>) src(%dma_wait3A_755 : memref<10000x8xf32, #tpu.memory_space<vmem_shared>>) dst(%arg12 : memref<128x8xf32, #tpu.memory_space<vmem>>)
      %dma_start3A_756 = arith.constant 4 : i32
      %dma_start3A_757 = arith.constant 1 : i32
      %dma_start3A_758 = arith.constant 0 : i32
      %dma_start3A_759 = tpu.memref_slice %arg7[%dma_start3A_756, %dma_start3A_757, %dma_start3A_758] : memref<16x2x128xi32, #tpu.memory_space<vmem>> -> memref<1x1x128xi32, #tpu.memory_space<vmem>>
      %dma_start3A_760 = tpu.memref_squeeze %dma_start3A_759 : memref<1x1x128xi32, #tpu.memory_space<vmem>> -> memref<128xi32, #tpu.memory_space<vmem>>
      %dma_start3A_761 = arith.constant 0 : i32
      %dma_start3A_762 = arith.constant 0 : i32
      %dma_start3A_763 = tpu.memref_slice %arg16[%dma_start3A_761, %dma_start3A_762] : memref<10112x8xf32, #tpu.memory_space<vmem_shared>> -> memref<10112x8xf32, #tpu.memory_space<vmem_shared>>
      tpu.enqueue_indirect_dma source(%arg12 : memref<128x8xf32, #tpu.memory_space<vmem>>) target(%dma_start3A_763 : memref<10112x8xf32, #tpu.memory_space<vmem_shared>>) offsets(%dma_start3A_760 : memref<128xi32, #tpu.memory_space<vmem>>) semaphore(%arg20 : memref<!tpu.dma_semaphore, #tpu.memory_space<semaphore_mem>>) {add = true}
      %ge3A_764 = arith.constant 4 : i32
      %ge3A_765 = arith.cmpi sge, %add3A_747, %ge3A_764 : i32
      %convert_element_type3A_766 = arith.extui %ge3A_765 : i1 to i32
      %cond3A_767 = arith.constant 0 : i32
      %cond3A_768 = arith.cmpi ne, %convert_element_type3A_766, %cond3A_767 : i32
      scf.if %cond3A_768 {
        %dma_wait3A_1143 = arith.constant 0 : i32
        %dma_wait3A_1144 = arith.constant 1 : i32
        %dma_wait3A_1145 = arith.constant 0 : i32
        %dma_wait3A_1146 = tpu.memref_slice %arg7[%dma_wait3A_1143, %dma_wait3A_1144, %dma_wait3A_1145] : memref<16x2x128xi32, #tpu.memory_space<vmem>> -> memref<1x1x128xi32, #tpu.memory_space<vmem>>
        %dma_wait3A_1147 = tpu.memref_squeeze %dma_wait3A_1146 : memref<1x1x128xi32, #tpu.memory_space<vmem>> -> memref<128xi32, #tpu.memory_space<vmem>>
        %dma_wait3A_1148 = arith.constant 0 : i32
        %dma_wait3A_1149 = arith.constant 0 : i32
        %dma_wait3A_1150 = tpu.memref_slice %arg16[%dma_wait3A_1148, %dma_wait3A_1149] : memref<10112x8xf32, #tpu.memory_space<vmem_shared>> -> memref<10112x8xf32, #tpu.memory_space<vmem_shared>>
        tpu.wait_indirect_dma semaphore(%arg20 : memref<!tpu.dma_semaphore, #tpu.memory_space<semaphore_mem>>) src(%arg8 : memref<128x8xf32, #tpu.memory_space<vmem>>) dst(%dma_wait3A_1150 : memref<10112x8xf32, #tpu.memory_space<vmem_shared>>)
      } else {
      }
      %add3A_769 = arith.constant 1 : i32
      %add3A_770 = arith.addi %add3A_615, %add3A_769 : i32
      %lt3A_771 = arith.constant 10 : i32
      %lt3A_772 = arith.cmpi slt, %add3A_770, %lt3A_771 : i32
      %convert_element_type3A_773 = arith.extui %lt3A_772 : i1 to i32
      %cond3A_774 = arith.constant 0 : i32
      %cond3A_775 = arith.cmpi ne, %convert_element_type3A_773, %cond3A_774 : i32
      scf.if %cond3A_775 {
        %add3A_1143 = arith.constant 1 : i32
        %add3A_1144 = arith.addi %add3A_615, %add3A_1143 : i32
        %mul3A_1145 = arith.constant 16 : i32
        %mul3A_1146 = arith.muli %add3A_1144, %mul3A_1145 : i32
        %add3A_1147 = arith.addi %mul3A_2, %mul3A_1146 : i32
        %dma_start3A_1148 = arith.constant 0 : i32
        %dma_start3A_1149 = arith.constant 0 : i32
        %dma_start3A_1150 = tpu.memref_slice %arg3[%add3A_1147, %dma_start3A_1148, %dma_start3A_1149] : memref<5120x2x128xi32, #tpu.memory_space<hbm>> -> memref<16x2x128xi32, #tpu.memory_space<hbm>>
        %dma_start3A_1151 = arith.constant 0 : i32
        %dma_start3A_1152 = arith.constant 0 : i32
        %dma_start3A_1153 = tpu.memref_slice %arg3[%add3A_1147, %dma_start3A_1151, %dma_start3A_1152] : memref<5120x2x128xi32, #tpu.memory_space<hbm>> -> memref<16x2x128xi32, #tpu.memory_space<hbm>>
        tpu.enqueue_dma source(%dma_start3A_1153 : memref<16x2x128xi32, #tpu.memory_space<hbm>>) target(%arg6 : memref<16x2x128xi32, #tpu.memory_space<vmem>>) target_semaphore(%arg18 : memref<!tpu.dma_semaphore, #tpu.memory_space<semaphore_mem>>)
      } else {
      }
      %add3A_776 = arith.constant 3 : i32
      %add3A_777 = arith.addi %add3A_747, %add3A_776 : i32
      %lt3A_778 = arith.constant 160 : i32
      %lt3A_779 = arith.cmpi slt, %add3A_777, %lt3A_778 : i32
      %convert_element_type3A_780 = arith.extui %lt3A_779 : i1 to i32
      %cond3A_781 = arith.constant 0 : i32
      %cond3A_782 = arith.cmpi ne, %convert_element_type3A_780, %cond3A_781 : i32
      scf.if %cond3A_782 {
        %dma_start3A_1143 = arith.constant 7 : i32
        %dma_start3A_1144 = arith.constant 0 : i32
        %dma_start3A_1145 = arith.constant 0 : i32
        %dma_start3A_1146 = tpu.memref_slice %arg7[%dma_start3A_1143, %dma_start3A_1144, %dma_start3A_1145] : memref<16x2x128xi32, #tpu.memory_space<vmem>> -> memref<1x1x128xi32, #tpu.memory_space<vmem>>
        %dma_start3A_1147 = tpu.memref_squeeze %dma_start3A_1146 : memref<1x1x128xi32, #tpu.memory_space<vmem>> -> memref<128xi32, #tpu.memory_space<vmem>>
        %dma_start3A_1148 = arith.constant 0 : i32
        %dma_start3A_1149 = arith.constant 0 : i32
        %dma_start3A_1150 = tpu.memref_slice %arg17[%dma_start3A_1148, %dma_start3A_1149] : memref<10000x8xf32, #tpu.memory_space<vmem_shared>> -> memref<10000x8xf32, #tpu.memory_space<vmem_shared>>
        tpu.enqueue_indirect_dma source(%dma_start3A_1150 : memref<10000x8xf32, #tpu.memory_space<vmem_shared>>) target(%arg15 : memref<128x8xf32, #tpu.memory_space<vmem>>) offsets(%dma_start3A_1147 : memref<128xi32, #tpu.memory_space<vmem>>) semaphore(%arg19 : memref<!tpu.dma_semaphore, #tpu.memory_space<semaphore_mem>>)
      } else {
      }
      %mul3A_783 = arith.constant 16 : i32
      %mul3A_784 = arith.muli %add3A_615, %mul3A_783 : i32
      %add3A_785 = arith.constant 5 : i32
      %add3A_786 = arith.addi %mul3A_784, %add3A_785 : i32
      %dma_wait3A_787 = arith.constant 5 : i32
      %dma_wait3A_788 = arith.constant 0 : i32
      %dma_wait3A_789 = arith.constant 0 : i32
      %dma_wait3A_790 = tpu.memref_slice %arg7[%dma_wait3A_787, %dma_wait3A_788, %dma_wait3A_789] : memref<16x2x128xi32, #tpu.memory_space<vmem>> -> memref<1x1x128xi32, #tpu.memory_space<vmem>>
      %dma_wait3A_791 = tpu.memref_squeeze %dma_wait3A_790 : memref<1x1x128xi32, #tpu.memory_space<vmem>> -> memref<128xi32, #tpu.memory_space<vmem>>
      %dma_wait3A_792 = arith.constant 0 : i32
      %dma_wait3A_793 = arith.constant 0 : i32
      %dma_wait3A_794 = tpu.memref_slice %arg17[%dma_wait3A_792, %dma_wait3A_793] : memref<10000x8xf32, #tpu.memory_space<vmem_shared>> -> memref<10000x8xf32, #tpu.memory_space<vmem_shared>>
      tpu.wait_indirect_dma semaphore(%arg19 : memref<!tpu.dma_semaphore, #tpu.memory_space<semaphore_mem>>) src(%dma_wait3A_794 : memref<10000x8xf32, #tpu.memory_space<vmem_shared>>) dst(%arg13 : memref<128x8xf32, #tpu.memory_space<vmem>>)
      %dma_start3A_795 = arith.constant 5 : i32
      %dma_start3A_796 = arith.constant 1 : i32
      %dma_start3A_797 = arith.constant 0 : i32
      %dma_start3A_798 = tpu.memref_slice %arg7[%dma_start3A_795, %dma_start3A_796, %dma_start3A_797] : memref<16x2x128xi32, #tpu.memory_space<vmem>> -> memref<1x1x128xi32, #tpu.memory_space<vmem>>
      %dma_start3A_799 = tpu.memref_squeeze %dma_start3A_798 : memref<1x1x128xi32, #tpu.memory_space<vmem>> -> memref<128xi32, #tpu.memory_space<vmem>>
      %dma_start3A_800 = arith.constant 0 : i32
      %dma_start3A_801 = arith.constant 0 : i32
      %dma_start3A_802 = tpu.memref_slice %arg16[%dma_start3A_800, %dma_start3A_801] : memref<10112x8xf32, #tpu.memory_space<vmem_shared>> -> memref<10112x8xf32, #tpu.memory_space<vmem_shared>>
      tpu.enqueue_indirect_dma source(%arg13 : memref<128x8xf32, #tpu.memory_space<vmem>>) target(%dma_start3A_802 : memref<10112x8xf32, #tpu.memory_space<vmem_shared>>) offsets(%dma_start3A_799 : memref<128xi32, #tpu.memory_space<vmem>>) semaphore(%arg20 : memref<!tpu.dma_semaphore, #tpu.memory_space<semaphore_mem>>) {add = true}
      %ge3A_803 = arith.constant 4 : i32
      %ge3A_804 = arith.cmpi sge, %add3A_786, %ge3A_803 : i32
      %convert_element_type3A_805 = arith.extui %ge3A_804 : i1 to i32
      %cond3A_806 = arith.constant 0 : i32
      %cond3A_807 = arith.cmpi ne, %convert_element_type3A_805, %cond3A_806 : i32
      scf.if %cond3A_807 {
        %dma_wait3A_1143 = arith.constant 1 : i32
        %dma_wait3A_1144 = arith.constant 1 : i32
        %dma_wait3A_1145 = arith.constant 0 : i32
        %dma_wait3A_1146 = tpu.memref_slice %arg7[%dma_wait3A_1143, %dma_wait3A_1144, %dma_wait3A_1145] : memref<16x2x128xi32, #tpu.memory_space<vmem>> -> memref<1x1x128xi32, #tpu.memory_space<vmem>>
        %dma_wait3A_1147 = tpu.memref_squeeze %dma_wait3A_1146 : memref<1x1x128xi32, #tpu.memory_space<vmem>> -> memref<128xi32, #tpu.memory_space<vmem>>
        %dma_wait3A_1148 = arith.constant 0 : i32
        %dma_wait3A_1149 = arith.constant 0 : i32
        %dma_wait3A_1150 = tpu.memref_slice %arg16[%dma_wait3A_1148, %dma_wait3A_1149] : memref<10112x8xf32, #tpu.memory_space<vmem_shared>> -> memref<10112x8xf32, #tpu.memory_space<vmem_shared>>
        tpu.wait_indirect_dma semaphore(%arg20 : memref<!tpu.dma_semaphore, #tpu.memory_space<semaphore_mem>>) src(%arg9 : memref<128x8xf32, #tpu.memory_space<vmem>>) dst(%dma_wait3A_1150 : memref<10112x8xf32, #tpu.memory_space<vmem_shared>>)
      } else {
      }
      %add3A_808 = arith.constant 3 : i32
      %add3A_809 = arith.addi %add3A_786, %add3A_808 : i32
      %lt3A_810 = arith.constant 160 : i32
      %lt3A_811 = arith.cmpi slt, %add3A_809, %lt3A_810 : i32
      %convert_element_type3A_812 = arith.extui %lt3A_811 : i1 to i32
      %cond3A_813 = arith.constant 0 : i32
      %cond3A_814 = arith.cmpi ne, %convert_element_type3A_812, %cond3A_813 : i32
      scf.if %cond3A_814 {
        %dma_start3A_1143 = arith.constant 8 : i32
        %dma_start3A_1144 = arith.constant 0 : i32
        %dma_start3A_1145 = arith.constant 0 : i32
        %dma_start3A_1146 = tpu.memref_slice %arg7[%dma_start3A_1143, %dma_start3A_1144, %dma_start3A_1145] : memref<16x2x128xi32, #tpu.memory_space<vmem>> -> memref<1x1x128xi32, #tpu.memory_space<vmem>>
        %dma_start3A_1147 = tpu.memref_squeeze %dma_start3A_1146 : memref<1x1x128xi32, #tpu.memory_space<vmem>> -> memref<128xi32, #tpu.memory_space<vmem>>
        %dma_start3A_1148 = arith.constant 0 : i32
        %dma_start3A_1149 = arith.constant 0 : i32
        %dma_start3A_1150 = tpu.memref_slice %arg17[%dma_start3A_1148, %dma_start3A_1149] : memref<10000x8xf32, #tpu.memory_space<vmem_shared>> -> memref<10000x8xf32, #tpu.memory_space<vmem_shared>>
        tpu.enqueue_indirect_dma source(%dma_start3A_1150 : memref<10000x8xf32, #tpu.memory_space<vmem_shared>>) target(%arg8 : memref<128x8xf32, #tpu.memory_space<vmem>>) offsets(%dma_start3A_1147 : memref<128xi32, #tpu.memory_space<vmem>>) semaphore(%arg19 : memref<!tpu.dma_semaphore, #tpu.memory_space<semaphore_mem>>)
      } else {
      }
      %mul3A_815 = arith.constant 16 : i32
      %mul3A_816 = arith.muli %add3A_615, %mul3A_815 : i32
      %add3A_817 = arith.constant 6 : i32
      %add3A_818 = arith.addi %mul3A_816, %add3A_817 : i32
      %dma_wait3A_819 = arith.constant 6 : i32
      %dma_wait3A_820 = arith.constant 0 : i32
      %dma_wait3A_821 = arith.constant 0 : i32
      %dma_wait3A_822 = tpu.memref_slice %arg7[%dma_wait3A_819, %dma_wait3A_820, %dma_wait3A_821] : memref<16x2x128xi32, #tpu.memory_space<vmem>> -> memref<1x1x128xi32, #tpu.memory_space<vmem>>
      %dma_wait3A_823 = tpu.memref_squeeze %dma_wait3A_822 : memref<1x1x128xi32, #tpu.memory_space<vmem>> -> memref<128xi32, #tpu.memory_space<vmem>>
      %dma_wait3A_824 = arith.constant 0 : i32
      %dma_wait3A_825 = arith.constant 0 : i32
      %dma_wait3A_826 = tpu.memref_slice %arg17[%dma_wait3A_824, %dma_wait3A_825] : memref<10000x8xf32, #tpu.memory_space<vmem_shared>> -> memref<10000x8xf32, #tpu.memory_space<vmem_shared>>
      tpu.wait_indirect_dma semaphore(%arg19 : memref<!tpu.dma_semaphore, #tpu.memory_space<semaphore_mem>>) src(%dma_wait3A_826 : memref<10000x8xf32, #tpu.memory_space<vmem_shared>>) dst(%arg14 : memref<128x8xf32, #tpu.memory_space<vmem>>)
      %dma_start3A_827 = arith.constant 6 : i32
      %dma_start3A_828 = arith.constant 1 : i32
      %dma_start3A_829 = arith.constant 0 : i32
      %dma_start3A_830 = tpu.memref_slice %arg7[%dma_start3A_827, %dma_start3A_828, %dma_start3A_829] : memref<16x2x128xi32, #tpu.memory_space<vmem>> -> memref<1x1x128xi32, #tpu.memory_space<vmem>>
      %dma_start3A_831 = tpu.memref_squeeze %dma_start3A_830 : memref<1x1x128xi32, #tpu.memory_space<vmem>> -> memref<128xi32, #tpu.memory_space<vmem>>
      %dma_start3A_832 = arith.constant 0 : i32
      %dma_start3A_833 = arith.constant 0 : i32
      %dma_start3A_834 = tpu.memref_slice %arg16[%dma_start3A_832, %dma_start3A_833] : memref<10112x8xf32, #tpu.memory_space<vmem_shared>> -> memref<10112x8xf32, #tpu.memory_space<vmem_shared>>
      tpu.enqueue_indirect_dma source(%arg14 : memref<128x8xf32, #tpu.memory_space<vmem>>) target(%dma_start3A_834 : memref<10112x8xf32, #tpu.memory_space<vmem_shared>>) offsets(%dma_start3A_831 : memref<128xi32, #tpu.memory_space<vmem>>) semaphore(%arg20 : memref<!tpu.dma_semaphore, #tpu.memory_space<semaphore_mem>>) {add = true}
      %ge3A_835 = arith.constant 4 : i32
      %ge3A_836 = arith.cmpi sge, %add3A_818, %ge3A_835 : i32
      %convert_element_type3A_837 = arith.extui %ge3A_836 : i1 to i32
      %cond3A_838 = arith.constant 0 : i32
      %cond3A_839 = arith.cmpi ne, %convert_element_type3A_837, %cond3A_838 : i32
      scf.if %cond3A_839 {
        %dma_wait3A_1143 = arith.constant 2 : i32
        %dma_wait3A_1144 = arith.constant 1 : i32
        %dma_wait3A_1145 = arith.constant 0 : i32
        %dma_wait3A_1146 = tpu.memref_slice %arg7[%dma_wait3A_1143, %dma_wait3A_1144, %dma_wait3A_1145] : memref<16x2x128xi32, #tpu.memory_space<vmem>> -> memref<1x1x128xi32, #tpu.memory_space<vmem>>
        %dma_wait3A_1147 = tpu.memref_squeeze %dma_wait3A_1146 : memref<1x1x128xi32, #tpu.memory_space<vmem>> -> memref<128xi32, #tpu.memory_space<vmem>>
        %dma_wait3A_1148 = arith.constant 0 : i32
        %dma_wait3A_1149 = arith.constant 0 : i32
        %dma_wait3A_1150 = tpu.memref_slice %arg16[%dma_wait3A_1148, %dma_wait3A_1149] : memref<10112x8xf32, #tpu.memory_space<vmem_shared>> -> memref<10112x8xf32, #tpu.memory_space<vmem_shared>>
        tpu.wait_indirect_dma semaphore(%arg20 : memref<!tpu.dma_semaphore, #tpu.memory_space<semaphore_mem>>) src(%arg10 : memref<128x8xf32, #tpu.memory_space<vmem>>) dst(%dma_wait3A_1150 : memref<10112x8xf32, #tpu.memory_space<vmem_shared>>)
      } else {
      }
      %add3A_840 = arith.constant 3 : i32
      %add3A_841 = arith.addi %add3A_818, %add3A_840 : i32
      %lt3A_842 = arith.constant 160 : i32
      %lt3A_843 = arith.cmpi slt, %add3A_841, %lt3A_842 : i32
      %convert_element_type3A_844 = arith.extui %lt3A_843 : i1 to i32
      %cond3A_845 = arith.constant 0 : i32
      %cond3A_846 = arith.cmpi ne, %convert_element_type3A_844, %cond3A_845 : i32
      scf.if %cond3A_846 {
        %dma_start3A_1143 = arith.constant 9 : i32
        %dma_start3A_1144 = arith.constant 0 : i32
        %dma_start3A_1145 = arith.constant 0 : i32
        %dma_start3A_1146 = tpu.memref_slice %arg7[%dma_start3A_1143, %dma_start3A_1144, %dma_start3A_1145] : memref<16x2x128xi32, #tpu.memory_space<vmem>> -> memref<1x1x128xi32, #tpu.memory_space<vmem>>
        %dma_start3A_1147 = tpu.memref_squeeze %dma_start3A_1146 : memref<1x1x128xi32, #tpu.memory_space<vmem>> -> memref<128xi32, #tpu.memory_space<vmem>>
        %dma_start3A_1148 = arith.constant 0 : i32
        %dma_start3A_1149 = arith.constant 0 : i32
        %dma_start3A_1150 = tpu.memref_slice %arg17[%dma_start3A_1148, %dma_start3A_1149] : memref<10000x8xf32, #tpu.memory_space<vmem_shared>> -> memref<10000x8xf32, #tpu.memory_space<vmem_shared>>
        tpu.enqueue_indirect_dma source(%dma_start3A_1150 : memref<10000x8xf32, #tpu.memory_space<vmem_shared>>) target(%arg9 : memref<128x8xf32, #tpu.memory_space<vmem>>) offsets(%dma_start3A_1147 : memref<128xi32, #tpu.memory_space<vmem>>) semaphore(%arg19 : memref<!tpu.dma_semaphore, #tpu.memory_space<semaphore_mem>>)
      } else {
      }
      %mul3A_847 = arith.constant 16 : i32
      %mul3A_848 = arith.muli %add3A_615, %mul3A_847 : i32
      %add3A_849 = arith.constant 7 : i32
      %add3A_850 = arith.addi %mul3A_848, %add3A_849 : i32
      %dma_wait3A_851 = arith.constant 7 : i32
      %dma_wait3A_852 = arith.constant 0 : i32
      %dma_wait3A_853 = arith.constant 0 : i32
      %dma_wait3A_854 = tpu.memref_slice %arg7[%dma_wait3A_851, %dma_wait3A_852, %dma_wait3A_853] : memref<16x2x128xi32, #tpu.memory_space<vmem>> -> memref<1x1x128xi32, #tpu.memory_space<vmem>>
      %dma_wait3A_855 = tpu.memref_squeeze %dma_wait3A_854 : memref<1x1x128xi32, #tpu.memory_space<vmem>> -> memref<128xi32, #tpu.memory_space<vmem>>
      %dma_wait3A_856 = arith.constant 0 : i32
      %dma_wait3A_857 = arith.constant 0 : i32
      %dma_wait3A_858 = tpu.memref_slice %arg17[%dma_wait3A_856, %dma_wait3A_857] : memref<10000x8xf32, #tpu.memory_space<vmem_shared>> -> memref<10000x8xf32, #tpu.memory_space<vmem_shared>>
      tpu.wait_indirect_dma semaphore(%arg19 : memref<!tpu.dma_semaphore, #tpu.memory_space<semaphore_mem>>) src(%dma_wait3A_858 : memref<10000x8xf32, #tpu.memory_space<vmem_shared>>) dst(%arg15 : memref<128x8xf32, #tpu.memory_space<vmem>>)
      %dma_start3A_859 = arith.constant 7 : i32
      %dma_start3A_860 = arith.constant 1 : i32
      %dma_start3A_861 = arith.constant 0 : i32
      %dma_start3A_862 = tpu.memref_slice %arg7[%dma_start3A_859, %dma_start3A_860, %dma_start3A_861] : memref<16x2x128xi32, #tpu.memory_space<vmem>> -> memref<1x1x128xi32, #tpu.memory_space<vmem>>
      %dma_start3A_863 = tpu.memref_squeeze %dma_start3A_862 : memref<1x1x128xi32, #tpu.memory_space<vmem>> -> memref<128xi32, #tpu.memory_space<vmem>>
      %dma_start3A_864 = arith.constant 0 : i32
      %dma_start3A_865 = arith.constant 0 : i32
      %dma_start3A_866 = tpu.memref_slice %arg16[%dma_start3A_864, %dma_start3A_865] : memref<10112x8xf32, #tpu.memory_space<vmem_shared>> -> memref<10112x8xf32, #tpu.memory_space<vmem_shared>>
      tpu.enqueue_indirect_dma source(%arg15 : memref<128x8xf32, #tpu.memory_space<vmem>>) target(%dma_start3A_866 : memref<10112x8xf32, #tpu.memory_space<vmem_shared>>) offsets(%dma_start3A_863 : memref<128xi32, #tpu.memory_space<vmem>>) semaphore(%arg20 : memref<!tpu.dma_semaphore, #tpu.memory_space<semaphore_mem>>) {add = true}
      %ge3A_867 = arith.constant 4 : i32
      %ge3A_868 = arith.cmpi sge, %add3A_850, %ge3A_867 : i32
      %convert_element_type3A_869 = arith.extui %ge3A_868 : i1 to i32
      %cond3A_870 = arith.constant 0 : i32
      %cond3A_871 = arith.cmpi ne, %convert_element_type3A_869, %cond3A_870 : i32
      scf.if %cond3A_871 {
        %dma_wait3A_1143 = arith.constant 3 : i32
        %dma_wait3A_1144 = arith.constant 1 : i32
        %dma_wait3A_1145 = arith.constant 0 : i32
        %dma_wait3A_1146 = tpu.memref_slice %arg7[%dma_wait3A_1143, %dma_wait3A_1144, %dma_wait3A_1145] : memref<16x2x128xi32, #tpu.memory_space<vmem>> -> memref<1x1x128xi32, #tpu.memory_space<vmem>>
        %dma_wait3A_1147 = tpu.memref_squeeze %dma_wait3A_1146 : memref<1x1x128xi32, #tpu.memory_space<vmem>> -> memref<128xi32, #tpu.memory_space<vmem>>
        %dma_wait3A_1148 = arith.constant 0 : i32
        %dma_wait3A_1149 = arith.constant 0 : i32
        %dma_wait3A_1150 = tpu.memref_slice %arg16[%dma_wait3A_1148, %dma_wait3A_1149] : memref<10112x8xf32, #tpu.memory_space<vmem_shared>> -> memref<10112x8xf32, #tpu.memory_space<vmem_shared>>
        tpu.wait_indirect_dma semaphore(%arg20 : memref<!tpu.dma_semaphore, #tpu.memory_space<semaphore_mem>>) src(%arg11 : memref<128x8xf32, #tpu.memory_space<vmem>>) dst(%dma_wait3A_1150 : memref<10112x8xf32, #tpu.memory_space<vmem_shared>>)
      } else {
      }
      %add3A_872 = arith.constant 3 : i32
      %add3A_873 = arith.addi %add3A_850, %add3A_872 : i32
      %lt3A_874 = arith.constant 160 : i32
      %lt3A_875 = arith.cmpi slt, %add3A_873, %lt3A_874 : i32
      %convert_element_type3A_876 = arith.extui %lt3A_875 : i1 to i32
      %cond3A_877 = arith.constant 0 : i32
      %cond3A_878 = arith.cmpi ne, %convert_element_type3A_876, %cond3A_877 : i32
      scf.if %cond3A_878 {
        %dma_start3A_1143 = arith.constant 10 : i32
        %dma_start3A_1144 = arith.constant 0 : i32
        %dma_start3A_1145 = arith.constant 0 : i32
        %dma_start3A_1146 = tpu.memref_slice %arg7[%dma_start3A_1143, %dma_start3A_1144, %dma_start3A_1145] : memref<16x2x128xi32, #tpu.memory_space<vmem>> -> memref<1x1x128xi32, #tpu.memory_space<vmem>>
        %dma_start3A_1147 = tpu.memref_squeeze %dma_start3A_1146 : memref<1x1x128xi32, #tpu.memory_space<vmem>> -> memref<128xi32, #tpu.memory_space<vmem>>
        %dma_start3A_1148 = arith.constant 0 : i32
        %dma_start3A_1149 = arith.constant 0 : i32
        %dma_start3A_1150 = tpu.memref_slice %arg17[%dma_start3A_1148, %dma_start3A_1149] : memref<10000x8xf32, #tpu.memory_space<vmem_shared>> -> memref<10000x8xf32, #tpu.memory_space<vmem_shared>>
        tpu.enqueue_indirect_dma source(%dma_start3A_1150 : memref<10000x8xf32, #tpu.memory_space<vmem_shared>>) target(%arg10 : memref<128x8xf32, #tpu.memory_space<vmem>>) offsets(%dma_start3A_1147 : memref<128xi32, #tpu.memory_space<vmem>>) semaphore(%arg19 : memref<!tpu.dma_semaphore, #tpu.memory_space<semaphore_mem>>)
      } else {
      }
      %mul3A_879 = arith.constant 16 : i32
      %mul3A_880 = arith.muli %add3A_615, %mul3A_879 : i32
      %add3A_881 = arith.constant 8 : i32
      %add3A_882 = arith.addi %mul3A_880, %add3A_881 : i32
      %dma_wait3A_883 = arith.constant 8 : i32
      %dma_wait3A_884 = arith.constant 0 : i32
      %dma_wait3A_885 = arith.constant 0 : i32
      %dma_wait3A_886 = tpu.memref_slice %arg7[%dma_wait3A_883, %dma_wait3A_884, %dma_wait3A_885] : memref<16x2x128xi32, #tpu.memory_space<vmem>> -> memref<1x1x128xi32, #tpu.memory_space<vmem>>
      %dma_wait3A_887 = tpu.memref_squeeze %dma_wait3A_886 : memref<1x1x128xi32, #tpu.memory_space<vmem>> -> memref<128xi32, #tpu.memory_space<vmem>>
      %dma_wait3A_888 = arith.constant 0 : i32
      %dma_wait3A_889 = arith.constant 0 : i32
      %dma_wait3A_890 = tpu.memref_slice %arg17[%dma_wait3A_888, %dma_wait3A_889] : memref<10000x8xf32, #tpu.memory_space<vmem_shared>> -> memref<10000x8xf32, #tpu.memory_space<vmem_shared>>
      tpu.wait_indirect_dma semaphore(%arg19 : memref<!tpu.dma_semaphore, #tpu.memory_space<semaphore_mem>>) src(%dma_wait3A_890 : memref<10000x8xf32, #tpu.memory_space<vmem_shared>>) dst(%arg8 : memref<128x8xf32, #tpu.memory_space<vmem>>)
      %dma_start3A_891 = arith.constant 8 : i32
      %dma_start3A_892 = arith.constant 1 : i32
      %dma_start3A_893 = arith.constant 0 : i32
      %dma_start3A_894 = tpu.memref_slice %arg7[%dma_start3A_891, %dma_start3A_892, %dma_start3A_893] : memref<16x2x128xi32, #tpu.memory_space<vmem>> -> memref<1x1x128xi32, #tpu.memory_space<vmem>>
      %dma_start3A_895 = tpu.memref_squeeze %dma_start3A_894 : memref<1x1x128xi32, #tpu.memory_space<vmem>> -> memref<128xi32, #tpu.memory_space<vmem>>
      %dma_start3A_896 = arith.constant 0 : i32
      %dma_start3A_897 = arith.constant 0 : i32
      %dma_start3A_898 = tpu.memref_slice %arg16[%dma_start3A_896, %dma_start3A_897] : memref<10112x8xf32, #tpu.memory_space<vmem_shared>> -> memref<10112x8xf32, #tpu.memory_space<vmem_shared>>
      tpu.enqueue_indirect_dma source(%arg8 : memref<128x8xf32, #tpu.memory_space<vmem>>) target(%dma_start3A_898 : memref<10112x8xf32, #tpu.memory_space<vmem_shared>>) offsets(%dma_start3A_895 : memref<128xi32, #tpu.memory_space<vmem>>) semaphore(%arg20 : memref<!tpu.dma_semaphore, #tpu.memory_space<semaphore_mem>>) {add = true}
      %ge3A_899 = arith.constant 4 : i32
      %ge3A_900 = arith.cmpi sge, %add3A_882, %ge3A_899 : i32
      %convert_element_type3A_901 = arith.extui %ge3A_900 : i1 to i32
      %cond3A_902 = arith.constant 0 : i32
      %cond3A_903 = arith.cmpi ne, %convert_element_type3A_901, %cond3A_902 : i32
      scf.if %cond3A_903 {
        %dma_wait3A_1143 = arith.constant 4 : i32
        %dma_wait3A_1144 = arith.constant 1 : i32
        %dma_wait3A_1145 = arith.constant 0 : i32
        %dma_wait3A_1146 = tpu.memref_slice %arg7[%dma_wait3A_1143, %dma_wait3A_1144, %dma_wait3A_1145] : memref<16x2x128xi32, #tpu.memory_space<vmem>> -> memref<1x1x128xi32, #tpu.memory_space<vmem>>
        %dma_wait3A_1147 = tpu.memref_squeeze %dma_wait3A_1146 : memref<1x1x128xi32, #tpu.memory_space<vmem>> -> memref<128xi32, #tpu.memory_space<vmem>>
        %dma_wait3A_1148 = arith.constant 0 : i32
        %dma_wait3A_1149 = arith.constant 0 : i32
        %dma_wait3A_1150 = tpu.memref_slice %arg16[%dma_wait3A_1148, %dma_wait3A_1149] : memref<10112x8xf32, #tpu.memory_space<vmem_shared>> -> memref<10112x8xf32, #tpu.memory_space<vmem_shared>>
        tpu.wait_indirect_dma semaphore(%arg20 : memref<!tpu.dma_semaphore, #tpu.memory_space<semaphore_mem>>) src(%arg12 : memref<128x8xf32, #tpu.memory_space<vmem>>) dst(%dma_wait3A_1150 : memref<10112x8xf32, #tpu.memory_space<vmem_shared>>)
      } else {
      }
      %add3A_904 = arith.constant 3 : i32
      %add3A_905 = arith.addi %add3A_882, %add3A_904 : i32
      %lt3A_906 = arith.constant 160 : i32
      %lt3A_907 = arith.cmpi slt, %add3A_905, %lt3A_906 : i32
      %convert_element_type3A_908 = arith.extui %lt3A_907 : i1 to i32
      %cond3A_909 = arith.constant 0 : i32
      %cond3A_910 = arith.cmpi ne, %convert_element_type3A_908, %cond3A_909 : i32
      scf.if %cond3A_910 {
        %dma_start3A_1143 = arith.constant 11 : i32
        %dma_start3A_1144 = arith.constant 0 : i32
        %dma_start3A_1145 = arith.constant 0 : i32
        %dma_start3A_1146 = tpu.memref_slice %arg7[%dma_start3A_1143, %dma_start3A_1144, %dma_start3A_1145] : memref<16x2x128xi32, #tpu.memory_space<vmem>> -> memref<1x1x128xi32, #tpu.memory_space<vmem>>
        %dma_start3A_1147 = tpu.memref_squeeze %dma_start3A_1146 : memref<1x1x128xi32, #tpu.memory_space<vmem>> -> memref<128xi32, #tpu.memory_space<vmem>>
        %dma_start3A_1148 = arith.constant 0 : i32
        %dma_start3A_1149 = arith.constant 0 : i32
        %dma_start3A_1150 = tpu.memref_slice %arg17[%dma_start3A_1148, %dma_start3A_1149] : memref<10000x8xf32, #tpu.memory_space<vmem_shared>> -> memref<10000x8xf32, #tpu.memory_space<vmem_shared>>
        tpu.enqueue_indirect_dma source(%dma_start3A_1150 : memref<10000x8xf32, #tpu.memory_space<vmem_shared>>) target(%arg11 : memref<128x8xf32, #tpu.memory_space<vmem>>) offsets(%dma_start3A_1147 : memref<128xi32, #tpu.memory_space<vmem>>) semaphore(%arg19 : memref<!tpu.dma_semaphore, #tpu.memory_space<semaphore_mem>>)
      } else {
      }
      %mul3A_911 = arith.constant 16 : i32
      %mul3A_912 = arith.muli %add3A_615, %mul3A_911 : i32
      %add3A_913 = arith.constant 9 : i32
      %add3A_914 = arith.addi %mul3A_912, %add3A_913 : i32
      %dma_wait3A_915 = arith.constant 9 : i32
      %dma_wait3A_916 = arith.constant 0 : i32
      %dma_wait3A_917 = arith.constant 0 : i32
      %dma_wait3A_918 = tpu.memref_slice %arg7[%dma_wait3A_915, %dma_wait3A_916, %dma_wait3A_917] : memref<16x2x128xi32, #tpu.memory_space<vmem>> -> memref<1x1x128xi32, #tpu.memory_space<vmem>>
      %dma_wait3A_919 = tpu.memref_squeeze %dma_wait3A_918 : memref<1x1x128xi32, #tpu.memory_space<vmem>> -> memref<128xi32, #tpu.memory_space<vmem>>
      %dma_wait3A_920 = arith.constant 0 : i32
      %dma_wait3A_921 = arith.constant 0 : i32
      %dma_wait3A_922 = tpu.memref_slice %arg17[%dma_wait3A_920, %dma_wait3A_921] : memref<10000x8xf32, #tpu.memory_space<vmem_shared>> -> memref<10000x8xf32, #tpu.memory_space<vmem_shared>>
      tpu.wait_indirect_dma semaphore(%arg19 : memref<!tpu.dma_semaphore, #tpu.memory_space<semaphore_mem>>) src(%dma_wait3A_922 : memref<10000x8xf32, #tpu.memory_space<vmem_shared>>) dst(%arg9 : memref<128x8xf32, #tpu.memory_space<vmem>>)
      %dma_start3A_923 = arith.constant 9 : i32
      %dma_start3A_924 = arith.constant 1 : i32
      %dma_start3A_925 = arith.constant 0 : i32
      %dma_start3A_926 = tpu.memref_slice %arg7[%dma_start3A_923, %dma_start3A_924, %dma_start3A_925] : memref<16x2x128xi32, #tpu.memory_space<vmem>> -> memref<1x1x128xi32, #tpu.memory_space<vmem>>
      %dma_start3A_927 = tpu.memref_squeeze %dma_start3A_926 : memref<1x1x128xi32, #tpu.memory_space<vmem>> -> memref<128xi32, #tpu.memory_space<vmem>>
      %dma_start3A_928 = arith.constant 0 : i32
      %dma_start3A_929 = arith.constant 0 : i32
      %dma_start3A_930 = tpu.memref_slice %arg16[%dma_start3A_928, %dma_start3A_929] : memref<10112x8xf32, #tpu.memory_space<vmem_shared>> -> memref<10112x8xf32, #tpu.memory_space<vmem_shared>>
      tpu.enqueue_indirect_dma source(%arg9 : memref<128x8xf32, #tpu.memory_space<vmem>>) target(%dma_start3A_930 : memref<10112x8xf32, #tpu.memory_space<vmem_shared>>) offsets(%dma_start3A_927 : memref<128xi32, #tpu.memory_space<vmem>>) semaphore(%arg20 : memref<!tpu.dma_semaphore, #tpu.memory_space<semaphore_mem>>) {add = true}
      %ge3A_931 = arith.constant 4 : i32
      %ge3A_932 = arith.cmpi sge, %add3A_914, %ge3A_931 : i32
      %convert_element_type3A_933 = arith.extui %ge3A_932 : i1 to i32
      %cond3A_934 = arith.constant 0 : i32
      %cond3A_935 = arith.cmpi ne, %convert_element_type3A_933, %cond3A_934 : i32
      scf.if %cond3A_935 {
        %dma_wait3A_1143 = arith.constant 5 : i32
        %dma_wait3A_1144 = arith.constant 1 : i32
        %dma_wait3A_1145 = arith.constant 0 : i32
        %dma_wait3A_1146 = tpu.memref_slice %arg7[%dma_wait3A_1143, %dma_wait3A_1144, %dma_wait3A_1145] : memref<16x2x128xi32, #tpu.memory_space<vmem>> -> memref<1x1x128xi32, #tpu.memory_space<vmem>>
        %dma_wait3A_1147 = tpu.memref_squeeze %dma_wait3A_1146 : memref<1x1x128xi32, #tpu.memory_space<vmem>> -> memref<128xi32, #tpu.memory_space<vmem>>
        %dma_wait3A_1148 = arith.constant 0 : i32
        %dma_wait3A_1149 = arith.constant 0 : i32
        %dma_wait3A_1150 = tpu.memref_slice %arg16[%dma_wait3A_1148, %dma_wait3A_1149] : memref<10112x8xf32, #tpu.memory_space<vmem_shared>> -> memref<10112x8xf32, #tpu.memory_space<vmem_shared>>
        tpu.wait_indirect_dma semaphore(%arg20 : memref<!tpu.dma_semaphore, #tpu.memory_space<semaphore_mem>>) src(%arg13 : memref<128x8xf32, #tpu.memory_space<vmem>>) dst(%dma_wait3A_1150 : memref<10112x8xf32, #tpu.memory_space<vmem_shared>>)
      } else {
      }
      %add3A_936 = arith.constant 3 : i32
      %add3A_937 = arith.addi %add3A_914, %add3A_936 : i32
      %lt3A_938 = arith.constant 160 : i32
      %lt3A_939 = arith.cmpi slt, %add3A_937, %lt3A_938 : i32
      %convert_element_type3A_940 = arith.extui %lt3A_939 : i1 to i32
      %cond3A_941 = arith.constant 0 : i32
      %cond3A_942 = arith.cmpi ne, %convert_element_type3A_940, %cond3A_941 : i32
      scf.if %cond3A_942 {
        %dma_start3A_1143 = arith.constant 12 : i32
        %dma_start3A_1144 = arith.constant 0 : i32
        %dma_start3A_1145 = arith.constant 0 : i32
        %dma_start3A_1146 = tpu.memref_slice %arg7[%dma_start3A_1143, %dma_start3A_1144, %dma_start3A_1145] : memref<16x2x128xi32, #tpu.memory_space<vmem>> -> memref<1x1x128xi32, #tpu.memory_space<vmem>>
        %dma_start3A_1147 = tpu.memref_squeeze %dma_start3A_1146 : memref<1x1x128xi32, #tpu.memory_space<vmem>> -> memref<128xi32, #tpu.memory_space<vmem>>
        %dma_start3A_1148 = arith.constant 0 : i32
        %dma_start3A_1149 = arith.constant 0 : i32
        %dma_start3A_1150 = tpu.memref_slice %arg17[%dma_start3A_1148, %dma_start3A_1149] : memref<10000x8xf32, #tpu.memory_space<vmem_shared>> -> memref<10000x8xf32, #tpu.memory_space<vmem_shared>>
        tpu.enqueue_indirect_dma source(%dma_start3A_1150 : memref<10000x8xf32, #tpu.memory_space<vmem_shared>>) target(%arg12 : memref<128x8xf32, #tpu.memory_space<vmem>>) offsets(%dma_start3A_1147 : memref<128xi32, #tpu.memory_space<vmem>>) semaphore(%arg19 : memref<!tpu.dma_semaphore, #tpu.memory_space<semaphore_mem>>)
      } else {
      }
      %mul3A_943 = arith.constant 16 : i32
      %mul3A_944 = arith.muli %add3A_615, %mul3A_943 : i32
      %add3A_945 = arith.constant 10 : i32
      %add3A_946 = arith.addi %mul3A_944, %add3A_945 : i32
      %dma_wait3A_947 = arith.constant 10 : i32
      %dma_wait3A_948 = arith.constant 0 : i32
      %dma_wait3A_949 = arith.constant 0 : i32
      %dma_wait3A_950 = tpu.memref_slice %arg7[%dma_wait3A_947, %dma_wait3A_948, %dma_wait3A_949] : memref<16x2x128xi32, #tpu.memory_space<vmem>> -> memref<1x1x128xi32, #tpu.memory_space<vmem>>
      %dma_wait3A_951 = tpu.memref_squeeze %dma_wait3A_950 : memref<1x1x128xi32, #tpu.memory_space<vmem>> -> memref<128xi32, #tpu.memory_space<vmem>>
      %dma_wait3A_952 = arith.constant 0 : i32
      %dma_wait3A_953 = arith.constant 0 : i32
      %dma_wait3A_954 = tpu.memref_slice %arg17[%dma_wait3A_952, %dma_wait3A_953] : memref<10000x8xf32, #tpu.memory_space<vmem_shared>> -> memref<10000x8xf32, #tpu.memory_space<vmem_shared>>
      tpu.wait_indirect_dma semaphore(%arg19 : memref<!tpu.dma_semaphore, #tpu.memory_space<semaphore_mem>>) src(%dma_wait3A_954 : memref<10000x8xf32, #tpu.memory_space<vmem_shared>>) dst(%arg10 : memref<128x8xf32, #tpu.memory_space<vmem>>)
      %dma_start3A_955 = arith.constant 10 : i32
      %dma_start3A_956 = arith.constant 1 : i32
      %dma_start3A_957 = arith.constant 0 : i32
      %dma_start3A_958 = tpu.memref_slice %arg7[%dma_start3A_955, %dma_start3A_956, %dma_start3A_957] : memref<16x2x128xi32, #tpu.memory_space<vmem>> -> memref<1x1x128xi32, #tpu.memory_space<vmem>>
      %dma_start3A_959 = tpu.memref_squeeze %dma_start3A_958 : memref<1x1x128xi32, #tpu.memory_space<vmem>> -> memref<128xi32, #tpu.memory_space<vmem>>
      %dma_start3A_960 = arith.constant 0 : i32
      %dma_start3A_961 = arith.constant 0 : i32
      %dma_start3A_962 = tpu.memref_slice %arg16[%dma_start3A_960, %dma_start3A_961] : memref<10112x8xf32, #tpu.memory_space<vmem_shared>> -> memref<10112x8xf32, #tpu.memory_space<vmem_shared>>
      tpu.enqueue_indirect_dma source(%arg10 : memref<128x8xf32, #tpu.memory_space<vmem>>) target(%dma_start3A_962 : memref<10112x8xf32, #tpu.memory_space<vmem_shared>>) offsets(%dma_start3A_959 : memref<128xi32, #tpu.memory_space<vmem>>) semaphore(%arg20 : memref<!tpu.dma_semaphore, #tpu.memory_space<semaphore_mem>>) {add = true}
      %ge3A_963 = arith.constant 4 : i32
      %ge3A_964 = arith.cmpi sge, %add3A_946, %ge3A_963 : i32
      %convert_element_type3A_965 = arith.extui %ge3A_964 : i1 to i32
      %cond3A_966 = arith.constant 0 : i32
      %cond3A_967 = arith.cmpi ne, %convert_element_type3A_965, %cond3A_966 : i32
      scf.if %cond3A_967 {
        %dma_wait3A_1143 = arith.constant 6 : i32
        %dma_wait3A_1144 = arith.constant 1 : i32
        %dma_wait3A_1145 = arith.constant 0 : i32
        %dma_wait3A_1146 = tpu.memref_slice %arg7[%dma_wait3A_1143, %dma_wait3A_1144, %dma_wait3A_1145] : memref<16x2x128xi32, #tpu.memory_space<vmem>> -> memref<1x1x128xi32, #tpu.memory_space<vmem>>
        %dma_wait3A_1147 = tpu.memref_squeeze %dma_wait3A_1146 : memref<1x1x128xi32, #tpu.memory_space<vmem>> -> memref<128xi32, #tpu.memory_space<vmem>>
        %dma_wait3A_1148 = arith.constant 0 : i32
        %dma_wait3A_1149 = arith.constant 0 : i32
        %dma_wait3A_1150 = tpu.memref_slice %arg16[%dma_wait3A_1148, %dma_wait3A_1149] : memref<10112x8xf32, #tpu.memory_space<vmem_shared>> -> memref<10112x8xf32, #tpu.memory_space<vmem_shared>>
        tpu.wait_indirect_dma semaphore(%arg20 : memref<!tpu.dma_semaphore, #tpu.memory_space<semaphore_mem>>) src(%arg14 : memref<128x8xf32, #tpu.memory_space<vmem>>) dst(%dma_wait3A_1150 : memref<10112x8xf32, #tpu.memory_space<vmem_shared>>)
      } else {
      }
      %add3A_968 = arith.constant 3 : i32
      %add3A_969 = arith.addi %add3A_946, %add3A_968 : i32
      %lt3A_970 = arith.constant 160 : i32
      %lt3A_971 = arith.cmpi slt, %add3A_969, %lt3A_970 : i32
      %convert_element_type3A_972 = arith.extui %lt3A_971 : i1 to i32
      %cond3A_973 = arith.constant 0 : i32
      %cond3A_974 = arith.cmpi ne, %convert_element_type3A_972, %cond3A_973 : i32
      scf.if %cond3A_974 {
        %dma_start3A_1143 = arith.constant 13 : i32
        %dma_start3A_1144 = arith.constant 0 : i32
        %dma_start3A_1145 = arith.constant 0 : i32
        %dma_start3A_1146 = tpu.memref_slice %arg7[%dma_start3A_1143, %dma_start3A_1144, %dma_start3A_1145] : memref<16x2x128xi32, #tpu.memory_space<vmem>> -> memref<1x1x128xi32, #tpu.memory_space<vmem>>
        %dma_start3A_1147 = tpu.memref_squeeze %dma_start3A_1146 : memref<1x1x128xi32, #tpu.memory_space<vmem>> -> memref<128xi32, #tpu.memory_space<vmem>>
        %dma_start3A_1148 = arith.constant 0 : i32
        %dma_start3A_1149 = arith.constant 0 : i32
        %dma_start3A_1150 = tpu.memref_slice %arg17[%dma_start3A_1148, %dma_start3A_1149] : memref<10000x8xf32, #tpu.memory_space<vmem_shared>> -> memref<10000x8xf32, #tpu.memory_space<vmem_shared>>
        tpu.enqueue_indirect_dma source(%dma_start3A_1150 : memref<10000x8xf32, #tpu.memory_space<vmem_shared>>) target(%arg13 : memref<128x8xf32, #tpu.memory_space<vmem>>) offsets(%dma_start3A_1147 : memref<128xi32, #tpu.memory_space<vmem>>) semaphore(%arg19 : memref<!tpu.dma_semaphore, #tpu.memory_space<semaphore_mem>>)
      } else {
      }
      %mul3A_975 = arith.constant 16 : i32
      %mul3A_976 = arith.muli %add3A_615, %mul3A_975 : i32
      %add3A_977 = arith.constant 11 : i32
      %add3A_978 = arith.addi %mul3A_976, %add3A_977 : i32
      %dma_wait3A_979 = arith.constant 11 : i32
      %dma_wait3A_980 = arith.constant 0 : i32
      %dma_wait3A_981 = arith.constant 0 : i32
      %dma_wait3A_982 = tpu.memref_slice %arg7[%dma_wait3A_979, %dma_wait3A_980, %dma_wait3A_981] : memref<16x2x128xi32, #tpu.memory_space<vmem>> -> memref<1x1x128xi32, #tpu.memory_space<vmem>>
      %dma_wait3A_983 = tpu.memref_squeeze %dma_wait3A_982 : memref<1x1x128xi32, #tpu.memory_space<vmem>> -> memref<128xi32, #tpu.memory_space<vmem>>
      %dma_wait3A_984 = arith.constant 0 : i32
      %dma_wait3A_985 = arith.constant 0 : i32
      %dma_wait3A_986 = tpu.memref_slice %arg17[%dma_wait3A_984, %dma_wait3A_985] : memref<10000x8xf32, #tpu.memory_space<vmem_shared>> -> memref<10000x8xf32, #tpu.memory_space<vmem_shared>>
      tpu.wait_indirect_dma semaphore(%arg19 : memref<!tpu.dma_semaphore, #tpu.memory_space<semaphore_mem>>) src(%dma_wait3A_986 : memref<10000x8xf32, #tpu.memory_space<vmem_shared>>) dst(%arg11 : memref<128x8xf32, #tpu.memory_space<vmem>>)
      %dma_start3A_987 = arith.constant 11 : i32
      %dma_start3A_988 = arith.constant 1 : i32
      %dma_start3A_989 = arith.constant 0 : i32
      %dma_start3A_990 = tpu.memref_slice %arg7[%dma_start3A_987, %dma_start3A_988, %dma_start3A_989] : memref<16x2x128xi32, #tpu.memory_space<vmem>> -> memref<1x1x128xi32, #tpu.memory_space<vmem>>
      %dma_start3A_991 = tpu.memref_squeeze %dma_start3A_990 : memref<1x1x128xi32, #tpu.memory_space<vmem>> -> memref<128xi32, #tpu.memory_space<vmem>>
      %dma_start3A_992 = arith.constant 0 : i32
      %dma_start3A_993 = arith.constant 0 : i32
      %dma_start3A_994 = tpu.memref_slice %arg16[%dma_start3A_992, %dma_start3A_993] : memref<10112x8xf32, #tpu.memory_space<vmem_shared>> -> memref<10112x8xf32, #tpu.memory_space<vmem_shared>>
      tpu.enqueue_indirect_dma source(%arg11 : memref<128x8xf32, #tpu.memory_space<vmem>>) target(%dma_start3A_994 : memref<10112x8xf32, #tpu.memory_space<vmem_shared>>) offsets(%dma_start3A_991 : memref<128xi32, #tpu.memory_space<vmem>>) semaphore(%arg20 : memref<!tpu.dma_semaphore, #tpu.memory_space<semaphore_mem>>) {add = true}
      %ge3A_995 = arith.constant 4 : i32
      %ge3A_996 = arith.cmpi sge, %add3A_978, %ge3A_995 : i32
      %convert_element_type3A_997 = arith.extui %ge3A_996 : i1 to i32
      %cond3A_998 = arith.constant 0 : i32
      %cond3A_999 = arith.cmpi ne, %convert_element_type3A_997, %cond3A_998 : i32
      scf.if %cond3A_999 {
        %dma_wait3A_1143 = arith.constant 7 : i32
        %dma_wait3A_1144 = arith.constant 1 : i32
        %dma_wait3A_1145 = arith.constant 0 : i32
        %dma_wait3A_1146 = tpu.memref_slice %arg7[%dma_wait3A_1143, %dma_wait3A_1144, %dma_wait3A_1145] : memref<16x2x128xi32, #tpu.memory_space<vmem>> -> memref<1x1x128xi32, #tpu.memory_space<vmem>>
        %dma_wait3A_1147 = tpu.memref_squeeze %dma_wait3A_1146 : memref<1x1x128xi32, #tpu.memory_space<vmem>> -> memref<128xi32, #tpu.memory_space<vmem>>
        %dma_wait3A_1148 = arith.constant 0 : i32
        %dma_wait3A_1149 = arith.constant 0 : i32
        %dma_wait3A_1150 = tpu.memref_slice %arg16[%dma_wait3A_1148, %dma_wait3A_1149] : memref<10112x8xf32, #tpu.memory_space<vmem_shared>> -> memref<10112x8xf32, #tpu.memory_space<vmem_shared>>
        tpu.wait_indirect_dma semaphore(%arg20 : memref<!tpu.dma_semaphore, #tpu.memory_space<semaphore_mem>>) src(%arg15 : memref<128x8xf32, #tpu.memory_space<vmem>>) dst(%dma_wait3A_1150 : memref<10112x8xf32, #tpu.memory_space<vmem_shared>>)
      } else {
      }
      %add3A_1000 = arith.constant 3 : i32
      %add3A_1001 = arith.addi %add3A_978, %add3A_1000 : i32
      %lt3A_1002 = arith.constant 160 : i32
      %lt3A_1003 = arith.cmpi slt, %add3A_1001, %lt3A_1002 : i32
      %convert_element_type3A_1004 = arith.extui %lt3A_1003 : i1 to i32
      %cond3A_1005 = arith.constant 0 : i32
      %cond3A_1006 = arith.cmpi ne, %convert_element_type3A_1004, %cond3A_1005 : i32
      scf.if %cond3A_1006 {
        %dma_start3A_1143 = arith.constant 14 : i32
        %dma_start3A_1144 = arith.constant 0 : i32
        %dma_start3A_1145 = arith.constant 0 : i32
        %dma_start3A_1146 = tpu.memref_slice %arg7[%dma_start3A_1143, %dma_start3A_1144, %dma_start3A_1145] : memref<16x2x128xi32, #tpu.memory_space<vmem>> -> memref<1x1x128xi32, #tpu.memory_space<vmem>>
        %dma_start3A_1147 = tpu.memref_squeeze %dma_start3A_1146 : memref<1x1x128xi32, #tpu.memory_space<vmem>> -> memref<128xi32, #tpu.memory_space<vmem>>
        %dma_start3A_1148 = arith.constant 0 : i32
        %dma_start3A_1149 = arith.constant 0 : i32
        %dma_start3A_1150 = tpu.memref_slice %arg17[%dma_start3A_1148, %dma_start3A_1149] : memref<10000x8xf32, #tpu.memory_space<vmem_shared>> -> memref<10000x8xf32, #tpu.memory_space<vmem_shared>>
        tpu.enqueue_indirect_dma source(%dma_start3A_1150 : memref<10000x8xf32, #tpu.memory_space<vmem_shared>>) target(%arg14 : memref<128x8xf32, #tpu.memory_space<vmem>>) offsets(%dma_start3A_1147 : memref<128xi32, #tpu.memory_space<vmem>>) semaphore(%arg19 : memref<!tpu.dma_semaphore, #tpu.memory_space<semaphore_mem>>)
      } else {
      }
      %mul3A_1007 = arith.constant 16 : i32
      %mul3A_1008 = arith.muli %add3A_615, %mul3A_1007 : i32
      %add3A_1009 = arith.constant 12 : i32
      %add3A_1010 = arith.addi %mul3A_1008, %add3A_1009 : i32
      %dma_wait3A_1011 = arith.constant 12 : i32
      %dma_wait3A_1012 = arith.constant 0 : i32
      %dma_wait3A_1013 = arith.constant 0 : i32
      %dma_wait3A_1014 = tpu.memref_slice %arg7[%dma_wait3A_1011, %dma_wait3A_1012, %dma_wait3A_1013] : memref<16x2x128xi32, #tpu.memory_space<vmem>> -> memref<1x1x128xi32, #tpu.memory_space<vmem>>
      %dma_wait3A_1015 = tpu.memref_squeeze %dma_wait3A_1014 : memref<1x1x128xi32, #tpu.memory_space<vmem>> -> memref<128xi32, #tpu.memory_space<vmem>>
      %dma_wait3A_1016 = arith.constant 0 : i32
      %dma_wait3A_1017 = arith.constant 0 : i32
      %dma_wait3A_1018 = tpu.memref_slice %arg17[%dma_wait3A_1016, %dma_wait3A_1017] : memref<10000x8xf32, #tpu.memory_space<vmem_shared>> -> memref<10000x8xf32, #tpu.memory_space<vmem_shared>>
      tpu.wait_indirect_dma semaphore(%arg19 : memref<!tpu.dma_semaphore, #tpu.memory_space<semaphore_mem>>) src(%dma_wait3A_1018 : memref<10000x8xf32, #tpu.memory_space<vmem_shared>>) dst(%arg12 : memref<128x8xf32, #tpu.memory_space<vmem>>)
      %dma_start3A_1019 = arith.constant 12 : i32
      %dma_start3A_1020 = arith.constant 1 : i32
      %dma_start3A_1021 = arith.constant 0 : i32
      %dma_start3A_1022 = tpu.memref_slice %arg7[%dma_start3A_1019, %dma_start3A_1020, %dma_start3A_1021] : memref<16x2x128xi32, #tpu.memory_space<vmem>> -> memref<1x1x128xi32, #tpu.memory_space<vmem>>
      %dma_start3A_1023 = tpu.memref_squeeze %dma_start3A_1022 : memref<1x1x128xi32, #tpu.memory_space<vmem>> -> memref<128xi32, #tpu.memory_space<vmem>>
      %dma_start3A_1024 = arith.constant 0 : i32
      %dma_start3A_1025 = arith.constant 0 : i32
      %dma_start3A_1026 = tpu.memref_slice %arg16[%dma_start3A_1024, %dma_start3A_1025] : memref<10112x8xf32, #tpu.memory_space<vmem_shared>> -> memref<10112x8xf32, #tpu.memory_space<vmem_shared>>
      tpu.enqueue_indirect_dma source(%arg12 : memref<128x8xf32, #tpu.memory_space<vmem>>) target(%dma_start3A_1026 : memref<10112x8xf32, #tpu.memory_space<vmem_shared>>) offsets(%dma_start3A_1023 : memref<128xi32, #tpu.memory_space<vmem>>) semaphore(%arg20 : memref<!tpu.dma_semaphore, #tpu.memory_space<semaphore_mem>>) {add = true}
      %ge3A_1027 = arith.constant 4 : i32
      %ge3A_1028 = arith.cmpi sge, %add3A_1010, %ge3A_1027 : i32
      %convert_element_type3A_1029 = arith.extui %ge3A_1028 : i1 to i32
      %cond3A_1030 = arith.constant 0 : i32
      %cond3A_1031 = arith.cmpi ne, %convert_element_type3A_1029, %cond3A_1030 : i32
      scf.if %cond3A_1031 {
        %dma_wait3A_1143 = arith.constant 8 : i32
        %dma_wait3A_1144 = arith.constant 1 : i32
        %dma_wait3A_1145 = arith.constant 0 : i32
        %dma_wait3A_1146 = tpu.memref_slice %arg7[%dma_wait3A_1143, %dma_wait3A_1144, %dma_wait3A_1145] : memref<16x2x128xi32, #tpu.memory_space<vmem>> -> memref<1x1x128xi32, #tpu.memory_space<vmem>>
        %dma_wait3A_1147 = tpu.memref_squeeze %dma_wait3A_1146 : memref<1x1x128xi32, #tpu.memory_space<vmem>> -> memref<128xi32, #tpu.memory_space<vmem>>
        %dma_wait3A_1148 = arith.constant 0 : i32
        %dma_wait3A_1149 = arith.constant 0 : i32
        %dma_wait3A_1150 = tpu.memref_slice %arg16[%dma_wait3A_1148, %dma_wait3A_1149] : memref<10112x8xf32, #tpu.memory_space<vmem_shared>> -> memref<10112x8xf32, #tpu.memory_space<vmem_shared>>
        tpu.wait_indirect_dma semaphore(%arg20 : memref<!tpu.dma_semaphore, #tpu.memory_space<semaphore_mem>>) src(%arg8 : memref<128x8xf32, #tpu.memory_space<vmem>>) dst(%dma_wait3A_1150 : memref<10112x8xf32, #tpu.memory_space<vmem_shared>>)
      } else {
      }
      %add3A_1032 = arith.constant 3 : i32
      %add3A_1033 = arith.addi %add3A_1010, %add3A_1032 : i32
      %lt3A_1034 = arith.constant 160 : i32
      %lt3A_1035 = arith.cmpi slt, %add3A_1033, %lt3A_1034 : i32
      %convert_element_type3A_1036 = arith.extui %lt3A_1035 : i1 to i32
      %cond3A_1037 = arith.constant 0 : i32
      %cond3A_1038 = arith.cmpi ne, %convert_element_type3A_1036, %cond3A_1037 : i32
      scf.if %cond3A_1038 {
        %dma_start3A_1143 = arith.constant 15 : i32
        %dma_start3A_1144 = arith.constant 0 : i32
        %dma_start3A_1145 = arith.constant 0 : i32
        %dma_start3A_1146 = tpu.memref_slice %arg7[%dma_start3A_1143, %dma_start3A_1144, %dma_start3A_1145] : memref<16x2x128xi32, #tpu.memory_space<vmem>> -> memref<1x1x128xi32, #tpu.memory_space<vmem>>
        %dma_start3A_1147 = tpu.memref_squeeze %dma_start3A_1146 : memref<1x1x128xi32, #tpu.memory_space<vmem>> -> memref<128xi32, #tpu.memory_space<vmem>>
        %dma_start3A_1148 = arith.constant 0 : i32
        %dma_start3A_1149 = arith.constant 0 : i32
        %dma_start3A_1150 = tpu.memref_slice %arg17[%dma_start3A_1148, %dma_start3A_1149] : memref<10000x8xf32, #tpu.memory_space<vmem_shared>> -> memref<10000x8xf32, #tpu.memory_space<vmem_shared>>
        tpu.enqueue_indirect_dma source(%dma_start3A_1150 : memref<10000x8xf32, #tpu.memory_space<vmem_shared>>) target(%arg15 : memref<128x8xf32, #tpu.memory_space<vmem>>) offsets(%dma_start3A_1147 : memref<128xi32, #tpu.memory_space<vmem>>) semaphore(%arg19 : memref<!tpu.dma_semaphore, #tpu.memory_space<semaphore_mem>>)
      } else {
      }
      %mul3A_1039 = arith.constant 16 : i32
      %mul3A_1040 = arith.muli %add3A_615, %mul3A_1039 : i32
      %add3A_1041 = arith.constant 13 : i32
      %add3A_1042 = arith.addi %mul3A_1040, %add3A_1041 : i32
      %dma_wait3A_1043 = arith.constant 13 : i32
      %dma_wait3A_1044 = arith.constant 0 : i32
      %dma_wait3A_1045 = arith.constant 0 : i32
      %dma_wait3A_1046 = tpu.memref_slice %arg7[%dma_wait3A_1043, %dma_wait3A_1044, %dma_wait3A_1045] : memref<16x2x128xi32, #tpu.memory_space<vmem>> -> memref<1x1x128xi32, #tpu.memory_space<vmem>>
      %dma_wait3A_1047 = tpu.memref_squeeze %dma_wait3A_1046 : memref<1x1x128xi32, #tpu.memory_space<vmem>> -> memref<128xi32, #tpu.memory_space<vmem>>
      %dma_wait3A_1048 = arith.constant 0 : i32
      %dma_wait3A_1049 = arith.constant 0 : i32
      %dma_wait3A_1050 = tpu.memref_slice %arg17[%dma_wait3A_1048, %dma_wait3A_1049] : memref<10000x8xf32, #tpu.memory_space<vmem_shared>> -> memref<10000x8xf32, #tpu.memory_space<vmem_shared>>
      tpu.wait_indirect_dma semaphore(%arg19 : memref<!tpu.dma_semaphore, #tpu.memory_space<semaphore_mem>>) src(%dma_wait3A_1050 : memref<10000x8xf32, #tpu.memory_space<vmem_shared>>) dst(%arg13 : memref<128x8xf32, #tpu.memory_space<vmem>>)
      %dma_start3A_1051 = arith.constant 13 : i32
      %dma_start3A_1052 = arith.constant 1 : i32
      %dma_start3A_1053 = arith.constant 0 : i32
      %dma_start3A_1054 = tpu.memref_slice %arg7[%dma_start3A_1051, %dma_start3A_1052, %dma_start3A_1053] : memref<16x2x128xi32, #tpu.memory_space<vmem>> -> memref<1x1x128xi32, #tpu.memory_space<vmem>>
      %dma_start3A_1055 = tpu.memref_squeeze %dma_start3A_1054 : memref<1x1x128xi32, #tpu.memory_space<vmem>> -> memref<128xi32, #tpu.memory_space<vmem>>
      %dma_start3A_1056 = arith.constant 0 : i32
      %dma_start3A_1057 = arith.constant 0 : i32
      %dma_start3A_1058 = tpu.memref_slice %arg16[%dma_start3A_1056, %dma_start3A_1057] : memref<10112x8xf32, #tpu.memory_space<vmem_shared>> -> memref<10112x8xf32, #tpu.memory_space<vmem_shared>>
      tpu.enqueue_indirect_dma source(%arg13 : memref<128x8xf32, #tpu.memory_space<vmem>>) target(%dma_start3A_1058 : memref<10112x8xf32, #tpu.memory_space<vmem_shared>>) offsets(%dma_start3A_1055 : memref<128xi32, #tpu.memory_space<vmem>>) semaphore(%arg20 : memref<!tpu.dma_semaphore, #tpu.memory_space<semaphore_mem>>) {add = true}
      %ge3A_1059 = arith.constant 4 : i32
      %ge3A_1060 = arith.cmpi sge, %add3A_1042, %ge3A_1059 : i32
      %convert_element_type3A_1061 = arith.extui %ge3A_1060 : i1 to i32
      %cond3A_1062 = arith.constant 0 : i32
      %cond3A_1063 = arith.cmpi ne, %convert_element_type3A_1061, %cond3A_1062 : i32
      scf.if %cond3A_1063 {
        %dma_wait3A_1143 = arith.constant 9 : i32
        %dma_wait3A_1144 = arith.constant 1 : i32
        %dma_wait3A_1145 = arith.constant 0 : i32
        %dma_wait3A_1146 = tpu.memref_slice %arg7[%dma_wait3A_1143, %dma_wait3A_1144, %dma_wait3A_1145] : memref<16x2x128xi32, #tpu.memory_space<vmem>> -> memref<1x1x128xi32, #tpu.memory_space<vmem>>
        %dma_wait3A_1147 = tpu.memref_squeeze %dma_wait3A_1146 : memref<1x1x128xi32, #tpu.memory_space<vmem>> -> memref<128xi32, #tpu.memory_space<vmem>>
        %dma_wait3A_1148 = arith.constant 0 : i32
        %dma_wait3A_1149 = arith.constant 0 : i32
        %dma_wait3A_1150 = tpu.memref_slice %arg16[%dma_wait3A_1148, %dma_wait3A_1149] : memref<10112x8xf32, #tpu.memory_space<vmem_shared>> -> memref<10112x8xf32, #tpu.memory_space<vmem_shared>>
        tpu.wait_indirect_dma semaphore(%arg20 : memref<!tpu.dma_semaphore, #tpu.memory_space<semaphore_mem>>) src(%arg9 : memref<128x8xf32, #tpu.memory_space<vmem>>) dst(%dma_wait3A_1150 : memref<10112x8xf32, #tpu.memory_space<vmem_shared>>)
      } else {
      }
      %add3A_1064 = arith.constant 1 : i32
      %add3A_1065 = arith.addi %add3A_615, %add3A_1064 : i32
      %lt3A_1066 = arith.constant 10 : i32
      %lt3A_1067 = arith.cmpi slt, %add3A_1065, %lt3A_1066 : i32
      %convert_element_type3A_1068 = arith.extui %lt3A_1067 : i1 to i32
      %cond3A_1069 = arith.constant 0 : i32
      %cond3A_1070 = arith.cmpi ne, %convert_element_type3A_1068, %cond3A_1069 : i32
      scf.if %cond3A_1070 {
        %add3A_1143 = arith.constant 1 : i32
        %add3A_1144 = arith.addi %add3A_615, %add3A_1143 : i32
        %mul3A_1145 = arith.constant 16 : i32
        %mul3A_1146 = arith.muli %add3A_1144, %mul3A_1145 : i32
        %add3A_1147 = arith.addi %mul3A_2, %mul3A_1146 : i32
        %dma_wait3A_1148 = arith.constant 0 : i32
        %dma_wait3A_1149 = arith.constant 0 : i32
        %dma_wait3A_1150 = tpu.memref_slice %arg3[%add3A_1147, %dma_wait3A_1148, %dma_wait3A_1149] : memref<5120x2x128xi32, #tpu.memory_space<hbm>> -> memref<16x2x128xi32, #tpu.memory_space<hbm>>
        %dma_wait3A_1151 = arith.constant 0 : i32
        %dma_wait3A_1152 = arith.constant 0 : i32
        %dma_wait3A_1153 = tpu.memref_slice %arg3[%add3A_1147, %dma_wait3A_1151, %dma_wait3A_1152] : memref<5120x2x128xi32, #tpu.memory_space<hbm>> -> memref<16x2x128xi32, #tpu.memory_space<hbm>>
        tpu.wait_dma2 semaphore(%arg18 : memref<!tpu.dma_semaphore, #tpu.memory_space<semaphore_mem>>) src(%dma_wait3A_1153 : memref<16x2x128xi32, #tpu.memory_space<hbm>>) dst(%arg6 : memref<16x2x128xi32, #tpu.memory_space<vmem>>)
      } else {
      }
      %add3A_1071 = arith.constant 3 : i32
      %add3A_1072 = arith.addi %add3A_1042, %add3A_1071 : i32
      %lt3A_1073 = arith.constant 160 : i32
      %lt3A_1074 = arith.cmpi slt, %add3A_1072, %lt3A_1073 : i32
      %convert_element_type3A_1075 = arith.extui %lt3A_1074 : i1 to i32
      %cond3A_1076 = arith.constant 0 : i32
      %cond3A_1077 = arith.cmpi ne, %convert_element_type3A_1075, %cond3A_1076 : i32
      scf.if %cond3A_1077 {
        %dma_start3A_1143 = arith.constant 0 : i32
        %dma_start3A_1144 = arith.constant 0 : i32
        %dma_start3A_1145 = arith.constant 0 : i32
        %dma_start3A_1146 = tpu.memref_slice %arg6[%dma_start3A_1143, %dma_start3A_1144, %dma_start3A_1145] : memref<16x2x128xi32, #tpu.memory_space<vmem>> -> memref<1x1x128xi32, #tpu.memory_space<vmem>>
        %dma_start3A_1147 = tpu.memref_squeeze %dma_start3A_1146 : memref<1x1x128xi32, #tpu.memory_space<vmem>> -> memref<128xi32, #tpu.memory_space<vmem>>
        %dma_start3A_1148 = arith.constant 0 : i32
        %dma_start3A_1149 = arith.constant 0 : i32
        %dma_start3A_1150 = tpu.memref_slice %arg17[%dma_start3A_1148, %dma_start3A_1149] : memref<10000x8xf32, #tpu.memory_space<vmem_shared>> -> memref<10000x8xf32, #tpu.memory_space<vmem_shared>>
        tpu.enqueue_indirect_dma source(%dma_start3A_1150 : memref<10000x8xf32, #tpu.memory_space<vmem_shared>>) target(%arg8 : memref<128x8xf32, #tpu.memory_space<vmem>>) offsets(%dma_start3A_1147 : memref<128xi32, #tpu.memory_space<vmem>>) semaphore(%arg19 : memref<!tpu.dma_semaphore, #tpu.memory_space<semaphore_mem>>)
      } else {
      }
      %mul3A_1078 = arith.constant 16 : i32
      %mul3A_1079 = arith.muli %add3A_615, %mul3A_1078 : i32
      %add3A_1080 = arith.constant 14 : i32
      %add3A_1081 = arith.addi %mul3A_1079, %add3A_1080 : i32
      %dma_wait3A_1082 = arith.constant 14 : i32
      %dma_wait3A_1083 = arith.constant 0 : i32
      %dma_wait3A_1084 = arith.constant 0 : i32
      %dma_wait3A_1085 = tpu.memref_slice %arg7[%dma_wait3A_1082, %dma_wait3A_1083, %dma_wait3A_1084] : memref<16x2x128xi32, #tpu.memory_space<vmem>> -> memref<1x1x128xi32, #tpu.memory_space<vmem>>
      %dma_wait3A_1086 = tpu.memref_squeeze %dma_wait3A_1085 : memref<1x1x128xi32, #tpu.memory_space<vmem>> -> memref<128xi32, #tpu.memory_space<vmem>>
      %dma_wait3A_1087 = arith.constant 0 : i32
      %dma_wait3A_1088 = arith.constant 0 : i32
      %dma_wait3A_1089 = tpu.memref_slice %arg17[%dma_wait3A_1087, %dma_wait3A_1088] : memref<10000x8xf32, #tpu.memory_space<vmem_shared>> -> memref<10000x8xf32, #tpu.memory_space<vmem_shared>>
      tpu.wait_indirect_dma semaphore(%arg19 : memref<!tpu.dma_semaphore, #tpu.memory_space<semaphore_mem>>) src(%dma_wait3A_1089 : memref<10000x8xf32, #tpu.memory_space<vmem_shared>>) dst(%arg14 : memref<128x8xf32, #tpu.memory_space<vmem>>)
      %dma_start3A_1090 = arith.constant 14 : i32
      %dma_start3A_1091 = arith.constant 1 : i32
      %dma_start3A_1092 = arith.constant 0 : i32
      %dma_start3A_1093 = tpu.memref_slice %arg7[%dma_start3A_1090, %dma_start3A_1091, %dma_start3A_1092] : memref<16x2x128xi32, #tpu.memory_space<vmem>> -> memref<1x1x128xi32, #tpu.memory_space<vmem>>
      %dma_start3A_1094 = tpu.memref_squeeze %dma_start3A_1093 : memref<1x1x128xi32, #tpu.memory_space<vmem>> -> memref<128xi32, #tpu.memory_space<vmem>>
      %dma_start3A_1095 = arith.constant 0 : i32
      %dma_start3A_1096 = arith.constant 0 : i32
      %dma_start3A_1097 = tpu.memref_slice %arg16[%dma_start3A_1095, %dma_start3A_1096] : memref<10112x8xf32, #tpu.memory_space<vmem_shared>> -> memref<10112x8xf32, #tpu.memory_space<vmem_shared>>
      tpu.enqueue_indirect_dma source(%arg14 : memref<128x8xf32, #tpu.memory_space<vmem>>) target(%dma_start3A_1097 : memref<10112x8xf32, #tpu.memory_space<vmem_shared>>) offsets(%dma_start3A_1094 : memref<128xi32, #tpu.memory_space<vmem>>) semaphore(%arg20 : memref<!tpu.dma_semaphore, #tpu.memory_space<semaphore_mem>>) {add = true}
      %ge3A_1098 = arith.constant 4 : i32
      %ge3A_1099 = arith.cmpi sge, %add3A_1081, %ge3A_1098 : i32
      %convert_element_type3A_1100 = arith.extui %ge3A_1099 : i1 to i32
      %cond3A_1101 = arith.constant 0 : i32
      %cond3A_1102 = arith.cmpi ne, %convert_element_type3A_1100, %cond3A_1101 : i32
      scf.if %cond3A_1102 {
        %dma_wait3A_1143 = arith.constant 10 : i32
        %dma_wait3A_1144 = arith.constant 1 : i32
        %dma_wait3A_1145 = arith.constant 0 : i32
        %dma_wait3A_1146 = tpu.memref_slice %arg7[%dma_wait3A_1143, %dma_wait3A_1144, %dma_wait3A_1145] : memref<16x2x128xi32, #tpu.memory_space<vmem>> -> memref<1x1x128xi32, #tpu.memory_space<vmem>>
        %dma_wait3A_1147 = tpu.memref_squeeze %dma_wait3A_1146 : memref<1x1x128xi32, #tpu.memory_space<vmem>> -> memref<128xi32, #tpu.memory_space<vmem>>
        %dma_wait3A_1148 = arith.constant 0 : i32
        %dma_wait3A_1149 = arith.constant 0 : i32
        %dma_wait3A_1150 = tpu.memref_slice %arg16[%dma_wait3A_1148, %dma_wait3A_1149] : memref<10112x8xf32, #tpu.memory_space<vmem_shared>> -> memref<10112x8xf32, #tpu.memory_space<vmem_shared>>
        tpu.wait_indirect_dma semaphore(%arg20 : memref<!tpu.dma_semaphore, #tpu.memory_space<semaphore_mem>>) src(%arg10 : memref<128x8xf32, #tpu.memory_space<vmem>>) dst(%dma_wait3A_1150 : memref<10112x8xf32, #tpu.memory_space<vmem_shared>>)
      } else {
      }
      %add3A_1103 = arith.constant 3 : i32
      %add3A_1104 = arith.addi %add3A_1081, %add3A_1103 : i32
      %lt3A_1105 = arith.constant 160 : i32
      %lt3A_1106 = arith.cmpi slt, %add3A_1104, %lt3A_1105 : i32
      %convert_element_type3A_1107 = arith.extui %lt3A_1106 : i1 to i32
      %cond3A_1108 = arith.constant 0 : i32
      %cond3A_1109 = arith.cmpi ne, %convert_element_type3A_1107, %cond3A_1108 : i32
      scf.if %cond3A_1109 {
        %dma_start3A_1143 = arith.constant 1 : i32
        %dma_start3A_1144 = arith.constant 0 : i32
        %dma_start3A_1145 = arith.constant 0 : i32
        %dma_start3A_1146 = tpu.memref_slice %arg6[%dma_start3A_1143, %dma_start3A_1144, %dma_start3A_1145] : memref<16x2x128xi32, #tpu.memory_space<vmem>> -> memref<1x1x128xi32, #tpu.memory_space<vmem>>
        %dma_start3A_1147 = tpu.memref_squeeze %dma_start3A_1146 : memref<1x1x128xi32, #tpu.memory_space<vmem>> -> memref<128xi32, #tpu.memory_space<vmem>>
        %dma_start3A_1148 = arith.constant 0 : i32
        %dma_start3A_1149 = arith.constant 0 : i32
        %dma_start3A_1150 = tpu.memref_slice %arg17[%dma_start3A_1148, %dma_start3A_1149] : memref<10000x8xf32, #tpu.memory_space<vmem_shared>> -> memref<10000x8xf32, #tpu.memory_space<vmem_shared>>
        tpu.enqueue_indirect_dma source(%dma_start3A_1150 : memref<10000x8xf32, #tpu.memory_space<vmem_shared>>) target(%arg9 : memref<128x8xf32, #tpu.memory_space<vmem>>) offsets(%dma_start3A_1147 : memref<128xi32, #tpu.memory_space<vmem>>) semaphore(%arg19 : memref<!tpu.dma_semaphore, #tpu.memory_space<semaphore_mem>>)
      } else {
      }
      %mul3A_1110 = arith.constant 16 : i32
      %mul3A_1111 = arith.muli %add3A_615, %mul3A_1110 : i32
      %add3A_1112 = arith.constant 15 : i32
      %add3A_1113 = arith.addi %mul3A_1111, %add3A_1112 : i32
      %dma_wait3A_1114 = arith.constant 15 : i32
      %dma_wait3A_1115 = arith.constant 0 : i32
      %dma_wait3A_1116 = arith.constant 0 : i32
      %dma_wait3A_1117 = tpu.memref_slice %arg7[%dma_wait3A_1114, %dma_wait3A_1115, %dma_wait3A_1116] : memref<16x2x128xi32, #tpu.memory_space<vmem>> -> memref<1x1x128xi32, #tpu.memory_space<vmem>>
      %dma_wait3A_1118 = tpu.memref_squeeze %dma_wait3A_1117 : memref<1x1x128xi32, #tpu.memory_space<vmem>> -> memref<128xi32, #tpu.memory_space<vmem>>
      %dma_wait3A_1119 = arith.constant 0 : i32
      %dma_wait3A_1120 = arith.constant 0 : i32
      %dma_wait3A_1121 = tpu.memref_slice %arg17[%dma_wait3A_1119, %dma_wait3A_1120] : memref<10000x8xf32, #tpu.memory_space<vmem_shared>> -> memref<10000x8xf32, #tpu.memory_space<vmem_shared>>
      tpu.wait_indirect_dma semaphore(%arg19 : memref<!tpu.dma_semaphore, #tpu.memory_space<semaphore_mem>>) src(%dma_wait3A_1121 : memref<10000x8xf32, #tpu.memory_space<vmem_shared>>) dst(%arg15 : memref<128x8xf32, #tpu.memory_space<vmem>>)
      %dma_start3A_1122 = arith.constant 15 : i32
      %dma_start3A_1123 = arith.constant 1 : i32
      %dma_start3A_1124 = arith.constant 0 : i32
      %dma_start3A_1125 = tpu.memref_slice %arg7[%dma_start3A_1122, %dma_start3A_1123, %dma_start3A_1124] : memref<16x2x128xi32, #tpu.memory_space<vmem>> -> memref<1x1x128xi32, #tpu.memory_space<vmem>>
      %dma_start3A_1126 = tpu.memref_squeeze %dma_start3A_1125 : memref<1x1x128xi32, #tpu.memory_space<vmem>> -> memref<128xi32, #tpu.memory_space<vmem>>
      %dma_start3A_1127 = arith.constant 0 : i32
      %dma_start3A_1128 = arith.constant 0 : i32
      %dma_start3A_1129 = tpu.memref_slice %arg16[%dma_start3A_1127, %dma_start3A_1128] : memref<10112x8xf32, #tpu.memory_space<vmem_shared>> -> memref<10112x8xf32, #tpu.memory_space<vmem_shared>>
      tpu.enqueue_indirect_dma source(%arg15 : memref<128x8xf32, #tpu.memory_space<vmem>>) target(%dma_start3A_1129 : memref<10112x8xf32, #tpu.memory_space<vmem_shared>>) offsets(%dma_start3A_1126 : memref<128xi32, #tpu.memory_space<vmem>>) semaphore(%arg20 : memref<!tpu.dma_semaphore, #tpu.memory_space<semaphore_mem>>) {add = true}
      %ge3A_1130 = arith.constant 4 : i32
      %ge3A_1131 = arith.cmpi sge, %add3A_1113, %ge3A_1130 : i32
      %convert_element_type3A_1132 = arith.extui %ge3A_1131 : i1 to i32
      %cond3A_1133 = arith.constant 0 : i32
      %cond3A_1134 = arith.cmpi ne, %convert_element_type3A_1132, %cond3A_1133 : i32
      scf.if %cond3A_1134 {
        %dma_wait3A_1143 = arith.constant 11 : i32
        %dma_wait3A_1144 = arith.constant 1 : i32
        %dma_wait3A_1145 = arith.constant 0 : i32
        %dma_wait3A_1146 = tpu.memref_slice %arg7[%dma_wait3A_1143, %dma_wait3A_1144, %dma_wait3A_1145] : memref<16x2x128xi32, #tpu.memory_space<vmem>> -> memref<1x1x128xi32, #tpu.memory_space<vmem>>
        %dma_wait3A_1147 = tpu.memref_squeeze %dma_wait3A_1146 : memref<1x1x128xi32, #tpu.memory_space<vmem>> -> memref<128xi32, #tpu.memory_space<vmem>>
        %dma_wait3A_1148 = arith.constant 0 : i32
        %dma_wait3A_1149 = arith.constant 0 : i32
        %dma_wait3A_1150 = tpu.memref_slice %arg16[%dma_wait3A_1148, %dma_wait3A_1149] : memref<10112x8xf32, #tpu.memory_space<vmem_shared>> -> memref<10112x8xf32, #tpu.memory_space<vmem_shared>>
        tpu.wait_indirect_dma semaphore(%arg20 : memref<!tpu.dma_semaphore, #tpu.memory_space<semaphore_mem>>) src(%arg11 : memref<128x8xf32, #tpu.memory_space<vmem>>) dst(%dma_wait3A_1150 : memref<10112x8xf32, #tpu.memory_space<vmem_shared>>)
      } else {
      }
      %add3A_1135 = arith.constant 3 : i32
      %add3A_1136 = arith.addi %add3A_1113, %add3A_1135 : i32
      %lt3A_1137 = arith.constant 160 : i32
      %lt3A_1138 = arith.cmpi slt, %add3A_1136, %lt3A_1137 : i32
      %convert_element_type3A_1139 = arith.extui %lt3A_1138 : i1 to i32
      %cond3A_1140 = arith.constant 0 : i32
      %cond3A_1141 = arith.cmpi ne, %convert_element_type3A_1139, %cond3A_1140 : i32
      scf.if %cond3A_1141 {
        %dma_start3A_1143 = arith.constant 2 : i32
        %dma_start3A_1144 = arith.constant 0 : i32
        %dma_start3A_1145 = arith.constant 0 : i32
        %dma_start3A_1146 = tpu.memref_slice %arg6[%dma_start3A_1143, %dma_start3A_1144, %dma_start3A_1145] : memref<16x2x128xi32, #tpu.memory_space<vmem>> -> memref<1x1x128xi32, #tpu.memory_space<vmem>>
        %dma_start3A_1147 = tpu.memref_squeeze %dma_start3A_1146 : memref<1x1x128xi32, #tpu.memory_space<vmem>> -> memref<128xi32, #tpu.memory_space<vmem>>
        %dma_start3A_1148 = arith.constant 0 : i32
        %dma_start3A_1149 = arith.constant 0 : i32
        %dma_start3A_1150 = tpu.memref_slice %arg17[%dma_start3A_1148, %dma_start3A_1149] : memref<10000x8xf32, #tpu.memory_space<vmem_shared>> -> memref<10000x8xf32, #tpu.memory_space<vmem_shared>>
        tpu.enqueue_indirect_dma source(%dma_start3A_1150 : memref<10000x8xf32, #tpu.memory_space<vmem_shared>>) target(%arg10 : memref<128x8xf32, #tpu.memory_space<vmem>>) offsets(%dma_start3A_1147 : memref<128xi32, #tpu.memory_space<vmem>>) semaphore(%arg19 : memref<!tpu.dma_semaphore, #tpu.memory_space<semaphore_mem>>)
      } else {
      }
      %scan3A_1142 = arith.constant 0 : i32
      scf.yield %scan3A_1142 : i32
    }
    %scan3A_50 = arith.constant 5 : i32
    %dma_wait3A_51 = arith.constant 12 : i32
    %dma_wait3A_52 = arith.constant 1 : i32
    %dma_wait3A_53 = arith.constant 0 : i32
    %dma_wait3A_54 = tpu.memref_slice %arg7[%dma_wait3A_51, %dma_wait3A_52, %dma_wait3A_53] : memref<16x2x128xi32, #tpu.memory_space<vmem>> -> memref<1x1x128xi32, #tpu.memory_space<vmem>>
    %dma_wait3A_55 = tpu.memref_squeeze %dma_wait3A_54 : memref<1x1x128xi32, #tpu.memory_space<vmem>> -> memref<128xi32, #tpu.memory_space<vmem>>
    %dma_wait3A_56 = arith.constant 0 : i32
    %dma_wait3A_57 = arith.constant 0 : i32
    %dma_wait3A_58 = tpu.memref_slice %arg16[%dma_wait3A_56, %dma_wait3A_57] : memref<10112x8xf32, #tpu.memory_space<vmem_shared>> -> memref<10112x8xf32, #tpu.memory_space<vmem_shared>>
    tpu.wait_indirect_dma semaphore(%arg20 : memref<!tpu.dma_semaphore, #tpu.memory_space<semaphore_mem>>) src(%arg12 : memref<128x8xf32, #tpu.memory_space<vmem>>) dst(%dma_wait3A_58 : memref<10112x8xf32, #tpu.memory_space<vmem_shared>>)
    %dma_wait3A_59 = arith.constant 13 : i32
    %dma_wait3A_60 = arith.constant 1 : i32
    %dma_wait3A_61 = arith.constant 0 : i32
    %dma_wait3A_62 = tpu.memref_slice %arg7[%dma_wait3A_59, %dma_wait3A_60, %dma_wait3A_61] : memref<16x2x128xi32, #tpu.memory_space<vmem>> -> memref<1x1x128xi32, #tpu.memory_space<vmem>>
    %dma_wait3A_63 = tpu.memref_squeeze %dma_wait3A_62 : memref<1x1x128xi32, #tpu.memory_space<vmem>> -> memref<128xi32, #tpu.memory_space<vmem>>
    %dma_wait3A_64 = arith.constant 0 : i32
    %dma_wait3A_65 = arith.constant 0 : i32
    %dma_wait3A_66 = tpu.memref_slice %arg16[%dma_wait3A_64, %dma_wait3A_65] : memref<10112x8xf32, #tpu.memory_space<vmem_shared>> -> memref<10112x8xf32, #tpu.memory_space<vmem_shared>>
    tpu.wait_indirect_dma semaphore(%arg20 : memref<!tpu.dma_semaphore, #tpu.memory_space<semaphore_mem>>) src(%arg13 : memref<128x8xf32, #tpu.memory_space<vmem>>) dst(%dma_wait3A_66 : memref<10112x8xf32, #tpu.memory_space<vmem_shared>>)
    %dma_wait3A_67 = arith.constant 14 : i32
    %dma_wait3A_68 = arith.constant 1 : i32
    %dma_wait3A_69 = arith.constant 0 : i32
    %dma_wait3A_70 = tpu.memref_slice %arg7[%dma_wait3A_67, %dma_wait3A_68, %dma_wait3A_69] : memref<16x2x128xi32, #tpu.memory_space<vmem>> -> memref<1x1x128xi32, #tpu.memory_space<vmem>>
    %dma_wait3A_71 = tpu.memref_squeeze %dma_wait3A_70 : memref<1x1x128xi32, #tpu.memory_space<vmem>> -> memref<128xi32, #tpu.memory_space<vmem>>
    %dma_wait3A_72 = arith.constant 0 : i32
    %dma_wait3A_73 = arith.constant 0 : i32
    %dma_wait3A_74 = tpu.memref_slice %arg16[%dma_wait3A_72, %dma_wait3A_73] : memref<10112x8xf32, #tpu.memory_space<vmem_shared>> -> memref<10112x8xf32, #tpu.memory_space<vmem_shared>>
    tpu.wait_indirect_dma semaphore(%arg20 : memref<!tpu.dma_semaphore, #tpu.memory_space<semaphore_mem>>) src(%arg14 : memref<128x8xf32, #tpu.memory_space<vmem>>) dst(%dma_wait3A_74 : memref<10112x8xf32, #tpu.memory_space<vmem_shared>>)
    %dma_wait3A_75 = arith.constant 15 : i32
    %dma_wait3A_76 = arith.constant 1 : i32
    %dma_wait3A_77 = arith.constant 0 : i32
    %dma_wait3A_78 = tpu.memref_slice %arg7[%dma_wait3A_75, %dma_wait3A_76, %dma_wait3A_77] : memref<16x2x128xi32, #tpu.memory_space<vmem>> -> memref<1x1x128xi32, #tpu.memory_space<vmem>>
    %dma_wait3A_79 = tpu.memref_squeeze %dma_wait3A_78 : memref<1x1x128xi32, #tpu.memory_space<vmem>> -> memref<128xi32, #tpu.memory_space<vmem>>
    %dma_wait3A_80 = arith.constant 0 : i32
    %dma_wait3A_81 = arith.constant 0 : i32
    %dma_wait3A_82 = tpu.memref_slice %arg16[%dma_wait3A_80, %dma_wait3A_81] : memref<10112x8xf32, #tpu.memory_space<vmem_shared>> -> memref<10112x8xf32, #tpu.memory_space<vmem_shared>>
    tpu.wait_indirect_dma semaphore(%arg20 : memref<!tpu.dma_semaphore, #tpu.memory_space<semaphore_mem>>) src(%arg15 : memref<128x8xf32, #tpu.memory_space<vmem>>) dst(%dma_wait3A_82 : memref<10112x8xf32, #tpu.memory_space<vmem_shared>>)
    %barrier3A_83 = arith.constant 0 : index
    tpu.barrier barrier_id(%barrier3A_83)
    "tpu.region"() ({
      %run_scoped3A = tpu.sem_alloc : memref<!tpu.dma_semaphore, #tpu.memory_space<semaphore_mem>>
      %dma_start3A_84 = arith.constant 0 : i32
      %dma_start3A_85 = tpu.memref_slice %arg5[%arg0, %multiple_of3A, %dma_start3A_84] : memref<2x10112x8xf32, #tpu.memory_space<hbm>> -> memref<1x632x8xf32, #tpu.memory_space<hbm>>
      %dma_start3A_86 = tpu.memref_squeeze %dma_start3A_85 : memref<1x632x8xf32, #tpu.memory_space<hbm>> -> memref<632x8xf32, #tpu.memory_space<hbm>>
      %dma_start3A_87 = arith.constant 0 : i32
      %dma_start3A_88 = tpu.memref_slice %arg16[%multiple_of3A, %dma_start3A_87] : memref<10112x8xf32, #tpu.memory_space<vmem_shared>> -> memref<632x8xf32, #tpu.memory_space<vmem_shared>>
      tpu.enqueue_dma source(%dma_start3A_88 : memref<632x8xf32, #tpu.memory_space<vmem_shared>>) target(%dma_start3A_86 : memref<632x8xf32, #tpu.memory_space<hbm>>) target_semaphore(%run_scoped3A : memref<!tpu.dma_semaphore, #tpu.memory_space<semaphore_mem>>)
      %dma_wait3A_89 = arith.constant 0 : i32
      %dma_wait3A_90 = tpu.memref_slice %arg5[%arg0, %multiple_of3A, %dma_wait3A_89] : memref<2x10112x8xf32, #tpu.memory_space<hbm>> -> memref<1x632x8xf32, #tpu.memory_space<hbm>>
      %dma_wait3A_91 = tpu.memref_squeeze %dma_wait3A_90 : memref<1x632x8xf32, #tpu.memory_space<hbm>> -> memref<632x8xf32, #tpu.memory_space<hbm>>
      %dma_wait3A_92 = arith.constant 0 : i32
      %dma_wait3A_93 = tpu.memref_slice %arg16[%multiple_of3A, %dma_wait3A_92] : memref<10112x8xf32, #tpu.memory_space<vmem_shared>> -> memref<632x8xf32, #tpu.memory_space<vmem_shared>>
      tpu.wait_dma2 semaphore(%run_scoped3A : memref<!tpu.dma_semaphore, #tpu.memory_space<semaphore_mem>>) src(%dma_wait3A_93 : memref<632x8xf32, #tpu.memory_space<vmem_shared>>) dst(%dma_wait3A_91 : memref<632x8xf32, #tpu.memory_space<hbm>>)
      tpu.yield
    }) : () -> ()
    return
  }
}

#map = affine_map<(d0, d1) -> (0, 0, 0)>
#map1 = affine_map<(d0, d1) -> (0, 0)>
module attributes {stable_mosaic.version = 14 : i64} {
  func.func @k(%arg0: i32, %arg1: i32, %arg2: memref<2x10000x64xf32, #tpu.memory_space<hbm>>, %arg3: memref<5120x2x128xi32, #tpu.memory_space<hbm>>, %arg4: memref<10112x64xf32, #tpu.memory_space<hbm>>, %arg5: memref<2x10112x64xf32, #tpu.memory_space<hbm>>, %arg6: memref<10x2x128xi32, #tpu.memory_space<vmem>>, %arg7: memref<10x2x128xi32, #tpu.memory_space<vmem>>, %arg8: memref<128x64xf32, #tpu.memory_space<vmem>>, %arg9: memref<128x64xf32, #tpu.memory_space<vmem>>, %arg10: memref<128x64xf32, #tpu.memory_space<vmem>>, %arg11: memref<128x64xf32, #tpu.memory_space<vmem>>, %arg12: memref<128x64xf32, #tpu.memory_space<vmem>>, %arg13: memref<10112x64xf32, #tpu.memory_space<vmem_shared>>, %arg14: memref<10000x64xf32, #tpu.memory_space<vmem_shared>>, %arg15: memref<!tpu.dma_semaphore, #tpu.memory_space<semaphore_mem>>, %arg16: memref<!tpu.dma_semaphore, #tpu.memory_space<semaphore_mem>>, %arg17: memref<!tpu.dma_semaphore, #tpu.memory_space<semaphore_mem>>) attributes {dimension_semantics = [#tpu.dimension_semantics<core_parallel>, #tpu.dimension_semantics<subcore_parallel>], iteration_bounds = array<i64: 2, 16>, scalar_prefetch = 0 : i64, scratch_operands = 12 : i64, tpu.core_type = #tpu.core_type<sc_vector_subcore>, window_params = [{transform_indices = #map}, {transform_indices = #map}, {transform_indices = #map1}, {transform_indices = #map}]} {
    %mul3A = arith.constant 2 : i32
    %mul3A_0 = arith.muli %arg1, %mul3A : i32
    %add3A = arith.addi %mul3A_0, %arg0 : i32
    %mul3A_1 = arith.constant 320 : i32
    %mul3A_2 = arith.muli %arg1, %mul3A_1 : i32
    %mul3A_3 = arith.constant 632 : i32
    %mul3A_4 = arith.muli %arg1, %mul3A_3 : i32
    %multiple_of3A = tpu.assume_multiple %mul3A_4, 8 : i32
    %mul3A_5 = arith.constant 625 : i32
    %mul3A_6 = arith.muli %arg1, %mul3A_5 : i32
    "tpu.region"() ({
      %run_scoped3A = tpu.sem_alloc : memref<!tpu.dma_semaphore, #tpu.memory_space<semaphore_mem>>
      %dma_start3A_68 = arith.constant 0 : i32
      %dma_start3A_69 = tpu.memref_slice %arg13[%multiple_of3A, %dma_start3A_68] : memref<10112x64xf32, #tpu.memory_space<vmem_shared>> -> memref<632x64xf32, #tpu.memory_space<vmem_shared>>
      %dma_start3A_70 = arith.constant 0 : i32
      %dma_start3A_71 = tpu.memref_slice %arg4[%multiple_of3A, %dma_start3A_70] : memref<10112x64xf32, #tpu.memory_space<hbm>> -> memref<632x64xf32, #tpu.memory_space<hbm>>
      tpu.enqueue_dma source(%dma_start3A_71 : memref<632x64xf32, #tpu.memory_space<hbm>>) target(%dma_start3A_69 : memref<632x64xf32, #tpu.memory_space<vmem_shared>>) target_semaphore(%run_scoped3A : memref<!tpu.dma_semaphore, #tpu.memory_space<semaphore_mem>>)
      %dma_wait3A_72 = arith.constant 0 : i32
      %dma_wait3A_73 = tpu.memref_slice %arg13[%multiple_of3A, %dma_wait3A_72] : memref<10112x64xf32, #tpu.memory_space<vmem_shared>> -> memref<632x64xf32, #tpu.memory_space<vmem_shared>>
      %dma_wait3A_74 = arith.constant 0 : i32
      %dma_wait3A_75 = tpu.memref_slice %arg4[%multiple_of3A, %dma_wait3A_74] : memref<10112x64xf32, #tpu.memory_space<hbm>> -> memref<632x64xf32, #tpu.memory_space<hbm>>
      tpu.wait_dma2 semaphore(%run_scoped3A : memref<!tpu.dma_semaphore, #tpu.memory_space<semaphore_mem>>) src(%dma_wait3A_75 : memref<632x64xf32, #tpu.memory_space<hbm>>) dst(%dma_wait3A_73 : memref<632x64xf32, #tpu.memory_space<vmem_shared>>)
      tpu.yield
    }) : () -> ()
    "tpu.region"() ({
      %run_scoped3A = tpu.sem_alloc : memref<!tpu.dma_semaphore, #tpu.memory_space<semaphore_mem>>
      %dma_start3A_68 = arith.constant 0 : i32
      %dma_start3A_69 = tpu.memref_slice %arg14[%mul3A_6, %dma_start3A_68] : memref<10000x64xf32, #tpu.memory_space<vmem_shared>> -> memref<625x64xf32, #tpu.memory_space<vmem_shared>>
      %dma_start3A_70 = arith.constant 0 : i32
      %dma_start3A_71 = tpu.memref_slice %arg2[%arg0, %mul3A_6, %dma_start3A_70] : memref<2x10000x64xf32, #tpu.memory_space<hbm>> -> memref<1x625x64xf32, #tpu.memory_space<hbm>>
      %dma_start3A_72 = tpu.memref_squeeze %dma_start3A_71 : memref<1x625x64xf32, #tpu.memory_space<hbm>> -> memref<625x64xf32, #tpu.memory_space<hbm>>
      tpu.enqueue_dma source(%dma_start3A_72 : memref<625x64xf32, #tpu.memory_space<hbm>>) target(%dma_start3A_69 : memref<625x64xf32, #tpu.memory_space<vmem_shared>>) target_semaphore(%run_scoped3A : memref<!tpu.dma_semaphore, #tpu.memory_space<semaphore_mem>>)
      %dma_wait3A_73 = arith.constant 0 : i32
      %dma_wait3A_74 = tpu.memref_slice %arg14[%mul3A_6, %dma_wait3A_73] : memref<10000x64xf32, #tpu.memory_space<vmem_shared>> -> memref<625x64xf32, #tpu.memory_space<vmem_shared>>
      %dma_wait3A_75 = arith.constant 0 : i32
      %dma_wait3A_76 = tpu.memref_slice %arg2[%arg0, %mul3A_6, %dma_wait3A_75] : memref<2x10000x64xf32, #tpu.memory_space<hbm>> -> memref<1x625x64xf32, #tpu.memory_space<hbm>>
      %dma_wait3A_77 = tpu.memref_squeeze %dma_wait3A_76 : memref<1x625x64xf32, #tpu.memory_space<hbm>> -> memref<625x64xf32, #tpu.memory_space<hbm>>
      tpu.wait_dma2 semaphore(%run_scoped3A : memref<!tpu.dma_semaphore, #tpu.memory_space<semaphore_mem>>) src(%dma_wait3A_77 : memref<625x64xf32, #tpu.memory_space<hbm>>) dst(%dma_wait3A_74 : memref<625x64xf32, #tpu.memory_space<vmem_shared>>)
      tpu.yield
    }) : () -> ()
    %barrier3A = arith.constant 0 : index
    tpu.barrier barrier_id(%barrier3A)
    %add3A_7 = arith.constant 0 : i32
    %add3A_8 = arith.addi %mul3A_2, %add3A_7 : i32
    %dma_start3A = arith.constant 0 : i32
    %dma_start3A_9 = arith.constant 0 : i32
    %dma_start3A_10 = tpu.memref_slice %arg3[%add3A_8, %dma_start3A, %dma_start3A_9] : memref<5120x2x128xi32, #tpu.memory_space<hbm>> -> memref<10x2x128xi32, #tpu.memory_space<hbm>>
    %dma_start3A_11 = arith.constant 0 : i32
    %dma_start3A_12 = arith.constant 0 : i32
    %dma_start3A_13 = tpu.memref_slice %arg3[%add3A_8, %dma_start3A_11, %dma_start3A_12] : memref<5120x2x128xi32, #tpu.memory_space<hbm>> -> memref<10x2x128xi32, #tpu.memory_space<hbm>>
    tpu.enqueue_dma source(%dma_start3A_13 : memref<10x2x128xi32, #tpu.memory_space<hbm>>) target(%arg6 : memref<10x2x128xi32, #tpu.memory_space<vmem>>) target_semaphore(%arg15 : memref<!tpu.dma_semaphore, #tpu.memory_space<semaphore_mem>>)
    %add3A_14 = arith.constant 0 : i32
    %add3A_15 = arith.addi %mul3A_2, %add3A_14 : i32
    %dma_wait3A = arith.constant 0 : i32
    %dma_wait3A_16 = arith.constant 0 : i32
    %dma_wait3A_17 = tpu.memref_slice %arg3[%add3A_15, %dma_wait3A, %dma_wait3A_16] : memref<5120x2x128xi32, #tpu.memory_space<hbm>> -> memref<10x2x128xi32, #tpu.memory_space<hbm>>
    %dma_wait3A_18 = arith.constant 0 : i32
    %dma_wait3A_19 = arith.constant 0 : i32
    %dma_wait3A_20 = tpu.memref_slice %arg3[%add3A_15, %dma_wait3A_18, %dma_wait3A_19] : memref<5120x2x128xi32, #tpu.memory_space<hbm>> -> memref<10x2x128xi32, #tpu.memory_space<hbm>>
    tpu.wait_dma2 semaphore(%arg15 : memref<!tpu.dma_semaphore, #tpu.memory_space<semaphore_mem>>) src(%dma_wait3A_20 : memref<10x2x128xi32, #tpu.memory_space<hbm>>) dst(%arg6 : memref<10x2x128xi32, #tpu.memory_space<vmem>>)
    %dma_start3A_21 = arith.constant 0 : i32
    %dma_start3A_22 = arith.constant 0 : i32
    %dma_start3A_23 = arith.constant 0 : i32
    %dma_start3A_24 = tpu.memref_slice %arg6[%dma_start3A_21, %dma_start3A_22, %dma_start3A_23] : memref<10x2x128xi32, #tpu.memory_space<vmem>> -> memref<1x1x128xi32, #tpu.memory_space<vmem>>
    %dma_start3A_25 = tpu.memref_squeeze %dma_start3A_24 : memref<1x1x128xi32, #tpu.memory_space<vmem>> -> memref<128xi32, #tpu.memory_space<vmem>>
    %dma_start3A_26 = arith.constant 0 : i32
    %dma_start3A_27 = arith.constant 0 : i32
    %dma_start3A_28 = tpu.memref_slice %arg14[%dma_start3A_26, %dma_start3A_27] : memref<10000x64xf32, #tpu.memory_space<vmem_shared>> -> memref<10000x64xf32, #tpu.memory_space<vmem_shared>>
    tpu.enqueue_indirect_dma source(%dma_start3A_28 : memref<10000x64xf32, #tpu.memory_space<vmem_shared>>) target(%arg8 : memref<128x64xf32, #tpu.memory_space<vmem>>) offsets(%dma_start3A_25 : memref<128xi32, #tpu.memory_space<vmem>>) semaphore(%arg16 : memref<!tpu.dma_semaphore, #tpu.memory_space<semaphore_mem>>)
    %dma_start3A_29 = arith.constant 1 : i32
    %dma_start3A_30 = arith.constant 0 : i32
    %dma_start3A_31 = arith.constant 0 : i32
    %dma_start3A_32 = tpu.memref_slice %arg6[%dma_start3A_29, %dma_start3A_30, %dma_start3A_31] : memref<10x2x128xi32, #tpu.memory_space<vmem>> -> memref<1x1x128xi32, #tpu.memory_space<vmem>>
    %dma_start3A_33 = tpu.memref_squeeze %dma_start3A_32 : memref<1x1x128xi32, #tpu.memory_space<vmem>> -> memref<128xi32, #tpu.memory_space<vmem>>
    %dma_start3A_34 = arith.constant 0 : i32
    %dma_start3A_35 = arith.constant 0 : i32
    %dma_start3A_36 = tpu.memref_slice %arg14[%dma_start3A_34, %dma_start3A_35] : memref<10000x64xf32, #tpu.memory_space<vmem_shared>> -> memref<10000x64xf32, #tpu.memory_space<vmem_shared>>
    tpu.enqueue_indirect_dma source(%dma_start3A_36 : memref<10000x64xf32, #tpu.memory_space<vmem_shared>>) target(%arg9 : memref<128x64xf32, #tpu.memory_space<vmem>>) offsets(%dma_start3A_33 : memref<128xi32, #tpu.memory_space<vmem>>) semaphore(%arg16 : memref<!tpu.dma_semaphore, #tpu.memory_space<semaphore_mem>>)
    %scan3A = arith.constant 0 : i32
    %scan3A_37 = arith.constant 0 : i32
    %scan3A_38 = arith.constant 16 : i32
    %scan3A_39 = arith.addi %scan3A_37, %scan3A_38 : i32
    %scan3A_40 = arith.constant 1 : i32
    %scan3A_41 = scf.for %scan3A_68 = %scan3A_37 to %scan3A_39 step %scan3A_40 iter_args(%scan3A_69 = %scan3A) -> (i32)  : i32 {
      %mul3A_70 = arith.constant 2 : i32
      %mul3A_71 = arith.muli %scan3A_68, %mul3A_70 : i32
      %add3A_72 = arith.constant 0 : i32
      %add3A_73 = arith.addi %mul3A_71, %add3A_72 : i32
      %mul3A_74 = arith.constant 10 : i32
      %mul3A_75 = arith.muli %add3A_73, %mul3A_74 : i32
      %add3A_76 = arith.constant 0 : i32
      %add3A_77 = arith.addi %mul3A_75, %add3A_76 : i32
      %dma_wait3A_78 = arith.constant 0 : i32
      %dma_wait3A_79 = arith.constant 0 : i32
      %dma_wait3A_80 = arith.constant 0 : i32
      %dma_wait3A_81 = tpu.memref_slice %arg6[%dma_wait3A_78, %dma_wait3A_79, %dma_wait3A_80] : memref<10x2x128xi32, #tpu.memory_space<vmem>> -> memref<1x1x128xi32, #tpu.memory_space<vmem>>
      %dma_wait3A_82 = tpu.memref_squeeze %dma_wait3A_81 : memref<1x1x128xi32, #tpu.memory_space<vmem>> -> memref<128xi32, #tpu.memory_space<vmem>>
      %dma_wait3A_83 = arith.constant 0 : i32
      %dma_wait3A_84 = arith.constant 0 : i32
      %dma_wait3A_85 = tpu.memref_slice %arg14[%dma_wait3A_83, %dma_wait3A_84] : memref<10000x64xf32, #tpu.memory_space<vmem_shared>> -> memref<10000x64xf32, #tpu.memory_space<vmem_shared>>
      tpu.wait_indirect_dma semaphore(%arg16 : memref<!tpu.dma_semaphore, #tpu.memory_space<semaphore_mem>>) src(%dma_wait3A_85 : memref<10000x64xf32, #tpu.memory_space<vmem_shared>>) dst(%arg8 : memref<128x64xf32, #tpu.memory_space<vmem>>)
      %dma_start3A_86 = arith.constant 0 : i32
      %dma_start3A_87 = arith.constant 1 : i32
      %dma_start3A_88 = arith.constant 0 : i32
      %dma_start3A_89 = tpu.memref_slice %arg6[%dma_start3A_86, %dma_start3A_87, %dma_start3A_88] : memref<10x2x128xi32, #tpu.memory_space<vmem>> -> memref<1x1x128xi32, #tpu.memory_space<vmem>>
      %dma_start3A_90 = tpu.memref_squeeze %dma_start3A_89 : memref<1x1x128xi32, #tpu.memory_space<vmem>> -> memref<128xi32, #tpu.memory_space<vmem>>
      %dma_start3A_91 = arith.constant 0 : i32
      %dma_start3A_92 = arith.constant 0 : i32
      %dma_start3A_93 = tpu.memref_slice %arg13[%dma_start3A_91, %dma_start3A_92] : memref<10112x64xf32, #tpu.memory_space<vmem_shared>> -> memref<10112x64xf32, #tpu.memory_space<vmem_shared>>
      tpu.enqueue_indirect_dma source(%arg8 : memref<128x64xf32, #tpu.memory_space<vmem>>) target(%dma_start3A_93 : memref<10112x64xf32, #tpu.memory_space<vmem_shared>>) offsets(%dma_start3A_90 : memref<128xi32, #tpu.memory_space<vmem>>) semaphore(%arg17 : memref<!tpu.dma_semaphore, #tpu.memory_space<semaphore_mem>>) {add = true}
      %ge3A = arith.constant 3 : i32
      %ge3A_94 = arith.cmpi sge, %add3A_77, %ge3A : i32
      %convert_element_type3A = arith.extui %ge3A_94 : i1 to i32
      %cond3A = arith.constant 0 : i32
      %cond3A_95 = arith.cmpi ne, %convert_element_type3A, %cond3A : i32
      scf.if %cond3A_95 {
        %dma_wait3A_743 = arith.constant 7 : i32
        %dma_wait3A_744 = arith.constant 1 : i32
        %dma_wait3A_745 = arith.constant 0 : i32
        %dma_wait3A_746 = tpu.memref_slice %arg7[%dma_wait3A_743, %dma_wait3A_744, %dma_wait3A_745] : memref<10x2x128xi32, #tpu.memory_space<vmem>> -> memref<1x1x128xi32, #tpu.memory_space<vmem>>
        %dma_wait3A_747 = tpu.memref_squeeze %dma_wait3A_746 : memref<1x1x128xi32, #tpu.memory_space<vmem>> -> memref<128xi32, #tpu.memory_space<vmem>>
        %dma_wait3A_748 = arith.constant 0 : i32
        %dma_wait3A_749 = arith.constant 0 : i32
        %dma_wait3A_750 = tpu.memref_slice %arg13[%dma_wait3A_748, %dma_wait3A_749] : memref<10112x64xf32, #tpu.memory_space<vmem_shared>> -> memref<10112x64xf32, #tpu.memory_space<vmem_shared>>
        tpu.wait_indirect_dma semaphore(%arg17 : memref<!tpu.dma_semaphore, #tpu.memory_space<semaphore_mem>>) src(%arg10 : memref<128x64xf32, #tpu.memory_space<vmem>>) dst(%dma_wait3A_750 : memref<10112x64xf32, #tpu.memory_space<vmem_shared>>)
      } else {
      }
      %add3A_96 = arith.constant 2 : i32
      %add3A_97 = arith.addi %add3A_77, %add3A_96 : i32
      %lt3A = arith.constant 320 : i32
      %lt3A_98 = arith.cmpi slt, %add3A_97, %lt3A : i32
      %convert_element_type3A_99 = arith.extui %lt3A_98 : i1 to i32
      %cond3A_100 = arith.constant 0 : i32
      %cond3A_101 = arith.cmpi ne, %convert_element_type3A_99, %cond3A_100 : i32
      scf.if %cond3A_101 {
        %dma_start3A_743 = arith.constant 2 : i32
        %dma_start3A_744 = arith.constant 0 : i32
        %dma_start3A_745 = arith.constant 0 : i32
        %dma_start3A_746 = tpu.memref_slice %arg6[%dma_start3A_743, %dma_start3A_744, %dma_start3A_745] : memref<10x2x128xi32, #tpu.memory_space<vmem>> -> memref<1x1x128xi32, #tpu.memory_space<vmem>>
        %dma_start3A_747 = tpu.memref_squeeze %dma_start3A_746 : memref<1x1x128xi32, #tpu.memory_space<vmem>> -> memref<128xi32, #tpu.memory_space<vmem>>
        %dma_start3A_748 = arith.constant 0 : i32
        %dma_start3A_749 = arith.constant 0 : i32
        %dma_start3A_750 = tpu.memref_slice %arg14[%dma_start3A_748, %dma_start3A_749] : memref<10000x64xf32, #tpu.memory_space<vmem_shared>> -> memref<10000x64xf32, #tpu.memory_space<vmem_shared>>
        tpu.enqueue_indirect_dma source(%dma_start3A_750 : memref<10000x64xf32, #tpu.memory_space<vmem_shared>>) target(%arg10 : memref<128x64xf32, #tpu.memory_space<vmem>>) offsets(%dma_start3A_747 : memref<128xi32, #tpu.memory_space<vmem>>) semaphore(%arg16 : memref<!tpu.dma_semaphore, #tpu.memory_space<semaphore_mem>>)
      } else {
      }
      %mul3A_102 = arith.constant 10 : i32
      %mul3A_103 = arith.muli %add3A_73, %mul3A_102 : i32
      %add3A_104 = arith.constant 1 : i32
      %add3A_105 = arith.addi %mul3A_103, %add3A_104 : i32
      %dma_wait3A_106 = arith.constant 1 : i32
      %dma_wait3A_107 = arith.constant 0 : i32
      %dma_wait3A_108 = arith.constant 0 : i32
      %dma_wait3A_109 = tpu.memref_slice %arg6[%dma_wait3A_106, %dma_wait3A_107, %dma_wait3A_108] : memref<10x2x128xi32, #tpu.memory_space<vmem>> -> memref<1x1x128xi32, #tpu.memory_space<vmem>>
      %dma_wait3A_110 = tpu.memref_squeeze %dma_wait3A_109 : memref<1x1x128xi32, #tpu.memory_space<vmem>> -> memref<128xi32, #tpu.memory_space<vmem>>
      %dma_wait3A_111 = arith.constant 0 : i32
      %dma_wait3A_112 = arith.constant 0 : i32
      %dma_wait3A_113 = tpu.memref_slice %arg14[%dma_wait3A_111, %dma_wait3A_112] : memref<10000x64xf32, #tpu.memory_space<vmem_shared>> -> memref<10000x64xf32, #tpu.memory_space<vmem_shared>>
      tpu.wait_indirect_dma semaphore(%arg16 : memref<!tpu.dma_semaphore, #tpu.memory_space<semaphore_mem>>) src(%dma_wait3A_113 : memref<10000x64xf32, #tpu.memory_space<vmem_shared>>) dst(%arg9 : memref<128x64xf32, #tpu.memory_space<vmem>>)
      %dma_start3A_114 = arith.constant 1 : i32
      %dma_start3A_115 = arith.constant 1 : i32
      %dma_start3A_116 = arith.constant 0 : i32
      %dma_start3A_117 = tpu.memref_slice %arg6[%dma_start3A_114, %dma_start3A_115, %dma_start3A_116] : memref<10x2x128xi32, #tpu.memory_space<vmem>> -> memref<1x1x128xi32, #tpu.memory_space<vmem>>
      %dma_start3A_118 = tpu.memref_squeeze %dma_start3A_117 : memref<1x1x128xi32, #tpu.memory_space<vmem>> -> memref<128xi32, #tpu.memory_space<vmem>>
      %dma_start3A_119 = arith.constant 0 : i32
      %dma_start3A_120 = arith.constant 0 : i32
      %dma_start3A_121 = tpu.memref_slice %arg13[%dma_start3A_119, %dma_start3A_120] : memref<10112x64xf32, #tpu.memory_space<vmem_shared>> -> memref<10112x64xf32, #tpu.memory_space<vmem_shared>>
      tpu.enqueue_indirect_dma source(%arg9 : memref<128x64xf32, #tpu.memory_space<vmem>>) target(%dma_start3A_121 : memref<10112x64xf32, #tpu.memory_space<vmem_shared>>) offsets(%dma_start3A_118 : memref<128xi32, #tpu.memory_space<vmem>>) semaphore(%arg17 : memref<!tpu.dma_semaphore, #tpu.memory_space<semaphore_mem>>) {add = true}
      %ge3A_122 = arith.constant 3 : i32
      %ge3A_123 = arith.cmpi sge, %add3A_105, %ge3A_122 : i32
      %convert_element_type3A_124 = arith.extui %ge3A_123 : i1 to i32
      %cond3A_125 = arith.constant 0 : i32
      %cond3A_126 = arith.cmpi ne, %convert_element_type3A_124, %cond3A_125 : i32
      scf.if %cond3A_126 {
        %dma_wait3A_743 = arith.constant 8 : i32
        %dma_wait3A_744 = arith.constant 1 : i32
        %dma_wait3A_745 = arith.constant 0 : i32
        %dma_wait3A_746 = tpu.memref_slice %arg7[%dma_wait3A_743, %dma_wait3A_744, %dma_wait3A_745] : memref<10x2x128xi32, #tpu.memory_space<vmem>> -> memref<1x1x128xi32, #tpu.memory_space<vmem>>
        %dma_wait3A_747 = tpu.memref_squeeze %dma_wait3A_746 : memref<1x1x128xi32, #tpu.memory_space<vmem>> -> memref<128xi32, #tpu.memory_space<vmem>>
        %dma_wait3A_748 = arith.constant 0 : i32
        %dma_wait3A_749 = arith.constant 0 : i32
        %dma_wait3A_750 = tpu.memref_slice %arg13[%dma_wait3A_748, %dma_wait3A_749] : memref<10112x64xf32, #tpu.memory_space<vmem_shared>> -> memref<10112x64xf32, #tpu.memory_space<vmem_shared>>
        tpu.wait_indirect_dma semaphore(%arg17 : memref<!tpu.dma_semaphore, #tpu.memory_space<semaphore_mem>>) src(%arg11 : memref<128x64xf32, #tpu.memory_space<vmem>>) dst(%dma_wait3A_750 : memref<10112x64xf32, #tpu.memory_space<vmem_shared>>)
      } else {
      }
      %add3A_127 = arith.constant 2 : i32
      %add3A_128 = arith.addi %add3A_105, %add3A_127 : i32
      %lt3A_129 = arith.constant 320 : i32
      %lt3A_130 = arith.cmpi slt, %add3A_128, %lt3A_129 : i32
      %convert_element_type3A_131 = arith.extui %lt3A_130 : i1 to i32
      %cond3A_132 = arith.constant 0 : i32
      %cond3A_133 = arith.cmpi ne, %convert_element_type3A_131, %cond3A_132 : i32
      scf.if %cond3A_133 {
        %dma_start3A_743 = arith.constant 3 : i32
        %dma_start3A_744 = arith.constant 0 : i32
        %dma_start3A_745 = arith.constant 0 : i32
        %dma_start3A_746 = tpu.memref_slice %arg6[%dma_start3A_743, %dma_start3A_744, %dma_start3A_745] : memref<10x2x128xi32, #tpu.memory_space<vmem>> -> memref<1x1x128xi32, #tpu.memory_space<vmem>>
        %dma_start3A_747 = tpu.memref_squeeze %dma_start3A_746 : memref<1x1x128xi32, #tpu.memory_space<vmem>> -> memref<128xi32, #tpu.memory_space<vmem>>
        %dma_start3A_748 = arith.constant 0 : i32
        %dma_start3A_749 = arith.constant 0 : i32
        %dma_start3A_750 = tpu.memref_slice %arg14[%dma_start3A_748, %dma_start3A_749] : memref<10000x64xf32, #tpu.memory_space<vmem_shared>> -> memref<10000x64xf32, #tpu.memory_space<vmem_shared>>
        tpu.enqueue_indirect_dma source(%dma_start3A_750 : memref<10000x64xf32, #tpu.memory_space<vmem_shared>>) target(%arg11 : memref<128x64xf32, #tpu.memory_space<vmem>>) offsets(%dma_start3A_747 : memref<128xi32, #tpu.memory_space<vmem>>) semaphore(%arg16 : memref<!tpu.dma_semaphore, #tpu.memory_space<semaphore_mem>>)
      } else {
      }
      %mul3A_134 = arith.constant 10 : i32
      %mul3A_135 = arith.muli %add3A_73, %mul3A_134 : i32
      %add3A_136 = arith.constant 2 : i32
      %add3A_137 = arith.addi %mul3A_135, %add3A_136 : i32
      %dma_wait3A_138 = arith.constant 2 : i32
      %dma_wait3A_139 = arith.constant 0 : i32
      %dma_wait3A_140 = arith.constant 0 : i32
      %dma_wait3A_141 = tpu.memref_slice %arg6[%dma_wait3A_138, %dma_wait3A_139, %dma_wait3A_140] : memref<10x2x128xi32, #tpu.memory_space<vmem>> -> memref<1x1x128xi32, #tpu.memory_space<vmem>>
      %dma_wait3A_142 = tpu.memref_squeeze %dma_wait3A_141 : memref<1x1x128xi32, #tpu.memory_space<vmem>> -> memref<128xi32, #tpu.memory_space<vmem>>
      %dma_wait3A_143 = arith.constant 0 : i32
      %dma_wait3A_144 = arith.constant 0 : i32
      %dma_wait3A_145 = tpu.memref_slice %arg14[%dma_wait3A_143, %dma_wait3A_144] : memref<10000x64xf32, #tpu.memory_space<vmem_shared>> -> memref<10000x64xf32, #tpu.memory_space<vmem_shared>>
      tpu.wait_indirect_dma semaphore(%arg16 : memref<!tpu.dma_semaphore, #tpu.memory_space<semaphore_mem>>) src(%dma_wait3A_145 : memref<10000x64xf32, #tpu.memory_space<vmem_shared>>) dst(%arg10 : memref<128x64xf32, #tpu.memory_space<vmem>>)
      %dma_start3A_146 = arith.constant 2 : i32
      %dma_start3A_147 = arith.constant 1 : i32
      %dma_start3A_148 = arith.constant 0 : i32
      %dma_start3A_149 = tpu.memref_slice %arg6[%dma_start3A_146, %dma_start3A_147, %dma_start3A_148] : memref<10x2x128xi32, #tpu.memory_space<vmem>> -> memref<1x1x128xi32, #tpu.memory_space<vmem>>
      %dma_start3A_150 = tpu.memref_squeeze %dma_start3A_149 : memref<1x1x128xi32, #tpu.memory_space<vmem>> -> memref<128xi32, #tpu.memory_space<vmem>>
      %dma_start3A_151 = arith.constant 0 : i32
      %dma_start3A_152 = arith.constant 0 : i32
      %dma_start3A_153 = tpu.memref_slice %arg13[%dma_start3A_151, %dma_start3A_152] : memref<10112x64xf32, #tpu.memory_space<vmem_shared>> -> memref<10112x64xf32, #tpu.memory_space<vmem_shared>>
      tpu.enqueue_indirect_dma source(%arg10 : memref<128x64xf32, #tpu.memory_space<vmem>>) target(%dma_start3A_153 : memref<10112x64xf32, #tpu.memory_space<vmem_shared>>) offsets(%dma_start3A_150 : memref<128xi32, #tpu.memory_space<vmem>>) semaphore(%arg17 : memref<!tpu.dma_semaphore, #tpu.memory_space<semaphore_mem>>) {add = true}
      %ge3A_154 = arith.constant 3 : i32
      %ge3A_155 = arith.cmpi sge, %add3A_137, %ge3A_154 : i32
      %convert_element_type3A_156 = arith.extui %ge3A_155 : i1 to i32
      %cond3A_157 = arith.constant 0 : i32
      %cond3A_158 = arith.cmpi ne, %convert_element_type3A_156, %cond3A_157 : i32
      scf.if %cond3A_158 {
        %dma_wait3A_743 = arith.constant 9 : i32
        %dma_wait3A_744 = arith.constant 1 : i32
        %dma_wait3A_745 = arith.constant 0 : i32
        %dma_wait3A_746 = tpu.memref_slice %arg7[%dma_wait3A_743, %dma_wait3A_744, %dma_wait3A_745] : memref<10x2x128xi32, #tpu.memory_space<vmem>> -> memref<1x1x128xi32, #tpu.memory_space<vmem>>
        %dma_wait3A_747 = tpu.memref_squeeze %dma_wait3A_746 : memref<1x1x128xi32, #tpu.memory_space<vmem>> -> memref<128xi32, #tpu.memory_space<vmem>>
        %dma_wait3A_748 = arith.constant 0 : i32
        %dma_wait3A_749 = arith.constant 0 : i32
        %dma_wait3A_750 = tpu.memref_slice %arg13[%dma_wait3A_748, %dma_wait3A_749] : memref<10112x64xf32, #tpu.memory_space<vmem_shared>> -> memref<10112x64xf32, #tpu.memory_space<vmem_shared>>
        tpu.wait_indirect_dma semaphore(%arg17 : memref<!tpu.dma_semaphore, #tpu.memory_space<semaphore_mem>>) src(%arg12 : memref<128x64xf32, #tpu.memory_space<vmem>>) dst(%dma_wait3A_750 : memref<10112x64xf32, #tpu.memory_space<vmem_shared>>)
      } else {
      }
      %add3A_159 = arith.constant 2 : i32
      %add3A_160 = arith.addi %add3A_137, %add3A_159 : i32
      %lt3A_161 = arith.constant 320 : i32
      %lt3A_162 = arith.cmpi slt, %add3A_160, %lt3A_161 : i32
      %convert_element_type3A_163 = arith.extui %lt3A_162 : i1 to i32
      %cond3A_164 = arith.constant 0 : i32
      %cond3A_165 = arith.cmpi ne, %convert_element_type3A_163, %cond3A_164 : i32
      scf.if %cond3A_165 {
        %dma_start3A_743 = arith.constant 4 : i32
        %dma_start3A_744 = arith.constant 0 : i32
        %dma_start3A_745 = arith.constant 0 : i32
        %dma_start3A_746 = tpu.memref_slice %arg6[%dma_start3A_743, %dma_start3A_744, %dma_start3A_745] : memref<10x2x128xi32, #tpu.memory_space<vmem>> -> memref<1x1x128xi32, #tpu.memory_space<vmem>>
        %dma_start3A_747 = tpu.memref_squeeze %dma_start3A_746 : memref<1x1x128xi32, #tpu.memory_space<vmem>> -> memref<128xi32, #tpu.memory_space<vmem>>
        %dma_start3A_748 = arith.constant 0 : i32
        %dma_start3A_749 = arith.constant 0 : i32
        %dma_start3A_750 = tpu.memref_slice %arg14[%dma_start3A_748, %dma_start3A_749] : memref<10000x64xf32, #tpu.memory_space<vmem_shared>> -> memref<10000x64xf32, #tpu.memory_space<vmem_shared>>
        tpu.enqueue_indirect_dma source(%dma_start3A_750 : memref<10000x64xf32, #tpu.memory_space<vmem_shared>>) target(%arg12 : memref<128x64xf32, #tpu.memory_space<vmem>>) offsets(%dma_start3A_747 : memref<128xi32, #tpu.memory_space<vmem>>) semaphore(%arg16 : memref<!tpu.dma_semaphore, #tpu.memory_space<semaphore_mem>>)
      } else {
      }
      %mul3A_166 = arith.constant 10 : i32
      %mul3A_167 = arith.muli %add3A_73, %mul3A_166 : i32
      %add3A_168 = arith.constant 3 : i32
      %add3A_169 = arith.addi %mul3A_167, %add3A_168 : i32
      %dma_wait3A_170 = arith.constant 3 : i32
      %dma_wait3A_171 = arith.constant 0 : i32
      %dma_wait3A_172 = arith.constant 0 : i32
      %dma_wait3A_173 = tpu.memref_slice %arg6[%dma_wait3A_170, %dma_wait3A_171, %dma_wait3A_172] : memref<10x2x128xi32, #tpu.memory_space<vmem>> -> memref<1x1x128xi32, #tpu.memory_space<vmem>>
      %dma_wait3A_174 = tpu.memref_squeeze %dma_wait3A_173 : memref<1x1x128xi32, #tpu.memory_space<vmem>> -> memref<128xi32, #tpu.memory_space<vmem>>
      %dma_wait3A_175 = arith.constant 0 : i32
      %dma_wait3A_176 = arith.constant 0 : i32
      %dma_wait3A_177 = tpu.memref_slice %arg14[%dma_wait3A_175, %dma_wait3A_176] : memref<10000x64xf32, #tpu.memory_space<vmem_shared>> -> memref<10000x64xf32, #tpu.memory_space<vmem_shared>>
      tpu.wait_indirect_dma semaphore(%arg16 : memref<!tpu.dma_semaphore, #tpu.memory_space<semaphore_mem>>) src(%dma_wait3A_177 : memref<10000x64xf32, #tpu.memory_space<vmem_shared>>) dst(%arg11 : memref<128x64xf32, #tpu.memory_space<vmem>>)
      %dma_start3A_178 = arith.constant 3 : i32
      %dma_start3A_179 = arith.constant 1 : i32
      %dma_start3A_180 = arith.constant 0 : i32
      %dma_start3A_181 = tpu.memref_slice %arg6[%dma_start3A_178, %dma_start3A_179, %dma_start3A_180] : memref<10x2x128xi32, #tpu.memory_space<vmem>> -> memref<1x1x128xi32, #tpu.memory_space<vmem>>
      %dma_start3A_182 = tpu.memref_squeeze %dma_start3A_181 : memref<1x1x128xi32, #tpu.memory_space<vmem>> -> memref<128xi32, #tpu.memory_space<vmem>>
      %dma_start3A_183 = arith.constant 0 : i32
      %dma_start3A_184 = arith.constant 0 : i32
      %dma_start3A_185 = tpu.memref_slice %arg13[%dma_start3A_183, %dma_start3A_184] : memref<10112x64xf32, #tpu.memory_space<vmem_shared>> -> memref<10112x64xf32, #tpu.memory_space<vmem_shared>>
      tpu.enqueue_indirect_dma source(%arg11 : memref<128x64xf32, #tpu.memory_space<vmem>>) target(%dma_start3A_185 : memref<10112x64xf32, #tpu.memory_space<vmem_shared>>) offsets(%dma_start3A_182 : memref<128xi32, #tpu.memory_space<vmem>>) semaphore(%arg17 : memref<!tpu.dma_semaphore, #tpu.memory_space<semaphore_mem>>) {add = true}
      %ge3A_186 = arith.constant 3 : i32
      %ge3A_187 = arith.cmpi sge, %add3A_169, %ge3A_186 : i32
      %convert_element_type3A_188 = arith.extui %ge3A_187 : i1 to i32
      %cond3A_189 = arith.constant 0 : i32
      %cond3A_190 = arith.cmpi ne, %convert_element_type3A_188, %cond3A_189 : i32
      scf.if %cond3A_190 {
        %dma_wait3A_743 = arith.constant 0 : i32
        %dma_wait3A_744 = arith.constant 1 : i32
        %dma_wait3A_745 = arith.constant 0 : i32
        %dma_wait3A_746 = tpu.memref_slice %arg6[%dma_wait3A_743, %dma_wait3A_744, %dma_wait3A_745] : memref<10x2x128xi32, #tpu.memory_space<vmem>> -> memref<1x1x128xi32, #tpu.memory_space<vmem>>
        %dma_wait3A_747 = tpu.memref_squeeze %dma_wait3A_746 : memref<1x1x128xi32, #tpu.memory_space<vmem>> -> memref<128xi32, #tpu.memory_space<vmem>>
        %dma_wait3A_748 = arith.constant 0 : i32
        %dma_wait3A_749 = arith.constant 0 : i32
        %dma_wait3A_750 = tpu.memref_slice %arg13[%dma_wait3A_748, %dma_wait3A_749] : memref<10112x64xf32, #tpu.memory_space<vmem_shared>> -> memref<10112x64xf32, #tpu.memory_space<vmem_shared>>
        tpu.wait_indirect_dma semaphore(%arg17 : memref<!tpu.dma_semaphore, #tpu.memory_space<semaphore_mem>>) src(%arg8 : memref<128x64xf32, #tpu.memory_space<vmem>>) dst(%dma_wait3A_750 : memref<10112x64xf32, #tpu.memory_space<vmem_shared>>)
      } else {
      }
      %add3A_191 = arith.constant 1 : i32
      %add3A_192 = arith.addi %add3A_73, %add3A_191 : i32
      %lt3A_193 = arith.constant 32 : i32
      %lt3A_194 = arith.cmpi slt, %add3A_192, %lt3A_193 : i32
      %convert_element_type3A_195 = arith.extui %lt3A_194 : i1 to i32
      %cond3A_196 = arith.constant 0 : i32
      %cond3A_197 = arith.cmpi ne, %convert_element_type3A_195, %cond3A_196 : i32
      scf.if %cond3A_197 {
        %add3A_743 = arith.constant 1 : i32
        %add3A_744 = arith.addi %add3A_73, %add3A_743 : i32
        %mul3A_745 = arith.constant 10 : i32
        %mul3A_746 = arith.muli %add3A_744, %mul3A_745 : i32
        %add3A_747 = arith.addi %mul3A_2, %mul3A_746 : i32
        %dma_start3A_748 = arith.constant 0 : i32
        %dma_start3A_749 = arith.constant 0 : i32
        %dma_start3A_750 = tpu.memref_slice %arg3[%add3A_747, %dma_start3A_748, %dma_start3A_749] : memref<5120x2x128xi32, #tpu.memory_space<hbm>> -> memref<10x2x128xi32, #tpu.memory_space<hbm>>
        %dma_start3A_751 = arith.constant 0 : i32
        %dma_start3A_752 = arith.constant 0 : i32
        %dma_start3A_753 = tpu.memref_slice %arg3[%add3A_747, %dma_start3A_751, %dma_start3A_752] : memref<5120x2x128xi32, #tpu.memory_space<hbm>> -> memref<10x2x128xi32, #tpu.memory_space<hbm>>
        tpu.enqueue_dma source(%dma_start3A_753 : memref<10x2x128xi32, #tpu.memory_space<hbm>>) target(%arg7 : memref<10x2x128xi32, #tpu.memory_space<vmem>>) target_semaphore(%arg15 : memref<!tpu.dma_semaphore, #tpu.memory_space<semaphore_mem>>)
      } else {
      }
      %add3A_198 = arith.constant 2 : i32
      %add3A_199 = arith.addi %add3A_169, %add3A_198 : i32
      %lt3A_200 = arith.constant 320 : i32
      %lt3A_201 = arith.cmpi slt, %add3A_199, %lt3A_200 : i32
      %convert_element_type3A_202 = arith.extui %lt3A_201 : i1 to i32
      %cond3A_203 = arith.constant 0 : i32
      %cond3A_204 = arith.cmpi ne, %convert_element_type3A_202, %cond3A_203 : i32
      scf.if %cond3A_204 {
        %dma_start3A_743 = arith.constant 5 : i32
        %dma_start3A_744 = arith.constant 0 : i32
        %dma_start3A_745 = arith.constant 0 : i32
        %dma_start3A_746 = tpu.memref_slice %arg6[%dma_start3A_743, %dma_start3A_744, %dma_start3A_745] : memref<10x2x128xi32, #tpu.memory_space<vmem>> -> memref<1x1x128xi32, #tpu.memory_space<vmem>>
        %dma_start3A_747 = tpu.memref_squeeze %dma_start3A_746 : memref<1x1x128xi32, #tpu.memory_space<vmem>> -> memref<128xi32, #tpu.memory_space<vmem>>
        %dma_start3A_748 = arith.constant 0 : i32
        %dma_start3A_749 = arith.constant 0 : i32
        %dma_start3A_750 = tpu.memref_slice %arg14[%dma_start3A_748, %dma_start3A_749] : memref<10000x64xf32, #tpu.memory_space<vmem_shared>> -> memref<10000x64xf32, #tpu.memory_space<vmem_shared>>
        tpu.enqueue_indirect_dma source(%dma_start3A_750 : memref<10000x64xf32, #tpu.memory_space<vmem_shared>>) target(%arg8 : memref<128x64xf32, #tpu.memory_space<vmem>>) offsets(%dma_start3A_747 : memref<128xi32, #tpu.memory_space<vmem>>) semaphore(%arg16 : memref<!tpu.dma_semaphore, #tpu.memory_space<semaphore_mem>>)
      } else {
      }
      %mul3A_205 = arith.constant 10 : i32
      %mul3A_206 = arith.muli %add3A_73, %mul3A_205 : i32
      %add3A_207 = arith.constant 4 : i32
      %add3A_208 = arith.addi %mul3A_206, %add3A_207 : i32
      %dma_wait3A_209 = arith.constant 4 : i32
      %dma_wait3A_210 = arith.constant 0 : i32
      %dma_wait3A_211 = arith.constant 0 : i32
      %dma_wait3A_212 = tpu.memref_slice %arg6[%dma_wait3A_209, %dma_wait3A_210, %dma_wait3A_211] : memref<10x2x128xi32, #tpu.memory_space<vmem>> -> memref<1x1x128xi32, #tpu.memory_space<vmem>>
      %dma_wait3A_213 = tpu.memref_squeeze %dma_wait3A_212 : memref<1x1x128xi32, #tpu.memory_space<vmem>> -> memref<128xi32, #tpu.memory_space<vmem>>
      %dma_wait3A_214 = arith.constant 0 : i32
      %dma_wait3A_215 = arith.constant 0 : i32
      %dma_wait3A_216 = tpu.memref_slice %arg14[%dma_wait3A_214, %dma_wait3A_215] : memref<10000x64xf32, #tpu.memory_space<vmem_shared>> -> memref<10000x64xf32, #tpu.memory_space<vmem_shared>>
      tpu.wait_indirect_dma semaphore(%arg16 : memref<!tpu.dma_semaphore, #tpu.memory_space<semaphore_mem>>) src(%dma_wait3A_216 : memref<10000x64xf32, #tpu.memory_space<vmem_shared>>) dst(%arg12 : memref<128x64xf32, #tpu.memory_space<vmem>>)
      %dma_start3A_217 = arith.constant 4 : i32
      %dma_start3A_218 = arith.constant 1 : i32
      %dma_start3A_219 = arith.constant 0 : i32
      %dma_start3A_220 = tpu.memref_slice %arg6[%dma_start3A_217, %dma_start3A_218, %dma_start3A_219] : memref<10x2x128xi32, #tpu.memory_space<vmem>> -> memref<1x1x128xi32, #tpu.memory_space<vmem>>
      %dma_start3A_221 = tpu.memref_squeeze %dma_start3A_220 : memref<1x1x128xi32, #tpu.memory_space<vmem>> -> memref<128xi32, #tpu.memory_space<vmem>>
      %dma_start3A_222 = arith.constant 0 : i32
      %dma_start3A_223 = arith.constant 0 : i32
      %dma_start3A_224 = tpu.memref_slice %arg13[%dma_start3A_222, %dma_start3A_223] : memref<10112x64xf32, #tpu.memory_space<vmem_shared>> -> memref<10112x64xf32, #tpu.memory_space<vmem_shared>>
      tpu.enqueue_indirect_dma source(%arg12 : memref<128x64xf32, #tpu.memory_space<vmem>>) target(%dma_start3A_224 : memref<10112x64xf32, #tpu.memory_space<vmem_shared>>) offsets(%dma_start3A_221 : memref<128xi32, #tpu.memory_space<vmem>>) semaphore(%arg17 : memref<!tpu.dma_semaphore, #tpu.memory_space<semaphore_mem>>) {add = true}
      %ge3A_225 = arith.constant 3 : i32
      %ge3A_226 = arith.cmpi sge, %add3A_208, %ge3A_225 : i32
      %convert_element_type3A_227 = arith.extui %ge3A_226 : i1 to i32
      %cond3A_228 = arith.constant 0 : i32
      %cond3A_229 = arith.cmpi ne, %convert_element_type3A_227, %cond3A_228 : i32
      scf.if %cond3A_229 {
        %dma_wait3A_743 = arith.constant 1 : i32
        %dma_wait3A_744 = arith.constant 1 : i32
        %dma_wait3A_745 = arith.constant 0 : i32
        %dma_wait3A_746 = tpu.memref_slice %arg6[%dma_wait3A_743, %dma_wait3A_744, %dma_wait3A_745] : memref<10x2x128xi32, #tpu.memory_space<vmem>> -> memref<1x1x128xi32, #tpu.memory_space<vmem>>
        %dma_wait3A_747 = tpu.memref_squeeze %dma_wait3A_746 : memref<1x1x128xi32, #tpu.memory_space<vmem>> -> memref<128xi32, #tpu.memory_space<vmem>>
        %dma_wait3A_748 = arith.constant 0 : i32
        %dma_wait3A_749 = arith.constant 0 : i32
        %dma_wait3A_750 = tpu.memref_slice %arg13[%dma_wait3A_748, %dma_wait3A_749] : memref<10112x64xf32, #tpu.memory_space<vmem_shared>> -> memref<10112x64xf32, #tpu.memory_space<vmem_shared>>
        tpu.wait_indirect_dma semaphore(%arg17 : memref<!tpu.dma_semaphore, #tpu.memory_space<semaphore_mem>>) src(%arg9 : memref<128x64xf32, #tpu.memory_space<vmem>>) dst(%dma_wait3A_750 : memref<10112x64xf32, #tpu.memory_space<vmem_shared>>)
      } else {
      }
      %add3A_230 = arith.constant 2 : i32
      %add3A_231 = arith.addi %add3A_208, %add3A_230 : i32
      %lt3A_232 = arith.constant 320 : i32
      %lt3A_233 = arith.cmpi slt, %add3A_231, %lt3A_232 : i32
      %convert_element_type3A_234 = arith.extui %lt3A_233 : i1 to i32
      %cond3A_235 = arith.constant 0 : i32
      %cond3A_236 = arith.cmpi ne, %convert_element_type3A_234, %cond3A_235 : i32
      scf.if %cond3A_236 {
        %dma_start3A_743 = arith.constant 6 : i32
        %dma_start3A_744 = arith.constant 0 : i32
        %dma_start3A_745 = arith.constant 0 : i32
        %dma_start3A_746 = tpu.memref_slice %arg6[%dma_start3A_743, %dma_start3A_744, %dma_start3A_745] : memref<10x2x128xi32, #tpu.memory_space<vmem>> -> memref<1x1x128xi32, #tpu.memory_space<vmem>>
        %dma_start3A_747 = tpu.memref_squeeze %dma_start3A_746 : memref<1x1x128xi32, #tpu.memory_space<vmem>> -> memref<128xi32, #tpu.memory_space<vmem>>
        %dma_start3A_748 = arith.constant 0 : i32
        %dma_start3A_749 = arith.constant 0 : i32
        %dma_start3A_750 = tpu.memref_slice %arg14[%dma_start3A_748, %dma_start3A_749] : memref<10000x64xf32, #tpu.memory_space<vmem_shared>> -> memref<10000x64xf32, #tpu.memory_space<vmem_shared>>
        tpu.enqueue_indirect_dma source(%dma_start3A_750 : memref<10000x64xf32, #tpu.memory_space<vmem_shared>>) target(%arg9 : memref<128x64xf32, #tpu.memory_space<vmem>>) offsets(%dma_start3A_747 : memref<128xi32, #tpu.memory_space<vmem>>) semaphore(%arg16 : memref<!tpu.dma_semaphore, #tpu.memory_space<semaphore_mem>>)
      } else {
      }
      %mul3A_237 = arith.constant 10 : i32
      %mul3A_238 = arith.muli %add3A_73, %mul3A_237 : i32
      %add3A_239 = arith.constant 5 : i32
      %add3A_240 = arith.addi %mul3A_238, %add3A_239 : i32
      %dma_wait3A_241 = arith.constant 5 : i32
      %dma_wait3A_242 = arith.constant 0 : i32
      %dma_wait3A_243 = arith.constant 0 : i32
      %dma_wait3A_244 = tpu.memref_slice %arg6[%dma_wait3A_241, %dma_wait3A_242, %dma_wait3A_243] : memref<10x2x128xi32, #tpu.memory_space<vmem>> -> memref<1x1x128xi32, #tpu.memory_space<vmem>>
      %dma_wait3A_245 = tpu.memref_squeeze %dma_wait3A_244 : memref<1x1x128xi32, #tpu.memory_space<vmem>> -> memref<128xi32, #tpu.memory_space<vmem>>
      %dma_wait3A_246 = arith.constant 0 : i32
      %dma_wait3A_247 = arith.constant 0 : i32
      %dma_wait3A_248 = tpu.memref_slice %arg14[%dma_wait3A_246, %dma_wait3A_247] : memref<10000x64xf32, #tpu.memory_space<vmem_shared>> -> memref<10000x64xf32, #tpu.memory_space<vmem_shared>>
      tpu.wait_indirect_dma semaphore(%arg16 : memref<!tpu.dma_semaphore, #tpu.memory_space<semaphore_mem>>) src(%dma_wait3A_248 : memref<10000x64xf32, #tpu.memory_space<vmem_shared>>) dst(%arg8 : memref<128x64xf32, #tpu.memory_space<vmem>>)
      %dma_start3A_249 = arith.constant 5 : i32
      %dma_start3A_250 = arith.constant 1 : i32
      %dma_start3A_251 = arith.constant 0 : i32
      %dma_start3A_252 = tpu.memref_slice %arg6[%dma_start3A_249, %dma_start3A_250, %dma_start3A_251] : memref<10x2x128xi32, #tpu.memory_space<vmem>> -> memref<1x1x128xi32, #tpu.memory_space<vmem>>
      %dma_start3A_253 = tpu.memref_squeeze %dma_start3A_252 : memref<1x1x128xi32, #tpu.memory_space<vmem>> -> memref<128xi32, #tpu.memory_space<vmem>>
      %dma_start3A_254 = arith.constant 0 : i32
      %dma_start3A_255 = arith.constant 0 : i32
      %dma_start3A_256 = tpu.memref_slice %arg13[%dma_start3A_254, %dma_start3A_255] : memref<10112x64xf32, #tpu.memory_space<vmem_shared>> -> memref<10112x64xf32, #tpu.memory_space<vmem_shared>>
      tpu.enqueue_indirect_dma source(%arg8 : memref<128x64xf32, #tpu.memory_space<vmem>>) target(%dma_start3A_256 : memref<10112x64xf32, #tpu.memory_space<vmem_shared>>) offsets(%dma_start3A_253 : memref<128xi32, #tpu.memory_space<vmem>>) semaphore(%arg17 : memref<!tpu.dma_semaphore, #tpu.memory_space<semaphore_mem>>) {add = true}
      %ge3A_257 = arith.constant 3 : i32
      %ge3A_258 = arith.cmpi sge, %add3A_240, %ge3A_257 : i32
      %convert_element_type3A_259 = arith.extui %ge3A_258 : i1 to i32
      %cond3A_260 = arith.constant 0 : i32
      %cond3A_261 = arith.cmpi ne, %convert_element_type3A_259, %cond3A_260 : i32
      scf.if %cond3A_261 {
        %dma_wait3A_743 = arith.constant 2 : i32
        %dma_wait3A_744 = arith.constant 1 : i32
        %dma_wait3A_745 = arith.constant 0 : i32
        %dma_wait3A_746 = tpu.memref_slice %arg6[%dma_wait3A_743, %dma_wait3A_744, %dma_wait3A_745] : memref<10x2x128xi32, #tpu.memory_space<vmem>> -> memref<1x1x128xi32, #tpu.memory_space<vmem>>
        %dma_wait3A_747 = tpu.memref_squeeze %dma_wait3A_746 : memref<1x1x128xi32, #tpu.memory_space<vmem>> -> memref<128xi32, #tpu.memory_space<vmem>>
        %dma_wait3A_748 = arith.constant 0 : i32
        %dma_wait3A_749 = arith.constant 0 : i32
        %dma_wait3A_750 = tpu.memref_slice %arg13[%dma_wait3A_748, %dma_wait3A_749] : memref<10112x64xf32, #tpu.memory_space<vmem_shared>> -> memref<10112x64xf32, #tpu.memory_space<vmem_shared>>
        tpu.wait_indirect_dma semaphore(%arg17 : memref<!tpu.dma_semaphore, #tpu.memory_space<semaphore_mem>>) src(%arg10 : memref<128x64xf32, #tpu.memory_space<vmem>>) dst(%dma_wait3A_750 : memref<10112x64xf32, #tpu.memory_space<vmem_shared>>)
      } else {
      }
      %add3A_262 = arith.constant 2 : i32
      %add3A_263 = arith.addi %add3A_240, %add3A_262 : i32
      %lt3A_264 = arith.constant 320 : i32
      %lt3A_265 = arith.cmpi slt, %add3A_263, %lt3A_264 : i32
      %convert_element_type3A_266 = arith.extui %lt3A_265 : i1 to i32
      %cond3A_267 = arith.constant 0 : i32
      %cond3A_268 = arith.cmpi ne, %convert_element_type3A_266, %cond3A_267 : i32
      scf.if %cond3A_268 {
        %dma_start3A_743 = arith.constant 7 : i32
        %dma_start3A_744 = arith.constant 0 : i32
        %dma_start3A_745 = arith.constant 0 : i32
        %dma_start3A_746 = tpu.memref_slice %arg6[%dma_start3A_743, %dma_start3A_744, %dma_start3A_745] : memref<10x2x128xi32, #tpu.memory_space<vmem>> -> memref<1x1x128xi32, #tpu.memory_space<vmem>>
        %dma_start3A_747 = tpu.memref_squeeze %dma_start3A_746 : memref<1x1x128xi32, #tpu.memory_space<vmem>> -> memref<128xi32, #tpu.memory_space<vmem>>
        %dma_start3A_748 = arith.constant 0 : i32
        %dma_start3A_749 = arith.constant 0 : i32
        %dma_start3A_750 = tpu.memref_slice %arg14[%dma_start3A_748, %dma_start3A_749] : memref<10000x64xf32, #tpu.memory_space<vmem_shared>> -> memref<10000x64xf32, #tpu.memory_space<vmem_shared>>
        tpu.enqueue_indirect_dma source(%dma_start3A_750 : memref<10000x64xf32, #tpu.memory_space<vmem_shared>>) target(%arg10 : memref<128x64xf32, #tpu.memory_space<vmem>>) offsets(%dma_start3A_747 : memref<128xi32, #tpu.memory_space<vmem>>) semaphore(%arg16 : memref<!tpu.dma_semaphore, #tpu.memory_space<semaphore_mem>>)
      } else {
      }
      %mul3A_269 = arith.constant 10 : i32
      %mul3A_270 = arith.muli %add3A_73, %mul3A_269 : i32
      %add3A_271 = arith.constant 6 : i32
      %add3A_272 = arith.addi %mul3A_270, %add3A_271 : i32
      %dma_wait3A_273 = arith.constant 6 : i32
      %dma_wait3A_274 = arith.constant 0 : i32
      %dma_wait3A_275 = arith.constant 0 : i32
      %dma_wait3A_276 = tpu.memref_slice %arg6[%dma_wait3A_273, %dma_wait3A_274, %dma_wait3A_275] : memref<10x2x128xi32, #tpu.memory_space<vmem>> -> memref<1x1x128xi32, #tpu.memory_space<vmem>>
      %dma_wait3A_277 = tpu.memref_squeeze %dma_wait3A_276 : memref<1x1x128xi32, #tpu.memory_space<vmem>> -> memref<128xi32, #tpu.memory_space<vmem>>
      %dma_wait3A_278 = arith.constant 0 : i32
      %dma_wait3A_279 = arith.constant 0 : i32
      %dma_wait3A_280 = tpu.memref_slice %arg14[%dma_wait3A_278, %dma_wait3A_279] : memref<10000x64xf32, #tpu.memory_space<vmem_shared>> -> memref<10000x64xf32, #tpu.memory_space<vmem_shared>>
      tpu.wait_indirect_dma semaphore(%arg16 : memref<!tpu.dma_semaphore, #tpu.memory_space<semaphore_mem>>) src(%dma_wait3A_280 : memref<10000x64xf32, #tpu.memory_space<vmem_shared>>) dst(%arg9 : memref<128x64xf32, #tpu.memory_space<vmem>>)
      %dma_start3A_281 = arith.constant 6 : i32
      %dma_start3A_282 = arith.constant 1 : i32
      %dma_start3A_283 = arith.constant 0 : i32
      %dma_start3A_284 = tpu.memref_slice %arg6[%dma_start3A_281, %dma_start3A_282, %dma_start3A_283] : memref<10x2x128xi32, #tpu.memory_space<vmem>> -> memref<1x1x128xi32, #tpu.memory_space<vmem>>
      %dma_start3A_285 = tpu.memref_squeeze %dma_start3A_284 : memref<1x1x128xi32, #tpu.memory_space<vmem>> -> memref<128xi32, #tpu.memory_space<vmem>>
      %dma_start3A_286 = arith.constant 0 : i32
      %dma_start3A_287 = arith.constant 0 : i32
      %dma_start3A_288 = tpu.memref_slice %arg13[%dma_start3A_286, %dma_start3A_287] : memref<10112x64xf32, #tpu.memory_space<vmem_shared>> -> memref<10112x64xf32, #tpu.memory_space<vmem_shared>>
      tpu.enqueue_indirect_dma source(%arg9 : memref<128x64xf32, #tpu.memory_space<vmem>>) target(%dma_start3A_288 : memref<10112x64xf32, #tpu.memory_space<vmem_shared>>) offsets(%dma_start3A_285 : memref<128xi32, #tpu.memory_space<vmem>>) semaphore(%arg17 : memref<!tpu.dma_semaphore, #tpu.memory_space<semaphore_mem>>) {add = true}
      %ge3A_289 = arith.constant 3 : i32
      %ge3A_290 = arith.cmpi sge, %add3A_272, %ge3A_289 : i32
      %convert_element_type3A_291 = arith.extui %ge3A_290 : i1 to i32
      %cond3A_292 = arith.constant 0 : i32
      %cond3A_293 = arith.cmpi ne, %convert_element_type3A_291, %cond3A_292 : i32
      scf.if %cond3A_293 {
        %dma_wait3A_743 = arith.constant 3 : i32
        %dma_wait3A_744 = arith.constant 1 : i32
        %dma_wait3A_745 = arith.constant 0 : i32
        %dma_wait3A_746 = tpu.memref_slice %arg6[%dma_wait3A_743, %dma_wait3A_744, %dma_wait3A_745] : memref<10x2x128xi32, #tpu.memory_space<vmem>> -> memref<1x1x128xi32, #tpu.memory_space<vmem>>
        %dma_wait3A_747 = tpu.memref_squeeze %dma_wait3A_746 : memref<1x1x128xi32, #tpu.memory_space<vmem>> -> memref<128xi32, #tpu.memory_space<vmem>>
        %dma_wait3A_748 = arith.constant 0 : i32
        %dma_wait3A_749 = arith.constant 0 : i32
        %dma_wait3A_750 = tpu.memref_slice %arg13[%dma_wait3A_748, %dma_wait3A_749] : memref<10112x64xf32, #tpu.memory_space<vmem_shared>> -> memref<10112x64xf32, #tpu.memory_space<vmem_shared>>
        tpu.wait_indirect_dma semaphore(%arg17 : memref<!tpu.dma_semaphore, #tpu.memory_space<semaphore_mem>>) src(%arg11 : memref<128x64xf32, #tpu.memory_space<vmem>>) dst(%dma_wait3A_750 : memref<10112x64xf32, #tpu.memory_space<vmem_shared>>)
      } else {
      }
      %add3A_294 = arith.constant 2 : i32
      %add3A_295 = arith.addi %add3A_272, %add3A_294 : i32
      %lt3A_296 = arith.constant 320 : i32
      %lt3A_297 = arith.cmpi slt, %add3A_295, %lt3A_296 : i32
      %convert_element_type3A_298 = arith.extui %lt3A_297 : i1 to i32
      %cond3A_299 = arith.constant 0 : i32
      %cond3A_300 = arith.cmpi ne, %convert_element_type3A_298, %cond3A_299 : i32
      scf.if %cond3A_300 {
        %dma_start3A_743 = arith.constant 8 : i32
        %dma_start3A_744 = arith.constant 0 : i32
        %dma_start3A_745 = arith.constant 0 : i32
        %dma_start3A_746 = tpu.memref_slice %arg6[%dma_start3A_743, %dma_start3A_744, %dma_start3A_745] : memref<10x2x128xi32, #tpu.memory_space<vmem>> -> memref<1x1x128xi32, #tpu.memory_space<vmem>>
        %dma_start3A_747 = tpu.memref_squeeze %dma_start3A_746 : memref<1x1x128xi32, #tpu.memory_space<vmem>> -> memref<128xi32, #tpu.memory_space<vmem>>
        %dma_start3A_748 = arith.constant 0 : i32
        %dma_start3A_749 = arith.constant 0 : i32
        %dma_start3A_750 = tpu.memref_slice %arg14[%dma_start3A_748, %dma_start3A_749] : memref<10000x64xf32, #tpu.memory_space<vmem_shared>> -> memref<10000x64xf32, #tpu.memory_space<vmem_shared>>
        tpu.enqueue_indirect_dma source(%dma_start3A_750 : memref<10000x64xf32, #tpu.memory_space<vmem_shared>>) target(%arg11 : memref<128x64xf32, #tpu.memory_space<vmem>>) offsets(%dma_start3A_747 : memref<128xi32, #tpu.memory_space<vmem>>) semaphore(%arg16 : memref<!tpu.dma_semaphore, #tpu.memory_space<semaphore_mem>>)
      } else {
      }
      %mul3A_301 = arith.constant 10 : i32
      %mul3A_302 = arith.muli %add3A_73, %mul3A_301 : i32
      %add3A_303 = arith.constant 7 : i32
      %add3A_304 = arith.addi %mul3A_302, %add3A_303 : i32
      %dma_wait3A_305 = arith.constant 7 : i32
      %dma_wait3A_306 = arith.constant 0 : i32
      %dma_wait3A_307 = arith.constant 0 : i32
      %dma_wait3A_308 = tpu.memref_slice %arg6[%dma_wait3A_305, %dma_wait3A_306, %dma_wait3A_307] : memref<10x2x128xi32, #tpu.memory_space<vmem>> -> memref<1x1x128xi32, #tpu.memory_space<vmem>>
      %dma_wait3A_309 = tpu.memref_squeeze %dma_wait3A_308 : memref<1x1x128xi32, #tpu.memory_space<vmem>> -> memref<128xi32, #tpu.memory_space<vmem>>
      %dma_wait3A_310 = arith.constant 0 : i32
      %dma_wait3A_311 = arith.constant 0 : i32
      %dma_wait3A_312 = tpu.memref_slice %arg14[%dma_wait3A_310, %dma_wait3A_311] : memref<10000x64xf32, #tpu.memory_space<vmem_shared>> -> memref<10000x64xf32, #tpu.memory_space<vmem_shared>>
      tpu.wait_indirect_dma semaphore(%arg16 : memref<!tpu.dma_semaphore, #tpu.memory_space<semaphore_mem>>) src(%dma_wait3A_312 : memref<10000x64xf32, #tpu.memory_space<vmem_shared>>) dst(%arg10 : memref<128x64xf32, #tpu.memory_space<vmem>>)
      %dma_start3A_313 = arith.constant 7 : i32
      %dma_start3A_314 = arith.constant 1 : i32
      %dma_start3A_315 = arith.constant 0 : i32
      %dma_start3A_316 = tpu.memref_slice %arg6[%dma_start3A_313, %dma_start3A_314, %dma_start3A_315] : memref<10x2x128xi32, #tpu.memory_space<vmem>> -> memref<1x1x128xi32, #tpu.memory_space<vmem>>
      %dma_start3A_317 = tpu.memref_squeeze %dma_start3A_316 : memref<1x1x128xi32, #tpu.memory_space<vmem>> -> memref<128xi32, #tpu.memory_space<vmem>>
      %dma_start3A_318 = arith.constant 0 : i32
      %dma_start3A_319 = arith.constant 0 : i32
      %dma_start3A_320 = tpu.memref_slice %arg13[%dma_start3A_318, %dma_start3A_319] : memref<10112x64xf32, #tpu.memory_space<vmem_shared>> -> memref<10112x64xf32, #tpu.memory_space<vmem_shared>>
      tpu.enqueue_indirect_dma source(%arg10 : memref<128x64xf32, #tpu.memory_space<vmem>>) target(%dma_start3A_320 : memref<10112x64xf32, #tpu.memory_space<vmem_shared>>) offsets(%dma_start3A_317 : memref<128xi32, #tpu.memory_space<vmem>>) semaphore(%arg17 : memref<!tpu.dma_semaphore, #tpu.memory_space<semaphore_mem>>) {add = true}
      %ge3A_321 = arith.constant 3 : i32
      %ge3A_322 = arith.cmpi sge, %add3A_304, %ge3A_321 : i32
      %convert_element_type3A_323 = arith.extui %ge3A_322 : i1 to i32
      %cond3A_324 = arith.constant 0 : i32
      %cond3A_325 = arith.cmpi ne, %convert_element_type3A_323, %cond3A_324 : i32
      scf.if %cond3A_325 {
        %dma_wait3A_743 = arith.constant 4 : i32
        %dma_wait3A_744 = arith.constant 1 : i32
        %dma_wait3A_745 = arith.constant 0 : i32
        %dma_wait3A_746 = tpu.memref_slice %arg6[%dma_wait3A_743, %dma_wait3A_744, %dma_wait3A_745] : memref<10x2x128xi32, #tpu.memory_space<vmem>> -> memref<1x1x128xi32, #tpu.memory_space<vmem>>
        %dma_wait3A_747 = tpu.memref_squeeze %dma_wait3A_746 : memref<1x1x128xi32, #tpu.memory_space<vmem>> -> memref<128xi32, #tpu.memory_space<vmem>>
        %dma_wait3A_748 = arith.constant 0 : i32
        %dma_wait3A_749 = arith.constant 0 : i32
        %dma_wait3A_750 = tpu.memref_slice %arg13[%dma_wait3A_748, %dma_wait3A_749] : memref<10112x64xf32, #tpu.memory_space<vmem_shared>> -> memref<10112x64xf32, #tpu.memory_space<vmem_shared>>
        tpu.wait_indirect_dma semaphore(%arg17 : memref<!tpu.dma_semaphore, #tpu.memory_space<semaphore_mem>>) src(%arg12 : memref<128x64xf32, #tpu.memory_space<vmem>>) dst(%dma_wait3A_750 : memref<10112x64xf32, #tpu.memory_space<vmem_shared>>)
      } else {
      }
      %add3A_326 = arith.constant 2 : i32
      %add3A_327 = arith.addi %add3A_304, %add3A_326 : i32
      %lt3A_328 = arith.constant 320 : i32
      %lt3A_329 = arith.cmpi slt, %add3A_327, %lt3A_328 : i32
      %convert_element_type3A_330 = arith.extui %lt3A_329 : i1 to i32
      %cond3A_331 = arith.constant 0 : i32
      %cond3A_332 = arith.cmpi ne, %convert_element_type3A_330, %cond3A_331 : i32
      scf.if %cond3A_332 {
        %dma_start3A_743 = arith.constant 9 : i32
        %dma_start3A_744 = arith.constant 0 : i32
        %dma_start3A_745 = arith.constant 0 : i32
        %dma_start3A_746 = tpu.memref_slice %arg6[%dma_start3A_743, %dma_start3A_744, %dma_start3A_745] : memref<10x2x128xi32, #tpu.memory_space<vmem>> -> memref<1x1x128xi32, #tpu.memory_space<vmem>>
        %dma_start3A_747 = tpu.memref_squeeze %dma_start3A_746 : memref<1x1x128xi32, #tpu.memory_space<vmem>> -> memref<128xi32, #tpu.memory_space<vmem>>
        %dma_start3A_748 = arith.constant 0 : i32
        %dma_start3A_749 = arith.constant 0 : i32
        %dma_start3A_750 = tpu.memref_slice %arg14[%dma_start3A_748, %dma_start3A_749] : memref<10000x64xf32, #tpu.memory_space<vmem_shared>> -> memref<10000x64xf32, #tpu.memory_space<vmem_shared>>
        tpu.enqueue_indirect_dma source(%dma_start3A_750 : memref<10000x64xf32, #tpu.memory_space<vmem_shared>>) target(%arg12 : memref<128x64xf32, #tpu.memory_space<vmem>>) offsets(%dma_start3A_747 : memref<128xi32, #tpu.memory_space<vmem>>) semaphore(%arg16 : memref<!tpu.dma_semaphore, #tpu.memory_space<semaphore_mem>>)
      } else {
      }
      %mul3A_333 = arith.constant 10 : i32
      %mul3A_334 = arith.muli %add3A_73, %mul3A_333 : i32
      %add3A_335 = arith.constant 8 : i32
      %add3A_336 = arith.addi %mul3A_334, %add3A_335 : i32
      %dma_wait3A_337 = arith.constant 8 : i32
      %dma_wait3A_338 = arith.constant 0 : i32
      %dma_wait3A_339 = arith.constant 0 : i32
      %dma_wait3A_340 = tpu.memref_slice %arg6[%dma_wait3A_337, %dma_wait3A_338, %dma_wait3A_339] : memref<10x2x128xi32, #tpu.memory_space<vmem>> -> memref<1x1x128xi32, #tpu.memory_space<vmem>>
      %dma_wait3A_341 = tpu.memref_squeeze %dma_wait3A_340 : memref<1x1x128xi32, #tpu.memory_space<vmem>> -> memref<128xi32, #tpu.memory_space<vmem>>
      %dma_wait3A_342 = arith.constant 0 : i32
      %dma_wait3A_343 = arith.constant 0 : i32
      %dma_wait3A_344 = tpu.memref_slice %arg14[%dma_wait3A_342, %dma_wait3A_343] : memref<10000x64xf32, #tpu.memory_space<vmem_shared>> -> memref<10000x64xf32, #tpu.memory_space<vmem_shared>>
      tpu.wait_indirect_dma semaphore(%arg16 : memref<!tpu.dma_semaphore, #tpu.memory_space<semaphore_mem>>) src(%dma_wait3A_344 : memref<10000x64xf32, #tpu.memory_space<vmem_shared>>) dst(%arg11 : memref<128x64xf32, #tpu.memory_space<vmem>>)
      %dma_start3A_345 = arith.constant 8 : i32
      %dma_start3A_346 = arith.constant 1 : i32
      %dma_start3A_347 = arith.constant 0 : i32
      %dma_start3A_348 = tpu.memref_slice %arg6[%dma_start3A_345, %dma_start3A_346, %dma_start3A_347] : memref<10x2x128xi32, #tpu.memory_space<vmem>> -> memref<1x1x128xi32, #tpu.memory_space<vmem>>
      %dma_start3A_349 = tpu.memref_squeeze %dma_start3A_348 : memref<1x1x128xi32, #tpu.memory_space<vmem>> -> memref<128xi32, #tpu.memory_space<vmem>>
      %dma_start3A_350 = arith.constant 0 : i32
      %dma_start3A_351 = arith.constant 0 : i32
      %dma_start3A_352 = tpu.memref_slice %arg13[%dma_start3A_350, %dma_start3A_351] : memref<10112x64xf32, #tpu.memory_space<vmem_shared>> -> memref<10112x64xf32, #tpu.memory_space<vmem_shared>>
      tpu.enqueue_indirect_dma source(%arg11 : memref<128x64xf32, #tpu.memory_space<vmem>>) target(%dma_start3A_352 : memref<10112x64xf32, #tpu.memory_space<vmem_shared>>) offsets(%dma_start3A_349 : memref<128xi32, #tpu.memory_space<vmem>>) semaphore(%arg17 : memref<!tpu.dma_semaphore, #tpu.memory_space<semaphore_mem>>) {add = true}
      %ge3A_353 = arith.constant 3 : i32
      %ge3A_354 = arith.cmpi sge, %add3A_336, %ge3A_353 : i32
      %convert_element_type3A_355 = arith.extui %ge3A_354 : i1 to i32
      %cond3A_356 = arith.constant 0 : i32
      %cond3A_357 = arith.cmpi ne, %convert_element_type3A_355, %cond3A_356 : i32
      scf.if %cond3A_357 {
        %dma_wait3A_743 = arith.constant 5 : i32
        %dma_wait3A_744 = arith.constant 1 : i32
        %dma_wait3A_745 = arith.constant 0 : i32
        %dma_wait3A_746 = tpu.memref_slice %arg6[%dma_wait3A_743, %dma_wait3A_744, %dma_wait3A_745] : memref<10x2x128xi32, #tpu.memory_space<vmem>> -> memref<1x1x128xi32, #tpu.memory_space<vmem>>
        %dma_wait3A_747 = tpu.memref_squeeze %dma_wait3A_746 : memref<1x1x128xi32, #tpu.memory_space<vmem>> -> memref<128xi32, #tpu.memory_space<vmem>>
        %dma_wait3A_748 = arith.constant 0 : i32
        %dma_wait3A_749 = arith.constant 0 : i32
        %dma_wait3A_750 = tpu.memref_slice %arg13[%dma_wait3A_748, %dma_wait3A_749] : memref<10112x64xf32, #tpu.memory_space<vmem_shared>> -> memref<10112x64xf32, #tpu.memory_space<vmem_shared>>
        tpu.wait_indirect_dma semaphore(%arg17 : memref<!tpu.dma_semaphore, #tpu.memory_space<semaphore_mem>>) src(%arg8 : memref<128x64xf32, #tpu.memory_space<vmem>>) dst(%dma_wait3A_750 : memref<10112x64xf32, #tpu.memory_space<vmem_shared>>)
      } else {
      }
      %add3A_358 = arith.constant 1 : i32
      %add3A_359 = arith.addi %add3A_73, %add3A_358 : i32
      %lt3A_360 = arith.constant 32 : i32
      %lt3A_361 = arith.cmpi slt, %add3A_359, %lt3A_360 : i32
      %convert_element_type3A_362 = arith.extui %lt3A_361 : i1 to i32
      %cond3A_363 = arith.constant 0 : i32
      %cond3A_364 = arith.cmpi ne, %convert_element_type3A_362, %cond3A_363 : i32
      scf.if %cond3A_364 {
        %add3A_743 = arith.constant 1 : i32
        %add3A_744 = arith.addi %add3A_73, %add3A_743 : i32
        %mul3A_745 = arith.constant 10 : i32
        %mul3A_746 = arith.muli %add3A_744, %mul3A_745 : i32
        %add3A_747 = arith.addi %mul3A_2, %mul3A_746 : i32
        %dma_wait3A_748 = arith.constant 0 : i32
        %dma_wait3A_749 = arith.constant 0 : i32
        %dma_wait3A_750 = tpu.memref_slice %arg3[%add3A_747, %dma_wait3A_748, %dma_wait3A_749] : memref<5120x2x128xi32, #tpu.memory_space<hbm>> -> memref<10x2x128xi32, #tpu.memory_space<hbm>>
        %dma_wait3A_751 = arith.constant 0 : i32
        %dma_wait3A_752 = arith.constant 0 : i32
        %dma_wait3A_753 = tpu.memref_slice %arg3[%add3A_747, %dma_wait3A_751, %dma_wait3A_752] : memref<5120x2x128xi32, #tpu.memory_space<hbm>> -> memref<10x2x128xi32, #tpu.memory_space<hbm>>
        tpu.wait_dma2 semaphore(%arg15 : memref<!tpu.dma_semaphore, #tpu.memory_space<semaphore_mem>>) src(%dma_wait3A_753 : memref<10x2x128xi32, #tpu.memory_space<hbm>>) dst(%arg7 : memref<10x2x128xi32, #tpu.memory_space<vmem>>)
      } else {
      }
      %add3A_365 = arith.constant 2 : i32
      %add3A_366 = arith.addi %add3A_336, %add3A_365 : i32
      %lt3A_367 = arith.constant 320 : i32
      %lt3A_368 = arith.cmpi slt, %add3A_366, %lt3A_367 : i32
      %convert_element_type3A_369 = arith.extui %lt3A_368 : i1 to i32
      %cond3A_370 = arith.constant 0 : i32
      %cond3A_371 = arith.cmpi ne, %convert_element_type3A_369, %cond3A_370 : i32
      scf.if %cond3A_371 {
        %dma_start3A_743 = arith.constant 0 : i32
        %dma_start3A_744 = arith.constant 0 : i32
        %dma_start3A_745 = arith.constant 0 : i32
        %dma_start3A_746 = tpu.memref_slice %arg7[%dma_start3A_743, %dma_start3A_744, %dma_start3A_745] : memref<10x2x128xi32, #tpu.memory_space<vmem>> -> memref<1x1x128xi32, #tpu.memory_space<vmem>>
        %dma_start3A_747 = tpu.memref_squeeze %dma_start3A_746 : memref<1x1x128xi32, #tpu.memory_space<vmem>> -> memref<128xi32, #tpu.memory_space<vmem>>
        %dma_start3A_748 = arith.constant 0 : i32
        %dma_start3A_749 = arith.constant 0 : i32
        %dma_start3A_750 = tpu.memref_slice %arg14[%dma_start3A_748, %dma_start3A_749] : memref<10000x64xf32, #tpu.memory_space<vmem_shared>> -> memref<10000x64xf32, #tpu.memory_space<vmem_shared>>
        tpu.enqueue_indirect_dma source(%dma_start3A_750 : memref<10000x64xf32, #tpu.memory_space<vmem_shared>>) target(%arg8 : memref<128x64xf32, #tpu.memory_space<vmem>>) offsets(%dma_start3A_747 : memref<128xi32, #tpu.memory_space<vmem>>) semaphore(%arg16 : memref<!tpu.dma_semaphore, #tpu.memory_space<semaphore_mem>>)
      } else {
      }
      %mul3A_372 = arith.constant 10 : i32
      %mul3A_373 = arith.muli %add3A_73, %mul3A_372 : i32
      %add3A_374 = arith.constant 9 : i32
      %add3A_375 = arith.addi %mul3A_373, %add3A_374 : i32
      %dma_wait3A_376 = arith.constant 9 : i32
      %dma_wait3A_377 = arith.constant 0 : i32
      %dma_wait3A_378 = arith.constant 0 : i32
      %dma_wait3A_379 = tpu.memref_slice %arg6[%dma_wait3A_376, %dma_wait3A_377, %dma_wait3A_378] : memref<10x2x128xi32, #tpu.memory_space<vmem>> -> memref<1x1x128xi32, #tpu.memory_space<vmem>>
      %dma_wait3A_380 = tpu.memref_squeeze %dma_wait3A_379 : memref<1x1x128xi32, #tpu.memory_space<vmem>> -> memref<128xi32, #tpu.memory_space<vmem>>
      %dma_wait3A_381 = arith.constant 0 : i32
      %dma_wait3A_382 = arith.constant 0 : i32
      %dma_wait3A_383 = tpu.memref_slice %arg14[%dma_wait3A_381, %dma_wait3A_382] : memref<10000x64xf32, #tpu.memory_space<vmem_shared>> -> memref<10000x64xf32, #tpu.memory_space<vmem_shared>>
      tpu.wait_indirect_dma semaphore(%arg16 : memref<!tpu.dma_semaphore, #tpu.memory_space<semaphore_mem>>) src(%dma_wait3A_383 : memref<10000x64xf32, #tpu.memory_space<vmem_shared>>) dst(%arg12 : memref<128x64xf32, #tpu.memory_space<vmem>>)
      %dma_start3A_384 = arith.constant 9 : i32
      %dma_start3A_385 = arith.constant 1 : i32
      %dma_start3A_386 = arith.constant 0 : i32
      %dma_start3A_387 = tpu.memref_slice %arg6[%dma_start3A_384, %dma_start3A_385, %dma_start3A_386] : memref<10x2x128xi32, #tpu.memory_space<vmem>> -> memref<1x1x128xi32, #tpu.memory_space<vmem>>
      %dma_start3A_388 = tpu.memref_squeeze %dma_start3A_387 : memref<1x1x128xi32, #tpu.memory_space<vmem>> -> memref<128xi32, #tpu.memory_space<vmem>>
      %dma_start3A_389 = arith.constant 0 : i32
      %dma_start3A_390 = arith.constant 0 : i32
      %dma_start3A_391 = tpu.memref_slice %arg13[%dma_start3A_389, %dma_start3A_390] : memref<10112x64xf32, #tpu.memory_space<vmem_shared>> -> memref<10112x64xf32, #tpu.memory_space<vmem_shared>>
      tpu.enqueue_indirect_dma source(%arg12 : memref<128x64xf32, #tpu.memory_space<vmem>>) target(%dma_start3A_391 : memref<10112x64xf32, #tpu.memory_space<vmem_shared>>) offsets(%dma_start3A_388 : memref<128xi32, #tpu.memory_space<vmem>>) semaphore(%arg17 : memref<!tpu.dma_semaphore, #tpu.memory_space<semaphore_mem>>) {add = true}
      %ge3A_392 = arith.constant 3 : i32
      %ge3A_393 = arith.cmpi sge, %add3A_375, %ge3A_392 : i32
      %convert_element_type3A_394 = arith.extui %ge3A_393 : i1 to i32
      %cond3A_395 = arith.constant 0 : i32
      %cond3A_396 = arith.cmpi ne, %convert_element_type3A_394, %cond3A_395 : i32
      scf.if %cond3A_396 {
        %dma_wait3A_743 = arith.constant 6 : i32
        %dma_wait3A_744 = arith.constant 1 : i32
        %dma_wait3A_745 = arith.constant 0 : i32
        %dma_wait3A_746 = tpu.memref_slice %arg6[%dma_wait3A_743, %dma_wait3A_744, %dma_wait3A_745] : memref<10x2x128xi32, #tpu.memory_space<vmem>> -> memref<1x1x128xi32, #tpu.memory_space<vmem>>
        %dma_wait3A_747 = tpu.memref_squeeze %dma_wait3A_746 : memref<1x1x128xi32, #tpu.memory_space<vmem>> -> memref<128xi32, #tpu.memory_space<vmem>>
        %dma_wait3A_748 = arith.constant 0 : i32
        %dma_wait3A_749 = arith.constant 0 : i32
        %dma_wait3A_750 = tpu.memref_slice %arg13[%dma_wait3A_748, %dma_wait3A_749] : memref<10112x64xf32, #tpu.memory_space<vmem_shared>> -> memref<10112x64xf32, #tpu.memory_space<vmem_shared>>
        tpu.wait_indirect_dma semaphore(%arg17 : memref<!tpu.dma_semaphore, #tpu.memory_space<semaphore_mem>>) src(%arg9 : memref<128x64xf32, #tpu.memory_space<vmem>>) dst(%dma_wait3A_750 : memref<10112x64xf32, #tpu.memory_space<vmem_shared>>)
      } else {
      }
      %add3A_397 = arith.constant 2 : i32
      %add3A_398 = arith.addi %add3A_375, %add3A_397 : i32
      %lt3A_399 = arith.constant 320 : i32
      %lt3A_400 = arith.cmpi slt, %add3A_398, %lt3A_399 : i32
      %convert_element_type3A_401 = arith.extui %lt3A_400 : i1 to i32
      %cond3A_402 = arith.constant 0 : i32
      %cond3A_403 = arith.cmpi ne, %convert_element_type3A_401, %cond3A_402 : i32
      scf.if %cond3A_403 {
        %dma_start3A_743 = arith.constant 1 : i32
        %dma_start3A_744 = arith.constant 0 : i32
        %dma_start3A_745 = arith.constant 0 : i32
        %dma_start3A_746 = tpu.memref_slice %arg7[%dma_start3A_743, %dma_start3A_744, %dma_start3A_745] : memref<10x2x128xi32, #tpu.memory_space<vmem>> -> memref<1x1x128xi32, #tpu.memory_space<vmem>>
        %dma_start3A_747 = tpu.memref_squeeze %dma_start3A_746 : memref<1x1x128xi32, #tpu.memory_space<vmem>> -> memref<128xi32, #tpu.memory_space<vmem>>
        %dma_start3A_748 = arith.constant 0 : i32
        %dma_start3A_749 = arith.constant 0 : i32
        %dma_start3A_750 = tpu.memref_slice %arg14[%dma_start3A_748, %dma_start3A_749] : memref<10000x64xf32, #tpu.memory_space<vmem_shared>> -> memref<10000x64xf32, #tpu.memory_space<vmem_shared>>
        tpu.enqueue_indirect_dma source(%dma_start3A_750 : memref<10000x64xf32, #tpu.memory_space<vmem_shared>>) target(%arg9 : memref<128x64xf32, #tpu.memory_space<vmem>>) offsets(%dma_start3A_747 : memref<128xi32, #tpu.memory_space<vmem>>) semaphore(%arg16 : memref<!tpu.dma_semaphore, #tpu.memory_space<semaphore_mem>>)
      } else {
      }
      %mul3A_404 = arith.constant 2 : i32
      %mul3A_405 = arith.muli %scan3A_68, %mul3A_404 : i32
      %add3A_406 = arith.constant 1 : i32
      %add3A_407 = arith.addi %mul3A_405, %add3A_406 : i32
      %mul3A_408 = arith.constant 10 : i32
      %mul3A_409 = arith.muli %add3A_407, %mul3A_408 : i32
      %add3A_410 = arith.constant 0 : i32
      %add3A_411 = arith.addi %mul3A_409, %add3A_410 : i32
      %dma_wait3A_412 = arith.constant 0 : i32
      %dma_wait3A_413 = arith.constant 0 : i32
      %dma_wait3A_414 = arith.constant 0 : i32
      %dma_wait3A_415 = tpu.memref_slice %arg7[%dma_wait3A_412, %dma_wait3A_413, %dma_wait3A_414] : memref<10x2x128xi32, #tpu.memory_space<vmem>> -> memref<1x1x128xi32, #tpu.memory_space<vmem>>
      %dma_wait3A_416 = tpu.memref_squeeze %dma_wait3A_415 : memref<1x1x128xi32, #tpu.memory_space<vmem>> -> memref<128xi32, #tpu.memory_space<vmem>>
      %dma_wait3A_417 = arith.constant 0 : i32
      %dma_wait3A_418 = arith.constant 0 : i32
      %dma_wait3A_419 = tpu.memref_slice %arg14[%dma_wait3A_417, %dma_wait3A_418] : memref<10000x64xf32, #tpu.memory_space<vmem_shared>> -> memref<10000x64xf32, #tpu.memory_space<vmem_shared>>
      tpu.wait_indirect_dma semaphore(%arg16 : memref<!tpu.dma_semaphore, #tpu.memory_space<semaphore_mem>>) src(%dma_wait3A_419 : memref<10000x64xf32, #tpu.memory_space<vmem_shared>>) dst(%arg8 : memref<128x64xf32, #tpu.memory_space<vmem>>)
      %dma_start3A_420 = arith.constant 0 : i32
      %dma_start3A_421 = arith.constant 1 : i32
      %dma_start3A_422 = arith.constant 0 : i32
      %dma_start3A_423 = tpu.memref_slice %arg7[%dma_start3A_420, %dma_start3A_421, %dma_start3A_422] : memref<10x2x128xi32, #tpu.memory_space<vmem>> -> memref<1x1x128xi32, #tpu.memory_space<vmem>>
      %dma_start3A_424 = tpu.memref_squeeze %dma_start3A_423 : memref<1x1x128xi32, #tpu.memory_space<vmem>> -> memref<128xi32, #tpu.memory_space<vmem>>
      %dma_start3A_425 = arith.constant 0 : i32
      %dma_start3A_426 = arith.constant 0 : i32
      %dma_start3A_427 = tpu.memref_slice %arg13[%dma_start3A_425, %dma_start3A_426] : memref<10112x64xf32, #tpu.memory_space<vmem_shared>> -> memref<10112x64xf32, #tpu.memory_space<vmem_shared>>
      tpu.enqueue_indirect_dma source(%arg8 : memref<128x64xf32, #tpu.memory_space<vmem>>) target(%dma_start3A_427 : memref<10112x64xf32, #tpu.memory_space<vmem_shared>>) offsets(%dma_start3A_424 : memref<128xi32, #tpu.memory_space<vmem>>) semaphore(%arg17 : memref<!tpu.dma_semaphore, #tpu.memory_space<semaphore_mem>>) {add = true}
      %ge3A_428 = arith.constant 3 : i32
      %ge3A_429 = arith.cmpi sge, %add3A_411, %ge3A_428 : i32
      %convert_element_type3A_430 = arith.extui %ge3A_429 : i1 to i32
      %cond3A_431 = arith.constant 0 : i32
      %cond3A_432 = arith.cmpi ne, %convert_element_type3A_430, %cond3A_431 : i32
      scf.if %cond3A_432 {
        %dma_wait3A_743 = arith.constant 7 : i32
        %dma_wait3A_744 = arith.constant 1 : i32
        %dma_wait3A_745 = arith.constant 0 : i32
        %dma_wait3A_746 = tpu.memref_slice %arg6[%dma_wait3A_743, %dma_wait3A_744, %dma_wait3A_745] : memref<10x2x128xi32, #tpu.memory_space<vmem>> -> memref<1x1x128xi32, #tpu.memory_space<vmem>>
        %dma_wait3A_747 = tpu.memref_squeeze %dma_wait3A_746 : memref<1x1x128xi32, #tpu.memory_space<vmem>> -> memref<128xi32, #tpu.memory_space<vmem>>
        %dma_wait3A_748 = arith.constant 0 : i32
        %dma_wait3A_749 = arith.constant 0 : i32
        %dma_wait3A_750 = tpu.memref_slice %arg13[%dma_wait3A_748, %dma_wait3A_749] : memref<10112x64xf32, #tpu.memory_space<vmem_shared>> -> memref<10112x64xf32, #tpu.memory_space<vmem_shared>>
        tpu.wait_indirect_dma semaphore(%arg17 : memref<!tpu.dma_semaphore, #tpu.memory_space<semaphore_mem>>) src(%arg10 : memref<128x64xf32, #tpu.memory_space<vmem>>) dst(%dma_wait3A_750 : memref<10112x64xf32, #tpu.memory_space<vmem_shared>>)
      } else {
      }
      %add3A_433 = arith.constant 2 : i32
      %add3A_434 = arith.addi %add3A_411, %add3A_433 : i32
      %lt3A_435 = arith.constant 320 : i32
      %lt3A_436 = arith.cmpi slt, %add3A_434, %lt3A_435 : i32
      %convert_element_type3A_437 = arith.extui %lt3A_436 : i1 to i32
      %cond3A_438 = arith.constant 0 : i32
      %cond3A_439 = arith.cmpi ne, %convert_element_type3A_437, %cond3A_438 : i32
      scf.if %cond3A_439 {
        %dma_start3A_743 = arith.constant 2 : i32
        %dma_start3A_744 = arith.constant 0 : i32
        %dma_start3A_745 = arith.constant 0 : i32
        %dma_start3A_746 = tpu.memref_slice %arg7[%dma_start3A_743, %dma_start3A_744, %dma_start3A_745] : memref<10x2x128xi32, #tpu.memory_space<vmem>> -> memref<1x1x128xi32, #tpu.memory_space<vmem>>
        %dma_start3A_747 = tpu.memref_squeeze %dma_start3A_746 : memref<1x1x128xi32, #tpu.memory_space<vmem>> -> memref<128xi32, #tpu.memory_space<vmem>>
        %dma_start3A_748 = arith.constant 0 : i32
        %dma_start3A_749 = arith.constant 0 : i32
        %dma_start3A_750 = tpu.memref_slice %arg14[%dma_start3A_748, %dma_start3A_749] : memref<10000x64xf32, #tpu.memory_space<vmem_shared>> -> memref<10000x64xf32, #tpu.memory_space<vmem_shared>>
        tpu.enqueue_indirect_dma source(%dma_start3A_750 : memref<10000x64xf32, #tpu.memory_space<vmem_shared>>) target(%arg10 : memref<128x64xf32, #tpu.memory_space<vmem>>) offsets(%dma_start3A_747 : memref<128xi32, #tpu.memory_space<vmem>>) semaphore(%arg16 : memref<!tpu.dma_semaphore, #tpu.memory_space<semaphore_mem>>)
      } else {
      }
      %mul3A_440 = arith.constant 10 : i32
      %mul3A_441 = arith.muli %add3A_407, %mul3A_440 : i32
      %add3A_442 = arith.constant 1 : i32
      %add3A_443 = arith.addi %mul3A_441, %add3A_442 : i32
      %dma_wait3A_444 = arith.constant 1 : i32
      %dma_wait3A_445 = arith.constant 0 : i32
      %dma_wait3A_446 = arith.constant 0 : i32
      %dma_wait3A_447 = tpu.memref_slice %arg7[%dma_wait3A_444, %dma_wait3A_445, %dma_wait3A_446] : memref<10x2x128xi32, #tpu.memory_space<vmem>> -> memref<1x1x128xi32, #tpu.memory_space<vmem>>
      %dma_wait3A_448 = tpu.memref_squeeze %dma_wait3A_447 : memref<1x1x128xi32, #tpu.memory_space<vmem>> -> memref<128xi32, #tpu.memory_space<vmem>>
      %dma_wait3A_449 = arith.constant 0 : i32
      %dma_wait3A_450 = arith.constant 0 : i32
      %dma_wait3A_451 = tpu.memref_slice %arg14[%dma_wait3A_449, %dma_wait3A_450] : memref<10000x64xf32, #tpu.memory_space<vmem_shared>> -> memref<10000x64xf32, #tpu.memory_space<vmem_shared>>
      tpu.wait_indirect_dma semaphore(%arg16 : memref<!tpu.dma_semaphore, #tpu.memory_space<semaphore_mem>>) src(%dma_wait3A_451 : memref<10000x64xf32, #tpu.memory_space<vmem_shared>>) dst(%arg9 : memref<128x64xf32, #tpu.memory_space<vmem>>)
      %dma_start3A_452 = arith.constant 1 : i32
      %dma_start3A_453 = arith.constant 1 : i32
      %dma_start3A_454 = arith.constant 0 : i32
      %dma_start3A_455 = tpu.memref_slice %arg7[%dma_start3A_452, %dma_start3A_453, %dma_start3A_454] : memref<10x2x128xi32, #tpu.memory_space<vmem>> -> memref<1x1x128xi32, #tpu.memory_space<vmem>>
      %dma_start3A_456 = tpu.memref_squeeze %dma_start3A_455 : memref<1x1x128xi32, #tpu.memory_space<vmem>> -> memref<128xi32, #tpu.memory_space<vmem>>
      %dma_start3A_457 = arith.constant 0 : i32
      %dma_start3A_458 = arith.constant 0 : i32
      %dma_start3A_459 = tpu.memref_slice %arg13[%dma_start3A_457, %dma_start3A_458] : memref<10112x64xf32, #tpu.memory_space<vmem_shared>> -> memref<10112x64xf32, #tpu.memory_space<vmem_shared>>
      tpu.enqueue_indirect_dma source(%arg9 : memref<128x64xf32, #tpu.memory_space<vmem>>) target(%dma_start3A_459 : memref<10112x64xf32, #tpu.memory_space<vmem_shared>>) offsets(%dma_start3A_456 : memref<128xi32, #tpu.memory_space<vmem>>) semaphore(%arg17 : memref<!tpu.dma_semaphore, #tpu.memory_space<semaphore_mem>>) {add = true}
      %ge3A_460 = arith.constant 3 : i32
      %ge3A_461 = arith.cmpi sge, %add3A_443, %ge3A_460 : i32
      %convert_element_type3A_462 = arith.extui %ge3A_461 : i1 to i32
      %cond3A_463 = arith.constant 0 : i32
      %cond3A_464 = arith.cmpi ne, %convert_element_type3A_462, %cond3A_463 : i32
      scf.if %cond3A_464 {
        %dma_wait3A_743 = arith.constant 8 : i32
        %dma_wait3A_744 = arith.constant 1 : i32
        %dma_wait3A_745 = arith.constant 0 : i32
        %dma_wait3A_746 = tpu.memref_slice %arg6[%dma_wait3A_743, %dma_wait3A_744, %dma_wait3A_745] : memref<10x2x128xi32, #tpu.memory_space<vmem>> -> memref<1x1x128xi32, #tpu.memory_space<vmem>>
        %dma_wait3A_747 = tpu.memref_squeeze %dma_wait3A_746 : memref<1x1x128xi32, #tpu.memory_space<vmem>> -> memref<128xi32, #tpu.memory_space<vmem>>
        %dma_wait3A_748 = arith.constant 0 : i32
        %dma_wait3A_749 = arith.constant 0 : i32
        %dma_wait3A_750 = tpu.memref_slice %arg13[%dma_wait3A_748, %dma_wait3A_749] : memref<10112x64xf32, #tpu.memory_space<vmem_shared>> -> memref<10112x64xf32, #tpu.memory_space<vmem_shared>>
        tpu.wait_indirect_dma semaphore(%arg17 : memref<!tpu.dma_semaphore, #tpu.memory_space<semaphore_mem>>) src(%arg11 : memref<128x64xf32, #tpu.memory_space<vmem>>) dst(%dma_wait3A_750 : memref<10112x64xf32, #tpu.memory_space<vmem_shared>>)
      } else {
      }
      %add3A_465 = arith.constant 2 : i32
      %add3A_466 = arith.addi %add3A_443, %add3A_465 : i32
      %lt3A_467 = arith.constant 320 : i32
      %lt3A_468 = arith.cmpi slt, %add3A_466, %lt3A_467 : i32
      %convert_element_type3A_469 = arith.extui %lt3A_468 : i1 to i32
      %cond3A_470 = arith.constant 0 : i32
      %cond3A_471 = arith.cmpi ne, %convert_element_type3A_469, %cond3A_470 : i32
      scf.if %cond3A_471 {
        %dma_start3A_743 = arith.constant 3 : i32
        %dma_start3A_744 = arith.constant 0 : i32
        %dma_start3A_745 = arith.constant 0 : i32
        %dma_start3A_746 = tpu.memref_slice %arg7[%dma_start3A_743, %dma_start3A_744, %dma_start3A_745] : memref<10x2x128xi32, #tpu.memory_space<vmem>> -> memref<1x1x128xi32, #tpu.memory_space<vmem>>
        %dma_start3A_747 = tpu.memref_squeeze %dma_start3A_746 : memref<1x1x128xi32, #tpu.memory_space<vmem>> -> memref<128xi32, #tpu.memory_space<vmem>>
        %dma_start3A_748 = arith.constant 0 : i32
        %dma_start3A_749 = arith.constant 0 : i32
        %dma_start3A_750 = tpu.memref_slice %arg14[%dma_start3A_748, %dma_start3A_749] : memref<10000x64xf32, #tpu.memory_space<vmem_shared>> -> memref<10000x64xf32, #tpu.memory_space<vmem_shared>>
        tpu.enqueue_indirect_dma source(%dma_start3A_750 : memref<10000x64xf32, #tpu.memory_space<vmem_shared>>) target(%arg11 : memref<128x64xf32, #tpu.memory_space<vmem>>) offsets(%dma_start3A_747 : memref<128xi32, #tpu.memory_space<vmem>>) semaphore(%arg16 : memref<!tpu.dma_semaphore, #tpu.memory_space<semaphore_mem>>)
      } else {
      }
      %mul3A_472 = arith.constant 10 : i32
      %mul3A_473 = arith.muli %add3A_407, %mul3A_472 : i32
      %add3A_474 = arith.constant 2 : i32
      %add3A_475 = arith.addi %mul3A_473, %add3A_474 : i32
      %dma_wait3A_476 = arith.constant 2 : i32
      %dma_wait3A_477 = arith.constant 0 : i32
      %dma_wait3A_478 = arith.constant 0 : i32
      %dma_wait3A_479 = tpu.memref_slice %arg7[%dma_wait3A_476, %dma_wait3A_477, %dma_wait3A_478] : memref<10x2x128xi32, #tpu.memory_space<vmem>> -> memref<1x1x128xi32, #tpu.memory_space<vmem>>
      %dma_wait3A_480 = tpu.memref_squeeze %dma_wait3A_479 : memref<1x1x128xi32, #tpu.memory_space<vmem>> -> memref<128xi32, #tpu.memory_space<vmem>>
      %dma_wait3A_481 = arith.constant 0 : i32
      %dma_wait3A_482 = arith.constant 0 : i32
      %dma_wait3A_483 = tpu.memref_slice %arg14[%dma_wait3A_481, %dma_wait3A_482] : memref<10000x64xf32, #tpu.memory_space<vmem_shared>> -> memref<10000x64xf32, #tpu.memory_space<vmem_shared>>
      tpu.wait_indirect_dma semaphore(%arg16 : memref<!tpu.dma_semaphore, #tpu.memory_space<semaphore_mem>>) src(%dma_wait3A_483 : memref<10000x64xf32, #tpu.memory_space<vmem_shared>>) dst(%arg10 : memref<128x64xf32, #tpu.memory_space<vmem>>)
      %dma_start3A_484 = arith.constant 2 : i32
      %dma_start3A_485 = arith.constant 1 : i32
      %dma_start3A_486 = arith.constant 0 : i32
      %dma_start3A_487 = tpu.memref_slice %arg7[%dma_start3A_484, %dma_start3A_485, %dma_start3A_486] : memref<10x2x128xi32, #tpu.memory_space<vmem>> -> memref<1x1x128xi32, #tpu.memory_space<vmem>>
      %dma_start3A_488 = tpu.memref_squeeze %dma_start3A_487 : memref<1x1x128xi32, #tpu.memory_space<vmem>> -> memref<128xi32, #tpu.memory_space<vmem>>
      %dma_start3A_489 = arith.constant 0 : i32
      %dma_start3A_490 = arith.constant 0 : i32
      %dma_start3A_491 = tpu.memref_slice %arg13[%dma_start3A_489, %dma_start3A_490] : memref<10112x64xf32, #tpu.memory_space<vmem_shared>> -> memref<10112x64xf32, #tpu.memory_space<vmem_shared>>
      tpu.enqueue_indirect_dma source(%arg10 : memref<128x64xf32, #tpu.memory_space<vmem>>) target(%dma_start3A_491 : memref<10112x64xf32, #tpu.memory_space<vmem_shared>>) offsets(%dma_start3A_488 : memref<128xi32, #tpu.memory_space<vmem>>) semaphore(%arg17 : memref<!tpu.dma_semaphore, #tpu.memory_space<semaphore_mem>>) {add = true}
      %ge3A_492 = arith.constant 3 : i32
      %ge3A_493 = arith.cmpi sge, %add3A_475, %ge3A_492 : i32
      %convert_element_type3A_494 = arith.extui %ge3A_493 : i1 to i32
      %cond3A_495 = arith.constant 0 : i32
      %cond3A_496 = arith.cmpi ne, %convert_element_type3A_494, %cond3A_495 : i32
      scf.if %cond3A_496 {
        %dma_wait3A_743 = arith.constant 9 : i32
        %dma_wait3A_744 = arith.constant 1 : i32
        %dma_wait3A_745 = arith.constant 0 : i32
        %dma_wait3A_746 = tpu.memref_slice %arg6[%dma_wait3A_743, %dma_wait3A_744, %dma_wait3A_745] : memref<10x2x128xi32, #tpu.memory_space<vmem>> -> memref<1x1x128xi32, #tpu.memory_space<vmem>>
        %dma_wait3A_747 = tpu.memref_squeeze %dma_wait3A_746 : memref<1x1x128xi32, #tpu.memory_space<vmem>> -> memref<128xi32, #tpu.memory_space<vmem>>
        %dma_wait3A_748 = arith.constant 0 : i32
        %dma_wait3A_749 = arith.constant 0 : i32
        %dma_wait3A_750 = tpu.memref_slice %arg13[%dma_wait3A_748, %dma_wait3A_749] : memref<10112x64xf32, #tpu.memory_space<vmem_shared>> -> memref<10112x64xf32, #tpu.memory_space<vmem_shared>>
        tpu.wait_indirect_dma semaphore(%arg17 : memref<!tpu.dma_semaphore, #tpu.memory_space<semaphore_mem>>) src(%arg12 : memref<128x64xf32, #tpu.memory_space<vmem>>) dst(%dma_wait3A_750 : memref<10112x64xf32, #tpu.memory_space<vmem_shared>>)
      } else {
      }
      %add3A_497 = arith.constant 2 : i32
      %add3A_498 = arith.addi %add3A_475, %add3A_497 : i32
      %lt3A_499 = arith.constant 320 : i32
      %lt3A_500 = arith.cmpi slt, %add3A_498, %lt3A_499 : i32
      %convert_element_type3A_501 = arith.extui %lt3A_500 : i1 to i32
      %cond3A_502 = arith.constant 0 : i32
      %cond3A_503 = arith.cmpi ne, %convert_element_type3A_501, %cond3A_502 : i32
      scf.if %cond3A_503 {
        %dma_start3A_743 = arith.constant 4 : i32
        %dma_start3A_744 = arith.constant 0 : i32
        %dma_start3A_745 = arith.constant 0 : i32
        %dma_start3A_746 = tpu.memref_slice %arg7[%dma_start3A_743, %dma_start3A_744, %dma_start3A_745] : memref<10x2x128xi32, #tpu.memory_space<vmem>> -> memref<1x1x128xi32, #tpu.memory_space<vmem>>
        %dma_start3A_747 = tpu.memref_squeeze %dma_start3A_746 : memref<1x1x128xi32, #tpu.memory_space<vmem>> -> memref<128xi32, #tpu.memory_space<vmem>>
        %dma_start3A_748 = arith.constant 0 : i32
        %dma_start3A_749 = arith.constant 0 : i32
        %dma_start3A_750 = tpu.memref_slice %arg14[%dma_start3A_748, %dma_start3A_749] : memref<10000x64xf32, #tpu.memory_space<vmem_shared>> -> memref<10000x64xf32, #tpu.memory_space<vmem_shared>>
        tpu.enqueue_indirect_dma source(%dma_start3A_750 : memref<10000x64xf32, #tpu.memory_space<vmem_shared>>) target(%arg12 : memref<128x64xf32, #tpu.memory_space<vmem>>) offsets(%dma_start3A_747 : memref<128xi32, #tpu.memory_space<vmem>>) semaphore(%arg16 : memref<!tpu.dma_semaphore, #tpu.memory_space<semaphore_mem>>)
      } else {
      }
      %mul3A_504 = arith.constant 10 : i32
      %mul3A_505 = arith.muli %add3A_407, %mul3A_504 : i32
      %add3A_506 = arith.constant 3 : i32
      %add3A_507 = arith.addi %mul3A_505, %add3A_506 : i32
      %dma_wait3A_508 = arith.constant 3 : i32
      %dma_wait3A_509 = arith.constant 0 : i32
      %dma_wait3A_510 = arith.constant 0 : i32
      %dma_wait3A_511 = tpu.memref_slice %arg7[%dma_wait3A_508, %dma_wait3A_509, %dma_wait3A_510] : memref<10x2x128xi32, #tpu.memory_space<vmem>> -> memref<1x1x128xi32, #tpu.memory_space<vmem>>
      %dma_wait3A_512 = tpu.memref_squeeze %dma_wait3A_511 : memref<1x1x128xi32, #tpu.memory_space<vmem>> -> memref<128xi32, #tpu.memory_space<vmem>>
      %dma_wait3A_513 = arith.constant 0 : i32
      %dma_wait3A_514 = arith.constant 0 : i32
      %dma_wait3A_515 = tpu.memref_slice %arg14[%dma_wait3A_513, %dma_wait3A_514] : memref<10000x64xf32, #tpu.memory_space<vmem_shared>> -> memref<10000x64xf32, #tpu.memory_space<vmem_shared>>
      tpu.wait_indirect_dma semaphore(%arg16 : memref<!tpu.dma_semaphore, #tpu.memory_space<semaphore_mem>>) src(%dma_wait3A_515 : memref<10000x64xf32, #tpu.memory_space<vmem_shared>>) dst(%arg11 : memref<128x64xf32, #tpu.memory_space<vmem>>)
      %dma_start3A_516 = arith.constant 3 : i32
      %dma_start3A_517 = arith.constant 1 : i32
      %dma_start3A_518 = arith.constant 0 : i32
      %dma_start3A_519 = tpu.memref_slice %arg7[%dma_start3A_516, %dma_start3A_517, %dma_start3A_518] : memref<10x2x128xi32, #tpu.memory_space<vmem>> -> memref<1x1x128xi32, #tpu.memory_space<vmem>>
      %dma_start3A_520 = tpu.memref_squeeze %dma_start3A_519 : memref<1x1x128xi32, #tpu.memory_space<vmem>> -> memref<128xi32, #tpu.memory_space<vmem>>
      %dma_start3A_521 = arith.constant 0 : i32
      %dma_start3A_522 = arith.constant 0 : i32
      %dma_start3A_523 = tpu.memref_slice %arg13[%dma_start3A_521, %dma_start3A_522] : memref<10112x64xf32, #tpu.memory_space<vmem_shared>> -> memref<10112x64xf32, #tpu.memory_space<vmem_shared>>
      tpu.enqueue_indirect_dma source(%arg11 : memref<128x64xf32, #tpu.memory_space<vmem>>) target(%dma_start3A_523 : memref<10112x64xf32, #tpu.memory_space<vmem_shared>>) offsets(%dma_start3A_520 : memref<128xi32, #tpu.memory_space<vmem>>) semaphore(%arg17 : memref<!tpu.dma_semaphore, #tpu.memory_space<semaphore_mem>>) {add = true}
      %ge3A_524 = arith.constant 3 : i32
      %ge3A_525 = arith.cmpi sge, %add3A_507, %ge3A_524 : i32
      %convert_element_type3A_526 = arith.extui %ge3A_525 : i1 to i32
      %cond3A_527 = arith.constant 0 : i32
      %cond3A_528 = arith.cmpi ne, %convert_element_type3A_526, %cond3A_527 : i32
      scf.if %cond3A_528 {
        %dma_wait3A_743 = arith.constant 0 : i32
        %dma_wait3A_744 = arith.constant 1 : i32
        %dma_wait3A_745 = arith.constant 0 : i32
        %dma_wait3A_746 = tpu.memref_slice %arg7[%dma_wait3A_743, %dma_wait3A_744, %dma_wait3A_745] : memref<10x2x128xi32, #tpu.memory_space<vmem>> -> memref<1x1x128xi32, #tpu.memory_space<vmem>>
        %dma_wait3A_747 = tpu.memref_squeeze %dma_wait3A_746 : memref<1x1x128xi32, #tpu.memory_space<vmem>> -> memref<128xi32, #tpu.memory_space<vmem>>
        %dma_wait3A_748 = arith.constant 0 : i32
        %dma_wait3A_749 = arith.constant 0 : i32
        %dma_wait3A_750 = tpu.memref_slice %arg13[%dma_wait3A_748, %dma_wait3A_749] : memref<10112x64xf32, #tpu.memory_space<vmem_shared>> -> memref<10112x64xf32, #tpu.memory_space<vmem_shared>>
        tpu.wait_indirect_dma semaphore(%arg17 : memref<!tpu.dma_semaphore, #tpu.memory_space<semaphore_mem>>) src(%arg8 : memref<128x64xf32, #tpu.memory_space<vmem>>) dst(%dma_wait3A_750 : memref<10112x64xf32, #tpu.memory_space<vmem_shared>>)
      } else {
      }
      %add3A_529 = arith.constant 1 : i32
      %add3A_530 = arith.addi %add3A_407, %add3A_529 : i32
      %lt3A_531 = arith.constant 32 : i32
      %lt3A_532 = arith.cmpi slt, %add3A_530, %lt3A_531 : i32
      %convert_element_type3A_533 = arith.extui %lt3A_532 : i1 to i32
      %cond3A_534 = arith.constant 0 : i32
      %cond3A_535 = arith.cmpi ne, %convert_element_type3A_533, %cond3A_534 : i32
      scf.if %cond3A_535 {
        %add3A_743 = arith.constant 1 : i32
        %add3A_744 = arith.addi %add3A_407, %add3A_743 : i32
        %mul3A_745 = arith.constant 10 : i32
        %mul3A_746 = arith.muli %add3A_744, %mul3A_745 : i32
        %add3A_747 = arith.addi %mul3A_2, %mul3A_746 : i32
        %dma_start3A_748 = arith.constant 0 : i32
        %dma_start3A_749 = arith.constant 0 : i32
        %dma_start3A_750 = tpu.memref_slice %arg3[%add3A_747, %dma_start3A_748, %dma_start3A_749] : memref<5120x2x128xi32, #tpu.memory_space<hbm>> -> memref<10x2x128xi32, #tpu.memory_space<hbm>>
        %dma_start3A_751 = arith.constant 0 : i32
        %dma_start3A_752 = arith.constant 0 : i32
        %dma_start3A_753 = tpu.memref_slice %arg3[%add3A_747, %dma_start3A_751, %dma_start3A_752] : memref<5120x2x128xi32, #tpu.memory_space<hbm>> -> memref<10x2x128xi32, #tpu.memory_space<hbm>>
        tpu.enqueue_dma source(%dma_start3A_753 : memref<10x2x128xi32, #tpu.memory_space<hbm>>) target(%arg6 : memref<10x2x128xi32, #tpu.memory_space<vmem>>) target_semaphore(%arg15 : memref<!tpu.dma_semaphore, #tpu.memory_space<semaphore_mem>>)
      } else {
      }
      %add3A_536 = arith.constant 2 : i32
      %add3A_537 = arith.addi %add3A_507, %add3A_536 : i32
      %lt3A_538 = arith.constant 320 : i32
      %lt3A_539 = arith.cmpi slt, %add3A_537, %lt3A_538 : i32
      %convert_element_type3A_540 = arith.extui %lt3A_539 : i1 to i32
      %cond3A_541 = arith.constant 0 : i32
      %cond3A_542 = arith.cmpi ne, %convert_element_type3A_540, %cond3A_541 : i32
      scf.if %cond3A_542 {
        %dma_start3A_743 = arith.constant 5 : i32
        %dma_start3A_744 = arith.constant 0 : i32
        %dma_start3A_745 = arith.constant 0 : i32
        %dma_start3A_746 = tpu.memref_slice %arg7[%dma_start3A_743, %dma_start3A_744, %dma_start3A_745] : memref<10x2x128xi32, #tpu.memory_space<vmem>> -> memref<1x1x128xi32, #tpu.memory_space<vmem>>
        %dma_start3A_747 = tpu.memref_squeeze %dma_start3A_746 : memref<1x1x128xi32, #tpu.memory_space<vmem>> -> memref<128xi32, #tpu.memory_space<vmem>>
        %dma_start3A_748 = arith.constant 0 : i32
        %dma_start3A_749 = arith.constant 0 : i32
        %dma_start3A_750 = tpu.memref_slice %arg14[%dma_start3A_748, %dma_start3A_749] : memref<10000x64xf32, #tpu.memory_space<vmem_shared>> -> memref<10000x64xf32, #tpu.memory_space<vmem_shared>>
        tpu.enqueue_indirect_dma source(%dma_start3A_750 : memref<10000x64xf32, #tpu.memory_space<vmem_shared>>) target(%arg8 : memref<128x64xf32, #tpu.memory_space<vmem>>) offsets(%dma_start3A_747 : memref<128xi32, #tpu.memory_space<vmem>>) semaphore(%arg16 : memref<!tpu.dma_semaphore, #tpu.memory_space<semaphore_mem>>)
      } else {
      }
      %mul3A_543 = arith.constant 10 : i32
      %mul3A_544 = arith.muli %add3A_407, %mul3A_543 : i32
      %add3A_545 = arith.constant 4 : i32
      %add3A_546 = arith.addi %mul3A_544, %add3A_545 : i32
      %dma_wait3A_547 = arith.constant 4 : i32
      %dma_wait3A_548 = arith.constant 0 : i32
      %dma_wait3A_549 = arith.constant 0 : i32
      %dma_wait3A_550 = tpu.memref_slice %arg7[%dma_wait3A_547, %dma_wait3A_548, %dma_wait3A_549] : memref<10x2x128xi32, #tpu.memory_space<vmem>> -> memref<1x1x128xi32, #tpu.memory_space<vmem>>
      %dma_wait3A_551 = tpu.memref_squeeze %dma_wait3A_550 : memref<1x1x128xi32, #tpu.memory_space<vmem>> -> memref<128xi32, #tpu.memory_space<vmem>>
      %dma_wait3A_552 = arith.constant 0 : i32
      %dma_wait3A_553 = arith.constant 0 : i32
      %dma_wait3A_554 = tpu.memref_slice %arg14[%dma_wait3A_552, %dma_wait3A_553] : memref<10000x64xf32, #tpu.memory_space<vmem_shared>> -> memref<10000x64xf32, #tpu.memory_space<vmem_shared>>
      tpu.wait_indirect_dma semaphore(%arg16 : memref<!tpu.dma_semaphore, #tpu.memory_space<semaphore_mem>>) src(%dma_wait3A_554 : memref<10000x64xf32, #tpu.memory_space<vmem_shared>>) dst(%arg12 : memref<128x64xf32, #tpu.memory_space<vmem>>)
      %dma_start3A_555 = arith.constant 4 : i32
      %dma_start3A_556 = arith.constant 1 : i32
      %dma_start3A_557 = arith.constant 0 : i32
      %dma_start3A_558 = tpu.memref_slice %arg7[%dma_start3A_555, %dma_start3A_556, %dma_start3A_557] : memref<10x2x128xi32, #tpu.memory_space<vmem>> -> memref<1x1x128xi32, #tpu.memory_space<vmem>>
      %dma_start3A_559 = tpu.memref_squeeze %dma_start3A_558 : memref<1x1x128xi32, #tpu.memory_space<vmem>> -> memref<128xi32, #tpu.memory_space<vmem>>
      %dma_start3A_560 = arith.constant 0 : i32
      %dma_start3A_561 = arith.constant 0 : i32
      %dma_start3A_562 = tpu.memref_slice %arg13[%dma_start3A_560, %dma_start3A_561] : memref<10112x64xf32, #tpu.memory_space<vmem_shared>> -> memref<10112x64xf32, #tpu.memory_space<vmem_shared>>
      tpu.enqueue_indirect_dma source(%arg12 : memref<128x64xf32, #tpu.memory_space<vmem>>) target(%dma_start3A_562 : memref<10112x64xf32, #tpu.memory_space<vmem_shared>>) offsets(%dma_start3A_559 : memref<128xi32, #tpu.memory_space<vmem>>) semaphore(%arg17 : memref<!tpu.dma_semaphore, #tpu.memory_space<semaphore_mem>>) {add = true}
      %ge3A_563 = arith.constant 3 : i32
      %ge3A_564 = arith.cmpi sge, %add3A_546, %ge3A_563 : i32
      %convert_element_type3A_565 = arith.extui %ge3A_564 : i1 to i32
      %cond3A_566 = arith.constant 0 : i32
      %cond3A_567 = arith.cmpi ne, %convert_element_type3A_565, %cond3A_566 : i32
      scf.if %cond3A_567 {
        %dma_wait3A_743 = arith.constant 1 : i32
        %dma_wait3A_744 = arith.constant 1 : i32
        %dma_wait3A_745 = arith.constant 0 : i32
        %dma_wait3A_746 = tpu.memref_slice %arg7[%dma_wait3A_743, %dma_wait3A_744, %dma_wait3A_745] : memref<10x2x128xi32, #tpu.memory_space<vmem>> -> memref<1x1x128xi32, #tpu.memory_space<vmem>>
        %dma_wait3A_747 = tpu.memref_squeeze %dma_wait3A_746 : memref<1x1x128xi32, #tpu.memory_space<vmem>> -> memref<128xi32, #tpu.memory_space<vmem>>
        %dma_wait3A_748 = arith.constant 0 : i32
        %dma_wait3A_749 = arith.constant 0 : i32
        %dma_wait3A_750 = tpu.memref_slice %arg13[%dma_wait3A_748, %dma_wait3A_749] : memref<10112x64xf32, #tpu.memory_space<vmem_shared>> -> memref<10112x64xf32, #tpu.memory_space<vmem_shared>>
        tpu.wait_indirect_dma semaphore(%arg17 : memref<!tpu.dma_semaphore, #tpu.memory_space<semaphore_mem>>) src(%arg9 : memref<128x64xf32, #tpu.memory_space<vmem>>) dst(%dma_wait3A_750 : memref<10112x64xf32, #tpu.memory_space<vmem_shared>>)
      } else {
      }
      %add3A_568 = arith.constant 2 : i32
      %add3A_569 = arith.addi %add3A_546, %add3A_568 : i32
      %lt3A_570 = arith.constant 320 : i32
      %lt3A_571 = arith.cmpi slt, %add3A_569, %lt3A_570 : i32
      %convert_element_type3A_572 = arith.extui %lt3A_571 : i1 to i32
      %cond3A_573 = arith.constant 0 : i32
      %cond3A_574 = arith.cmpi ne, %convert_element_type3A_572, %cond3A_573 : i32
      scf.if %cond3A_574 {
        %dma_start3A_743 = arith.constant 6 : i32
        %dma_start3A_744 = arith.constant 0 : i32
        %dma_start3A_745 = arith.constant 0 : i32
        %dma_start3A_746 = tpu.memref_slice %arg7[%dma_start3A_743, %dma_start3A_744, %dma_start3A_745] : memref<10x2x128xi32, #tpu.memory_space<vmem>> -> memref<1x1x128xi32, #tpu.memory_space<vmem>>
        %dma_start3A_747 = tpu.memref_squeeze %dma_start3A_746 : memref<1x1x128xi32, #tpu.memory_space<vmem>> -> memref<128xi32, #tpu.memory_space<vmem>>
        %dma_start3A_748 = arith.constant 0 : i32
        %dma_start3A_749 = arith.constant 0 : i32
        %dma_start3A_750 = tpu.memref_slice %arg14[%dma_start3A_748, %dma_start3A_749] : memref<10000x64xf32, #tpu.memory_space<vmem_shared>> -> memref<10000x64xf32, #tpu.memory_space<vmem_shared>>
        tpu.enqueue_indirect_dma source(%dma_start3A_750 : memref<10000x64xf32, #tpu.memory_space<vmem_shared>>) target(%arg9 : memref<128x64xf32, #tpu.memory_space<vmem>>) offsets(%dma_start3A_747 : memref<128xi32, #tpu.memory_space<vmem>>) semaphore(%arg16 : memref<!tpu.dma_semaphore, #tpu.memory_space<semaphore_mem>>)
      } else {
      }
      %mul3A_575 = arith.constant 10 : i32
      %mul3A_576 = arith.muli %add3A_407, %mul3A_575 : i32
      %add3A_577 = arith.constant 5 : i32
      %add3A_578 = arith.addi %mul3A_576, %add3A_577 : i32
      %dma_wait3A_579 = arith.constant 5 : i32
      %dma_wait3A_580 = arith.constant 0 : i32
      %dma_wait3A_581 = arith.constant 0 : i32
      %dma_wait3A_582 = tpu.memref_slice %arg7[%dma_wait3A_579, %dma_wait3A_580, %dma_wait3A_581] : memref<10x2x128xi32, #tpu.memory_space<vmem>> -> memref<1x1x128xi32, #tpu.memory_space<vmem>>
      %dma_wait3A_583 = tpu.memref_squeeze %dma_wait3A_582 : memref<1x1x128xi32, #tpu.memory_space<vmem>> -> memref<128xi32, #tpu.memory_space<vmem>>
      %dma_wait3A_584 = arith.constant 0 : i32
      %dma_wait3A_585 = arith.constant 0 : i32
      %dma_wait3A_586 = tpu.memref_slice %arg14[%dma_wait3A_584, %dma_wait3A_585] : memref<10000x64xf32, #tpu.memory_space<vmem_shared>> -> memref<10000x64xf32, #tpu.memory_space<vmem_shared>>
      tpu.wait_indirect_dma semaphore(%arg16 : memref<!tpu.dma_semaphore, #tpu.memory_space<semaphore_mem>>) src(%dma_wait3A_586 : memref<10000x64xf32, #tpu.memory_space<vmem_shared>>) dst(%arg8 : memref<128x64xf32, #tpu.memory_space<vmem>>)
      %dma_start3A_587 = arith.constant 5 : i32
      %dma_start3A_588 = arith.constant 1 : i32
      %dma_start3A_589 = arith.constant 0 : i32
      %dma_start3A_590 = tpu.memref_slice %arg7[%dma_start3A_587, %dma_start3A_588, %dma_start3A_589] : memref<10x2x128xi32, #tpu.memory_space<vmem>> -> memref<1x1x128xi32, #tpu.memory_space<vmem>>
      %dma_start3A_591 = tpu.memref_squeeze %dma_start3A_590 : memref<1x1x128xi32, #tpu.memory_space<vmem>> -> memref<128xi32, #tpu.memory_space<vmem>>
      %dma_start3A_592 = arith.constant 0 : i32
      %dma_start3A_593 = arith.constant 0 : i32
      %dma_start3A_594 = tpu.memref_slice %arg13[%dma_start3A_592, %dma_start3A_593] : memref<10112x64xf32, #tpu.memory_space<vmem_shared>> -> memref<10112x64xf32, #tpu.memory_space<vmem_shared>>
      tpu.enqueue_indirect_dma source(%arg8 : memref<128x64xf32, #tpu.memory_space<vmem>>) target(%dma_start3A_594 : memref<10112x64xf32, #tpu.memory_space<vmem_shared>>) offsets(%dma_start3A_591 : memref<128xi32, #tpu.memory_space<vmem>>) semaphore(%arg17 : memref<!tpu.dma_semaphore, #tpu.memory_space<semaphore_mem>>) {add = true}
      %ge3A_595 = arith.constant 3 : i32
      %ge3A_596 = arith.cmpi sge, %add3A_578, %ge3A_595 : i32
      %convert_element_type3A_597 = arith.extui %ge3A_596 : i1 to i32
      %cond3A_598 = arith.constant 0 : i32
      %cond3A_599 = arith.cmpi ne, %convert_element_type3A_597, %cond3A_598 : i32
      scf.if %cond3A_599 {
        %dma_wait3A_743 = arith.constant 2 : i32
        %dma_wait3A_744 = arith.constant 1 : i32
        %dma_wait3A_745 = arith.constant 0 : i32
        %dma_wait3A_746 = tpu.memref_slice %arg7[%dma_wait3A_743, %dma_wait3A_744, %dma_wait3A_745] : memref<10x2x128xi32, #tpu.memory_space<vmem>> -> memref<1x1x128xi32, #tpu.memory_space<vmem>>
        %dma_wait3A_747 = tpu.memref_squeeze %dma_wait3A_746 : memref<1x1x128xi32, #tpu.memory_space<vmem>> -> memref<128xi32, #tpu.memory_space<vmem>>
        %dma_wait3A_748 = arith.constant 0 : i32
        %dma_wait3A_749 = arith.constant 0 : i32
        %dma_wait3A_750 = tpu.memref_slice %arg13[%dma_wait3A_748, %dma_wait3A_749] : memref<10112x64xf32, #tpu.memory_space<vmem_shared>> -> memref<10112x64xf32, #tpu.memory_space<vmem_shared>>
        tpu.wait_indirect_dma semaphore(%arg17 : memref<!tpu.dma_semaphore, #tpu.memory_space<semaphore_mem>>) src(%arg10 : memref<128x64xf32, #tpu.memory_space<vmem>>) dst(%dma_wait3A_750 : memref<10112x64xf32, #tpu.memory_space<vmem_shared>>)
      } else {
      }
      %add3A_600 = arith.constant 2 : i32
      %add3A_601 = arith.addi %add3A_578, %add3A_600 : i32
      %lt3A_602 = arith.constant 320 : i32
      %lt3A_603 = arith.cmpi slt, %add3A_601, %lt3A_602 : i32
      %convert_element_type3A_604 = arith.extui %lt3A_603 : i1 to i32
      %cond3A_605 = arith.constant 0 : i32
      %cond3A_606 = arith.cmpi ne, %convert_element_type3A_604, %cond3A_605 : i32
      scf.if %cond3A_606 {
        %dma_start3A_743 = arith.constant 7 : i32
        %dma_start3A_744 = arith.constant 0 : i32
        %dma_start3A_745 = arith.constant 0 : i32
        %dma_start3A_746 = tpu.memref_slice %arg7[%dma_start3A_743, %dma_start3A_744, %dma_start3A_745] : memref<10x2x128xi32, #tpu.memory_space<vmem>> -> memref<1x1x128xi32, #tpu.memory_space<vmem>>
        %dma_start3A_747 = tpu.memref_squeeze %dma_start3A_746 : memref<1x1x128xi32, #tpu.memory_space<vmem>> -> memref<128xi32, #tpu.memory_space<vmem>>
        %dma_start3A_748 = arith.constant 0 : i32
        %dma_start3A_749 = arith.constant 0 : i32
        %dma_start3A_750 = tpu.memref_slice %arg14[%dma_start3A_748, %dma_start3A_749] : memref<10000x64xf32, #tpu.memory_space<vmem_shared>> -> memref<10000x64xf32, #tpu.memory_space<vmem_shared>>
        tpu.enqueue_indirect_dma source(%dma_start3A_750 : memref<10000x64xf32, #tpu.memory_space<vmem_shared>>) target(%arg10 : memref<128x64xf32, #tpu.memory_space<vmem>>) offsets(%dma_start3A_747 : memref<128xi32, #tpu.memory_space<vmem>>) semaphore(%arg16 : memref<!tpu.dma_semaphore, #tpu.memory_space<semaphore_mem>>)
      } else {
      }
      %mul3A_607 = arith.constant 10 : i32
      %mul3A_608 = arith.muli %add3A_407, %mul3A_607 : i32
      %add3A_609 = arith.constant 6 : i32
      %add3A_610 = arith.addi %mul3A_608, %add3A_609 : i32
      %dma_wait3A_611 = arith.constant 6 : i32
      %dma_wait3A_612 = arith.constant 0 : i32
      %dma_wait3A_613 = arith.constant 0 : i32
      %dma_wait3A_614 = tpu.memref_slice %arg7[%dma_wait3A_611, %dma_wait3A_612, %dma_wait3A_613] : memref<10x2x128xi32, #tpu.memory_space<vmem>> -> memref<1x1x128xi32, #tpu.memory_space<vmem>>
      %dma_wait3A_615 = tpu.memref_squeeze %dma_wait3A_614 : memref<1x1x128xi32, #tpu.memory_space<vmem>> -> memref<128xi32, #tpu.memory_space<vmem>>
      %dma_wait3A_616 = arith.constant 0 : i32
      %dma_wait3A_617 = arith.constant 0 : i32
      %dma_wait3A_618 = tpu.memref_slice %arg14[%dma_wait3A_616, %dma_wait3A_617] : memref<10000x64xf32, #tpu.memory_space<vmem_shared>> -> memref<10000x64xf32, #tpu.memory_space<vmem_shared>>
      tpu.wait_indirect_dma semaphore(%arg16 : memref<!tpu.dma_semaphore, #tpu.memory_space<semaphore_mem>>) src(%dma_wait3A_618 : memref<10000x64xf32, #tpu.memory_space<vmem_shared>>) dst(%arg9 : memref<128x64xf32, #tpu.memory_space<vmem>>)
      %dma_start3A_619 = arith.constant 6 : i32
      %dma_start3A_620 = arith.constant 1 : i32
      %dma_start3A_621 = arith.constant 0 : i32
      %dma_start3A_622 = tpu.memref_slice %arg7[%dma_start3A_619, %dma_start3A_620, %dma_start3A_621] : memref<10x2x128xi32, #tpu.memory_space<vmem>> -> memref<1x1x128xi32, #tpu.memory_space<vmem>>
      %dma_start3A_623 = tpu.memref_squeeze %dma_start3A_622 : memref<1x1x128xi32, #tpu.memory_space<vmem>> -> memref<128xi32, #tpu.memory_space<vmem>>
      %dma_start3A_624 = arith.constant 0 : i32
      %dma_start3A_625 = arith.constant 0 : i32
      %dma_start3A_626 = tpu.memref_slice %arg13[%dma_start3A_624, %dma_start3A_625] : memref<10112x64xf32, #tpu.memory_space<vmem_shared>> -> memref<10112x64xf32, #tpu.memory_space<vmem_shared>>
      tpu.enqueue_indirect_dma source(%arg9 : memref<128x64xf32, #tpu.memory_space<vmem>>) target(%dma_start3A_626 : memref<10112x64xf32, #tpu.memory_space<vmem_shared>>) offsets(%dma_start3A_623 : memref<128xi32, #tpu.memory_space<vmem>>) semaphore(%arg17 : memref<!tpu.dma_semaphore, #tpu.memory_space<semaphore_mem>>) {add = true}
      %ge3A_627 = arith.constant 3 : i32
      %ge3A_628 = arith.cmpi sge, %add3A_610, %ge3A_627 : i32
      %convert_element_type3A_629 = arith.extui %ge3A_628 : i1 to i32
      %cond3A_630 = arith.constant 0 : i32
      %cond3A_631 = arith.cmpi ne, %convert_element_type3A_629, %cond3A_630 : i32
      scf.if %cond3A_631 {
        %dma_wait3A_743 = arith.constant 3 : i32
        %dma_wait3A_744 = arith.constant 1 : i32
        %dma_wait3A_745 = arith.constant 0 : i32
        %dma_wait3A_746 = tpu.memref_slice %arg7[%dma_wait3A_743, %dma_wait3A_744, %dma_wait3A_745] : memref<10x2x128xi32, #tpu.memory_space<vmem>> -> memref<1x1x128xi32, #tpu.memory_space<vmem>>
        %dma_wait3A_747 = tpu.memref_squeeze %dma_wait3A_746 : memref<1x1x128xi32, #tpu.memory_space<vmem>> -> memref<128xi32, #tpu.memory_space<vmem>>
        %dma_wait3A_748 = arith.constant 0 : i32
        %dma_wait3A_749 = arith.constant 0 : i32
        %dma_wait3A_750 = tpu.memref_slice %arg13[%dma_wait3A_748, %dma_wait3A_749] : memref<10112x64xf32, #tpu.memory_space<vmem_shared>> -> memref<10112x64xf32, #tpu.memory_space<vmem_shared>>
        tpu.wait_indirect_dma semaphore(%arg17 : memref<!tpu.dma_semaphore, #tpu.memory_space<semaphore_mem>>) src(%arg11 : memref<128x64xf32, #tpu.memory_space<vmem>>) dst(%dma_wait3A_750 : memref<10112x64xf32, #tpu.memory_space<vmem_shared>>)
      } else {
      }
      %add3A_632 = arith.constant 2 : i32
      %add3A_633 = arith.addi %add3A_610, %add3A_632 : i32
      %lt3A_634 = arith.constant 320 : i32
      %lt3A_635 = arith.cmpi slt, %add3A_633, %lt3A_634 : i32
      %convert_element_type3A_636 = arith.extui %lt3A_635 : i1 to i32
      %cond3A_637 = arith.constant 0 : i32
      %cond3A_638 = arith.cmpi ne, %convert_element_type3A_636, %cond3A_637 : i32
      scf.if %cond3A_638 {
        %dma_start3A_743 = arith.constant 8 : i32
        %dma_start3A_744 = arith.constant 0 : i32
        %dma_start3A_745 = arith.constant 0 : i32
        %dma_start3A_746 = tpu.memref_slice %arg7[%dma_start3A_743, %dma_start3A_744, %dma_start3A_745] : memref<10x2x128xi32, #tpu.memory_space<vmem>> -> memref<1x1x128xi32, #tpu.memory_space<vmem>>
        %dma_start3A_747 = tpu.memref_squeeze %dma_start3A_746 : memref<1x1x128xi32, #tpu.memory_space<vmem>> -> memref<128xi32, #tpu.memory_space<vmem>>
        %dma_start3A_748 = arith.constant 0 : i32
        %dma_start3A_749 = arith.constant 0 : i32
        %dma_start3A_750 = tpu.memref_slice %arg14[%dma_start3A_748, %dma_start3A_749] : memref<10000x64xf32, #tpu.memory_space<vmem_shared>> -> memref<10000x64xf32, #tpu.memory_space<vmem_shared>>
        tpu.enqueue_indirect_dma source(%dma_start3A_750 : memref<10000x64xf32, #tpu.memory_space<vmem_shared>>) target(%arg11 : memref<128x64xf32, #tpu.memory_space<vmem>>) offsets(%dma_start3A_747 : memref<128xi32, #tpu.memory_space<vmem>>) semaphore(%arg16 : memref<!tpu.dma_semaphore, #tpu.memory_space<semaphore_mem>>)
      } else {
      }
      %mul3A_639 = arith.constant 10 : i32
      %mul3A_640 = arith.muli %add3A_407, %mul3A_639 : i32
      %add3A_641 = arith.constant 7 : i32
      %add3A_642 = arith.addi %mul3A_640, %add3A_641 : i32
      %dma_wait3A_643 = arith.constant 7 : i32
      %dma_wait3A_644 = arith.constant 0 : i32
      %dma_wait3A_645 = arith.constant 0 : i32
      %dma_wait3A_646 = tpu.memref_slice %arg7[%dma_wait3A_643, %dma_wait3A_644, %dma_wait3A_645] : memref<10x2x128xi32, #tpu.memory_space<vmem>> -> memref<1x1x128xi32, #tpu.memory_space<vmem>>
      %dma_wait3A_647 = tpu.memref_squeeze %dma_wait3A_646 : memref<1x1x128xi32, #tpu.memory_space<vmem>> -> memref<128xi32, #tpu.memory_space<vmem>>
      %dma_wait3A_648 = arith.constant 0 : i32
      %dma_wait3A_649 = arith.constant 0 : i32
      %dma_wait3A_650 = tpu.memref_slice %arg14[%dma_wait3A_648, %dma_wait3A_649] : memref<10000x64xf32, #tpu.memory_space<vmem_shared>> -> memref<10000x64xf32, #tpu.memory_space<vmem_shared>>
      tpu.wait_indirect_dma semaphore(%arg16 : memref<!tpu.dma_semaphore, #tpu.memory_space<semaphore_mem>>) src(%dma_wait3A_650 : memref<10000x64xf32, #tpu.memory_space<vmem_shared>>) dst(%arg10 : memref<128x64xf32, #tpu.memory_space<vmem>>)
      %dma_start3A_651 = arith.constant 7 : i32
      %dma_start3A_652 = arith.constant 1 : i32
      %dma_start3A_653 = arith.constant 0 : i32
      %dma_start3A_654 = tpu.memref_slice %arg7[%dma_start3A_651, %dma_start3A_652, %dma_start3A_653] : memref<10x2x128xi32, #tpu.memory_space<vmem>> -> memref<1x1x128xi32, #tpu.memory_space<vmem>>
      %dma_start3A_655 = tpu.memref_squeeze %dma_start3A_654 : memref<1x1x128xi32, #tpu.memory_space<vmem>> -> memref<128xi32, #tpu.memory_space<vmem>>
      %dma_start3A_656 = arith.constant 0 : i32
      %dma_start3A_657 = arith.constant 0 : i32
      %dma_start3A_658 = tpu.memref_slice %arg13[%dma_start3A_656, %dma_start3A_657] : memref<10112x64xf32, #tpu.memory_space<vmem_shared>> -> memref<10112x64xf32, #tpu.memory_space<vmem_shared>>
      tpu.enqueue_indirect_dma source(%arg10 : memref<128x64xf32, #tpu.memory_space<vmem>>) target(%dma_start3A_658 : memref<10112x64xf32, #tpu.memory_space<vmem_shared>>) offsets(%dma_start3A_655 : memref<128xi32, #tpu.memory_space<vmem>>) semaphore(%arg17 : memref<!tpu.dma_semaphore, #tpu.memory_space<semaphore_mem>>) {add = true}
      %ge3A_659 = arith.constant 3 : i32
      %ge3A_660 = arith.cmpi sge, %add3A_642, %ge3A_659 : i32
      %convert_element_type3A_661 = arith.extui %ge3A_660 : i1 to i32
      %cond3A_662 = arith.constant 0 : i32
      %cond3A_663 = arith.cmpi ne, %convert_element_type3A_661, %cond3A_662 : i32
      scf.if %cond3A_663 {
        %dma_wait3A_743 = arith.constant 4 : i32
        %dma_wait3A_744 = arith.constant 1 : i32
        %dma_wait3A_745 = arith.constant 0 : i32
        %dma_wait3A_746 = tpu.memref_slice %arg7[%dma_wait3A_743, %dma_wait3A_744, %dma_wait3A_745] : memref<10x2x128xi32, #tpu.memory_space<vmem>> -> memref<1x1x128xi32, #tpu.memory_space<vmem>>
        %dma_wait3A_747 = tpu.memref_squeeze %dma_wait3A_746 : memref<1x1x128xi32, #tpu.memory_space<vmem>> -> memref<128xi32, #tpu.memory_space<vmem>>
        %dma_wait3A_748 = arith.constant 0 : i32
        %dma_wait3A_749 = arith.constant 0 : i32
        %dma_wait3A_750 = tpu.memref_slice %arg13[%dma_wait3A_748, %dma_wait3A_749] : memref<10112x64xf32, #tpu.memory_space<vmem_shared>> -> memref<10112x64xf32, #tpu.memory_space<vmem_shared>>
        tpu.wait_indirect_dma semaphore(%arg17 : memref<!tpu.dma_semaphore, #tpu.memory_space<semaphore_mem>>) src(%arg12 : memref<128x64xf32, #tpu.memory_space<vmem>>) dst(%dma_wait3A_750 : memref<10112x64xf32, #tpu.memory_space<vmem_shared>>)
      } else {
      }
      %add3A_664 = arith.constant 2 : i32
      %add3A_665 = arith.addi %add3A_642, %add3A_664 : i32
      %lt3A_666 = arith.constant 320 : i32
      %lt3A_667 = arith.cmpi slt, %add3A_665, %lt3A_666 : i32
      %convert_element_type3A_668 = arith.extui %lt3A_667 : i1 to i32
      %cond3A_669 = arith.constant 0 : i32
      %cond3A_670 = arith.cmpi ne, %convert_element_type3A_668, %cond3A_669 : i32
      scf.if %cond3A_670 {
        %dma_start3A_743 = arith.constant 9 : i32
        %dma_start3A_744 = arith.constant 0 : i32
        %dma_start3A_745 = arith.constant 0 : i32
        %dma_start3A_746 = tpu.memref_slice %arg7[%dma_start3A_743, %dma_start3A_744, %dma_start3A_745] : memref<10x2x128xi32, #tpu.memory_space<vmem>> -> memref<1x1x128xi32, #tpu.memory_space<vmem>>
        %dma_start3A_747 = tpu.memref_squeeze %dma_start3A_746 : memref<1x1x128xi32, #tpu.memory_space<vmem>> -> memref<128xi32, #tpu.memory_space<vmem>>
        %dma_start3A_748 = arith.constant 0 : i32
        %dma_start3A_749 = arith.constant 0 : i32
        %dma_start3A_750 = tpu.memref_slice %arg14[%dma_start3A_748, %dma_start3A_749] : memref<10000x64xf32, #tpu.memory_space<vmem_shared>> -> memref<10000x64xf32, #tpu.memory_space<vmem_shared>>
        tpu.enqueue_indirect_dma source(%dma_start3A_750 : memref<10000x64xf32, #tpu.memory_space<vmem_shared>>) target(%arg12 : memref<128x64xf32, #tpu.memory_space<vmem>>) offsets(%dma_start3A_747 : memref<128xi32, #tpu.memory_space<vmem>>) semaphore(%arg16 : memref<!tpu.dma_semaphore, #tpu.memory_space<semaphore_mem>>)
      } else {
      }
      %mul3A_671 = arith.constant 10 : i32
      %mul3A_672 = arith.muli %add3A_407, %mul3A_671 : i32
      %add3A_673 = arith.constant 8 : i32
      %add3A_674 = arith.addi %mul3A_672, %add3A_673 : i32
      %dma_wait3A_675 = arith.constant 8 : i32
      %dma_wait3A_676 = arith.constant 0 : i32
      %dma_wait3A_677 = arith.constant 0 : i32
      %dma_wait3A_678 = tpu.memref_slice %arg7[%dma_wait3A_675, %dma_wait3A_676, %dma_wait3A_677] : memref<10x2x128xi32, #tpu.memory_space<vmem>> -> memref<1x1x128xi32, #tpu.memory_space<vmem>>
      %dma_wait3A_679 = tpu.memref_squeeze %dma_wait3A_678 : memref<1x1x128xi32, #tpu.memory_space<vmem>> -> memref<128xi32, #tpu.memory_space<vmem>>
      %dma_wait3A_680 = arith.constant 0 : i32
      %dma_wait3A_681 = arith.constant 0 : i32
      %dma_wait3A_682 = tpu.memref_slice %arg14[%dma_wait3A_680, %dma_wait3A_681] : memref<10000x64xf32, #tpu.memory_space<vmem_shared>> -> memref<10000x64xf32, #tpu.memory_space<vmem_shared>>
      tpu.wait_indirect_dma semaphore(%arg16 : memref<!tpu.dma_semaphore, #tpu.memory_space<semaphore_mem>>) src(%dma_wait3A_682 : memref<10000x64xf32, #tpu.memory_space<vmem_shared>>) dst(%arg11 : memref<128x64xf32, #tpu.memory_space<vmem>>)
      %dma_start3A_683 = arith.constant 8 : i32
      %dma_start3A_684 = arith.constant 1 : i32
      %dma_start3A_685 = arith.constant 0 : i32
      %dma_start3A_686 = tpu.memref_slice %arg7[%dma_start3A_683, %dma_start3A_684, %dma_start3A_685] : memref<10x2x128xi32, #tpu.memory_space<vmem>> -> memref<1x1x128xi32, #tpu.memory_space<vmem>>
      %dma_start3A_687 = tpu.memref_squeeze %dma_start3A_686 : memref<1x1x128xi32, #tpu.memory_space<vmem>> -> memref<128xi32, #tpu.memory_space<vmem>>
      %dma_start3A_688 = arith.constant 0 : i32
      %dma_start3A_689 = arith.constant 0 : i32
      %dma_start3A_690 = tpu.memref_slice %arg13[%dma_start3A_688, %dma_start3A_689] : memref<10112x64xf32, #tpu.memory_space<vmem_shared>> -> memref<10112x64xf32, #tpu.memory_space<vmem_shared>>
      tpu.enqueue_indirect_dma source(%arg11 : memref<128x64xf32, #tpu.memory_space<vmem>>) target(%dma_start3A_690 : memref<10112x64xf32, #tpu.memory_space<vmem_shared>>) offsets(%dma_start3A_687 : memref<128xi32, #tpu.memory_space<vmem>>) semaphore(%arg17 : memref<!tpu.dma_semaphore, #tpu.memory_space<semaphore_mem>>) {add = true}
      %ge3A_691 = arith.constant 3 : i32
      %ge3A_692 = arith.cmpi sge, %add3A_674, %ge3A_691 : i32
      %convert_element_type3A_693 = arith.extui %ge3A_692 : i1 to i32
      %cond3A_694 = arith.constant 0 : i32
      %cond3A_695 = arith.cmpi ne, %convert_element_type3A_693, %cond3A_694 : i32
      scf.if %cond3A_695 {
        %dma_wait3A_743 = arith.constant 5 : i32
        %dma_wait3A_744 = arith.constant 1 : i32
        %dma_wait3A_745 = arith.constant 0 : i32
        %dma_wait3A_746 = tpu.memref_slice %arg7[%dma_wait3A_743, %dma_wait3A_744, %dma_wait3A_745] : memref<10x2x128xi32, #tpu.memory_space<vmem>> -> memref<1x1x128xi32, #tpu.memory_space<vmem>>
        %dma_wait3A_747 = tpu.memref_squeeze %dma_wait3A_746 : memref<1x1x128xi32, #tpu.memory_space<vmem>> -> memref<128xi32, #tpu.memory_space<vmem>>
        %dma_wait3A_748 = arith.constant 0 : i32
        %dma_wait3A_749 = arith.constant 0 : i32
        %dma_wait3A_750 = tpu.memref_slice %arg13[%dma_wait3A_748, %dma_wait3A_749] : memref<10112x64xf32, #tpu.memory_space<vmem_shared>> -> memref<10112x64xf32, #tpu.memory_space<vmem_shared>>
        tpu.wait_indirect_dma semaphore(%arg17 : memref<!tpu.dma_semaphore, #tpu.memory_space<semaphore_mem>>) src(%arg8 : memref<128x64xf32, #tpu.memory_space<vmem>>) dst(%dma_wait3A_750 : memref<10112x64xf32, #tpu.memory_space<vmem_shared>>)
      } else {
      }
      %add3A_696 = arith.constant 1 : i32
      %add3A_697 = arith.addi %add3A_407, %add3A_696 : i32
      %lt3A_698 = arith.constant 32 : i32
      %lt3A_699 = arith.cmpi slt, %add3A_697, %lt3A_698 : i32
      %convert_element_type3A_700 = arith.extui %lt3A_699 : i1 to i32
      %cond3A_701 = arith.constant 0 : i32
      %cond3A_702 = arith.cmpi ne, %convert_element_type3A_700, %cond3A_701 : i32
      scf.if %cond3A_702 {
        %add3A_743 = arith.constant 1 : i32
        %add3A_744 = arith.addi %add3A_407, %add3A_743 : i32
        %mul3A_745 = arith.constant 10 : i32
        %mul3A_746 = arith.muli %add3A_744, %mul3A_745 : i32
        %add3A_747 = arith.addi %mul3A_2, %mul3A_746 : i32
        %dma_wait3A_748 = arith.constant 0 : i32
        %dma_wait3A_749 = arith.constant 0 : i32
        %dma_wait3A_750 = tpu.memref_slice %arg3[%add3A_747, %dma_wait3A_748, %dma_wait3A_749] : memref<5120x2x128xi32, #tpu.memory_space<hbm>> -> memref<10x2x128xi32, #tpu.memory_space<hbm>>
        %dma_wait3A_751 = arith.constant 0 : i32
        %dma_wait3A_752 = arith.constant 0 : i32
        %dma_wait3A_753 = tpu.memref_slice %arg3[%add3A_747, %dma_wait3A_751, %dma_wait3A_752] : memref<5120x2x128xi32, #tpu.memory_space<hbm>> -> memref<10x2x128xi32, #tpu.memory_space<hbm>>
        tpu.wait_dma2 semaphore(%arg15 : memref<!tpu.dma_semaphore, #tpu.memory_space<semaphore_mem>>) src(%dma_wait3A_753 : memref<10x2x128xi32, #tpu.memory_space<hbm>>) dst(%arg6 : memref<10x2x128xi32, #tpu.memory_space<vmem>>)
      } else {
      }
      %add3A_703 = arith.constant 2 : i32
      %add3A_704 = arith.addi %add3A_674, %add3A_703 : i32
      %lt3A_705 = arith.constant 320 : i32
      %lt3A_706 = arith.cmpi slt, %add3A_704, %lt3A_705 : i32
      %convert_element_type3A_707 = arith.extui %lt3A_706 : i1 to i32
      %cond3A_708 = arith.constant 0 : i32
      %cond3A_709 = arith.cmpi ne, %convert_element_type3A_707, %cond3A_708 : i32
      scf.if %cond3A_709 {
        %dma_start3A_743 = arith.constant 0 : i32
        %dma_start3A_744 = arith.constant 0 : i32
        %dma_start3A_745 = arith.constant 0 : i32
        %dma_start3A_746 = tpu.memref_slice %arg6[%dma_start3A_743, %dma_start3A_744, %dma_start3A_745] : memref<10x2x128xi32, #tpu.memory_space<vmem>> -> memref<1x1x128xi32, #tpu.memory_space<vmem>>
        %dma_start3A_747 = tpu.memref_squeeze %dma_start3A_746 : memref<1x1x128xi32, #tpu.memory_space<vmem>> -> memref<128xi32, #tpu.memory_space<vmem>>
        %dma_start3A_748 = arith.constant 0 : i32
        %dma_start3A_749 = arith.constant 0 : i32
        %dma_start3A_750 = tpu.memref_slice %arg14[%dma_start3A_748, %dma_start3A_749] : memref<10000x64xf32, #tpu.memory_space<vmem_shared>> -> memref<10000x64xf32, #tpu.memory_space<vmem_shared>>
        tpu.enqueue_indirect_dma source(%dma_start3A_750 : memref<10000x64xf32, #tpu.memory_space<vmem_shared>>) target(%arg8 : memref<128x64xf32, #tpu.memory_space<vmem>>) offsets(%dma_start3A_747 : memref<128xi32, #tpu.memory_space<vmem>>) semaphore(%arg16 : memref<!tpu.dma_semaphore, #tpu.memory_space<semaphore_mem>>)
      } else {
      }
      %mul3A_710 = arith.constant 10 : i32
      %mul3A_711 = arith.muli %add3A_407, %mul3A_710 : i32
      %add3A_712 = arith.constant 9 : i32
      %add3A_713 = arith.addi %mul3A_711, %add3A_712 : i32
      %dma_wait3A_714 = arith.constant 9 : i32
      %dma_wait3A_715 = arith.constant 0 : i32
      %dma_wait3A_716 = arith.constant 0 : i32
      %dma_wait3A_717 = tpu.memref_slice %arg7[%dma_wait3A_714, %dma_wait3A_715, %dma_wait3A_716] : memref<10x2x128xi32, #tpu.memory_space<vmem>> -> memref<1x1x128xi32, #tpu.memory_space<vmem>>
      %dma_wait3A_718 = tpu.memref_squeeze %dma_wait3A_717 : memref<1x1x128xi32, #tpu.memory_space<vmem>> -> memref<128xi32, #tpu.memory_space<vmem>>
      %dma_wait3A_719 = arith.constant 0 : i32
      %dma_wait3A_720 = arith.constant 0 : i32
      %dma_wait3A_721 = tpu.memref_slice %arg14[%dma_wait3A_719, %dma_wait3A_720] : memref<10000x64xf32, #tpu.memory_space<vmem_shared>> -> memref<10000x64xf32, #tpu.memory_space<vmem_shared>>
      tpu.wait_indirect_dma semaphore(%arg16 : memref<!tpu.dma_semaphore, #tpu.memory_space<semaphore_mem>>) src(%dma_wait3A_721 : memref<10000x64xf32, #tpu.memory_space<vmem_shared>>) dst(%arg12 : memref<128x64xf32, #tpu.memory_space<vmem>>)
      %dma_start3A_722 = arith.constant 9 : i32
      %dma_start3A_723 = arith.constant 1 : i32
      %dma_start3A_724 = arith.constant 0 : i32
      %dma_start3A_725 = tpu.memref_slice %arg7[%dma_start3A_722, %dma_start3A_723, %dma_start3A_724] : memref<10x2x128xi32, #tpu.memory_space<vmem>> -> memref<1x1x128xi32, #tpu.memory_space<vmem>>
      %dma_start3A_726 = tpu.memref_squeeze %dma_start3A_725 : memref<1x1x128xi32, #tpu.memory_space<vmem>> -> memref<128xi32, #tpu.memory_space<vmem>>
      %dma_start3A_727 = arith.constant 0 : i32
      %dma_start3A_728 = arith.constant 0 : i32
      %dma_start3A_729 = tpu.memref_slice %arg13[%dma_start3A_727, %dma_start3A_728] : memref<10112x64xf32, #tpu.memory_space<vmem_shared>> -> memref<10112x64xf32, #tpu.memory_space<vmem_shared>>
      tpu.enqueue_indirect_dma source(%arg12 : memref<128x64xf32, #tpu.memory_space<vmem>>) target(%dma_start3A_729 : memref<10112x64xf32, #tpu.memory_space<vmem_shared>>) offsets(%dma_start3A_726 : memref<128xi32, #tpu.memory_space<vmem>>) semaphore(%arg17 : memref<!tpu.dma_semaphore, #tpu.memory_space<semaphore_mem>>) {add = true}
      %ge3A_730 = arith.constant 3 : i32
      %ge3A_731 = arith.cmpi sge, %add3A_713, %ge3A_730 : i32
      %convert_element_type3A_732 = arith.extui %ge3A_731 : i1 to i32
      %cond3A_733 = arith.constant 0 : i32
      %cond3A_734 = arith.cmpi ne, %convert_element_type3A_732, %cond3A_733 : i32
      scf.if %cond3A_734 {
        %dma_wait3A_743 = arith.constant 6 : i32
        %dma_wait3A_744 = arith.constant 1 : i32
        %dma_wait3A_745 = arith.constant 0 : i32
        %dma_wait3A_746 = tpu.memref_slice %arg7[%dma_wait3A_743, %dma_wait3A_744, %dma_wait3A_745] : memref<10x2x128xi32, #tpu.memory_space<vmem>> -> memref<1x1x128xi32, #tpu.memory_space<vmem>>
        %dma_wait3A_747 = tpu.memref_squeeze %dma_wait3A_746 : memref<1x1x128xi32, #tpu.memory_space<vmem>> -> memref<128xi32, #tpu.memory_space<vmem>>
        %dma_wait3A_748 = arith.constant 0 : i32
        %dma_wait3A_749 = arith.constant 0 : i32
        %dma_wait3A_750 = tpu.memref_slice %arg13[%dma_wait3A_748, %dma_wait3A_749] : memref<10112x64xf32, #tpu.memory_space<vmem_shared>> -> memref<10112x64xf32, #tpu.memory_space<vmem_shared>>
        tpu.wait_indirect_dma semaphore(%arg17 : memref<!tpu.dma_semaphore, #tpu.memory_space<semaphore_mem>>) src(%arg9 : memref<128x64xf32, #tpu.memory_space<vmem>>) dst(%dma_wait3A_750 : memref<10112x64xf32, #tpu.memory_space<vmem_shared>>)
      } else {
      }
      %add3A_735 = arith.constant 2 : i32
      %add3A_736 = arith.addi %add3A_713, %add3A_735 : i32
      %lt3A_737 = arith.constant 320 : i32
      %lt3A_738 = arith.cmpi slt, %add3A_736, %lt3A_737 : i32
      %convert_element_type3A_739 = arith.extui %lt3A_738 : i1 to i32
      %cond3A_740 = arith.constant 0 : i32
      %cond3A_741 = arith.cmpi ne, %convert_element_type3A_739, %cond3A_740 : i32
      scf.if %cond3A_741 {
        %dma_start3A_743 = arith.constant 1 : i32
        %dma_start3A_744 = arith.constant 0 : i32
        %dma_start3A_745 = arith.constant 0 : i32
        %dma_start3A_746 = tpu.memref_slice %arg6[%dma_start3A_743, %dma_start3A_744, %dma_start3A_745] : memref<10x2x128xi32, #tpu.memory_space<vmem>> -> memref<1x1x128xi32, #tpu.memory_space<vmem>>
        %dma_start3A_747 = tpu.memref_squeeze %dma_start3A_746 : memref<1x1x128xi32, #tpu.memory_space<vmem>> -> memref<128xi32, #tpu.memory_space<vmem>>
        %dma_start3A_748 = arith.constant 0 : i32
        %dma_start3A_749 = arith.constant 0 : i32
        %dma_start3A_750 = tpu.memref_slice %arg14[%dma_start3A_748, %dma_start3A_749] : memref<10000x64xf32, #tpu.memory_space<vmem_shared>> -> memref<10000x64xf32, #tpu.memory_space<vmem_shared>>
        tpu.enqueue_indirect_dma source(%dma_start3A_750 : memref<10000x64xf32, #tpu.memory_space<vmem_shared>>) target(%arg9 : memref<128x64xf32, #tpu.memory_space<vmem>>) offsets(%dma_start3A_747 : memref<128xi32, #tpu.memory_space<vmem>>) semaphore(%arg16 : memref<!tpu.dma_semaphore, #tpu.memory_space<semaphore_mem>>)
      } else {
      }
      %scan3A_742 = arith.constant 0 : i32
      scf.yield %scan3A_742 : i32
    }
    %scan3A_42 = arith.constant 16 : i32
    %dma_wait3A_43 = arith.constant 7 : i32
    %dma_wait3A_44 = arith.constant 1 : i32
    %dma_wait3A_45 = arith.constant 0 : i32
    %dma_wait3A_46 = tpu.memref_slice %arg7[%dma_wait3A_43, %dma_wait3A_44, %dma_wait3A_45] : memref<10x2x128xi32, #tpu.memory_space<vmem>> -> memref<1x1x128xi32, #tpu.memory_space<vmem>>
    %dma_wait3A_47 = tpu.memref_squeeze %dma_wait3A_46 : memref<1x1x128xi32, #tpu.memory_space<vmem>> -> memref<128xi32, #tpu.memory_space<vmem>>
    %dma_wait3A_48 = arith.constant 0 : i32
    %dma_wait3A_49 = arith.constant 0 : i32
    %dma_wait3A_50 = tpu.memref_slice %arg13[%dma_wait3A_48, %dma_wait3A_49] : memref<10112x64xf32, #tpu.memory_space<vmem_shared>> -> memref<10112x64xf32, #tpu.memory_space<vmem_shared>>
    tpu.wait_indirect_dma semaphore(%arg17 : memref<!tpu.dma_semaphore, #tpu.memory_space<semaphore_mem>>) src(%arg10 : memref<128x64xf32, #tpu.memory_space<vmem>>) dst(%dma_wait3A_50 : memref<10112x64xf32, #tpu.memory_space<vmem_shared>>)
    %dma_wait3A_51 = arith.constant 8 : i32
    %dma_wait3A_52 = arith.constant 1 : i32
    %dma_wait3A_53 = arith.constant 0 : i32
    %dma_wait3A_54 = tpu.memref_slice %arg7[%dma_wait3A_51, %dma_wait3A_52, %dma_wait3A_53] : memref<10x2x128xi32, #tpu.memory_space<vmem>> -> memref<1x1x128xi32, #tpu.memory_space<vmem>>
    %dma_wait3A_55 = tpu.memref_squeeze %dma_wait3A_54 : memref<1x1x128xi32, #tpu.memory_space<vmem>> -> memref<128xi32, #tpu.memory_space<vmem>>
    %dma_wait3A_56 = arith.constant 0 : i32
    %dma_wait3A_57 = arith.constant 0 : i32
    %dma_wait3A_58 = tpu.memref_slice %arg13[%dma_wait3A_56, %dma_wait3A_57] : memref<10112x64xf32, #tpu.memory_space<vmem_shared>> -> memref<10112x64xf32, #tpu.memory_space<vmem_shared>>
    tpu.wait_indirect_dma semaphore(%arg17 : memref<!tpu.dma_semaphore, #tpu.memory_space<semaphore_mem>>) src(%arg11 : memref<128x64xf32, #tpu.memory_space<vmem>>) dst(%dma_wait3A_58 : memref<10112x64xf32, #tpu.memory_space<vmem_shared>>)
    %dma_wait3A_59 = arith.constant 9 : i32
    %dma_wait3A_60 = arith.constant 1 : i32
    %dma_wait3A_61 = arith.constant 0 : i32
    %dma_wait3A_62 = tpu.memref_slice %arg7[%dma_wait3A_59, %dma_wait3A_60, %dma_wait3A_61] : memref<10x2x128xi32, #tpu.memory_space<vmem>> -> memref<1x1x128xi32, #tpu.memory_space<vmem>>
    %dma_wait3A_63 = tpu.memref_squeeze %dma_wait3A_62 : memref<1x1x128xi32, #tpu.memory_space<vmem>> -> memref<128xi32, #tpu.memory_space<vmem>>
    %dma_wait3A_64 = arith.constant 0 : i32
    %dma_wait3A_65 = arith.constant 0 : i32
    %dma_wait3A_66 = tpu.memref_slice %arg13[%dma_wait3A_64, %dma_wait3A_65] : memref<10112x64xf32, #tpu.memory_space<vmem_shared>> -> memref<10112x64xf32, #tpu.memory_space<vmem_shared>>
    tpu.wait_indirect_dma semaphore(%arg17 : memref<!tpu.dma_semaphore, #tpu.memory_space<semaphore_mem>>) src(%arg12 : memref<128x64xf32, #tpu.memory_space<vmem>>) dst(%dma_wait3A_66 : memref<10112x64xf32, #tpu.memory_space<vmem_shared>>)
    %barrier3A_67 = arith.constant 0 : index
    tpu.barrier barrier_id(%barrier3A_67)
    "tpu.region"() ({
      %run_scoped3A = tpu.sem_alloc : memref<!tpu.dma_semaphore, #tpu.memory_space<semaphore_mem>>
      %dma_start3A_68 = arith.constant 0 : i32
      %dma_start3A_69 = tpu.memref_slice %arg5[%arg0, %multiple_of3A, %dma_start3A_68] : memref<2x10112x64xf32, #tpu.memory_space<hbm>> -> memref<1x632x64xf32, #tpu.memory_space<hbm>>
      %dma_start3A_70 = tpu.memref_squeeze %dma_start3A_69 : memref<1x632x64xf32, #tpu.memory_space<hbm>> -> memref<632x64xf32, #tpu.memory_space<hbm>>
      %dma_start3A_71 = arith.constant 0 : i32
      %dma_start3A_72 = tpu.memref_slice %arg13[%multiple_of3A, %dma_start3A_71] : memref<10112x64xf32, #tpu.memory_space<vmem_shared>> -> memref<632x64xf32, #tpu.memory_space<vmem_shared>>
      tpu.enqueue_dma source(%dma_start3A_72 : memref<632x64xf32, #tpu.memory_space<vmem_shared>>) target(%dma_start3A_70 : memref<632x64xf32, #tpu.memory_space<hbm>>) target_semaphore(%run_scoped3A : memref<!tpu.dma_semaphore, #tpu.memory_space<semaphore_mem>>)
      %dma_wait3A_73 = arith.constant 0 : i32
      %dma_wait3A_74 = tpu.memref_slice %arg5[%arg0, %multiple_of3A, %dma_wait3A_73] : memref<2x10112x64xf32, #tpu.memory_space<hbm>> -> memref<1x632x64xf32, #tpu.memory_space<hbm>>
      %dma_wait3A_75 = tpu.memref_squeeze %dma_wait3A_74 : memref<1x632x64xf32, #tpu.memory_space<hbm>> -> memref<632x64xf32, #tpu.memory_space<hbm>>
      %dma_wait3A_76 = arith.constant 0 : i32
      %dma_wait3A_77 = tpu.memref_slice %arg13[%multiple_of3A, %dma_wait3A_76] : memref<10112x64xf32, #tpu.memory_space<vmem_shared>> -> memref<632x64xf32, #tpu.memory_space<vmem_shared>>
      tpu.wait_dma2 semaphore(%run_scoped3A : memref<!tpu.dma_semaphore, #tpu.memory_space<semaphore_mem>>) src(%dma_wait3A_77 : memref<632x64xf32, #tpu.memory_space<vmem_shared>>) dst(%dma_wait3A_75 : memref<632x64xf32, #tpu.memory_space<hbm>>)
      tpu.yield
    }) : () -> ()
    return
  }
}

module attributes {stable_mosaic.version = 14 : i64} {
  func.func @body(%arg0: i32, %arg1: memref<1000x8xf32, #tpu.memory_space<vmem>>, %arg2: memref<2x1000x8xf32, #tpu.memory_space<vmem>>, %arg3: memref<8x128xf32, #tpu.memory_space<vmem>>, %arg4: memref<8x128xf32, #tpu.memory_space<vmem>>, %arg5: memref<1x128xf32, #tpu.memory_space<vmem>>, %arg6: memref<2x1000x64xf32, #tpu.memory_space<vmem>>) attributes {dimension_semantics = [#tpu.dimension_semantics<arbitrary>], iteration_bounds = array<i64: 10>, scalar_prefetch = 0 : i64, scratch_operands = 0 : i64, tpu.core_type = #tpu.core_type<tc>, window_params = [{transform_indices = @transform_0, window_bounds = array<i64: 1000, 8>}, {transform_indices = @transform_1, window_bounds = array<i64: 2, 1000, 8>}, {pipeline_mode = #tpu.pipeline_mode<synchronous>, transform_indices = @transform_2, window_bounds = array<i64: 8, 128>}, {pipeline_mode = #tpu.pipeline_mode<synchronous>, transform_indices = @transform_3, window_bounds = array<i64: 8, 128>}, {pipeline_mode = #tpu.pipeline_mode<synchronous>, transform_indices = @transform_4, window_bounds = array<i64: 1, 128>}, {transform_indices = @transform_5, window_bounds = array<i64: 2, 1000, 64>}]} {
    %get3A = arith.constant 0 : index
    %get3A_0 = arith.constant 0 : index
    %get3A_1 = arith.constant 0 : index
    %get3A_2 = vector.load %arg2[%get3A, %get3A_0, %get3A_1] : memref<2x1000x8xf32, #tpu.memory_space<vmem>>, vector<1x1000x8xf32>
    %get3A_3 = vector.shape_cast %get3A_2 : vector<1x1000x8xf32> to vector<1000x8xf32>
    %get3A_4 = arith.constant 1 : index
    %get3A_5 = arith.constant 0 : index
    %get3A_6 = arith.constant 0 : index
    %get3A_7 = vector.load %arg2[%get3A_4, %get3A_5, %get3A_6] : memref<2x1000x8xf32, #tpu.memory_space<vmem>>, vector<1x1000x8xf32>
    %get3A_8 = vector.shape_cast %get3A_7 : vector<1x1000x8xf32> to vector<1000x8xf32>
    %add3A = arith.addf %get3A_3, %get3A_8 : vector<1000x8xf32>
    %get3A_9 = arith.constant 0 : index
    %get3A_10 = arith.constant 0 : index
    %get3A_11 = vector.load %arg1[%get3A_9, %get3A_10] : memref<1000x8xf32, #tpu.memory_space<vmem>>, vector<1000x8xf32>
    %get3A_12 = arith.constant 0 : index
    %get3A_13 = arith.constant 0 : index
    %get3A_14 = vector.load %arg3[%get3A_12, %get3A_13] : memref<8x128xf32, #tpu.memory_space<vmem>>, vector<8x128xf32>
    %dot_general3A = arith.constant dense<0.000000e+00> : vector<1000x128xf32>
    %dot_general3A_15 = tpu.matmul %get3A_11, %get3A_14, %dot_general3A {dimension_numbers = #tpu.dot_dimension_numbers<[1], [0], [0], [1], [0, 0, 1, 1], [], []>, transpose_lhs_hint = false} : vector<1000x8xf32>, vector<8x128xf32>, vector<1000x128xf32> -> vector<1000x128xf32>
    %get3A_16 = arith.constant 0 : index
    %get3A_17 = arith.constant 0 : index
    %get3A_18 = vector.load %arg4[%get3A_16, %get3A_17] : memref<8x128xf32, #tpu.memory_space<vmem>>, vector<8x128xf32>
    %dot_general3A_19 = arith.constant dense<0.000000e+00> : vector<1000x128xf32>
    %dot_general3A_20 = tpu.matmul %add3A, %get3A_18, %dot_general3A_19 {dimension_numbers = #tpu.dot_dimension_numbers<[1], [0], [0], [1], [0, 0, 1, 1], [], []>, transpose_lhs_hint = false} : vector<1000x8xf32>, vector<8x128xf32>, vector<1000x128xf32> -> vector<1000x128xf32>
    %add3A_21 = arith.addf %dot_general3A_15, %dot_general3A_20 : vector<1000x128xf32>
    %get3A_22 = arith.constant 0 : index
    %get3A_23 = arith.constant 0 : index
    %get3A_24 = vector.load %arg5[%get3A_22, %get3A_23] : memref<1x128xf32, #tpu.memory_space<vmem>>, vector<1x128xf32>
    %add3A_25 = vector.broadcast %get3A_24 : vector<1x128xf32> to vector<1000x128xf32>
    %add3A_26 = arith.addf %add3A_21, %add3A_25 : vector<1000x128xf32>
    %max3A = arith.constant 0.000000e+00 : f32
    %max3A_27 = vector.broadcast %max3A : f32 to vector<1000x128xf32>
    %max3A_28 = arith.maximumf %add3A_26, %max3A_27 : vector<1000x128xf32>
    %slice3A = vector.extract_strided_slice %max3A_28 {offsets = [0, 0], sizes = [1000, 64], strides = [1, 1]} : vector<1000x128xf32> to vector<1000x64xf32>
    %swap3A = arith.constant 0 : index
    %swap3A_29 = arith.constant 0 : index
    %swap3A_30 = arith.constant 0 : index
    %swap3A_31 = vector.load %arg6[%swap3A, %swap3A_29, %swap3A_30] : memref<2x1000x64xf32, #tpu.memory_space<vmem>>, vector<1x1000x64xf32>
    %swap3A_32 = vector.shape_cast %swap3A_31 : vector<1x1000x64xf32> to vector<1000x64xf32>
    %swap3A_33 = vector.shape_cast %slice3A : vector<1000x64xf32> to vector<1x1000x64xf32>
    tpu.vector_store %arg6[%swap3A, %swap3A_29, %swap3A_30], %swap3A_33 {strides = array<i32>} : memref<2x1000x64xf32, #tpu.memory_space<vmem>>, vector<1x1000x64xf32>,
    %slice3A_34 = vector.extract_strided_slice %max3A_28 {offsets = [0, 64], sizes = [1000, 64], strides = [1, 1]} : vector<1000x128xf32> to vector<1000x64xf32>
    %swap3A_35 = arith.constant 1 : index
    %swap3A_36 = arith.constant 0 : index
    %swap3A_37 = arith.constant 0 : index
    %swap3A_38 = vector.load %arg6[%swap3A_35, %swap3A_36, %swap3A_37] : memref<2x1000x64xf32, #tpu.memory_space<vmem>>, vector<1x1000x64xf32>
    %swap3A_39 = vector.shape_cast %swap3A_38 : vector<1x1000x64xf32> to vector<1000x64xf32>
    %swap3A_40 = vector.shape_cast %slice3A_34 : vector<1000x64xf32> to vector<1x1000x64xf32>
    tpu.vector_store %arg6[%swap3A_35, %swap3A_36, %swap3A_37], %swap3A_40 {strides = array<i32>} : memref<2x1000x64xf32, #tpu.memory_space<vmem>>, vector<1x1000x64xf32>,
    return
  }
  func.func @transform_0(%arg0: i32) -> (i32, i32) {
    %c0_i32 = arith.constant 0 : i32
    %c0_i32_0 = arith.constant 0 : i32
    return %arg0, %c0_i32 : i32, i32
  }
  func.func @transform_1(%arg0: i32) -> (i32, i32, i32) {
    %c0_i32 = arith.constant 0 : i32
    %c0_i32_0 = arith.constant 0 : i32
    %c0_i32_1 = arith.constant 0 : i32
    return %c0_i32, %arg0, %c0_i32_0 : i32, i32, i32
  }
  func.func @transform_2(%arg0: i32) -> (i32, i32) {
    %c0_i32 = arith.constant 0 : i32
    %c0_i32_0 = arith.constant 0 : i32
    %c0_i32_1 = arith.constant 0 : i32
    return %c0_i32, %c0_i32_0 : i32, i32
  }
  func.func @transform_3(%arg0: i32) -> (i32, i32) {
    %c0_i32 = arith.constant 0 : i32
    %c0_i32_0 = arith.constant 0 : i32
    %c0_i32_1 = arith.constant 0 : i32
    return %c0_i32, %c0_i32_0 : i32, i32
  }
  func.func @transform_4(%arg0: i32) -> (i32, i32) {
    %c0_i32 = arith.constant 0 : i32
    %c0_i32_0 = arith.constant 0 : i32
    %c0_i32_1 = arith.constant 0 : i32
    return %c0_i32, %c0_i32_0 : i32, i32
  }
  func.func @transform_5(%arg0: i32) -> (i32, i32, i32) {
    %c0_i32 = arith.constant 0 : i32
    %c0_i32_0 = arith.constant 0 : i32
    %c0_i32_1 = arith.constant 0 : i32
    return %c0_i32, %arg0, %c0_i32_0 : i32, i32, i32
  }
}

module attributes {stable_mosaic.version = 14 : i64} {
  func.func @body(%arg0: i32, %arg1: memref<2x1000x64xf32, #tpu.memory_space<vmem>>, %arg2: memref<2x1000x64xf32, #tpu.memory_space<vmem>>, %arg3: memref<1x1000x1xi32, #tpu.memory_space<vmem>>, %arg4: memref<64x16xf32, #tpu.memory_space<vmem>>, %arg5: memref<128x128xf32, #tpu.memory_space<vmem>>, %arg6: memref<128x128xf32, #tpu.memory_space<vmem>>, %arg7: memref<1x128xf32, #tpu.memory_space<vmem>>, %arg8: memref<256x64xf32, #tpu.memory_space<vmem>>, %arg9: memref<16x64xf32, #tpu.memory_space<vmem>>, %arg10: memref<1x64xf32, #tpu.memory_space<vmem>>, %arg11: memref<64x32xf32, #tpu.memory_space<vmem>>, %arg12: memref<1x32xf32, #tpu.memory_space<vmem>>, %arg13: memref<32x10xf32, #tpu.memory_space<vmem>>, %arg14: memref<1x10xf32, #tpu.memory_space<vmem>>, %arg15: memref<64x10xf32, #tpu.memory_space<vmem>>, %arg16: memref<64x256xf32, #tpu.memory_space<vmem>>) attributes {dimension_semantics = [#tpu.dimension_semantics<arbitrary>], iteration_bounds = array<i64: 10>, scalar_prefetch = 0 : i64, scratch_operands = 1 : i64, tpu.core_type = #tpu.core_type<tc>, window_params = [{transform_indices = @transform_0, window_bounds = array<i64: 2, 1000, 64>}, {transform_indices = @transform_1, window_bounds = array<i64: 2, 1000, 64>}, {transform_indices = @transform_2, window_bounds = array<i64: 1, 1000, 1>}, {pipeline_mode = #tpu.pipeline_mode<synchronous>, transform_indices = @transform_3, window_bounds = array<i64: 64, 16>}, {pipeline_mode = #tpu.pipeline_mode<synchronous>, transform_indices = @transform_4, window_bounds = array<i64: 128, 128>}, {pipeline_mode = #tpu.pipeline_mode<synchronous>, transform_indices = @transform_5, window_bounds = array<i64: 128, 128>}, {pipeline_mode = #tpu.pipeline_mode<synchronous>, transform_indices = @transform_6, window_bounds = array<i64: 1, 128>}, {pipeline_mode = #tpu.pipeline_mode<synchronous>, transform_indices = @transform_7, window_bounds = array<i64: 256, 64>}, {pipeline_mode = #tpu.pipeline_mode<synchronous>, transform_indices = @transform_8, window_bounds = array<i64: 16, 64>}, {pipeline_mode = #tpu.pipeline_mode<synchronous>, transform_indices = @transform_9, window_bounds = array<i64: 1, 64>}, {pipeline_mode = #tpu.pipeline_mode<synchronous>, transform_indices = @transform_10, window_bounds = array<i64: 64, 32>}, {pipeline_mode = #tpu.pipeline_mode<synchronous>, transform_indices = @transform_11, window_bounds = array<i64: 1, 32>}, {pipeline_mode = #tpu.pipeline_mode<synchronous>, transform_indices = @transform_12, window_bounds = array<i64: 32, 10>}, {pipeline_mode = #tpu.pipeline_mode<synchronous>, transform_indices = @transform_13, window_bounds = array<i64: 1, 10>}, {pipeline_mode = #tpu.pipeline_mode<synchronous>, transform_indices = @transform_14, window_bounds = array<i64: 64, 10>}]} {
    %eq3A = arith.constant 0 : i32
    %eq3A_0 = arith.cmpi eq, %arg0, %eq3A : i32
    %convert_element_type3A = arith.extui %eq3A_0 : i1 to i32
    %cond3A = arith.constant 0 : i32
    %cond3A_1 = arith.cmpi ne, %convert_element_type3A, %cond3A : i32
    scf.if %cond3A_1 {
      %broadcast_in_dim3A = arith.constant 0xFF800000 : f32
      %broadcast_in_dim3A_68 = vector.broadcast %broadcast_in_dim3A : f32 to vector<64x256xf32>
      %swap3A = arith.constant 0 : index
      %swap3A_69 = arith.constant 0 : index
      %swap3A_70 = vector.load %arg16[%swap3A, %swap3A_69] : memref<64x256xf32, #tpu.memory_space<vmem>>, vector<64x256xf32>
      tpu.vector_store %arg16[%swap3A, %swap3A_69], %broadcast_in_dim3A_68 {strides = array<i32>} : memref<64x256xf32, #tpu.memory_space<vmem>>, vector<64x256xf32>,
    } else {
    }
    %get3A = arith.constant 0 : index
    %get3A_2 = arith.constant 0 : index
    %get3A_3 = arith.constant 0 : index
    %get3A_4 = vector.load %arg1[%get3A, %get3A_2, %get3A_3] : memref<2x1000x64xf32, #tpu.memory_space<vmem>>, vector<1x1000x64xf32>
    %get3A_5 = vector.shape_cast %get3A_4 : vector<1x1000x64xf32> to vector<1000x64xf32>
    %get3A_6 = arith.constant 1 : index
    %get3A_7 = arith.constant 0 : index
    %get3A_8 = arith.constant 0 : index
    %get3A_9 = vector.load %arg1[%get3A_6, %get3A_7, %get3A_8] : memref<2x1000x64xf32, #tpu.memory_space<vmem>>, vector<1x1000x64xf32>
    %get3A_10 = vector.shape_cast %get3A_9 : vector<1x1000x64xf32> to vector<1000x64xf32>
    %concatenate3A = tpu.concatenate %get3A_5, %get3A_10 in 1 : vector<1000x64xf32>, vector<1000x64xf32> -> vector<1000x128xf32>
    %get3A_11 = arith.constant 0 : index
    %get3A_12 = arith.constant 0 : index
    %get3A_13 = arith.constant 0 : index
    %get3A_14 = vector.load %arg2[%get3A_11, %get3A_12, %get3A_13] : memref<2x1000x64xf32, #tpu.memory_space<vmem>>, vector<1x1000x64xf32>
    %get3A_15 = vector.shape_cast %get3A_14 : vector<1x1000x64xf32> to vector<1000x64xf32>
    %get3A_16 = arith.constant 1 : index
    %get3A_17 = arith.constant 0 : index
    %get3A_18 = arith.constant 0 : index
    %get3A_19 = vector.load %arg2[%get3A_16, %get3A_17, %get3A_18] : memref<2x1000x64xf32, #tpu.memory_space<vmem>>, vector<1x1000x64xf32>
    %get3A_20 = vector.shape_cast %get3A_19 : vector<1x1000x64xf32> to vector<1000x64xf32>
    %concatenate3A_21 = tpu.concatenate %get3A_15, %get3A_20 in 1 : vector<1000x64xf32>, vector<1000x64xf32> -> vector<1000x128xf32>
    %get3A_22 = arith.constant 0 : index
    %get3A_23 = arith.constant 0 : index
    %get3A_24 = vector.load %arg5[%get3A_22, %get3A_23] : memref<128x128xf32, #tpu.memory_space<vmem>>, vector<128x128xf32>
    %dot_general3A = arith.constant dense<0.000000e+00> : vector<1000x128xf32>
    %dot_general3A_25 = tpu.matmul %concatenate3A, %get3A_24, %dot_general3A {dimension_numbers = #tpu.dot_dimension_numbers<[1], [0], [0], [1], [0, 0, 1, 1], [], []>, transpose_lhs_hint = false} : vector<1000x128xf32>, vector<128x128xf32>, vector<1000x128xf32> -> vector<1000x128xf32>
    %get3A_26 = arith.constant 0 : index
    %get3A_27 = arith.constant 0 : index
    %get3A_28 = vector.load %arg6[%get3A_26, %get3A_27] : memref<128x128xf32, #tpu.memory_space<vmem>>, vector<128x128xf32>
    %dot_general3A_29 = arith.constant dense<0.000000e+00> : vector<1000x128xf32>
    %dot_general3A_30 = tpu.matmul %concatenate3A_21, %get3A_28, %dot_general3A_29 {dimension_numbers = #tpu.dot_dimension_numbers<[1], [0], [0], [1], [0, 0, 1, 1], [], []>, transpose_lhs_hint = false} : vector<1000x128xf32>, vector<128x128xf32>, vector<1000x128xf32> -> vector<1000x128xf32>
    %add3A = arith.addf %dot_general3A_25, %dot_general3A_30 : vector<1000x128xf32>
    %get3A_31 = arith.constant 0 : index
    %get3A_32 = arith.constant 0 : index
    %get3A_33 = vector.load %arg7[%get3A_31, %get3A_32] : memref<1x128xf32, #tpu.memory_space<vmem>>, vector<1x128xf32>
    %add3A_34 = vector.broadcast %get3A_33 : vector<1x128xf32> to vector<1000x128xf32>
    %add3A_35 = arith.addf %add3A, %add3A_34 : vector<1000x128xf32>
    %max3A = arith.constant 0.000000e+00 : f32
    %max3A_36 = vector.broadcast %max3A : f32 to vector<1000x128xf32>
    %max3A_37 = arith.maximumf %add3A_35, %max3A_36 : vector<1000x128xf32>
    %get3A_38 = arith.constant 0 : index
    %get3A_39 = arith.constant 0 : index
    %get3A_40 = arith.constant 0 : index
    %get3A_41 = vector.load %arg3[%get3A_38, %get3A_39, %get3A_40] : memref<1x1000x1xi32, #tpu.memory_space<vmem>>, vector<1x1000x1xi32>
    %get3A_42 = vector.shape_cast %get3A_41 : vector<1x1000x1xi32> to vector<1000x1xi32>
    %reduce_min3A = vector.shape_cast %get3A_42 : vector<1000x1xi32> to vector<1x1000x1xi32>
    %reduce_min3A_43 = arith.constant dense<2147483647> : vector<1xi32>
    %reduce_min3A_44 = vector.multi_reduction <minsi>, %reduce_min3A, %reduce_min3A_43 [1, 2] : vector<1x1000x1xi32> to vector<1xi32>
    %reduce_min3A_45 = vector.shape_cast %reduce_min3A_44 : vector<1xi32> to vector<1x1x1xi32>
    %reduce_min3A_46 = vector.extract %reduce_min3A_45[0, 0, 0] : i32 from vector<1x1x1xi32>
    %reduce_max3A = vector.shape_cast %get3A_42 : vector<1000x1xi32> to vector<1x1000x1xi32>
    %reduce_max3A_47 = arith.constant dense<-2147483648> : vector<1xi32>
    %reduce_max3A_48 = vector.multi_reduction <maxsi>, %reduce_max3A, %reduce_max3A_47 [1, 2] : vector<1x1000x1xi32> to vector<1xi32>
    %reduce_max3A_49 = vector.shape_cast %reduce_max3A_48 : vector<1xi32> to vector<1x1x1xi32>
    %reduce_max3A_50 = vector.extract %reduce_max3A_49[0, 0, 0] : i32 from vector<1x1x1xi32>
    %add3A_51 = arith.constant 1 : i32
    %add3A_52 = arith.addi %reduce_max3A_50, %add3A_51 : i32
    %while3A = arith.constant 0 : i32
    %while3A_53 = arith.subi %add3A_52, %reduce_min3A_46 : i32
    %while3A_54 = arith.addi %reduce_min3A_46, %while3A_53 : i32
    %while3A_55 = arith.constant 1 : i32
    %while3A_56 = arith.divsi %while3A_53, %while3A_55 : i32
    %while3A_57 = arith.muli %while3A_56, %while3A_55 : i32
    %while3A_58 = arith.addi %reduce_min3A_46, %while3A_57 : i32
    %while3A_59 = arith.constant 1 : i32
    %while3A_60 = scf.for %while3A_68 = %reduce_min3A_46 to %while3A_58 step %while3A_59 iter_args(%while3A_69 = %while3A) -> (i32)  : i32 {
      %eq3A_70 = vector.broadcast %while3A_68 : i32 to vector<1000x1xi32>
      %eq3A_71 = arith.cmpi eq, %get3A_42, %eq3A_70 : vector<1000x1xi32>
      %jit3A = arith.constant 0xFF800000 : f32
      %broadcast_in_dim3A = vector.shape_cast %eq3A_71 : vector<1000x1xi1> to vector<1000x1xi1>
      %broadcast_in_dim3A_72 = vector.broadcast %broadcast_in_dim3A : vector<1000x1xi1> to vector<1000x128xi1>
      %broadcast_in_dim3A_73 = vector.broadcast %jit3A : f32 to vector<1000x128xf32>
      %select_n3A = arith.select %broadcast_in_dim3A_72, %concatenate3A, %broadcast_in_dim3A_73 : vector<1000x128xi1>, vector<1000x128xf32>
      %reduce_max3A_74 = arith.constant dense<0xFF800000> : vector<128xf32>
      %reduce_max3A_75 = vector.multi_reduction <maximumf>, %select_n3A, %reduce_max3A_74 [0] : vector<1000x128xf32> to vector<128xf32>
      %broadcast_in_dim3A_76 = vector.shape_cast %reduce_max3A_75 : vector<128xf32> to vector<1x128xf32>
      %jit3A_77 = arith.constant 0xFF800000 : f32
      %broadcast_in_dim3A_78 = vector.shape_cast %eq3A_71 : vector<1000x1xi1> to vector<1000x1xi1>
      %broadcast_in_dim3A_79 = vector.broadcast %broadcast_in_dim3A_78 : vector<1000x1xi1> to vector<1000x128xi1>
      %broadcast_in_dim3A_80 = vector.broadcast %jit3A_77 : f32 to vector<1000x128xf32>
      %select_n3A_81 = arith.select %broadcast_in_dim3A_79, %max3A_37, %broadcast_in_dim3A_80 : vector<1000x128xi1>, vector<1000x128xf32>
      %reduce_max3A_82 = arith.constant dense<0xFF800000> : vector<128xf32>
      %reduce_max3A_83 = vector.multi_reduction <maximumf>, %select_n3A_81, %reduce_max3A_82 [0] : vector<1000x128xf32> to vector<128xf32>
      %broadcast_in_dim3A_84 = vector.shape_cast %reduce_max3A_83 : vector<128xf32> to vector<1x128xf32>
      %concatenate3A_85 = tpu.concatenate %broadcast_in_dim3A_76, %broadcast_in_dim3A_84 in 1 : vector<1x128xf32>, vector<1x128xf32> -> vector<1x256xf32>
      %get3A_86 = arith.index_cast %while3A_68 : i32 to index
      %get3A_87 = arith.constant 0 : index
      %get3A_88 = vector.load %arg16[%get3A_86, %get3A_87] : memref<64x256xf32, #tpu.memory_space<vmem>>, vector<1x256xf32>
      %max3A_89 = arith.maximumf %get3A_88, %concatenate3A_85 : vector<1x256xf32>
      %swap3A = arith.index_cast %while3A_68 : i32 to index
      %swap3A_90 = arith.constant 0 : index
      %swap3A_91 = vector.load %arg16[%swap3A, %swap3A_90] : memref<64x256xf32, #tpu.memory_space<vmem>>, vector<1x256xf32>
      tpu.vector_store %arg16[%swap3A, %swap3A_90], %max3A_89 {strides = array<i32>} : memref<64x256xf32, #tpu.memory_space<vmem>>, vector<1x256xf32>,
      %while3A_92 = arith.constant 0 : i32
      scf.yield %while3A_92 : i32
    }
    %while3A_61 = arith.constant 1 : i32
    %while3A_62 = scf.for %while3A_68 = %while3A_58 to %while3A_54 step %while3A_61 iter_args(%while3A_69 = %while3A_60) -> (i32)  : i32 {
      %eq3A_70 = vector.broadcast %while3A_68 : i32 to vector<1000x1xi32>
      %eq3A_71 = arith.cmpi eq, %get3A_42, %eq3A_70 : vector<1000x1xi32>
      %jit3A = arith.constant 0xFF800000 : f32
      %broadcast_in_dim3A = vector.shape_cast %eq3A_71 : vector<1000x1xi1> to vector<1000x1xi1>
      %broadcast_in_dim3A_72 = vector.broadcast %broadcast_in_dim3A : vector<1000x1xi1> to vector<1000x128xi1>
      %broadcast_in_dim3A_73 = vector.broadcast %jit3A : f32 to vector<1000x128xf32>
      %select_n3A = arith.select %broadcast_in_dim3A_72, %concatenate3A, %broadcast_in_dim3A_73 : vector<1000x128xi1>, vector<1000x128xf32>
      %reduce_max3A_74 = arith.constant dense<0xFF800000> : vector<128xf32>
      %reduce_max3A_75 = vector.multi_reduction <maximumf>, %select_n3A, %reduce_max3A_74 [0] : vector<1000x128xf32> to vector<128xf32>
      %broadcast_in_dim3A_76 = vector.shape_cast %reduce_max3A_75 : vector<128xf32> to vector<1x128xf32>
      %jit3A_77 = arith.constant 0xFF800000 : f32
      %broadcast_in_dim3A_78 = vector.shape_cast %eq3A_71 : vector<1000x1xi1> to vector<1000x1xi1>
      %broadcast_in_dim3A_79 = vector.broadcast %broadcast_in_dim3A_78 : vector<1000x1xi1> to vector<1000x128xi1>
      %broadcast_in_dim3A_80 = vector.broadcast %jit3A_77 : f32 to vector<1000x128xf32>
      %select_n3A_81 = arith.select %broadcast_in_dim3A_79, %max3A_37, %broadcast_in_dim3A_80 : vector<1000x128xi1>, vector<1000x128xf32>
      %reduce_max3A_82 = arith.constant dense<0xFF800000> : vector<128xf32>
      %reduce_max3A_83 = vector.multi_reduction <maximumf>, %select_n3A_81, %reduce_max3A_82 [0] : vector<1000x128xf32> to vector<128xf32>
      %broadcast_in_dim3A_84 = vector.shape_cast %reduce_max3A_83 : vector<128xf32> to vector<1x128xf32>
      %concatenate3A_85 = tpu.concatenate %broadcast_in_dim3A_76, %broadcast_in_dim3A_84 in 1 : vector<1x128xf32>, vector<1x128xf32> -> vector<1x256xf32>
      %get3A_86 = arith.index_cast %while3A_68 : i32 to index
      %get3A_87 = arith.constant 0 : index
      %get3A_88 = vector.load %arg16[%get3A_86, %get3A_87] : memref<64x256xf32, #tpu.memory_space<vmem>>, vector<1x256xf32>
      %max3A_89 = arith.maximumf %get3A_88, %concatenate3A_85 : vector<1x256xf32>
      %swap3A = arith.index_cast %while3A_68 : i32 to index
      %swap3A_90 = arith.constant 0 : index
      %swap3A_91 = vector.load %arg16[%swap3A, %swap3A_90] : memref<64x256xf32, #tpu.memory_space<vmem>>, vector<1x256xf32>
      tpu.vector_store %arg16[%swap3A, %swap3A_90], %max3A_89 {strides = array<i32>} : memref<64x256xf32, #tpu.memory_space<vmem>>, vector<1x256xf32>,
      %while3A_92 = arith.constant 0 : i32
      scf.yield %while3A_92 : i32
    }
    %eq3A_63 = arith.constant 9 : i32
    %eq3A_64 = arith.cmpi eq, %arg0, %eq3A_63 : i32
    %convert_element_type3A_65 = arith.extui %eq3A_64 : i1 to i32
    %cond3A_66 = arith.constant 0 : i32
    %cond3A_67 = arith.cmpi ne, %convert_element_type3A_65, %cond3A_66 : i32
    scf.if %cond3A_67 {
      %get3A_68 = arith.constant 0 : index
      %get3A_69 = arith.constant 0 : index
      %get3A_70 = vector.load %arg16[%get3A_68, %get3A_69] : memref<64x256xf32, #tpu.memory_space<vmem>>, vector<64x256xf32>
      %is_finite3A = tpu.weird %get3A_70 : vector<64x256xf32> -> vector<64x256xi1>
      %is_finite3A_71 = arith.constant dense<true> : vector<64x256xi1>
      %is_finite3A_72 = arith.xori %is_finite3A, %is_finite3A_71 : vector<64x256xi1>
      %jit3A = arith.constant 0.000000e+00 : f32
      %broadcast_in_dim3A = vector.broadcast %jit3A : f32 to vector<64x256xf32>
      %select_n3A = arith.select %is_finite3A_72, %get3A_70, %broadcast_in_dim3A : vector<64x256xi1>, vector<64x256xf32>
      %get3A_73 = arith.constant 0 : index
      %get3A_74 = arith.constant 0 : index
      %get3A_75 = vector.load %arg8[%get3A_73, %get3A_74] : memref<256x64xf32, #tpu.memory_space<vmem>>, vector<256x64xf32>
      %dot_general3A_76 = arith.constant dense<0.000000e+00> : vector<64x64xf32>
      %dot_general3A_77 = tpu.matmul %select_n3A, %get3A_75, %dot_general3A_76 {dimension_numbers = #tpu.dot_dimension_numbers<[1], [0], [0], [1], [0, 0, 1, 1], [], []>, transpose_lhs_hint = false} : vector<64x256xf32>, vector<256x64xf32>, vector<64x64xf32> -> vector<64x64xf32>
      %get3A_78 = arith.constant 0 : index
      %get3A_79 = arith.constant 0 : index
      %get3A_80 = vector.load %arg4[%get3A_78, %get3A_79] : memref<64x16xf32, #tpu.memory_space<vmem>>, vector<64x16xf32>
      %get3A_81 = arith.constant 0 : index
      %get3A_82 = arith.constant 0 : index
      %get3A_83 = vector.load %arg9[%get3A_81, %get3A_82] : memref<16x64xf32, #tpu.memory_space<vmem>>, vector<16x64xf32>
      %dot_general3A_84 = arith.constant dense<0.000000e+00> : vector<64x64xf32>
      %dot_general3A_85 = tpu.matmul %get3A_80, %get3A_83, %dot_general3A_84 {dimension_numbers = #tpu.dot_dimension_numbers<[1], [0], [0], [1], [0, 0, 1, 1], [], []>, transpose_lhs_hint = false} : vector<64x16xf32>, vector<16x64xf32>, vector<64x64xf32> -> vector<64x64xf32>
      %add3A_86 = arith.addf %dot_general3A_77, %dot_general3A_85 : vector<64x64xf32>
      %get3A_87 = arith.constant 0 : index
      %get3A_88 = arith.constant 0 : index
      %get3A_89 = vector.load %arg10[%get3A_87, %get3A_88] : memref<1x64xf32, #tpu.memory_space<vmem>>, vector<1x64xf32>
      %add3A_90 = vector.broadcast %get3A_89 : vector<1x64xf32> to vector<64x64xf32>
      %add3A_91 = arith.addf %add3A_86, %add3A_90 : vector<64x64xf32>
      %max3A_92 = arith.constant 0.000000e+00 : f32
      %max3A_93 = vector.broadcast %max3A_92 : f32 to vector<64x64xf32>
      %max3A_94 = arith.maximumf %add3A_91, %max3A_93 : vector<64x64xf32>
      %get3A_95 = arith.constant 0 : index
      %get3A_96 = arith.constant 0 : index
      %get3A_97 = vector.load %arg11[%get3A_95, %get3A_96] : memref<64x32xf32, #tpu.memory_space<vmem>>, vector<64x32xf32>
      %dot_general3A_98 = arith.constant dense<0.000000e+00> : vector<64x32xf32>
      %dot_general3A_99 = tpu.matmul %max3A_94, %get3A_97, %dot_general3A_98 {dimension_numbers = #tpu.dot_dimension_numbers<[1], [0], [0], [1], [0, 0, 1, 1], [], []>, transpose_lhs_hint = false} : vector<64x64xf32>, vector<64x32xf32>, vector<64x32xf32> -> vector<64x32xf32>
      %get3A_100 = arith.constant 0 : index
      %get3A_101 = arith.constant 0 : index
      %get3A_102 = vector.load %arg12[%get3A_100, %get3A_101] : memref<1x32xf32, #tpu.memory_space<vmem>>, vector<1x32xf32>
      %add3A_103 = vector.broadcast %get3A_102 : vector<1x32xf32> to vector<64x32xf32>
      %add3A_104 = arith.addf %dot_general3A_99, %add3A_103 : vector<64x32xf32>
      %max3A_105 = arith.constant 0.000000e+00 : f32
      %max3A_106 = vector.broadcast %max3A_105 : f32 to vector<64x32xf32>
      %max3A_107 = arith.maximumf %add3A_104, %max3A_106 : vector<64x32xf32>
      %get3A_108 = arith.constant 0 : index
      %get3A_109 = arith.constant 0 : index
      %get3A_110 = vector.load %arg13[%get3A_108, %get3A_109] : memref<32x10xf32, #tpu.memory_space<vmem>>, vector<32x10xf32>
      %dot_general3A_111 = arith.constant dense<0.000000e+00> : vector<64x10xf32>
      %dot_general3A_112 = tpu.matmul %max3A_107, %get3A_110, %dot_general3A_111 {dimension_numbers = #tpu.dot_dimension_numbers<[1], [0], [0], [1], [0, 0, 1, 1], [], []>, transpose_lhs_hint = false} : vector<64x32xf32>, vector<32x10xf32>, vector<64x10xf32> -> vector<64x10xf32>
      %get3A_113 = arith.constant 0 : index
      %get3A_114 = arith.constant 0 : index
      %get3A_115 = vector.load %arg14[%get3A_113, %get3A_114] : memref<1x10xf32, #tpu.memory_space<vmem>>, vector<1x10xf32>
      %add3A_116 = vector.broadcast %get3A_115 : vector<1x10xf32> to vector<64x10xf32>
      %add3A_117 = arith.addf %dot_general3A_112, %add3A_116 : vector<64x10xf32>
      %reduce_max3A_118 = arith.constant dense<0xFF800000> : vector<64xf32>
      %reduce_max3A_119 = vector.multi_reduction <maximumf>, %add3A_117, %reduce_max3A_118 [1] : vector<64x10xf32> to vector<64xf32>
      %broadcast_in_dim3A_120 = vector.shape_cast %reduce_max3A_119 : vector<64xf32> to vector<64x1xf32>
      %sub3A = vector.broadcast %broadcast_in_dim3A_120 : vector<64x1xf32> to vector<64x10xf32>
      %sub3A_121 = arith.subf %add3A_117, %sub3A : vector<64x10xf32>
      %exp3A = math.exp %sub3A_121 : vector<64x10xf32>
      %reduce_sum3A = arith.constant dense<0.000000e+00> : vector<64xf32>
      %reduce_sum3A_122 = vector.multi_reduction <add>, %exp3A, %reduce_sum3A [1] : vector<64x10xf32> to vector<64xf32>
      %broadcast_in_dim3A_123 = vector.shape_cast %reduce_sum3A_122 : vector<64xf32> to vector<64x1xf32>
      %log3A = math.log %broadcast_in_dim3A_123 : vector<64x1xf32>
      %sub3A_124 = vector.broadcast %log3A : vector<64x1xf32> to vector<64x10xf32>
      %sub3A_125 = arith.subf %sub3A_121, %sub3A_124 : vector<64x10xf32>
      %swap3A = arith.constant 0 : index
      %swap3A_126 = arith.constant 0 : index
      %swap3A_127 = vector.load %arg15[%swap3A, %swap3A_126] : memref<64x10xf32, #tpu.memory_space<vmem>>, vector<64x10xf32>
      tpu.vector_store %arg15[%swap3A, %swap3A_126], %sub3A_125 {strides = array<i32>} : memref<64x10xf32, #tpu.memory_space<vmem>>, vector<64x10xf32>,
    } else {
    }
    return
  }
  func.func @transform_0(%arg0: i32) -> (i32, i32, i32) {
    %c0_i32 = arith.constant 0 : i32
    %c0_i32_0 = arith.constant 0 : i32
    %c0_i32_1 = arith.constant 0 : i32
    return %c0_i32, %arg0, %c0_i32_0 : i32, i32, i32
  }
  func.func @transform_1(%arg0: i32) -> (i32, i32, i32) {
    %c0_i32 = arith.constant 0 : i32
    %c0_i32_0 = arith.constant 0 : i32
    %c0_i32_1 = arith.constant 0 : i32
    return %c0_i32, %arg0, %c0_i32_0 : i32, i32, i32
  }
  func.func @transform_2(%arg0: i32) -> (i32, i32, i32) {
    %c0_i32 = arith.constant 0 : i32
    %c0_i32_0 = arith.constant 0 : i32
    %c0_i32_1 = arith.constant 0 : i32
    return %arg0, %c0_i32, %c0_i32_0 : i32, i32, i32
  }
  func.func @transform_3(%arg0: i32) -> (i32, i32) {
    %c0_i32 = arith.constant 0 : i32
    %c0_i32_0 = arith.constant 0 : i32
    %c0_i32_1 = arith.constant 0 : i32
    return %c0_i32, %c0_i32_0 : i32, i32
  }
  func.func @transform_4(%arg0: i32) -> (i32, i32) {
    %c0_i32 = arith.constant 0 : i32
    %c0_i32_0 = arith.constant 0 : i32
    %c0_i32_1 = arith.constant 0 : i32
    return %c0_i32, %c0_i32_0 : i32, i32
  }
  func.func @transform_5(%arg0: i32) -> (i32, i32) {
    %c0_i32 = arith.constant 0 : i32
    %c0_i32_0 = arith.constant 0 : i32
    %c0_i32_1 = arith.constant 0 : i32
    return %c0_i32, %c0_i32_0 : i32, i32
  }
  func.func @transform_6(%arg0: i32) -> (i32, i32) {
    %c0_i32 = arith.constant 0 : i32
    %c0_i32_0 = arith.constant 0 : i32
    %c0_i32_1 = arith.constant 0 : i32
    return %c0_i32, %c0_i32_0 : i32, i32
  }
  func.func @transform_7(%arg0: i32) -> (i32, i32) {
    %c0_i32 = arith.constant 0 : i32
    %c0_i32_0 = arith.constant 0 : i32
    %c0_i32_1 = arith.constant 0 : i32
    return %c0_i32, %c0_i32_0 : i32, i32
  }
  func.func @transform_8(%arg0: i32) -> (i32, i32) {
    %c0_i32 = arith.constant 0 : i32
    %c0_i32_0 = arith.constant 0 : i32
    %c0_i32_1 = arith.constant 0 : i32
    return %c0_i32, %c0_i32_0 : i32, i32
  }
  func.func @transform_9(%arg0: i32) -> (i32, i32) {
    %c0_i32 = arith.constant 0 : i32
    %c0_i32_0 = arith.constant 0 : i32
    %c0_i32_1 = arith.constant 0 : i32
    return %c0_i32, %c0_i32_0 : i32, i32
  }
  func.func @transform_10(%arg0: i32) -> (i32, i32) {
    %c0_i32 = arith.constant 0 : i32
    %c0_i32_0 = arith.constant 0 : i32
    %c0_i32_1 = arith.constant 0 : i32
    return %c0_i32, %c0_i32_0 : i32, i32
  }
  func.func @transform_11(%arg0: i32) -> (i32, i32) {
    %c0_i32 = arith.constant 0 : i32
    %c0_i32_0 = arith.constant 0 : i32
    %c0_i32_1 = arith.constant 0 : i32
    return %c0_i32, %c0_i32_0 : i32, i32
  }
  func.func @transform_12(%arg0: i32) -> (i32, i32) {
    %c0_i32 = arith.constant 0 : i32
    %c0_i32_0 = arith.constant 0 : i32
    %c0_i32_1 = arith.constant 0 : i32
    return %c0_i32, %c0_i32_0 : i32, i32
  }
  func.func @transform_13(%arg0: i32) -> (i32, i32) {
    %c0_i32 = arith.constant 0 : i32
    %c0_i32_0 = arith.constant 0 : i32
    %c0_i32_1 = arith.constant 0 : i32
    return %c0_i32, %c0_i32_0 : i32, i32
  }
  func.func @transform_14(%arg0: i32) -> (i32, i32) {
    %c0_i32 = arith.constant 0 : i32
    %c0_i32_0 = arith.constant 0 : i32
    %c0_i32_1 = arith.constant 0 : i32
    return %c0_i32, %c0_i32_0 : i32, i32
  }
}

</mosaic_0001>

<sc_bundles>
// kernel: kernel.6.cloned.1.call-start
scs
__scs_entry_jumppad:
0x0: {  	(pc) =	sbr.rel $0x88, $3  }
0x1: {  	(tag) =	ssettag $0x0;
	lr =	simm.s32 $0x1  }
0x2: {  	[smem:$0x3F91] =	sst lr;
	_ =	strace $0xD0000000  }
0x3: {  	_ = 	snop  }
0x4: {  	_ = 	snop  }
0x5: {  	_ = 	snop  }
0x6: {  	_ = 	snop  }
0x7: {  	_ = 	snop  }
__scs_overlays_trampoline_lowered:
0x8: {  	[smem:$0x3FA0] =	sst s0  }
0x9: {  	[smem:$0x3FA1] =	sst s1  }
0xa: {  	[smem:$0x3FA2] =	sst s2  }
0xb: {  	[smem:$0x3FA3] =	sst s3  }
0xc: {  	[smem:$0x3FA4] =	sst s4  }
0xd: {  	[smem:$0x3FA5] =	sst s5  }
0xe: {  	[smem:$0x3FA6] =	sst s6  }
0xf: {  	[smem:$0x3FA7] =	sst s7  }
0x10: {  	[smem:$0x3FA8] =	sst s8  }
0x11: {  	[smem:$0x3FA9] =	sst s9;
	s0 =	simm.s32 @!p0 $0x0  }
0x12: {  	s1 =	sld [smem:$0x3F8F];
	s0 =	simm.s32 @p0 $0x1  }
0x13: {  	[smem:$0x3FAA] =	sst s0;
	s0 =	simm.s32 @!p1 $0x0  }
0x14: {  	s2 =	sld [smem:$0x3F8E];
	s0 =	simm.s32 @p1 $0x1  }
0x15: {  	[smem:$0x3FAB] =	sst s0;
	s0 =	simm.s32 @!p2 $0x0  }
0x16: {  	s3 =	sld [smem:$0x3FDB];
	s0 =	simm.s32 @p2 $0x1  }
0x17: {  	s4 =	simm.s32 $0x1BF5;
	[smem:$0x3FAD] =	sst s0  }
0x18: {  	s0 =	sld [smem:$0x3F90];
	_ =	swait.ge [sflag:s4], $0x0  }
0x19: {  	s7 =	sld [smem:$0x3F91]  }
0x1a: {  	s8 =	sadd.s32 $0xFFFFE003, lr  }
0x1b: {  	s9 =	sadd.s32 $0xFFFFFEF7, lr;
	s5 =	simm.s32 $0xFFFFFFFF;
	p2 =	slt.u32 s8, $0xFFFFF086  }
0x1c: {  	p1 =	slt.u32 s9, $0xF7A;
	s5 =	simm.s32 @!p2 $0x0  }
0x1d: {  	s5 =	simm.s32 @p1 $0x1;
	p0 =	seq.s32 s7, s2  }
0x1e: {  	s7 =	smul.u32 @!p0 $0xF7A, s2;
	p2 =	seq.s32 @!p0 s5, $0x0  }
0x1f: {  	s9 =	smul.u32 $0xF7A, s1;
	s8 =	simm.s32 @!p0 $0x1BF5;
	p2 =	por !p2, p0  }
0x20: {  	[sflag:s8] =	ssyncset.s32 @!p0 $0xFFFFF086;
	s6 =	sadd.s32 @!p0 s3, s7;
	s7 =	simm.s32 @!p0 $0x108  }
0x21: {  	s3 =	sadd.s32 s3, s9;
	s6 =	sadd.s32 @!p0 $0x88, s6;
	s7 =	simm.s32 @p2 $0x1082  }
0x22: {  	[simem:s7], [sflag:s8] =	dma.local @!p0 [hbm:s6], $0xF7A  }
0x23: {  	s9 =	sor.u32 $0xD0000000, s2;
	s6 =	simm.s32 $0x108;
	_ =	swait.ge @!p0 [sflag:s8], $0x0  }
0x24: {  	s3 =	sadd.s32 $0x88, s3;
	s6 =	simm.s32 @!p1 $0x1082;
	[sflag:s4] =	ssyncset.s32 $0xFFFFF086  }
0x25: {  	[simem:s6], [sflag:s4] =	dma.local [hbm:s3], $0xF7A  }
0x26: {  	[smem:$0x3F91] =	sst s1;
	(tag) =	ssettag s2;
	_ =	strace s9  }
0x27: {  	s1 =	sld [smem:$0x3FA1]  }
0x28: {  	s2 =	sld [smem:$0x3FA2]  }
0x29: {  	s4 =	sld [smem:$0x3FA4]  }
0x2a: {  	p0 =	seq.s32 s5, $0x0;
	s5 =	sld [smem:$0x3FA5]  }
0x2b: {  	s6 =	sld [smem:$0x3FA6]  }
0x2c: {  	s7 =	sld [smem:$0x3FA7]  }
0x2d: {  	s3 =	simm.s32 $0x108;
	s8 =	sld [smem:$0x3FA8]  }
0x2e: {  	s3 =	simm.s32 @!p0 $0x1082;
	s9 =	sld [smem:$0x3FA9]  }
0x2f: {  	lr =	sadd.s32 s0, s3;
	s0 =	sld [smem:$0x3FA0]  }
0x30: {  	s3 =	sld [smem:$0x3FA3]  }
0x31: {  	[smem:$0x3FAC] =	sst s10  }
0x32: {  	s10 =	sld [smem:$0x3FAA];
	_ =	sdelay $0x3  }
0x33: {  	p0 =	seq.s32 s10, $0x1;
	s10 =	sld [smem:$0x3FAC];
	_ =	sdelay $0x3  }
0x34: {  	[smem:$0x3FAC] =	sst s10  }
0x35: {  	s10 =	sld [smem:$0x3FAB];
	_ =	sdelay $0x3  }
0x36: {  	p1 =	seq.s32 s10, $0x1;
	s10 =	sld [smem:$0x3FAC];
	_ =	sdelay $0x3  }
0x37: {  	[smem:$0x3FAC] =	sst s10  }
0x38: {  	s10 =	sld [smem:$0x3FAD]  }
0x39: {  	_ = 	snop;
	(pc) =	sbr.ind lr, $3  }
0x3a: {  	_ = 	snop  }
0x3b: {  	_ = 	snop  }
0x3c: {  	p2 =	seq.s32 s10, $0x1;
	s10 =	sld [smem:$0x3FAC]  }
0x3d: {  	_ =	shalt  }
0x3e: {  	_ =	shalt  }
0x3f: {  	_ =	shalt  }
0x40: {  	_ =	shalt  }
0x41: {  	_ =	shalt  }
0x42: {  	_ =	shalt  }
0x43: {  	_ =	shalt  }
0x44: {  	_ =	shalt  }
0x45: {  	_ =	shalt  }
0x46: {  	_ =	shalt  }
0x47: {  	_ =	shalt  }
0x48: {  	_ =	shalt  }
0x49: {  	_ =	shalt  }
0x4a: {  	_ =	shalt  }
0x4b: {  	_ =	shalt  }
0x4c: {  	_ =	shalt  }
0x4d: {  	_ =	shalt  }
0x4e: {  	_ =	shalt  }
0x4f: {  	_ =	shalt  }
0x50: {  	_ =	shalt  }
0x51: {  	_ =	shalt  }
0x52: {  	_ =	shalt  }
0x53: {  	_ =	shalt  }
0x54: {  	_ =	shalt  }
0x55: {  	_ =	shalt  }
0x56: {  	_ =	shalt  }
0x57: {  	_ =	shalt  }
0x58: {  	_ =	shalt  }
0x59: {  	_ =	shalt  }
0x5a: {  	_ =	shalt  }
0x5b: {  	_ =	shalt  }
0x5c: {  	_ =	shalt  }
0x5d: {  	_ =	shalt  }
0x5e: {  	_ =	shalt  }
0x5f: {  	_ =	shalt  }
0x60: {  	_ =	shalt  }
0x61: {  	_ =	shalt  }
0x62: {  	_ =	shalt  }
0x63: {  	_ =	shalt  }
0x64: {  	_ =	shalt  }
0x65: {  	_ =	shalt  }
0x66: {  	_ =	shalt  }
0x67: {  	_ =	shalt  }
0x68: {  	_ =	shalt  }
0x69: {  	_ =	shalt  }
0x6a: {  	_ =	shalt  }
0x6b: {  	_ =	shalt  }
0x6c: {  	_ =	shalt  }
0x6d: {  	_ =	shalt  }
0x6e: {  	_ =	shalt  }
0x6f: {  	_ =	shalt  }
0x70: {  	_ =	shalt  }
0x71: {  	_ =	shalt  }
0x72: {  	_ =	shalt  }
0x73: {  	_ =	shalt  }
0x74: {  	_ =	shalt  }
0x75: {  	_ =	shalt  }
0x76: {  	_ =	shalt  }
0x77: {  	_ =	shalt  }
0x78: {  	_ =	shalt  }
0x79: {  	_ =	shalt  }
0x7a: {  	_ =	shalt  }
0x7b: {  	_ =	shalt  }
0x7c: {  	_ =	shalt  }
0x7d: {  	_ =	shalt  }
0x7e: {  	_ =	shalt  }
0x7f: {  	_ =	shalt  }
0x80: {  	_ =	shalt  }
0x81: {  	_ =	shalt  }
0x82: {  	_ =	shalt  }
0x83: {  	_ =	shalt  }
0x84: {  	_ =	shalt  }
0x85: {  	_ =	shalt  }
0x86: {  	_ =	shalt  }
0x87: {  	_ =	shalt  }
.Lfunc_end0:
.L_simem_size_0:
called_computation_lowered:
.L_overlay_start_0:
0x88: {  	s2 =	sld [smem:$0x3FD9]  }
0x89: {  	s3 =	sld [smem:$0x3FFE];
	_ =	sdelay $0x1  }
0x8a: {  	s1 =	srdreg.scid  }
0x8b: {  	s0 =	sand.u32 $0x1, s1  }
0x8c: {  	s16 =	sshll.u32 s0, $0xA;
	s2 =	sadd.s32 s3, s2  }
0x8d: {  	s2 =	sadd.s32 s2, s16  }
0x8e: {  	[smem:$0x3FB8] =	sst s2  }
0x8f: {  	_ = 	snop  }
0x90: {  	(tm) =	ssettm $0x1  }
0x91: {  	s17 =	sld [smem:$0x3FFB];
	_ =	sdelay $0x3  }
0x92: {  	_ =	strace s17  }
0x93: {  	s2 =	sld [smem:$0x3FFC];
	_ =	sdelay $0x3  }
0x94: {  	_ =	strace s2  }
0x95: {  	s2 =	sld [smem:$0x3FFD];
	_ =	sdelay $0x3  }
0x96: {  	_ =	strace s2  }
0x97: {  	_ =	strace $0x8FFFFFFF  }
0x98: {  	s18 =	sld [smem:$0x3FDB];
	_ =	sdelay $0x1  }
0x99: {  	s19 =	simm.s32 $_scs_section_size  }
0x9a: {  	s4 =	simm.s32 $_size__tile_overlayer_lowered;
	s5 =	simm.s32 $_tile_overlayer_lowered  }
0x9b: {  	s22 =	simm.s32 $0x1BFF;
	s21 =	sshll.u32 s5, $0x1;
	s2 =	sadd.s32 s19, s18  }
0x9c: {  	s6 =	simm.s32 $0x0;
	s20 =	sshll.u32 s4, $0x1;
	s4 =	sadd.s32 s21, s2  }
0x9d: {  	[timem:s6], [sflag:s22] =	dma.local [hbm:s4], s20  }
0x9e: {  	_ =	swait.ge [sflag:s22], s20  }
0x9f: {  	s3 =	ssub.s32 $0x0, s20;
	[sflag:s22] =	ssyncset.done $0x0  }
0xa0: {  	[sflag:s22] =	ssyncadd.s32 s3;
	_ =	sdelay $0x1  }
0xa1: {  	s23 =	simm.s32 $0x1B8B  }
0xa2: {  	_ =	swait.ge [sflag:s23], $0x1  }
0xa3: {  	[sflag:s23] =	ssyncset.done $0x0  }
0xa4: {  	s25 =	simm.s32 $0x1B8E;
	s24 =	sld [smem:$0x3FFE];
	[sflag:s23] =	ssyncadd.s32 $0xFFFFFFFF  }
0xa5: {  	s26 =	simm.s32 $execute0_lowered;
	[smem:$0x3FD2] =	sst s25  }
0xa6: {  	s4 =	sshll.u32 s26, $0x1;
	_ =	strace $0x80000046;
	[dreg:$0x1] =	wrdreg $0xFFFFFFFF  }
0xa7: {  	s28 =	simm.s32 $_size_execute0_lowered;
	s2 =	sadd.s32 s2, s4;
	[dreg:$0x0] =	wrdreg $0x0  }
0xa8: {  	s4 =	sshll.u32 s28, $0x1;
	[dreg:$0x2] =	wrdreg s2  }
0xa9: {  	[dreg:$0x3] =	wrdreg s4  }
0xaa: {  	[dreg:$0x4] =	wrdreg $0xC0  }
0xab: {  	_ =	task [dreg:s6], $0x5FFFF  }
0xac: {  	[dreg:$0x1] =	wrdreg $0xFFFFFFFF  }
0xad: {  	[dreg:$0x0] =	wrdreg $0x60  }
0xae: {  	[dreg:$0x2] =	wrdreg s24  }
0xaf: {  	[dreg:$0x3] =	wrdreg $0x40000  }
0xb0: {  	[dreg:$0x4] =	wrdreg $0x53C00  }
0xb1: {  	[dreg:$0x5] =	wrdreg $0x9  }
0xb2: {  	_ =	task.clear_ibuf [dreg:s6], $0x6FFFF;
	_ =	strace $0x90000046  }
0xb3: {  	s29 =	simm.s32 $0x9;
	_ =	strace $0x80000048  }
0xb4: {  	_ =	swait.ge [sflag:s29], $0x1  }
0xb5: {  	[sflag:s29] =	ssyncadd.s32 $0xFFFFFFFF  }
0xb6: {  	_ =	strace $0x90000048  }
0xb7: {  	_ =	sfence  }
0xb8: {  	s30 =	sld [smem:$0x0];
	_ =	sdelay $0x2  }
0xb9: {  	s31 =	sshll.u32 s1, $0xD;
	s1 =	sshrl.u32 s1, $0x2  }
0xba: {  	s3 =	sand.u32 $0x4000, s31;
	s1 =	sadd.s32 s1, s30  }
0xbb: {  	s0 =	sor.u32 s3, s0;
	s1 =	sshll.u32 s1, $0x11  }
0xbc: {  	s0 =	sor.u32 s1, s0  }
0xbd: {  	s0 =	sadd.s32 $0x8F2B, s0  }
0xbe: {  	[sflag:s0] =	ssyncadd.remote.s32 $0x1  }
0xbf: {  	_ =	sfence.sel $0xFFFF  }
0xc0: {  	[dreg:$0x0] =	wrdreg $0xFFFFFFFF;
	(pc) =	sbr.abs _section_cstart, $3  }
0xc1: {  	[dreg:$0x1] =	wrdreg $0xFFFFFFFF  }
0xc2: {  	_ =	task.clear_ibuf [dreg:s6], $0x2FFFF;
	_ =	strace $0x9FFFFFFF  }
0xc3: {  	(tm) =	ssettm $0x7FFFFFFF  }
tec
execute0_lowered:
.L_overlay_start_1:
0x0: {  	(tag) =	ssettag $0x1  }
0x1: {  	s7 =	rddreg [dreg:$0x0]  }
0x2: {  	s1 =	rddreg [dreg:$0x1]  }
0x3: {  	s2 =	rddreg [dreg:$0x2];
	s3 =	simm.s32 $0x0  }
0x4: {  	s0 =	simm.s32 $0x400;
	[smem:$0x7FF] =	sst s3  }
0x5: {  	s16 =	simm.s32 $0x280;
	_ =	strace $0x80000047;
	[dreg:$0x4] =	wrdreg s0  }
0x6: {  	s17 =	simm.s32 $0x600;
	[dreg:$0x5] =	wrdreg s16  }
0x7: {  	s18 =	simm.s32 $0x480;
	[dreg:$0x6] =	wrdreg s17  }
0x8: {  	s19 =	simm.s32 $0x700;
	[dreg:$0x7] =	wrdreg s18  }
0x9: {  	s20 =	simm.s32 $0x580;
	[dreg:$0x8] =	wrdreg s19  }
0xa: {  	s4 =	simm.s32 $0x800;
	[dreg:$0x9] =	wrdreg s20  }
0xb: {  	s21 =	simm.s32 $0x680;
	[dreg:$0xa] =	wrdreg s4  }
0xc: {  	s22 =	simm.s32 $0x900;
	[dreg:$0xb] =	wrdreg s21  }
0xd: {  	s6 =	simm.s32 $0x780;
	[dreg:$0xc] =	wrdreg s22  }
0xe: {  	s23 =	simm.s32 $0xA00;
	[dreg:$0xd] =	wrdreg s6  }
0xf: {  	s24 =	simm.s32 $0x880;
	[dreg:$0xe] =	wrdreg s23  }
0x10: {  	s25 =	simm.s32 $0xB00;
	[dreg:$0xf] =	wrdreg s24  }
0x11: {  	s26 =	simm.s32 $0x980;
	[dreg:$0x10] =	wrdreg s25  }
0x12: {  	s11 =	simm.s32 $0xC00;
	[dreg:$0x11] =	wrdreg s26  }
0x13: {  	s13 =	simm.s32 $0xD00;
	[dreg:$0x12] =	wrdreg s11  }
0x14: {  	s15 =	simm.s32 $0xB80;
	[dreg:$0x14] =	wrdreg s13  }
0x15: {  	s11 =	simm.s32 $0xA80;
	[dreg:$0x15] =	wrdreg s15  }
0x16: {  	s16 =	simm.s32 $0xE00;
	[dreg:$0x13] =	wrdreg s11  }
0x17: {  	s17 =	simm.s32 $0xC80;
	[dreg:$0x16] =	wrdreg s16  }
0x18: {  	s18 =	simm.s32 $0xF00;
	[dreg:$0x17] =	wrdreg s17  }
0x19: {  	s20 =	simm.s32 $0xD80;
	[dreg:$0x18] =	wrdreg s18  }
0x1a: {  	s21 =	simm.s32 $0xE80;
	[dreg:$0x19] =	wrdreg s20  }
0x1b: {  	s14 =	stileid.u32;
	s22 =	simm.s32 $0x1100;
	[dreg:$0x1a] =	wrdreg s21  }
0x1c: {  	s10 =	srdreg.scid;
	s24 =	simm.s32 $0xF80;
	[dreg:$0x1b] =	wrdreg s22  }
0x1d: {  	s28 =	simm.s32 $0x1000;
	s25 =	simm.s32 $0x1200;
	[dreg:$0x1c] =	wrdreg s24  }
0x1e: {  	s29 =	simm.s32 $0x3C00;
	s26 =	simm.s32 $0x1080;
	[dreg:$0x1d] =	wrdreg s25  }
0x1f: {  	s30 =	simm.s32 $0x3400;
	s13 =	simm.s32 $0x1300;
	[dreg:$0x1e] =	wrdreg s26  }
0x20: {  	s31 =	simm.s32 $0x2C00;
	[dreg:$0x1f] =	wrdreg s13;
	s13 =	simm.s32 $0x1180  }
0x21: {  	s8 =	smul.u32 $0x13C0, s14;
	s16 =	simm.s32 $0x1400;
	[smem:$0x7DB] =	sst s13  }
0x22: {  	s0 =	smul.u32 $0x1388, s14;
	s17 =	simm.s32 $0x1280;
	[smem:$0x7DC] =	sst s16  }
0x23: {  	s6 =	sand.u32 $0x1, s10;
	s18 =	simm.s32 $0x1500;
	[smem:$0x7DD] =	sst s17  }
0x24: {  	s23 =	sshll.u32 s14, $0x1;
	s21 =	simm.s32 $0x1600;
	[smem:$0x7DF] =	sst s18  }
0x25: {  	s15 =	sshll.u32 s14, $0x6;
	s25 =	simm.s32 $0x1700;
	[smem:$0x7E3] =	sst s21  }
0x26: {  	s9 =	sshrl.u32 s8, $0x3;
	s26 =	simm.s32 $0x1580;
	[smem:$0x7E5] =	sst s25  }
0x27: {  	s24 =	smul.u32 $0x14000, s14;
	s14 =	simm.s32 $0x1A00;
	[smem:$0x7E7] =	sst s26  }
0x28: {  	s12 =	smul.u32 $0x13C00, s6;
	s13 =	simm.s32 $0x1780;
	[smem:$0x7EE] =	sst s14  }
0x29: {  	s19 =	ssub.s32 $0x2, s6;
	s16 =	simm.s32 $0x1B00;
	[smem:$0x7EC] =	sst s13  }
0x2a: {  	s5 =	sshrl.u32 s0, $0x3;
	s17 =	simm.s32 $0x1980;
	[smem:$0x7F0] =	sst s16  }
0x2b: {  	s9 =	sadd.s32 s9, s7;
	s18 =	simm.s32 $0x1C00;
	[smem:$0x7F2] =	sst s17  }
0x2c: {  	s0 =	sadd.s32 s0, s2;
	s21 =	simm.s32 $0x1B80;
	[smem:$0x7F3] =	sst s18  }
0x2d: {  	s25 =	simm.s32 $0x1D80;
	s26 =	simm.s32 $0x1F80;
	[smem:$0x7F6] =	sst s21  }
0x2e: {  	s4 =	sadd.s32 s5, s7;
	s5 =	sadd.s32 $0x5600, s7;
	[smem:$0x7FA] =	sst s25  }
0x2f: {  	s11 =	sadd.s32 s8, s12;
	s9 =	sadd.s32 $0x2D600, s9;
	[smem:$0x7FB] =	sst s26  }
0x30: {  	s12 =	sshrl.u32 s19, $0x1;
	s0 =	sshrl.u32 s0, $0x3;
	[smem:$0x7DA] =	sst s9  }
0x31: {  	s11 =	sshrl.u32 s11, $0x3;
	s4 =	sadd.s32 $0x2E00, s4;
	[smem:$0x7F1] =	sst s0  }
0x32: {  	s10 =	ssub.s32 s19, s12;
	s19 =	simm.s32 $0x1380;
	[smem:$0x7DE] =	sst s4  }
0x33: {  	s12 =	sor.u32 s6, s23;
	s23 =	simm.s32 $0x1480;
	[smem:$0x7E1] =	sst s19  }
0x34: {  	s11 =	sadd.s32 s11, s7;
	[smem:$0x7E4] =	sst s23;
	s10 =	smax.u32 s10, $0x1  }
0x35: {  	s7 =	sor.u32 $0x1C04, s15;
	s15 =	simm.s32 $0x1880;
	[smem:$0x7E6] =	sst s10  }
0x36: {  	s8 =	sadd.s32 s8, s1;
	s19 =	simm.s32 $0x1A80;
	[smem:$0x7EF] =	sst s15  }
0x37: {  	s17 =	simm.s32 $0x80;
	s23 =	simm.s32 $0x1C80;
	[smem:$0x7F4] =	sst s19  }
0x38: {  	s18 =	simm.s32 $0x2000;
	s25 =	simm.s32 $0x3800;
	[smem:$0x7F8] =	sst s23  }
0x39: {  	s26 =	simm.s32 $0x3;
	s22 =	sadd.s32 $0x2FE00, s11;
	[smem:$0x7FC] =	sst s7  }
0x3a: {  	s6 =	smul.u32 $0xA000, s6;
	s10 =	simm.s32 $0x1800;
	[smem:$0x7E2] =	sst s22  }
0x3b: {  	s12 =	smul.u32 $0x1400, s12;
	s11 =	simm.s32 $0x1680;
	[smem:$0x7E8] =	sst s10  }
0x3c: {  	s6 =	sadd.s32 s6, s24;
	s24 =	simm.s32 $0x1F00;
	[smem:$0x7EA] =	sst s11  }
0x3d: {  	s0 =	simm.s32 $0x1;
	s20 =	sadd.s32 s5, s12;
	[smem:$0x7F9] =	sst s24  }
0x3e: {  	s23 =	simm.s32 $0x2;
	s9 =	sadd.s32 $0x2000, s6;
	[smem:$0x7E0] =	sst s20  }
0x3f: {  	s12 =	simm.s32 $0x1900;
	s6 =	sor.u32 $0x1000, s6;
	[smem:$0x7E9] =	sst s9  }
0x40: {  	s22 =	simm.s32 $0x1E00;
	s24 =	simm.s32 $0x3000;
	[smem:$0x7EB] =	sst s12  }
0x41: {  	s6 =	sshrl.u32 s6, $0x3;
	s20 =	simm.s32 $0x1D00;
	[smem:$0x7F7] =	sst s22  }
0x42: {  	s22 =	simm.s32 $0x2800;
	s6 =	sadd.s32 s6, s5;
	[smem:$0x7F5] =	sst s20  }
0x43: {  	s9 =	simm.s32 $0x0;
	[smem:$0x7ED] =	sst s6;
	s6 =	sshrl.u32 s8, $0x3  }
0x44: {  	s20 =	simm.s32 $0x2400;
	s8 =	simm.s32 $0x4;
	[smem:$0x7FD] =	sst s6  }
.LBB2_1:
0x45: {  	s4 =	sld [smem:$0x7DA];
	_ =	sdelay $0x1  }
0x46: {  	[smem:$0x7D9] =	sst s9  }
0x47: {  	[spmem:s6], [sflag:s7] =	dma.local [hbm:s4], $0x278  }
0x48: {  	_ =	swait.ge [sflag:s8], $0x278  }
0x49: {  	s14 =	sld [smem:$0x7DE]  }
0x4a: {  	s15 =	sld [smem:$0x7F1]  }
0x4b: {  	[sflag:s8] =	ssyncset.done $0x0  }
0x4c: {  	[sflag:s8] =	ssyncadd.s32 $0xFFFFFD88  }
0x4d: {  	[spmem:s15], [sflag:s7] =	dma.local [hbm:s14], $0x271  }
0x4e: {  	_ =	swait.ge [sflag:s8], $0x271  }
0x4f: {  	[sflag:s8] =	ssyncset.done $0x0  }
0x50: {  	[sflag:s8] =	ssyncadd.s32 $0xFFFFFD8F  }
0x51: {  	[bflag:$0x0] =	sbarrier.arrive $0xFFFF  }
0x52: {  	s16 =	sld [smem:$0x7E0];
	_ =	sdelay $0x2  }
0x53: {  	[tilespmem:s3], [sflag:$0x1] =	stream.linear.gather [hbm4b:s16+s3], $0x1000, $0x38;
	[tilespmem:$0x6748] =	vst v63  }
0x54: {  	_ =	swait.ge [sflag:s0], $0x1000  }
0x55: {  	[sflag:s0] =	ssyncset.done $0x0  }
0x56: {  	[sflag:s0] =	ssyncadd.s32 $0xFFFFF000  }
0x57: {  	[tilespmem:s18], [sflag:$0x2] =	stream.indirect.gather [spmem:s2], $0x8, s3, s17, $0xb8;
	[tilespmem:$0x6748] =	vst v63  }
0x58: {  	s19 =	simm.s32 $0x100  }
0x59: {  	[tilespmem:s20], [sflag:$0x2] =	stream.indirect.gather [spmem:s2], $0x8, s19, s17, $0xb8;
	[tilespmem:$0x6748] =	vst v63  }
0x5a: {  	s21 =	simm.s32 $0x200  }
0x5b: {  	[tilespmem:s22], [sflag:$0x2] =	stream.indirect.gather [spmem:s2], $0x8, s21, s17, $0xb8;
	[tilespmem:$0x6748] =	vst v63  }
0x5c: {  	_ =	swait.ge [sflag:s23], $0x400  }
0x5d: {  	p0 =	por $0x1, $0x1;
	[sflag:s23] =	ssyncset.done $0x0  }
0x5e: {  	s9 =	simm.s32 @p0 $0x80;
	[sflag:s23] =	ssyncadd.s32 $0xFFFFFC00  }
0x5f: {  	[spmem:s1] =	stream.indirect.scatter.add.f32 [tilespmem:s18], [sflag:$0x3], $0x8, s17, s17, $0xb8;
	[tilespmem:$0x6748] =	vst v63  }
0x60: {  	s10 =	simm.s32 @p0 $0x2;
	s6 =	simm.s32 @p0 $0x300;
	s8 =	simm.s32 @p0 $0x2C00  }
0x61: {  	[tilespmem:s8], [sflag:$0x2] =	stream.indirect.gather @p0 [spmem:s2], $0x8, s6, s9, $0xb8;
	[tilespmem:$0x6748] =	vst v63  }
0x62: {  	_ =	swait.ge @p0 [sflag:s10], $0x400  }
0x63: {  	s11 =	simm.s32 @p0 $0x2400;
	[sflag:s10] =	ssyncset.done @p0 $0x0  }
0x64: {  	s12 =	simm.s32 @!p0 $0x3;
	s6 =	simm.s32 @p0 $0x180;
	[sflag:s10] =	ssyncadd.s32 @p0 $0xFFFFFC00  }
0x65: {  	[spmem:s1] =	stream.indirect.scatter.add.f32 @p0 [tilespmem:s11], [sflag:$0x3], $0x8, s6, s9, $0xb8;
	[tilespmem:$0x6748] =	vst v63  }
0x66: {  	_ =	swait.ge @!p0 [sflag:s12], $0x400  }
0x67: {  	s13 =	simm.s32 @!p0 $0x300;
	s14 =	simm.s32 @!p0 $0x2;
	[sflag:s12] =	ssyncset.done @!p0 $0x0  }
0x68: {  	s6 =	simm.s32 @!p0 $0x2C00;
	s11 =	simm.s32 @!p0 $0x80;
	[sflag:s12] =	ssyncadd.s32 @!p0 $0xFFFFFC00  }
0x69: {  	[tilespmem:s6], [sflag:$0x2] =	stream.indirect.gather @!p0 [spmem:s2], $0x8, s13, s11, $0xb8;
	[tilespmem:$0x6748] =	vst v63  }
0x6a: {  	_ =	swait.ge @!p0 [sflag:s14], $0x400  }
0x6b: {  	[sflag:s14] =	ssyncset.done @!p0 $0x0  }
0x6c: {  	s16 =	simm.s32 @!p0 $0x2400;
	s13 =	simm.s32 @!p0 $0x180;
	[sflag:s14] =	ssyncadd.s32 @!p0 $0xFFFFFC00  }
0x6d: {  	[spmem:s1] =	stream.indirect.scatter.add.f32 @!p0 [tilespmem:s16], [sflag:$0x3], $0x8, s13, s11, $0xb8;
	[tilespmem:$0x6748] =	vst v63  }
0x6e: {  	_ =	swait.ge @!p0 [sflag:s12], $0x400  }
0x6f: {  	[sflag:s12] =	ssyncset.done @!p0 $0x0  }
0x70: {  	s4 =	rddreg [dreg:$0x4];
	[sflag:s12] =	ssyncadd.s32 @!p0 $0xFFFFFC00  }
0x71: {  	[tilespmem:s24], [sflag:$0x2] =	stream.indirect.gather [spmem:s2], $0x8, s4, s17, $0xb8;
	[tilespmem:$0x6748] =	vst v63  }
0x72: {  	_ =	swait.ge [sflag:s23], $0x400  }
0x73: {  	[sflag:s23] =	ssyncset.done $0x0  }
0x74: {  	s7 =	rddreg [dreg:$0x5];
	[sflag:s23] =	ssyncadd.s32 $0xFFFFFC00  }
0x75: {  	[spmem:s1] =	stream.indirect.scatter.add.f32 [tilespmem:s22], [sflag:$0x3], $0x8, s7, s17, $0xb8;
	[tilespmem:$0x6748] =	vst v63  }
0x76: {  	s13 =	simm.s32 @p0 $0x500;
	s16 =	simm.s32 @p0 $0x3400  }
0x77: {  	[tilespmem:s16], [sflag:$0x2] =	stream.indirect.gather @p0 [spmem:s2], $0x8, s13, s9, $0xb8;
	[tilespmem:$0x6748] =	vst v63  }
0x78: {  	_ =	swait.ge @p0 [sflag:s10], $0x400  }
0x79: {  	[sflag:s10] =	ssyncset.done @p0 $0x0  }
0x7a: {  	[sflag:s10] =	ssyncadd.s32 @p0 $0xFFFFFC00;
	s10 =	simm.s32 @p0 $0x380  }
0x7b: {  	[spmem:s1] =	stream.indirect.scatter.add.f32 @p0 [tilespmem:s8], [sflag:$0x3], $0x8, s10, s9, $0xb8;
	[tilespmem:$0x6748] =	vst v63  }
0x7c: {  	_ =	swait.ge @!p0 [sflag:s12], $0x400  }
0x7d: {  	[sflag:s12] =	ssyncset.done @!p0 $0x0  }
0x7e: {  	s8 =	simm.s32 @!p0 $0x500;
	s9 =	simm.s32 @!p0 $0x3400;
	[sflag:s12] =	ssyncadd.s32 @!p0 $0xFFFFFC00  }
0x7f: {  	[tilespmem:s9], [sflag:$0x2] =	stream.indirect.gather @!p0 [spmem:s2], $0x8, s8, s11, $0xb8;
	[tilespmem:$0x6748] =	vst v63  }
0x80: {  	_ =	swait.ge @!p0 [sflag:s14], $0x400  }
0x81: {  	[sflag:s14] =	ssyncset.done @!p0 $0x0  }
0x82: {  	s8 =	simm.s32 @!p0 $0x380;
	[sflag:s14] =	ssyncadd.s32 @!p0 $0xFFFFFC00  }
0x83: {  	[spmem:s1] =	stream.indirect.scatter.add.f32 @!p0 [tilespmem:s6], [sflag:$0x3], $0x8, s8, s11, $0xb8;
	[tilespmem:$0x6748] =	vst v63  }
0x84: {  	_ =	swait.ge @!p0 [sflag:s12], $0x400  }
0x85: {  	[sflag:s12] =	ssyncset.done @!p0 $0x0  }
0x86: {  	s13 =	rddreg [dreg:$0x6];
	[sflag:s12] =	ssyncadd.s32 @!p0 $0xFFFFFC00  }
0x87: {  	[tilespmem:s25], [sflag:$0x2] =	stream.indirect.gather [spmem:s2], $0x8, s13, s17, $0xb8;
	[tilespmem:$0x6748] =	vst v63  }
0x88: {  	_ =	swait.ge [sflag:s23], $0x400  }
0x89: {  	[sflag:s23] =	ssyncset.done $0x0  }
0x8a: {  	s14 =	rddreg [dreg:$0x7];
	[sflag:s23] =	ssyncadd.s32 $0xFFFFFC00  }
0x8b: {  	[spmem:s1] =	stream.indirect.scatter.add.f32 [tilespmem:s24], [sflag:$0x3], $0x8, s14, s17, $0xb8;
	[tilespmem:$0x6748] =	vst v63  }
0x8c: {  	_ =	swait.ge [sflag:s26], $0x400  }
0x8d: {  	s4 =	sld [smem:$0x7ED]  }
0x8e: {  	[sflag:s26] =	ssyncset.done $0x0  }
0x8f: {  	[sflag:s26] =	ssyncadd.s32 $0xFFFFFC00  }
0x90: {  	[tilespmem:s28], [sflag:$0x1] =	stream.linear.gather [hbm4b:s4+s3], $0x1000, $0x38;
	[tilespmem:$0x6748] =	vst v63  }
0x91: {  	s15 =	rddreg [dreg:$0x8]  }
0x92: {  	[tilespmem:s29], [sflag:$0x2] =	stream.indirect.gather [spmem:s2], $0x8, s15, s17, $0xb8;
	[tilespmem:$0x6748] =	vst v63  }
0x93: {  	_ =	swait.ge [sflag:s23], $0x400  }
0x94: {  	[sflag:s23] =	ssyncset.done $0x0  }
0x95: {  	s16 =	rddreg [dreg:$0x9];
	[sflag:s23] =	ssyncadd.s32 $0xFFFFFC00  }
0x96: {  	[spmem:s1] =	stream.indirect.scatter.add.f32 [tilespmem:s30], [sflag:$0x3], $0x8, s16, s17, $0xb8;
	[tilespmem:$0x6748] =	vst v63  }
0x97: {  	_ =	swait.ge [sflag:s26], $0x400  }
0x98: {  	[sflag:s26] =	ssyncset.done $0x0  }
0x99: {  	s19 =	rddreg [dreg:$0xa];
	[sflag:s26] =	ssyncadd.s32 $0xFFFFFC00  }
0x9a: {  	[tilespmem:s18], [sflag:$0x2] =	stream.indirect.gather [spmem:s2], $0x8, s19, s17, $0xb8;
	[tilespmem:$0x6748] =	vst v63  }
0x9b: {  	_ =	swait.ge [sflag:s23], $0x400  }
0x9c: {  	[sflag:s23] =	ssyncset.done $0x0  }
0x9d: {  	s21 =	rddreg [dreg:$0xb];
	[sflag:s23] =	ssyncadd.s32 $0xFFFFFC00  }
0x9e: {  	[spmem:s1] =	stream.indirect.scatter.add.f32 [tilespmem:s25], [sflag:$0x3], $0x8, s21, s17, $0xb8;
	[tilespmem:$0x6748] =	vst v63  }
0x9f: {  	_ =	swait.ge [sflag:s26], $0x400  }
0xa0: {  	[sflag:s26] =	ssyncset.done $0x0  }
0xa1: {  	s7 =	rddreg [dreg:$0xc];
	[sflag:s26] =	ssyncadd.s32 $0xFFFFFC00  }
0xa2: {  	[tilespmem:s20], [sflag:$0x2] =	stream.indirect.gather [spmem:s2], $0x8, s7, s17, $0xb8;
	[tilespmem:$0x6748] =	vst v63  }
0xa3: {  	_ =	swait.ge [sflag:s23], $0x400  }
0xa4: {  	[sflag:s23] =	ssyncset.done $0x0  }
0xa5: {  	s8 =	rddreg [dreg:$0xd];
	[sflag:s23] =	ssyncadd.s32 $0xFFFFFC00  }
0xa6: {  	[spmem:s1] =	stream.indirect.scatter.add.f32 [tilespmem:s29], [sflag:$0x3], $0x8, s8, s17, $0xb8;
	[tilespmem:$0x6748] =	vst v63  }
0xa7: {  	_ =	swait.ge [sflag:s26], $0x400  }
0xa8: {  	[sflag:s26] =	ssyncset.done $0x0  }
0xa9: {  	s9 =	rddreg [dreg:$0xe];
	[sflag:s26] =	ssyncadd.s32 $0xFFFFFC00  }
0xaa: {  	[tilespmem:s22], [sflag:$0x2] =	stream.indirect.gather [spmem:s2], $0x8, s9, s17, $0xb8;
	[tilespmem:$0x6748] =	vst v63  }
0xab: {  	_ =	swait.ge [sflag:s23], $0x400  }
0xac: {  	[sflag:s23] =	ssyncset.done $0x0  }
0xad: {  	s10 =	rddreg [dreg:$0xf];
	[sflag:s23] =	ssyncadd.s32 $0xFFFFFC00  }
0xae: {  	[spmem:s1] =	stream.indirect.scatter.add.f32 [tilespmem:s18], [sflag:$0x3], $0x8, s10, s17, $0xb8;
	[tilespmem:$0x6748] =	vst v63  }
0xaf: {  	_ =	swait.ge [sflag:s26], $0x400  }
0xb0: {  	[sflag:s26] =	ssyncset.done $0x0  }
0xb1: {  	s11 =	rddreg [dreg:$0x10];
	[sflag:s26] =	ssyncadd.s32 $0xFFFFFC00  }
0xb2: {  	[tilespmem:s31], [sflag:$0x2] =	stream.indirect.gather [spmem:s2], $0x8, s11, s17, $0xb8;
	[tilespmem:$0x6748] =	vst v63  }
0xb3: {  	_ =	swait.ge [sflag:s23], $0x400  }
0xb4: {  	[sflag:s23] =	ssyncset.done $0x0  }
0xb5: {  	s12 =	rddreg [dreg:$0x11];
	[sflag:s23] =	ssyncadd.s32 $0xFFFFFC00  }
0xb6: {  	[spmem:s1] =	stream.indirect.scatter.add.f32 [tilespmem:s20], [sflag:$0x3], $0x8, s12, s17, $0xb8;
	[tilespmem:$0x6748] =	vst v63  }
0xb7: {  	_ =	swait.ge [sflag:s26], $0x400  }
0xb8: {  	[sflag:s26] =	ssyncset.done $0x0  }
0xb9: {  	s13 =	rddreg [dreg:$0x12];
	[sflag:s26] =	ssyncadd.s32 $0xFFFFFC00  }
0xba: {  	[tilespmem:s24], [sflag:$0x2] =	stream.indirect.gather [spmem:s2], $0x8, s13, s17, $0xb8;
	[tilespmem:$0x6748] =	vst v63  }
0xbb: {  	_ =	swait.ge [sflag:s23], $0x400  }
0xbc: {  	[sflag:s23] =	ssyncset.done $0x0  }
0xbd: {  	s14 =	rddreg [dreg:$0x13];
	[sflag:s23] =	ssyncadd.s32 $0xFFFFFC00  }
0xbe: {  	[spmem:s1] =	stream.indirect.scatter.add.f32 [tilespmem:s22], [sflag:$0x3], $0x8, s14, s17, $0xb8;
	[tilespmem:$0x6748] =	vst v63  }
0xbf: {  	_ =	swait.ge [sflag:s26], $0x400  }
0xc0: {  	[sflag:s26] =	ssyncset.done $0x0  }
0xc1: {  	s15 =	rddreg [dreg:$0x14];
	[sflag:s26] =	ssyncadd.s32 $0xFFFFFC00  }
0xc2: {  	[tilespmem:s30], [sflag:$0x2] =	stream.indirect.gather [spmem:s2], $0x8, s15, s17, $0xb8;
	[tilespmem:$0x6748] =	vst v63  }
0xc3: {  	_ =	swait.ge [sflag:s23], $0x400  }
0xc4: {  	[sflag:s23] =	ssyncset.done $0x0  }
0xc5: {  	s16 =	rddreg [dreg:$0x15];
	[sflag:s23] =	ssyncadd.s32 $0xFFFFFC00  }
0xc6: {  	[spmem:s1] =	stream.indirect.scatter.add.f32 [tilespmem:s31], [sflag:$0x3], $0x8, s16, s17, $0xb8;
	[tilespmem:$0x6748] =	vst v63  }
0xc7: {  	_ =	swait.ge [sflag:s26], $0x400  }
0xc8: {  	[sflag:s26] =	ssyncset.done $0x0  }
0xc9: {  	s19 =	rddreg [dreg:$0x16];
	[sflag:s26] =	ssyncadd.s32 $0xFFFFFC00  }
0xca: {  	[tilespmem:s25], [sflag:$0x2] =	stream.indirect.gather [spmem:s2], $0x8, s19, s17, $0xb8;
	[tilespmem:$0x6748] =	vst v63  }
0xcb: {  	_ =	swait.ge [sflag:s23], $0x400  }
0xcc: {  	[sflag:s23] =	ssyncset.done $0x0  }
0xcd: {  	s21 =	rddreg [dreg:$0x17];
	[sflag:s23] =	ssyncadd.s32 $0xFFFFFC00  }
0xce: {  	[spmem:s1] =	stream.indirect.scatter.add.f32 [tilespmem:s24], [sflag:$0x3], $0x8, s21, s17, $0xb8;
	[tilespmem:$0x6748] =	vst v63  }
0xcf: {  	_ =	swait.ge [sflag:s26], $0x400  }
0xd0: {  	[sflag:s26] =	ssyncset.done $0x0  }
0xd1: {  	s7 =	rddreg [dreg:$0x18];
	[sflag:s26] =	ssyncadd.s32 $0xFFFFFC00  }
0xd2: {  	[tilespmem:s29], [sflag:$0x2] =	stream.indirect.gather [spmem:s2], $0x8, s7, s17, $0xb8;
	[tilespmem:$0x6748] =	vst v63  }
0xd3: {  	_ =	swait.ge [sflag:s23], $0x400  }
0xd4: {  	[sflag:s23] =	ssyncset.done $0x0  }
0xd5: {  	s8 =	rddreg [dreg:$0x19];
	[sflag:s23] =	ssyncadd.s32 $0xFFFFFC00  }
0xd6: {  	[spmem:s1] =	stream.indirect.scatter.add.f32 [tilespmem:s30], [sflag:$0x3], $0x8, s8, s17, $0xb8;
	[tilespmem:$0x6748] =	vst v63  }
0xd7: {  	_ =	swait.ge [sflag:s26], $0x400  }
0xd8: {  	[sflag:s26] =	ssyncset.done $0x0  }
0xd9: {  	[sflag:s26] =	ssyncadd.s32 $0xFFFFFC00  }
0xda: {  	_ =	swait.ge [sflag:s0], $0x1000  }
0xdb: {  	[sflag:s0] =	ssyncset.done $0x0  }
0xdc: {  	[sflag:s0] =	ssyncadd.s32 $0xFFFFF000  }
0xdd: {  	[tilespmem:s18], [sflag:$0x2] =	stream.indirect.gather [spmem:s2], $0x8, s28, s17, $0xb8;
	[tilespmem:$0x6748] =	vst v63  }
0xde: {  	_ =	swait.ge [sflag:s23], $0x400  }
0xdf: {  	[sflag:s23] =	ssyncset.done $0x0  }
0xe0: {  	s9 =	rddreg [dreg:$0x1a];
	[sflag:s23] =	ssyncadd.s32 $0xFFFFFC00  }
0xe1: {  	[spmem:s1] =	stream.indirect.scatter.add.f32 [tilespmem:s25], [sflag:$0x3], $0x8, s9, s17, $0xb8;
	[tilespmem:$0x6748] =	vst v63  }
0xe2: {  	_ =	swait.ge [sflag:s26], $0x400  }
0xe3: {  	[sflag:s26] =	ssyncset.done $0x0  }
0xe4: {  	s10 =	rddreg [dreg:$0x1b];
	[sflag:s26] =	ssyncadd.s32 $0xFFFFFC00  }
0xe5: {  	[tilespmem:s20], [sflag:$0x2] =	stream.indirect.gather [spmem:s2], $0x8, s10, s17, $0xb8;
	[tilespmem:$0x6748] =	vst v63  }
0xe6: {  	_ =	swait.ge [sflag:s23], $0x400  }
0xe7: {  	[sflag:s23] =	ssyncset.done $0x0  }
0xe8: {  	s11 =	rddreg [dreg:$0x1c];
	[sflag:s23] =	ssyncadd.s32 $0xFFFFFC00  }
0xe9: {  	[spmem:s1] =	stream.indirect.scatter.add.f32 [tilespmem:s29], [sflag:$0x3], $0x8, s11, s17, $0xb8;
	[tilespmem:$0x6748] =	vst v63  }
0xea: {  	_ =	swait.ge [sflag:s26], $0x400  }
0xeb: {  	[sflag:s26] =	ssyncset.done $0x0  }
0xec: {  	s12 =	rddreg [dreg:$0x1d];
	[sflag:s26] =	ssyncadd.s32 $0xFFFFFC00  }
0xed: {  	[tilespmem:s22], [sflag:$0x2] =	stream.indirect.gather [spmem:s2], $0x8, s12, s17, $0xb8;
	[tilespmem:$0x6748] =	vst v63  }
0xee: {  	_ =	swait.ge [sflag:s23], $0x400  }
0xef: {  	[sflag:s23] =	ssyncset.done $0x0  }
0xf0: {  	s13 =	rddreg [dreg:$0x1e];
	[sflag:s23] =	ssyncadd.s32 $0xFFFFFC00  }
0xf1: {  	[spmem:s1] =	stream.indirect.scatter.add.f32 [tilespmem:s18], [sflag:$0x3], $0x8, s13, s17, $0xb8;
	[tilespmem:$0x6748] =	vst v63  }
0xf2: {  	_ =	swait.ge [sflag:s26], $0x400  }
0xf3: {  	[sflag:s26] =	ssyncset.done $0x0  }
0xf4: {  	s14 =	rddreg [dreg:$0x1f];
	[sflag:s26] =	ssyncadd.s32 $0xFFFFFC00  }
0xf5: {  	[tilespmem:s31], [sflag:$0x2] =	stream.indirect.gather [spmem:s2], $0x8, s14, s17, $0xb8;
	[tilespmem:$0x6748] =	vst v63  }
0xf6: {  	_ =	swait.ge [sflag:s23], $0x400  }
0xf7: {  	s15 =	sld [smem:$0x7DB]  }
0xf8: {  	[sflag:s23] =	ssyncset.done $0x0  }
0xf9: {  	[sflag:s23] =	ssyncadd.s32 $0xFFFFFC00  }
0xfa: {  	[spmem:s1] =	stream.indirect.scatter.add.f32 [tilespmem:s20], [sflag:$0x3], $0x8, s15, s17, $0xb8;
	[tilespmem:$0x6748] =	vst v63  }
0xfb: {  	_ =	swait.ge [sflag:s26], $0x400  }
0xfc: {  	s16 =	sld [smem:$0x7DC]  }
0xfd: {  	[sflag:s26] =	ssyncset.done $0x0  }
0xfe: {  	[sflag:s26] =	ssyncadd.s32 $0xFFFFFC00  }
0xff: {  	[tilespmem:s24], [sflag:$0x2] =	stream.indirect.gather [spmem:s2], $0x8, s16, s17, $0xb8;
	[tilespmem:$0x6748] =	vst v63  }
0x100: {  	_ =	swait.ge [sflag:s23], $0x400  }
0x101: {  	s19 =	sld [smem:$0x7DD]  }
0x102: {  	[sflag:s23] =	ssyncset.done $0x0  }
0x103: {  	[sflag:s23] =	ssyncadd.s32 $0xFFFFFC00  }
0x104: {  	[spmem:s1] =	stream.indirect.scatter.add.f32 [tilespmem:s22], [sflag:$0x3], $0x8, s19, s17, $0xb8;
	[tilespmem:$0x6748] =	vst v63  }
0x105: {  	_ =	swait.ge [sflag:s26], $0x400  }
0x106: {  	s21 =	sld [smem:$0x7DF]  }
0x107: {  	[sflag:s26] =	ssyncset.done $0x0  }
0x108: {  	[sflag:s26] =	ssyncadd.s32 $0xFFFFFC00  }
0x109: {  	[tilespmem:s30], [sflag:$0x2] =	stream.indirect.gather [spmem:s2], $0x8, s21, s17, $0xb8;
	[tilespmem:$0x6748] =	vst v63  }
0x10a: {  	_ =	swait.ge [sflag:s23], $0x400  }
0x10b: {  	s7 =	sld [smem:$0x7E1]  }
0x10c: {  	[sflag:s23] =	ssyncset.done $0x0  }
0x10d: {  	[sflag:s23] =	ssyncadd.s32 $0xFFFFFC00  }
0x10e: {  	[spmem:s1] =	stream.indirect.scatter.add.f32 [tilespmem:s31], [sflag:$0x3], $0x8, s7, s17, $0xb8;
	[tilespmem:$0x6748] =	vst v63  }
0x10f: {  	_ =	swait.ge [sflag:s26], $0x400  }
0x110: {  	s8 =	sld [smem:$0x7E3]  }
0x111: {  	[sflag:s26] =	ssyncset.done $0x0  }
0x112: {  	[sflag:s26] =	ssyncadd.s32 $0xFFFFFC00  }
0x113: {  	[tilespmem:s25], [sflag:$0x2] =	stream.indirect.gather [spmem:s2], $0x8, s8, s17, $0xb8;
	[tilespmem:$0x6748] =	vst v63  }
0x114: {  	_ =	swait.ge [sflag:s23], $0x400  }
0x115: {  	s9 =	sld [smem:$0x7E4]  }
0x116: {  	[sflag:s23] =	ssyncset.done $0x0  }
0x117: {  	[sflag:s23] =	ssyncadd.s32 $0xFFFFFC00  }
0x118: {  	[spmem:s1] =	stream.indirect.scatter.add.f32 [tilespmem:s24], [sflag:$0x3], $0x8, s9, s17, $0xb8;
	[tilespmem:$0x6748] =	vst v63  }
0x119: {  	_ =	swait.ge [sflag:s26], $0x400  }
0x11a: {  	s12 =	sld [smem:$0x7E9];
	_ =	sdelay $0x1  }
0x11b: {  	p0 =	por $0x0, $0x0  }
0x11c: {  	s8 =	simm.s32 @!p0 $0x0;
	[sflag:s26] =	ssyncset.done $0x0;
	s6 =	sshrl.u32 @!p0 s12, $0x3  }
0x11d: {  	s10 =	sld [smem:$0x7E5];
	[sflag:s26] =	ssyncadd.s32 $0xFFFFFC00;
	s6 =	sadd.s32 @!p0 s5, s6  }
0x11e: {  	[tilespmem:s8], [sflag:$0x1] =	stream.linear.gather @!p0 [hbm4b:s6+s8], $0x1000, $0x38;
	[tilespmem:$0x6748] =	vst v63  }
0x11f: {  	_ = 	snop  }
0x120: {  	[tilespmem:s29], [sflag:$0x2] =	stream.indirect.gather [spmem:s2], $0x8, s10, s17, $0xb8;
	[tilespmem:$0x6748] =	vst v63  }
0x121: {  	_ =	swait.ge [sflag:s23], $0x400  }
0x122: {  	s11 =	sld [smem:$0x7E7]  }
0x123: {  	[sflag:s23] =	ssyncset.done $0x0  }
0x124: {  	[sflag:s23] =	ssyncadd.s32 $0xFFFFFC00  }
0x125: {  	[spmem:s1] =	stream.indirect.scatter.add.f32 [tilespmem:s30], [sflag:$0x3], $0x8, s11, s17, $0xb8;
	[tilespmem:$0x6748] =	vst v63  }
0x126: {  	_ =	swait.ge [sflag:s26], $0x400  }
0x127: {  	s13 =	sld [smem:$0x7E8]  }
0x128: {  	[sflag:s26] =	ssyncset.done $0x0  }
0x129: {  	[sflag:s26] =	ssyncadd.s32 $0xFFFFFC00  }
0x12a: {  	[tilespmem:s18], [sflag:$0x2] =	stream.indirect.gather [spmem:s2], $0x8, s13, s17, $0xb8;
	[tilespmem:$0x6748] =	vst v63  }
0x12b: {  	_ =	swait.ge [sflag:s23], $0x400  }
0x12c: {  	s14 =	sld [smem:$0x7EA]  }
0x12d: {  	[sflag:s23] =	ssyncset.done $0x0  }
0x12e: {  	[sflag:s23] =	ssyncadd.s32 $0xFFFFFC00  }
0x12f: {  	[spmem:s1] =	stream.indirect.scatter.add.f32 [tilespmem:s25], [sflag:$0x3], $0x8, s14, s17, $0xb8;
	[tilespmem:$0x6748] =	vst v63  }
0x130: {  	_ =	swait.ge [sflag:s26], $0x400  }
0x131: {  	s15 =	sld [smem:$0x7EB]  }
0x132: {  	[sflag:s26] =	ssyncset.done $0x0  }
0x133: {  	[sflag:s26] =	ssyncadd.s32 $0xFFFFFC00  }
0x134: {  	[tilespmem:s20], [sflag:$0x2] =	stream.indirect.gather [spmem:s2], $0x8, s15, s17, $0xb8;
	[tilespmem:$0x6748] =	vst v63  }
0x135: {  	_ =	swait.ge [sflag:s23], $0x400  }
0x136: {  	s16 =	sld [smem:$0x7EC]  }
0x137: {  	[sflag:s23] =	ssyncset.done $0x0  }
0x138: {  	[sflag:s23] =	ssyncadd.s32 $0xFFFFFC00  }
0x139: {  	[spmem:s1] =	stream.indirect.scatter.add.f32 [tilespmem:s29], [sflag:$0x3], $0x8, s16, s17, $0xb8;
	[tilespmem:$0x6748] =	vst v63  }
0x13a: {  	_ =	swait.ge [sflag:s26], $0x400  }
0x13b: {  	s19 =	sld [smem:$0x7EE]  }
0x13c: {  	[sflag:s26] =	ssyncset.done $0x0  }
0x13d: {  	[sflag:s26] =	ssyncadd.s32 $0xFFFFFC00  }
0x13e: {  	[tilespmem:s22], [sflag:$0x2] =	stream.indirect.gather [spmem:s2], $0x8, s19, s17, $0xb8;
	[tilespmem:$0x6748] =	vst v63  }
0x13f: {  	_ =	swait.ge [sflag:s23], $0x400  }
0x140: {  	s21 =	sld [smem:$0x7EF]  }
0x141: {  	[sflag:s23] =	ssyncset.done $0x0  }
0x142: {  	[sflag:s23] =	ssyncadd.s32 $0xFFFFFC00  }
0x143: {  	[spmem:s1] =	stream.indirect.scatter.add.f32 [tilespmem:s18], [sflag:$0x3], $0x8, s21, s17, $0xb8;
	[tilespmem:$0x6748] =	vst v63  }
0x144: {  	_ =	swait.ge [sflag:s26], $0x400  }
0x145: {  	s7 =	sld [smem:$0x7F0]  }
0x146: {  	[sflag:s26] =	ssyncset.done $0x0  }
0x147: {  	[sflag:s26] =	ssyncadd.s32 $0xFFFFFC00  }
0x148: {  	[tilespmem:s31], [sflag:$0x2] =	stream.indirect.gather [spmem:s2], $0x8, s7, s17, $0xb8;
	[tilespmem:$0x6748] =	vst v63  }
0x149: {  	_ =	swait.ge [sflag:s23], $0x400  }
0x14a: {  	s8 =	sld [smem:$0x7F2]  }
0x14b: {  	[sflag:s23] =	ssyncset.done $0x0  }
0x14c: {  	[sflag:s23] =	ssyncadd.s32 $0xFFFFFC00  }
0x14d: {  	[spmem:s1] =	stream.indirect.scatter.add.f32 [tilespmem:s20], [sflag:$0x3], $0x8, s8, s17, $0xb8;
	[tilespmem:$0x6748] =	vst v63  }
0x14e: {  	_ =	swait.ge [sflag:s26], $0x400  }
0x14f: {  	s9 =	sld [smem:$0x7F3]  }
0x150: {  	[sflag:s26] =	ssyncset.done $0x0  }
0x151: {  	[sflag:s26] =	ssyncadd.s32 $0xFFFFFC00  }
0x152: {  	[tilespmem:s24], [sflag:$0x2] =	stream.indirect.gather [spmem:s2], $0x8, s9, s17, $0xb8;
	[tilespmem:$0x6748] =	vst v63  }
0x153: {  	_ =	swait.ge [sflag:s23], $0x400  }
0x154: {  	s10 =	sld [smem:$0x7F4]  }
0x155: {  	[sflag:s23] =	ssyncset.done $0x0  }
0x156: {  	[sflag:s23] =	ssyncadd.s32 $0xFFFFFC00  }
0x157: {  	[spmem:s1] =	stream.indirect.scatter.add.f32 [tilespmem:s22], [sflag:$0x3], $0x8, s10, s17, $0xb8;
	[tilespmem:$0x6748] =	vst v63  }
0x158: {  	_ =	swait.ge [sflag:s26], $0x400  }
0x159: {  	s11 =	sld [smem:$0x7F5]  }
0x15a: {  	[sflag:s26] =	ssyncset.done $0x0  }
0x15b: {  	[sflag:s26] =	ssyncadd.s32 $0xFFFFFC00  }
0x15c: {  	[tilespmem:s30], [sflag:$0x2] =	stream.indirect.gather [spmem:s2], $0x8, s11, s17, $0xb8;
	[tilespmem:$0x6748] =	vst v63  }
0x15d: {  	_ =	swait.ge [sflag:s23], $0x400  }
0x15e: {  	s13 =	sld [smem:$0x7F6]  }
0x15f: {  	[sflag:s23] =	ssyncset.done $0x0  }
0x160: {  	[sflag:s23] =	ssyncadd.s32 $0xFFFFFC00  }
0x161: {  	[spmem:s1] =	stream.indirect.scatter.add.f32 [tilespmem:s31], [sflag:$0x3], $0x8, s13, s17, $0xb8;
	[tilespmem:$0x6748] =	vst v63  }
0x162: {  	_ =	swait.ge [sflag:s26], $0x400  }
0x163: {  	s14 =	sld [smem:$0x7F7]  }
0x164: {  	[sflag:s26] =	ssyncset.done $0x0  }
0x165: {  	[sflag:s26] =	ssyncadd.s32 $0xFFFFFC00  }
0x166: {  	[tilespmem:s25], [sflag:$0x2] =	stream.indirect.gather [spmem:s2], $0x8, s14, s17, $0xb8;
	[tilespmem:$0x6748] =	vst v63  }
0x167: {  	_ =	swait.ge [sflag:s23], $0x400  }
0x168: {  	s15 =	sld [smem:$0x7F8]  }
0x169: {  	[sflag:s23] =	ssyncset.done $0x0  }
0x16a: {  	[sflag:s23] =	ssyncadd.s32 $0xFFFFFC00  }
0x16b: {  	[spmem:s1] =	stream.indirect.scatter.add.f32 [tilespmem:s24], [sflag:$0x3], $0x8, s15, s17, $0xb8;
	[tilespmem:$0x6748] =	vst v63  }
0x16c: {  	_ =	swait.ge [sflag:s26], $0x400  }
0x16d: {  	s16 =	sld [smem:$0x7F9]  }
0x16e: {  	[sflag:s26] =	ssyncset.done $0x0  }
0x16f: {  	[sflag:s26] =	ssyncadd.s32 $0xFFFFFC00  }
0x170: {  	[tilespmem:s29], [sflag:$0x2] =	stream.indirect.gather [spmem:s2], $0x8, s16, s17, $0xb8;
	[tilespmem:$0x6748] =	vst v63  }
0x171: {  	_ =	swait.ge [sflag:s23], $0x400  }
0x172: {  	s19 =	sld [smem:$0x7FA]  }
0x173: {  	[sflag:s23] =	ssyncset.done $0x0  }
0x174: {  	[sflag:s23] =	ssyncadd.s32 $0xFFFFFC00  }
0x175: {  	[spmem:s1] =	stream.indirect.scatter.add.f32 [tilespmem:s30], [sflag:$0x3], $0x8, s19, s17, $0xb8;
	[tilespmem:$0x6748] =	vst v63  }
0x176: {  	_ =	swait.ge [sflag:s26], $0x400  }
0x177: {  	[sflag:s26] =	ssyncset.done $0x0  }
0x178: {  	s6 =	simm.s32 @!p0 $0x1;
	[sflag:s26] =	ssyncadd.s32 $0xFFFFFC00  }
0x179: {  	_ =	swait.ge @!p0 [sflag:s6], $0x1000  }
0x17a: {  	p2 =	por $0x0, $0x0;
	[sflag:s6] =	ssyncset.done @!p0 $0x0  }
0x17b: {  	s8 =	simm.s32 @p2 $0x2;
	[sflag:s6] =	ssyncadd.s32 @!p0 $0xFFFFF000  }
0x17c: {  	_ =	swait.ge @p2 [sflag:s8], $0x400  }
0x17d: {  	s9 =	simm.s32 @p2 $0x80;
	s10 =	simm.s32 @p2 $0x1E80;
	[sflag:s8] =	ssyncset.done @p2 $0x0  }
0x17e: {  	s6 =	simm.s32 @p2 $0x3800;
	[sflag:s8] =	ssyncadd.s32 @p2 $0xFFFFFC00;
	s8 =	simm.s32 @p2 $0x3  }
0x17f: {  	[spmem:s1] =	stream.indirect.scatter.add.f32 @p2 [tilespmem:s6], [sflag:$0x3], $0x8, s10, s9, $0xb8;
	[tilespmem:$0x6748] =	vst v63  }
0x180: {  	_ =	swait.ge @p2 [sflag:s8], $0x400  }
0x181: {  	s6 =	simm.s32 @!p2 $0x2000;
	s9 =	simm.s32 @!p2 $0x80;
	[sflag:s8] =	ssyncset.done @p2 $0x0  }
0x182: {  	s10 =	simm.s32 @!p2 $0x0;
	[sflag:s8] =	ssyncadd.s32 @p2 $0xFFFFFC00;
	s8 =	simm.s32 @!p2 $0x2  }
0x183: {  	[tilespmem:s6], [sflag:$0x2] =	stream.indirect.gather @!p2 [spmem:s2], $0x8, s10, s9, $0xb8;
	[tilespmem:$0x6748] =	vst v63  }
0x184: {  	_ =	swait.ge @!p2 [sflag:s8], $0x400  }
0x185: {  	s6 =	simm.s32 @!p2 $0x1E80;
	[sflag:s8] =	ssyncset.done @!p2 $0x0  }
0x186: {  	s10 =	simm.s32 @!p2 $0x3800;
	[sflag:s8] =	ssyncadd.s32 @!p2 $0xFFFFFC00;
	s8 =	simm.s32 @!p2 $0x3  }
0x187: {  	[spmem:s1] =	stream.indirect.scatter.add.f32 @!p2 [tilespmem:s10], [sflag:$0x3], $0x8, s6, s9, $0xb8;
	[tilespmem:$0x6748] =	vst v63  }
0x188: {  	_ =	swait.ge @!p2 [sflag:s8], $0x400  }
0x189: {  	[sflag:s8] =	ssyncset.done @!p2 $0x0  }
0x18a: {  	s6 =	simm.s32 @!p2 $0x100;
	s10 =	simm.s32 @!p2 $0x2400;
	[sflag:s8] =	ssyncadd.s32 @!p2 $0xFFFFFC00  }
0x18b: {  	[tilespmem:s10], [sflag:$0x2] =	stream.indirect.gather @!p2 [spmem:s2], $0x8, s6, s9, $0xb8;
	[tilespmem:$0x6748] =	vst v63  }
0x18c: {  	_ =	swait.ge [sflag:s23], $0x400  }
0x18d: {  	s21 =	sld [smem:$0x7FB]  }
0x18e: {  	[sflag:s23] =	ssyncset.done $0x0  }
0x18f: {  	[sflag:s23] =	ssyncadd.s32 $0xFFFFFC00  }
0x190: {  	[spmem:s1] =	stream.indirect.scatter.add.f32 [tilespmem:s29], [sflag:$0x3], $0x8, s21, s17, $0xb8;
	[tilespmem:$0x6748] =	vst v63  }
0x191: {  	s19 =	simm.s32 $0x3;
	s6 =	simm.s32 @!p2 $0x200;
	_ =	swait.ge [sflag:s26], $0x400  }
0x192: {  	s10 =	simm.s32 @!p2 $0x2800;
	s21 =	sadd.s32 $0x400, s4;
	[sflag:s26] =	ssyncset.done $0x0  }
.LBB2_2:
0x193: {  	[sflag:s26] =	ssyncadd.s32 $0xFFFFFC00  }
0x194: {  	[tilespmem:s10], [sflag:$0x2] =	stream.indirect.gather @!p2 [spmem:s2], $0x8, s6, s9, $0xb8;
	[tilespmem:$0x6748] =	vst v63  }
0x195: {  	s8 =	smov.u32 s19;
	_ =	swait.ge [sflag:s23], $0x400  }
0x196: {  	p1 =	seq.s32 s8, $0x1;
	[sflag:s23] =	ssyncset.done $0x0  }
0x197: {  	s6 =	simm.s32 @p1 $0x300;
	[sflag:s23] =	ssyncadd.s32 $0xFFFFFC00  }
0x198: {  	[spmem:s1] =	stream.indirect.scatter.add.f32 [tilespmem:s18], [sflag:$0x3], $0x8, s17, s17, $0xb8;
	[tilespmem:$0x6748] =	vst v63  }
0x199: {  	s10 =	simm.s32 @p1 $0x2C00;
	s16 =	simm.s32 @p1 $0x80;
	s14 =	simm.s32 @p1 $0x2  }
0x19a: {  	[tilespmem:s10], [sflag:$0x2] =	stream.indirect.gather @p1 [spmem:s2], $0x8, s6, s16, $0xb8;
	[tilespmem:$0x6748] =	vst v63  }
0x19b: {  	_ =	swait.ge @p1 [sflag:s14], $0x400  }
0x19c: {  	s11 =	simm.s32 @p1 $0x2400;
	[sflag:s14] =	ssyncset.done @p1 $0x0  }
0x19d: {  	s9 =	simm.s32 @!p1 $0x3;
	s6 =	simm.s32 @p1 $0x180;
	[sflag:s14] =	ssyncadd.s32 @p1 $0xFFFFFC00  }
0x19e: {  	[spmem:s1] =	stream.indirect.scatter.add.f32 @p1 [tilespmem:s11], [sflag:$0x3], $0x8, s6, s16, $0xb8;
	[tilespmem:$0x6748] =	vst v63  }
0x19f: {  	_ =	swait.ge @!p1 [sflag:s9], $0x400  }
0x1a0: {  	s13 =	simm.s32 @!p1 $0x80;
	s7 =	simm.s32 @!p1 $0x300;
	[sflag:s9] =	ssyncset.done @!p1 $0x0  }
0x1a1: {  	s11 =	simm.s32 @!p1 $0x2C00;
	s6 =	simm.s32 @!p1 $0x2;
	[sflag:s9] =	ssyncadd.s32 @!p1 $0xFFFFFC00  }
0x1a2: {  	[tilespmem:s11], [sflag:$0x2] =	stream.indirect.gather @!p1 [spmem:s2], $0x8, s7, s13, $0xb8;
	[tilespmem:$0x6748] =	vst v63  }
0x1a3: {  	_ =	swait.ge @!p1 [sflag:s6], $0x400  }
0x1a4: {  	[sflag:s6] =	ssyncset.done @!p1 $0x0  }
0x1a5: {  	s15 =	simm.s32 @!p1 $0x2400;
	s7 =	simm.s32 @!p1 $0x180;
	[sflag:s6] =	ssyncadd.s32 @!p1 $0xFFFFFC00  }
0x1a6: {  	[spmem:s1] =	stream.indirect.scatter.add.f32 @!p1 [tilespmem:s15], [sflag:$0x3], $0x8, s7, s13, $0xb8;
	[tilespmem:$0x6748] =	vst v63  }
0x1a7: {  	_ =	swait.ge @!p1 [sflag:s9], $0x400  }
0x1a8: {  	[sflag:s9] =	ssyncset.done @!p1 $0x0  }
0x1a9: {  	s4 =	rddreg [dreg:$0x4];
	[sflag:s9] =	ssyncadd.s32 @!p1 $0xFFFFFC00  }
0x1aa: {  	[tilespmem:s24], [sflag:$0x2] =	stream.indirect.gather [spmem:s2], $0x8, s4, s17, $0xb8;
	[tilespmem:$0x6748] =	vst v63  }
0x1ab: {  	_ =	swait.ge [sflag:s23], $0x400  }
0x1ac: {  	[sflag:s23] =	ssyncset.done $0x0  }
0x1ad: {  	s7 =	rddreg [dreg:$0x5];
	[sflag:s23] =	ssyncadd.s32 $0xFFFFFC00  }
0x1ae: {  	[spmem:s1] =	stream.indirect.scatter.add.f32 [tilespmem:s22], [sflag:$0x3], $0x8, s7, s17, $0xb8;
	[tilespmem:$0x6748] =	vst v63  }
0x1af: {  	s15 =	simm.s32 @p1 $0x500;
	s4 =	simm.s32 @p1 $0x3400  }
0x1b0: {  	[tilespmem:s4], [sflag:$0x2] =	stream.indirect.gather @p1 [spmem:s2], $0x8, s15, s16, $0xb8;
	[tilespmem:$0x6748] =	vst v63  }
0x1b1: {  	_ =	swait.ge @p1 [sflag:s14], $0x400  }
0x1b2: {  	[sflag:s14] =	ssyncset.done @p1 $0x0  }
0x1b3: {  	s4 =	simm.s32 @p1 $0x380;
	[sflag:s14] =	ssyncadd.s32 @p1 $0xFFFFFC00  }
0x1b4: {  	[spmem:s1] =	stream.indirect.scatter.add.f32 @p1 [tilespmem:s10], [sflag:$0x3], $0x8, s4, s16, $0xb8;
	[tilespmem:$0x6748] =	vst v63  }
0x1b5: {  	_ =	swait.ge @!p1 [sflag:s9], $0x400  }
0x1b6: {  	[sflag:s9] =	ssyncset.done @!p1 $0x0  }
0x1b7: {  	s7 =	simm.s32 @!p1 $0x3400;
	s4 =	simm.s32 @!p1 $0x500;
	[sflag:s9] =	ssyncadd.s32 @!p1 $0xFFFFFC00  }
0x1b8: {  	[tilespmem:s7], [sflag:$0x2] =	stream.indirect.gather @!p1 [spmem:s2], $0x8, s4, s13, $0xb8;
	[tilespmem:$0x6748] =	vst v63  }
0x1b9: {  	_ =	swait.ge @!p1 [sflag:s6], $0x400  }
0x1ba: {  	[sflag:s6] =	ssyncset.done @!p1 $0x0  }
0x1bb: {  	s4 =	simm.s32 @!p1 $0x380;
	[sflag:s6] =	ssyncadd.s32 @!p1 $0xFFFFFC00  }
0x1bc: {  	[spmem:s1] =	stream.indirect.scatter.add.f32 @!p1 [tilespmem:s11], [sflag:$0x3], $0x8, s4, s13, $0xb8;
	[tilespmem:$0x6748] =	vst v63  }
0x1bd: {  	_ =	swait.ge @!p1 [sflag:s9], $0x400  }
0x1be: {  	[sflag:s9] =	ssyncset.done @!p1 $0x0  }
0x1bf: {  	s7 =	rddreg [dreg:$0x6];
	[sflag:s9] =	ssyncadd.s32 @!p1 $0xFFFFFC00  }
0x1c0: {  	[tilespmem:s25], [sflag:$0x2] =	stream.indirect.gather [spmem:s2], $0x8, s7, s17, $0xb8;
	[tilespmem:$0x6748] =	vst v63  }
0x1c1: {  	_ =	swait.ge [sflag:s23], $0x400  }
0x1c2: {  	[sflag:s23] =	ssyncset.done $0x0  }
0x1c3: {  	s10 =	rddreg [dreg:$0x7];
	[sflag:s23] =	ssyncadd.s32 $0xFFFFFC00  }
0x1c4: {  	[spmem:s1] =	stream.indirect.scatter.add.f32 [tilespmem:s24], [sflag:$0x3], $0x8, s10, s17, $0xb8;
	[tilespmem:$0x6748] =	vst v63  }
0x1c5: {  	_ =	swait.ge [sflag:s26], $0x400  }
0x1c6: {  	[sflag:s26] =	ssyncset.done $0x0  }
0x1c7: {  	[sflag:s26] =	ssyncadd.s32 $0xFFFFFC00  }
0x1c8: {  	[tilespmem:s28], [sflag:$0x1] =	stream.linear.gather [hbm4b:s21+s3], $0x1000, $0x38;
	[tilespmem:$0x6748] =	vst v63  }
0x1c9: {  	s11 =	rddreg [dreg:$0x8]  }
0x1ca: {  	[tilespmem:s29], [sflag:$0x2] =	stream.indirect.gather [spmem:s2], $0x8, s11, s17, $0xb8;
	[tilespmem:$0x6748] =	vst v63  }
0x1cb: {  	_ =	swait.ge [sflag:s23], $0x400  }
0x1cc: {  	[sflag:s23] =	ssyncset.done $0x0  }
0x1cd: {  	s13 =	rddreg [dreg:$0x9];
	[sflag:s23] =	ssyncadd.s32 $0xFFFFFC00  }
0x1ce: {  	[spmem:s1] =	stream.indirect.scatter.add.f32 [tilespmem:s30], [sflag:$0x3], $0x8, s13, s17, $0xb8;
	[tilespmem:$0x6748] =	vst v63  }
0x1cf: {  	_ =	swait.ge [sflag:s26], $0x400  }
0x1d0: {  	[sflag:s26] =	ssyncset.done $0x0  }
0x1d1: {  	s14 =	rddreg [dreg:$0xa];
	[sflag:s26] =	ssyncadd.s32 $0xFFFFFC00  }
0x1d2: {  	[tilespmem:s18], [sflag:$0x2] =	stream.indirect.gather [spmem:s2], $0x8, s14, s17, $0xb8;
	[tilespmem:$0x6748] =	vst v63  }
0x1d3: {  	_ =	swait.ge [sflag:s23], $0x400  }
0x1d4: {  	[sflag:s23] =	ssyncset.done $0x0  }
0x1d5: {  	s15 =	rddreg [dreg:$0xb];
	[sflag:s23] =	ssyncadd.s32 $0xFFFFFC00  }
0x1d6: {  	[spmem:s1] =	stream.indirect.scatter.add.f32 [tilespmem:s25], [sflag:$0x3], $0x8, s15, s17, $0xb8;
	[tilespmem:$0x6748] =	vst v63  }
0x1d7: {  	_ =	swait.ge [sflag:s26], $0x400  }
0x1d8: {  	[sflag:s26] =	ssyncset.done $0x0  }
0x1d9: {  	s16 =	rddreg [dreg:$0xc];
	[sflag:s26] =	ssyncadd.s32 $0xFFFFFC00  }
0x1da: {  	[tilespmem:s20], [sflag:$0x2] =	stream.indirect.gather [spmem:s2], $0x8, s16, s17, $0xb8;
	[tilespmem:$0x6748] =	vst v63  }
0x1db: {  	_ =	swait.ge [sflag:s23], $0x400  }
0x1dc: {  	[sflag:s23] =	ssyncset.done $0x0  }
0x1dd: {  	s6 =	rddreg [dreg:$0xd];
	[sflag:s23] =	ssyncadd.s32 $0xFFFFFC00  }
0x1de: {  	[spmem:s1] =	stream.indirect.scatter.add.f32 [tilespmem:s29], [sflag:$0x3], $0x8, s6, s17, $0xb8;
	[tilespmem:$0x6748] =	vst v63  }
0x1df: {  	_ =	swait.ge [sflag:s26], $0x400  }
0x1e0: {  	[sflag:s26] =	ssyncset.done $0x0  }
0x1e1: {  	s7 =	rddreg [dreg:$0xe];
	[sflag:s26] =	ssyncadd.s32 $0xFFFFFC00  }
0x1e2: {  	[tilespmem:s22], [sflag:$0x2] =	stream.indirect.gather [spmem:s2], $0x8, s7, s17, $0xb8;
	[tilespmem:$0x6748] =	vst v63  }
0x1e3: {  	_ =	swait.ge [sflag:s23], $0x400  }
0x1e4: {  	[sflag:s23] =	ssyncset.done $0x0  }
0x1e5: {  	s9 =	rddreg [dreg:$0xf];
	[sflag:s23] =	ssyncadd.s32 $0xFFFFFC00  }
0x1e6: {  	[spmem:s1] =	stream.indirect.scatter.add.f32 [tilespmem:s18], [sflag:$0x3], $0x8, s9, s17, $0xb8;
	[tilespmem:$0x6748] =	vst v63  }
0x1e7: {  	_ =	swait.ge [sflag:s26], $0x400  }
0x1e8: {  	[sflag:s26] =	ssyncset.done $0x0  }
0x1e9: {  	s10 =	rddreg [dreg:$0x10];
	[sflag:s26] =	ssyncadd.s32 $0xFFFFFC00  }
0x1ea: {  	[tilespmem:s31], [sflag:$0x2] =	stream.indirect.gather [spmem:s2], $0x8, s10, s17, $0xb8;
	[tilespmem:$0x6748] =	vst v63  }
0x1eb: {  	_ =	swait.ge [sflag:s23], $0x400  }
0x1ec: {  	[sflag:s23] =	ssyncset.done $0x0  }
0x1ed: {  	s11 =	rddreg [dreg:$0x11];
	[sflag:s23] =	ssyncadd.s32 $0xFFFFFC00  }
0x1ee: {  	[spmem:s1] =	stream.indirect.scatter.add.f32 [tilespmem:s20], [sflag:$0x3], $0x8, s11, s17, $0xb8;
	[tilespmem:$0x6748] =	vst v63  }
0x1ef: {  	_ =	swait.ge [sflag:s26], $0x400  }
0x1f0: {  	[sflag:s26] =	ssyncset.done $0x0  }
0x1f1: {  	s13 =	rddreg [dreg:$0x12];
	[sflag:s26] =	ssyncadd.s32 $0xFFFFFC00  }
0x1f2: {  	[tilespmem:s24], [sflag:$0x2] =	stream.indirect.gather [spmem:s2], $0x8, s13, s17, $0xb8;
	[tilespmem:$0x6748] =	vst v63  }
0x1f3: {  	_ =	swait.ge [sflag:s23], $0x400  }
0x1f4: {  	[sflag:s23] =	ssyncset.done $0x0  }
0x1f5: {  	s14 =	rddreg [dreg:$0x13];
	[sflag:s23] =	ssyncadd.s32 $0xFFFFFC00  }
0x1f6: {  	[spmem:s1] =	stream.indirect.scatter.add.f32 [tilespmem:s22], [sflag:$0x3], $0x8, s14, s17, $0xb8;
	[tilespmem:$0x6748] =	vst v63  }
0x1f7: {  	_ =	swait.ge [sflag:s26], $0x400  }
0x1f8: {  	[sflag:s26] =	ssyncset.done $0x0  }
0x1f9: {  	s15 =	rddreg [dreg:$0x14];
	[sflag:s26] =	ssyncadd.s32 $0xFFFFFC00  }
0x1fa: {  	[tilespmem:s30], [sflag:$0x2] =	stream.indirect.gather [spmem:s2], $0x8, s15, s17, $0xb8;
	[tilespmem:$0x6748] =	vst v63  }
0x1fb: {  	_ =	swait.ge [sflag:s23], $0x400  }
0x1fc: {  	[sflag:s23] =	ssyncset.done $0x0  }
0x1fd: {  	s16 =	rddreg [dreg:$0x15];
	[sflag:s23] =	ssyncadd.s32 $0xFFFFFC00  }
0x1fe: {  	[spmem:s1] =	stream.indirect.scatter.add.f32 [tilespmem:s31], [sflag:$0x3], $0x8, s16, s17, $0xb8;
	[tilespmem:$0x6748] =	vst v63  }
0x1ff: {  	_ =	swait.ge [sflag:s26], $0x400  }
0x200: {  	[sflag:s26] =	ssyncset.done $0x0  }
0x201: {  	s6 =	rddreg [dreg:$0x16];
	[sflag:s26] =	ssyncadd.s32 $0xFFFFFC00  }
0x202: {  	[tilespmem:s25], [sflag:$0x2] =	stream.indirect.gather [spmem:s2], $0x8, s6, s17, $0xb8;
	[tilespmem:$0x6748] =	vst v63  }
0x203: {  	_ =	swait.ge [sflag:s23], $0x400  }
0x204: {  	[sflag:s23] =	ssyncset.done $0x0  }
0x205: {  	s7 =	rddreg [dreg:$0x17];
	[sflag:s23] =	ssyncadd.s32 $0xFFFFFC00  }
0x206: {  	[spmem:s1] =	stream.indirect.scatter.add.f32 [tilespmem:s24], [sflag:$0x3], $0x8, s7, s17, $0xb8;
	[tilespmem:$0x6748] =	vst v63  }
0x207: {  	_ =	swait.ge [sflag:s26], $0x400  }
0x208: {  	[sflag:s26] =	ssyncset.done $0x0  }
0x209: {  	s9 =	rddreg [dreg:$0x18];
	[sflag:s26] =	ssyncadd.s32 $0xFFFFFC00  }
0x20a: {  	[tilespmem:s29], [sflag:$0x2] =	stream.indirect.gather [spmem:s2], $0x8, s9, s17, $0xb8;
	[tilespmem:$0x6748] =	vst v63  }
0x20b: {  	_ =	swait.ge [sflag:s23], $0x400  }
0x20c: {  	[sflag:s23] =	ssyncset.done $0x0  }
0x20d: {  	s10 =	rddreg [dreg:$0x19];
	[sflag:s23] =	ssyncadd.s32 $0xFFFFFC00  }
0x20e: {  	[spmem:s1] =	stream.indirect.scatter.add.f32 [tilespmem:s30], [sflag:$0x3], $0x8, s10, s17, $0xb8;
	[tilespmem:$0x6748] =	vst v63  }
0x20f: {  	_ =	swait.ge [sflag:s26], $0x400  }
0x210: {  	[sflag:s26] =	ssyncset.done $0x0  }
0x211: {  	[sflag:s26] =	ssyncadd.s32 $0xFFFFFC00  }
0x212: {  	_ =	swait.ge [sflag:s0], $0x1000  }
0x213: {  	[sflag:s0] =	ssyncset.done $0x0  }
0x214: {  	[sflag:s0] =	ssyncadd.s32 $0xFFFFF000  }
0x215: {  	[tilespmem:s18], [sflag:$0x2] =	stream.indirect.gather [spmem:s2], $0x8, s28, s17, $0xb8;
	[tilespmem:$0x6748] =	vst v63  }
0x216: {  	_ =	swait.ge [sflag:s23], $0x400  }
0x217: {  	[sflag:s23] =	ssyncset.done $0x0  }
0x218: {  	s11 =	rddreg [dreg:$0x1a];
	[sflag:s23] =	ssyncadd.s32 $0xFFFFFC00  }
0x219: {  	[spmem:s1] =	stream.indirect.scatter.add.f32 [tilespmem:s25], [sflag:$0x3], $0x8, s11, s17, $0xb8;
	[tilespmem:$0x6748] =	vst v63  }
0x21a: {  	_ =	swait.ge [sflag:s26], $0x400  }
0x21b: {  	[sflag:s26] =	ssyncset.done $0x0  }
0x21c: {  	s13 =	rddreg [dreg:$0x1b];
	[sflag:s26] =	ssyncadd.s32 $0xFFFFFC00  }
0x21d: {  	[tilespmem:s20], [sflag:$0x2] =	stream.indirect.gather [spmem:s2], $0x8, s13, s17, $0xb8;
	[tilespmem:$0x6748] =	vst v63  }
0x21e: {  	_ =	swait.ge [sflag:s23], $0x400  }
0x21f: {  	[sflag:s23] =	ssyncset.done $0x0  }
0x220: {  	s14 =	rddreg [dreg:$0x1c];
	[sflag:s23] =	ssyncadd.s32 $0xFFFFFC00  }
0x221: {  	[spmem:s1] =	stream.indirect.scatter.add.f32 [tilespmem:s29], [sflag:$0x3], $0x8, s14, s17, $0xb8;
	[tilespmem:$0x6748] =	vst v63  }
0x222: {  	_ =	swait.ge [sflag:s26], $0x400  }
0x223: {  	[sflag:s26] =	ssyncset.done $0x0  }
0x224: {  	s15 =	rddreg [dreg:$0x1d];
	[sflag:s26] =	ssyncadd.s32 $0xFFFFFC00  }
0x225: {  	[tilespmem:s22], [sflag:$0x2] =	stream.indirect.gather [spmem:s2], $0x8, s15, s17, $0xb8;
	[tilespmem:$0x6748] =	vst v63  }
0x226: {  	_ =	swait.ge [sflag:s23], $0x400  }
0x227: {  	[sflag:s23] =	ssyncset.done $0x0  }
0x228: {  	s16 =	rddreg [dreg:$0x1e];
	[sflag:s23] =	ssyncadd.s32 $0xFFFFFC00  }
0x229: {  	[spmem:s1] =	stream.indirect.scatter.add.f32 [tilespmem:s18], [sflag:$0x3], $0x8, s16, s17, $0xb8;
	[tilespmem:$0x6748] =	vst v63  }
0x22a: {  	_ =	swait.ge [sflag:s26], $0x400  }
0x22b: {  	[sflag:s26] =	ssyncset.done $0x0  }
0x22c: {  	s6 =	rddreg [dreg:$0x1f];
	[sflag:s26] =	ssyncadd.s32 $0xFFFFFC00  }
0x22d: {  	[tilespmem:s31], [sflag:$0x2] =	stream.indirect.gather [spmem:s2], $0x8, s6, s17, $0xb8;
	[tilespmem:$0x6748] =	vst v63  }
0x22e: {  	_ =	swait.ge [sflag:s23], $0x400  }
0x22f: {  	s7 =	sld [smem:$0x7DB]  }
0x230: {  	[sflag:s23] =	ssyncset.done $0x0  }
0x231: {  	[sflag:s23] =	ssyncadd.s32 $0xFFFFFC00  }
0x232: {  	[spmem:s1] =	stream.indirect.scatter.add.f32 [tilespmem:s20], [sflag:$0x3], $0x8, s7, s17, $0xb8;
	[tilespmem:$0x6748] =	vst v63  }
0x233: {  	_ =	swait.ge [sflag:s26], $0x400  }
0x234: {  	s9 =	sld [smem:$0x7DC]  }
0x235: {  	[sflag:s26] =	ssyncset.done $0x0  }
0x236: {  	[sflag:s26] =	ssyncadd.s32 $0xFFFFFC00  }
0x237: {  	[tilespmem:s24], [sflag:$0x2] =	stream.indirect.gather [spmem:s2], $0x8, s9, s17, $0xb8;
	[tilespmem:$0x6748] =	vst v63  }
0x238: {  	_ =	swait.ge [sflag:s23], $0x400  }
0x239: {  	s10 =	sld [smem:$0x7DD]  }
0x23a: {  	[sflag:s23] =	ssyncset.done $0x0  }
0x23b: {  	[sflag:s23] =	ssyncadd.s32 $0xFFFFFC00  }
0x23c: {  	[spmem:s1] =	stream.indirect.scatter.add.f32 [tilespmem:s22], [sflag:$0x3], $0x8, s10, s17, $0xb8;
	[tilespmem:$0x6748] =	vst v63  }
0x23d: {  	_ =	swait.ge [sflag:s26], $0x400  }
0x23e: {  	s11 =	sld [smem:$0x7DF]  }
0x23f: {  	[sflag:s26] =	ssyncset.done $0x0  }
0x240: {  	[sflag:s26] =	ssyncadd.s32 $0xFFFFFC00  }
0x241: {  	[tilespmem:s30], [sflag:$0x2] =	stream.indirect.gather [spmem:s2], $0x8, s11, s17, $0xb8;
	[tilespmem:$0x6748] =	vst v63  }
0x242: {  	_ =	swait.ge [sflag:s23], $0x400  }
0x243: {  	s13 =	sld [smem:$0x7E1]  }
0x244: {  	[sflag:s23] =	ssyncset.done $0x0  }
0x245: {  	[sflag:s23] =	ssyncadd.s32 $0xFFFFFC00  }
0x246: {  	[spmem:s1] =	stream.indirect.scatter.add.f32 [tilespmem:s31], [sflag:$0x3], $0x8, s13, s17, $0xb8;
	[tilespmem:$0x6748] =	vst v63  }
0x247: {  	_ =	swait.ge [sflag:s26], $0x400  }
0x248: {  	s14 =	sld [smem:$0x7E3]  }
0x249: {  	[sflag:s26] =	ssyncset.done $0x0  }
0x24a: {  	[sflag:s26] =	ssyncadd.s32 $0xFFFFFC00  }
0x24b: {  	[tilespmem:s25], [sflag:$0x2] =	stream.indirect.gather [spmem:s2], $0x8, s14, s17, $0xb8;
	[tilespmem:$0x6748] =	vst v63  }
0x24c: {  	_ =	swait.ge [sflag:s23], $0x400  }
0x24d: {  	s15 =	sld [smem:$0x7E4]  }
0x24e: {  	[sflag:s23] =	ssyncset.done $0x0  }
0x24f: {  	s12 =	sadd.s32 $0x2000, s12;
	p1 =	seq.s32 s8, $0x9;
	[sflag:s23] =	ssyncadd.s32 $0xFFFFFC00  }
0x250: {  	[spmem:s1] =	stream.indirect.scatter.add.f32 [tilespmem:s24], [sflag:$0x3], $0x8, s15, s17, $0xb8;
	[tilespmem:$0x6748] =	vst v63  }
0x251: {  	s4 =	sshrl.u32 @!p1 s12, $0x3;
	_ =	swait.ge [sflag:s26], $0x400  }
0x252: {  	s4 =	sadd.s32 @!p1 s5, s4;
	[sflag:s26] =	ssyncset.done $0x0  }
0x253: {  	s6 =	simm.s32 @!p1 $0x0;
	s16 =	sld [smem:$0x7E5];
	[sflag:s26] =	ssyncadd.s32 $0xFFFFFC00  }
0x254: {  	[tilespmem:s6], [sflag:$0x1] =	stream.linear.gather @!p1 [hbm4b:s4+s6], $0x1000, $0x38;
	[tilespmem:$0x6748] =	vst v63  }
0x255: {  	_ = 	snop  }
0x256: {  	[tilespmem:s29], [sflag:$0x2] =	stream.indirect.gather [spmem:s2], $0x8, s16, s17, $0xb8;
	[tilespmem:$0x6748] =	vst v63  }
0x257: {  	_ =	swait.ge [sflag:s23], $0x400  }
0x258: {  	s6 =	sld [smem:$0x7E7]  }
0x259: {  	[sflag:s23] =	ssyncset.done $0x0  }
0x25a: {  	[sflag:s23] =	ssyncadd.s32 $0xFFFFFC00  }
0x25b: {  	[spmem:s1] =	stream.indirect.scatter.add.f32 [tilespmem:s30], [sflag:$0x3], $0x8, s6, s17, $0xb8;
	[tilespmem:$0x6748] =	vst v63  }
0x25c: {  	_ =	swait.ge [sflag:s26], $0x400  }
0x25d: {  	s7 =	sld [smem:$0x7E8]  }
0x25e: {  	[sflag:s26] =	ssyncset.done $0x0  }
0x25f: {  	[sflag:s26] =	ssyncadd.s32 $0xFFFFFC00  }
0x260: {  	[tilespmem:s18], [sflag:$0x2] =	stream.indirect.gather [spmem:s2], $0x8, s7, s17, $0xb8;
	[tilespmem:$0x6748] =	vst v63  }
0x261: {  	_ =	swait.ge [sflag:s23], $0x400  }
0x262: {  	s9 =	sld [smem:$0x7EA]  }
0x263: {  	[sflag:s23] =	ssyncset.done $0x0  }
0x264: {  	[sflag:s23] =	ssyncadd.s32 $0xFFFFFC00  }
0x265: {  	[spmem:s1] =	stream.indirect.scatter.add.f32 [tilespmem:s25], [sflag:$0x3], $0x8, s9, s17, $0xb8;
	[tilespmem:$0x6748] =	vst v63  }
0x266: {  	_ =	swait.ge [sflag:s26], $0x400  }
0x267: {  	s10 =	sld [smem:$0x7EB]  }
0x268: {  	[sflag:s26] =	ssyncset.done $0x0  }
0x269: {  	[sflag:s26] =	ssyncadd.s32 $0xFFFFFC00  }
0x26a: {  	[tilespmem:s20], [sflag:$0x2] =	stream.indirect.gather [spmem:s2], $0x8, s10, s17, $0xb8;
	[tilespmem:$0x6748] =	vst v63  }
0x26b: {  	_ =	swait.ge [sflag:s23], $0x400  }
0x26c: {  	s11 =	sld [smem:$0x7EC]  }
0x26d: {  	[sflag:s23] =	ssyncset.done $0x0  }
0x26e: {  	[sflag:s23] =	ssyncadd.s32 $0xFFFFFC00  }
0x26f: {  	[spmem:s1] =	stream.indirect.scatter.add.f32 [tilespmem:s29], [sflag:$0x3], $0x8, s11, s17, $0xb8;
	[tilespmem:$0x6748] =	vst v63  }
0x270: {  	_ =	swait.ge [sflag:s26], $0x400  }
0x271: {  	s13 =	sld [smem:$0x7EE]  }
0x272: {  	[sflag:s26] =	ssyncset.done $0x0  }
0x273: {  	[sflag:s26] =	ssyncadd.s32 $0xFFFFFC00  }
0x274: {  	[tilespmem:s22], [sflag:$0x2] =	stream.indirect.gather [spmem:s2], $0x8, s13, s17, $0xb8;
	[tilespmem:$0x6748] =	vst v63  }
0x275: {  	_ =	swait.ge [sflag:s23], $0x400  }
0x276: {  	s14 =	sld [smem:$0x7EF]  }
0x277: {  	[sflag:s23] =	ssyncset.done $0x0  }
0x278: {  	[sflag:s23] =	ssyncadd.s32 $0xFFFFFC00  }
0x279: {  	[spmem:s1] =	stream.indirect.scatter.add.f32 [tilespmem:s18], [sflag:$0x3], $0x8, s14, s17, $0xb8;
	[tilespmem:$0x6748] =	vst v63  }
0x27a: {  	_ =	swait.ge [sflag:s26], $0x400  }
0x27b: {  	s15 =	sld [smem:$0x7F0]  }
0x27c: {  	[sflag:s26] =	ssyncset.done $0x0  }
0x27d: {  	[sflag:s26] =	ssyncadd.s32 $0xFFFFFC00  }
0x27e: {  	[tilespmem:s31], [sflag:$0x2] =	stream.indirect.gather [spmem:s2], $0x8, s15, s17, $0xb8;
	[tilespmem:$0x6748] =	vst v63  }
0x27f: {  	_ =	swait.ge [sflag:s23], $0x400  }
0x280: {  	s16 =	sld [smem:$0x7F2]  }
0x281: {  	[sflag:s23] =	ssyncset.done $0x0  }
0x282: {  	[sflag:s23] =	ssyncadd.s32 $0xFFFFFC00  }
0x283: {  	[spmem:s1] =	stream.indirect.scatter.add.f32 [tilespmem:s20], [sflag:$0x3], $0x8, s16, s17, $0xb8;
	[tilespmem:$0x6748] =	vst v63  }
0x284: {  	_ =	swait.ge [sflag:s26], $0x400  }
0x285: {  	s6 =	sld [smem:$0x7F3]  }
0x286: {  	[sflag:s26] =	ssyncset.done $0x0  }
0x287: {  	[sflag:s26] =	ssyncadd.s32 $0xFFFFFC00  }
0x288: {  	[tilespmem:s24], [sflag:$0x2] =	stream.indirect.gather [spmem:s2], $0x8, s6, s17, $0xb8;
	[tilespmem:$0x6748] =	vst v63  }
0x289: {  	_ =	swait.ge [sflag:s23], $0x400  }
0x28a: {  	s7 =	sld [smem:$0x7F4]  }
0x28b: {  	[sflag:s23] =	ssyncset.done $0x0  }
0x28c: {  	[sflag:s23] =	ssyncadd.s32 $0xFFFFFC00  }
0x28d: {  	[spmem:s1] =	stream.indirect.scatter.add.f32 [tilespmem:s22], [sflag:$0x3], $0x8, s7, s17, $0xb8;
	[tilespmem:$0x6748] =	vst v63  }
0x28e: {  	_ =	swait.ge [sflag:s26], $0x400  }
0x28f: {  	s9 =	sld [smem:$0x7F5]  }
0x290: {  	[sflag:s26] =	ssyncset.done $0x0  }
0x291: {  	[sflag:s26] =	ssyncadd.s32 $0xFFFFFC00  }
0x292: {  	[tilespmem:s30], [sflag:$0x2] =	stream.indirect.gather [spmem:s2], $0x8, s9, s17, $0xb8;
	[tilespmem:$0x6748] =	vst v63  }
0x293: {  	_ =	swait.ge [sflag:s23], $0x400  }
0x294: {  	s10 =	sld [smem:$0x7F6]  }
0x295: {  	[sflag:s23] =	ssyncset.done $0x0  }
0x296: {  	[sflag:s23] =	ssyncadd.s32 $0xFFFFFC00  }
0x297: {  	[spmem:s1] =	stream.indirect.scatter.add.f32 [tilespmem:s31], [sflag:$0x3], $0x8, s10, s17, $0xb8;
	[tilespmem:$0x6748] =	vst v63  }
0x298: {  	_ =	swait.ge [sflag:s26], $0x400  }
0x299: {  	s11 =	sld [smem:$0x7F7]  }
0x29a: {  	[sflag:s26] =	ssyncset.done $0x0  }
0x29b: {  	[sflag:s26] =	ssyncadd.s32 $0xFFFFFC00  }
0x29c: {  	[tilespmem:s25], [sflag:$0x2] =	stream.indirect.gather [spmem:s2], $0x8, s11, s17, $0xb8;
	[tilespmem:$0x6748] =	vst v63  }
0x29d: {  	_ =	swait.ge [sflag:s23], $0x400  }
0x29e: {  	s13 =	sld [smem:$0x7F8]  }
0x29f: {  	[sflag:s23] =	ssyncset.done $0x0  }
0x2a0: {  	[sflag:s23] =	ssyncadd.s32 $0xFFFFFC00  }
0x2a1: {  	[spmem:s1] =	stream.indirect.scatter.add.f32 [tilespmem:s24], [sflag:$0x3], $0x8, s13, s17, $0xb8;
	[tilespmem:$0x6748] =	vst v63  }
0x2a2: {  	_ =	swait.ge [sflag:s26], $0x400  }
0x2a3: {  	s14 =	sld [smem:$0x7F9]  }
0x2a4: {  	[sflag:s26] =	ssyncset.done $0x0  }
0x2a5: {  	[sflag:s26] =	ssyncadd.s32 $0xFFFFFC00  }
0x2a6: {  	[tilespmem:s29], [sflag:$0x2] =	stream.indirect.gather [spmem:s2], $0x8, s14, s17, $0xb8;
	[tilespmem:$0x6748] =	vst v63  }
0x2a7: {  	_ =	swait.ge [sflag:s23], $0x400  }
0x2a8: {  	s15 =	sld [smem:$0x7FA]  }
0x2a9: {  	[sflag:s23] =	ssyncset.done $0x0  }
0x2aa: {  	[sflag:s23] =	ssyncadd.s32 $0xFFFFFC00  }
0x2ab: {  	[spmem:s1] =	stream.indirect.scatter.add.f32 [tilespmem:s30], [sflag:$0x3], $0x8, s15, s17, $0xb8;
	[tilespmem:$0x6748] =	vst v63  }
0x2ac: {  	_ =	swait.ge [sflag:s26], $0x400  }
0x2ad: {  	[sflag:s26] =	ssyncset.done $0x0  }
0x2ae: {  	s4 =	simm.s32 @!p1 $0x1;
	[sflag:s26] =	ssyncadd.s32 $0xFFFFFC00  }
0x2af: {  	_ =	swait.ge @!p1 [sflag:s4], $0x1000  }
0x2b0: {  	p2 =	sgt.u32 s8, $0x8;
	[sflag:s4] =	ssyncset.done @!p1 $0x0  }
0x2b1: {  	s6 =	simm.s32 @p2 $0x2;
	[sflag:s4] =	ssyncadd.s32 @!p1 $0xFFFFF000  }
0x2b2: {  	_ =	swait.ge @p2 [sflag:s6], $0x400  }
0x2b3: {  	s8 =	simm.s32 @p2 $0x1E80;
	s7 =	simm.s32 @p2 $0x80;
	[sflag:s6] =	ssyncset.done @p2 $0x0  }
0x2b4: {  	s4 =	simm.s32 @p2 $0x3800;
	[sflag:s6] =	ssyncadd.s32 @p2 $0xFFFFFC00;
	s6 =	simm.s32 @p2 $0x3  }
0x2b5: {  	[spmem:s1] =	stream.indirect.scatter.add.f32 @p2 [tilespmem:s4], [sflag:$0x3], $0x8, s8, s7, $0xb8;
	[tilespmem:$0x6748] =	vst v63  }
0x2b6: {  	_ =	swait.ge @p2 [sflag:s6], $0x400  }
0x2b7: {  	s9 =	simm.s32 @!p2 $0x80;
	s4 =	simm.s32 @!p2 $0x2000;
	[sflag:s6] =	ssyncset.done @p2 $0x0  }
0x2b8: {  	s7 =	simm.s32 @!p2 $0x0;
	[sflag:s6] =	ssyncadd.s32 @p2 $0xFFFFFC00;
	s6 =	simm.s32 @!p2 $0x2  }
0x2b9: {  	[tilespmem:s4], [sflag:$0x2] =	stream.indirect.gather @!p2 [spmem:s2], $0x8, s7, s9, $0xb8;
	[tilespmem:$0x6748] =	vst v63  }
0x2ba: {  	_ =	swait.ge @!p2 [sflag:s6], $0x400  }
0x2bb: {  	s4 =	simm.s32 @!p2 $0x1E80;
	[sflag:s6] =	ssyncset.done @!p2 $0x0  }
0x2bc: {  	s7 =	simm.s32 @!p2 $0x3800;
	[sflag:s6] =	ssyncadd.s32 @!p2 $0xFFFFFC00;
	s6 =	simm.s32 @!p2 $0x3  }
0x2bd: {  	[spmem:s1] =	stream.indirect.scatter.add.f32 @!p2 [tilespmem:s7], [sflag:$0x3], $0x8, s4, s9, $0xb8;
	[tilespmem:$0x6748] =	vst v63  }
0x2be: {  	_ =	swait.ge @!p2 [sflag:s6], $0x400  }
0x2bf: {  	[sflag:s6] =	ssyncset.done @!p2 $0x0  }
0x2c0: {  	s4 =	simm.s32 @!p2 $0x100;
	s7 =	simm.s32 @!p2 $0x2400;
	[sflag:s6] =	ssyncadd.s32 @!p2 $0xFFFFFC00  }
0x2c1: {  	[tilespmem:s7], [sflag:$0x2] =	stream.indirect.gather @!p2 [spmem:s2], $0x8, s4, s9, $0xb8;
	[tilespmem:$0x6748] =	vst v63  }
0x2c2: {  	s19 =	sadd.s32 $0x2, s19;
	_ =	swait.ge [sflag:s23], $0x400  }
0x2c3: {  	p0 =	sne.s32 s19, $0xB;
	s16 =	sld [smem:$0x7FB]  }
.Ltmp0:
0x2c4: {  	[sflag:s23] =	ssyncset.done $0x0;
	(pc) =	sbr.rel @p0 .LBB2_2-.Ltmp0, $4  }
0x2c5: {  	[sflag:s23] =	ssyncadd.s32 $0xFFFFFC00  }
0x2c6: {  	[spmem:s1] =	stream.indirect.scatter.add.f32 [tilespmem:s29], [sflag:$0x3], $0x8, s16, s17, $0xb8;
	[tilespmem:$0x6748] =	vst v63  }
0x2c7: {  	s21 =	sadd.s32 $0x400, s21;
	_ =	swait.ge [sflag:s26], $0x400  }
0x2c8: {  	s10 =	simm.s32 @!p2 $0x2800;
	s6 =	simm.s32 @!p2 $0x200;
	[sflag:s26] =	ssyncset.done $0x0  }
0x2c9: {  	[sflag:s26] =	ssyncadd.s32 $0xFFFFFC00  }
0x2ca: {  	[tilespmem:s10], [sflag:$0x2] =	stream.indirect.gather @!p2 [spmem:s2], $0x8, s6, s9, $0xb8;
	[tilespmem:$0x6748] =	vst v63  }
0x2cb: {  	_ =	swait.ge [sflag:s26], $0x400  }
0x2cc: {  	[sflag:s26] =	ssyncset.done $0x0  }
0x2cd: {  	[sflag:s26] =	ssyncadd.s32 $0xFFFFFC00  }
0x2ce: {  	_ =	swait.ge [sflag:s26], $0x400  }
0x2cf: {  	[sflag:s26] =	ssyncset.done $0x0  }
0x2d0: {  	[sflag:s26] =	ssyncadd.s32 $0xFFFFFC00  }
0x2d1: {  	_ =	swait.ge [sflag:s26], $0x400  }
0x2d2: {  	[sflag:s26] =	ssyncset.done $0x0  }
0x2d3: {  	[sflag:s26] =	ssyncadd.s32 $0xFFFFFC00  }
0x2d4: {  	_ =	swait.ge [sflag:s26], $0x400  }
0x2d5: {  	[sflag:s26] =	ssyncset.done $0x0  }
0x2d6: {  	[sflag:s26] =	ssyncadd.s32 $0xFFFFFC00  }
0x2d7: {  	[bflag:$0x0] =	sbarrier.arrive $0xFFFF  }
0x2d8: {  	s7 =	sld [smem:$0x7FC]  }
0x2d9: {  	s4 =	sld [smem:$0x7E2]  }
0x2da: {  	s6 =	sld [smem:$0x7FD];
	_ =	sdelay $0x1  }
0x2db: {  	s8 =	simm.s32 $0x4  }
0x2dc: {  	[hbm:s4], [sflag:s7] =	dma.local [spmem:s6], $0x278  }
0x2dd: {  	_ =	swait.ge [sflag:s8], $0x278  }
0x2de: {  	s19 =	sld [smem:$0x7D9]  }
0x2df: {  	s21 =	sld [smem:$0x7E6];
	_ =	sdelay $0x1  }
0x2e0: {  	s9 =	sadd.s32 $0x1, s19  }
0x2e1: {  	p0 =	sne.s32 s9, s21  }
.Ltmp1:
0x2e2: {  	_ = 	snop;
	(pc) =	sbr.rel @p0 .LBB2_1-.Ltmp1, $3  }
0x2e3: {  	_ =	sdelay $0x1  }
0x2e4: {  	[sflag:s8] =	ssyncset.done $0x0  }
0x2e5: {  	[sflag:s8] =	ssyncadd.s32 $0xFFFFFD88  }
0x2e6: {  	_ =	sfence.sel $0x180000  }
0x2e7: {  	[bflag:$0x0] =	sbarrier.arrive $0xFFFF  }
0x2e8: {  	_ =	strace $0x90000047  }
0x2e9: {  	s0 =	stileid.u32;
	[bflag:$0x2] =	sbarrier.arrive $0xFFFF  }
0x2ea: {  	p0 =	sne.s32 s0, $0x0;
	s0 =	rddreg [dreg:$0x3]  }
0x2eb: {  	s0 =	sadd.s32 @!p0 $0x100000, s0  }
0x2ec: {  	[sflag:s0] =	ssyncadd.tile.s32 @!p0 $0x1;
	_ =	shalt  }
.Lfunc_end2:
_tile_overlayer_lowered:
.L_overlay_start_2:
0x2ed: {  	(tag) =	ssettag $0x2  }
0x2ee: {  	s0 =	rddreg [dreg:$0x0];
	s2 =	stileid.u32  }
0x2ef: {  	s1 =	rddreg [dreg:$0x1];
	p0 =	sne.s32 s2, $0x0  }
0x2f0: {  	s3 =	rddreg [dreg:$0x2];
	[bflag:$0x3] =	sbarrier.arrive $0xFFFF;
	s2 =	simm.s32 @!p0 $0x1C04  }
0x2f1: {  	[timem:s3], [sflag:s2] =	dma.local @!p0 [hbm:s0], s1  }
0x2f2: {  	s0 =	simm.s32 @!p0 $0x4  }
0x2f3: {  	_ =	swait.ge @!p0 [sflag:s0], s1  }
0x2f4: {  	s1 =	ssub.s32 @!p0 $0x0, s1;
	[sflag:s0] =	ssyncset.done @!p0 $0x0  }
0x2f5: {  	[sflag:s0] =	ssyncadd.s32 @!p0 s1  }
0x2f6: {  	[bflag:$0x3] =	sbarrier.arrive $0xFFFF  }
0x2f7: {  	_ =	shalt  }

// kernel: kernel.9.cloned.1.call-start
scs
__scs_entry_jumppad:
0x0: {  	(pc) =	sbr.rel $0x88, $3  }
0x1: {  	(tag) =	ssettag $0x0;
	lr =	simm.s32 $0x1  }
0x2: {  	[smem:$0x3F91] =	sst lr;
	_ =	strace $0xD0000000  }
0x3: {  	_ = 	snop  }
0x4: {  	_ = 	snop  }
0x5: {  	_ = 	snop  }
0x6: {  	_ = 	snop  }
0x7: {  	_ = 	snop  }
__scs_overlays_trampoline_lowered:
0x8: {  	[smem:$0x3FA0] =	sst s0  }
0x9: {  	[smem:$0x3FA1] =	sst s1  }
0xa: {  	[smem:$0x3FA2] =	sst s2  }
0xb: {  	[smem:$0x3FA3] =	sst s3  }
0xc: {  	[smem:$0x3FA4] =	sst s4  }
0xd: {  	[smem:$0x3FA5] =	sst s5  }
0xe: {  	[smem:$0x3FA6] =	sst s6  }
0xf: {  	[smem:$0x3FA7] =	sst s7  }
0x10: {  	[smem:$0x3FA8] =	sst s8  }
0x11: {  	[smem:$0x3FA9] =	sst s9;
	s0 =	simm.s32 @!p0 $0x0  }
0x12: {  	s1 =	sld [smem:$0x3F8F];
	s0 =	simm.s32 @p0 $0x1  }
0x13: {  	[smem:$0x3FAA] =	sst s0;
	s0 =	simm.s32 @!p1 $0x0  }
0x14: {  	s2 =	sld [smem:$0x3F8E];
	s0 =	simm.s32 @p1 $0x1  }
0x15: {  	[smem:$0x3FAB] =	sst s0;
	s0 =	simm.s32 @!p2 $0x0  }
0x16: {  	s3 =	sld [smem:$0x3FDB];
	s0 =	simm.s32 @p2 $0x1  }
0x17: {  	s4 =	simm.s32 $0x1BF5;
	[smem:$0x3FAD] =	sst s0  }
0x18: {  	s0 =	sld [smem:$0x3F90];
	_ =	swait.ge [sflag:s4], $0x0  }
0x19: {  	s7 =	sld [smem:$0x3F91]  }
0x1a: {  	s8 =	sadd.s32 $0xFFFFE003, lr  }
0x1b: {  	s9 =	sadd.s32 $0xFFFFFEF7, lr;
	s5 =	simm.s32 $0xFFFFFFFF;
	p2 =	slt.u32 s8, $0xFFFFF086  }
0x1c: {  	p1 =	slt.u32 s9, $0xF7A;
	s5 =	simm.s32 @!p2 $0x0  }
0x1d: {  	s5 =	simm.s32 @p1 $0x1;
	p0 =	seq.s32 s7, s2  }
0x1e: {  	s7 =	smul.u32 @!p0 $0xF7A, s2;
	p2 =	seq.s32 @!p0 s5, $0x0  }
0x1f: {  	s9 =	smul.u32 $0xF7A, s1;
	s8 =	simm.s32 @!p0 $0x1BF5;
	p2 =	por !p2, p0  }
0x20: {  	[sflag:s8] =	ssyncset.s32 @!p0 $0xFFFFF086;
	s6 =	sadd.s32 @!p0 s3, s7;
	s7 =	simm.s32 @!p0 $0x108  }
0x21: {  	s3 =	sadd.s32 s3, s9;
	s6 =	sadd.s32 @!p0 $0x88, s6;
	s7 =	simm.s32 @p2 $0x1082  }
0x22: {  	[simem:s7], [sflag:s8] =	dma.local @!p0 [hbm:s6], $0xF7A  }
0x23: {  	s9 =	sor.u32 $0xD0000000, s2;
	s6 =	simm.s32 $0x108;
	_ =	swait.ge @!p0 [sflag:s8], $0x0  }
0x24: {  	s3 =	sadd.s32 $0x88, s3;
	s6 =	simm.s32 @!p1 $0x1082;
	[sflag:s4] =	ssyncset.s32 $0xFFFFF086  }
0x25: {  	[simem:s6], [sflag:s4] =	dma.local [hbm:s3], $0xF7A  }
0x26: {  	[smem:$0x3F91] =	sst s1;
	(tag) =	ssettag s2;
	_ =	strace s9  }
0x27: {  	s1 =	sld [smem:$0x3FA1]  }
0x28: {  	s2 =	sld [smem:$0x3FA2]  }
0x29: {  	s4 =	sld [smem:$0x3FA4]  }
0x2a: {  	p0 =	seq.s32 s5, $0x0;
	s5 =	sld [smem:$0x3FA5]  }
0x2b: {  	s6 =	sld [smem:$0x3FA6]  }
0x2c: {  	s7 =	sld [smem:$0x3FA7]  }
0x2d: {  	s3 =	simm.s32 $0x108;
	s8 =	sld [smem:$0x3FA8]  }
0x2e: {  	s3 =	simm.s32 @!p0 $0x1082;
	s9 =	sld [smem:$0x3FA9]  }
0x2f: {  	lr =	sadd.s32 s0, s3;
	s0 =	sld [smem:$0x3FA0]  }
0x30: {  	s3 =	sld [smem:$0x3FA3]  }
0x31: {  	[smem:$0x3FAC] =	sst s10  }
0x32: {  	s10 =	sld [smem:$0x3FAA];
	_ =	sdelay $0x3  }
0x33: {  	p0 =	seq.s32 s10, $0x1;
	s10 =	sld [smem:$0x3FAC];
	_ =	sdelay $0x3  }
0x34: {  	[smem:$0x3FAC] =	sst s10  }
0x35: {  	s10 =	sld [smem:$0x3FAB];
	_ =	sdelay $0x3  }
0x36: {  	p1 =	seq.s32 s10, $0x1;
	s10 =	sld [smem:$0x3FAC];
	_ =	sdelay $0x3  }
0x37: {  	[smem:$0x3FAC] =	sst s10  }
0x38: {  	s10 =	sld [smem:$0x3FAD]  }
0x39: {  	_ = 	snop;
	(pc) =	sbr.ind lr, $3  }
0x3a: {  	_ = 	snop  }
0x3b: {  	_ = 	snop  }
0x3c: {  	p2 =	seq.s32 s10, $0x1;
	s10 =	sld [smem:$0x3FAC]  }
0x3d: {  	_ =	shalt  }
0x3e: {  	_ =	shalt  }
0x3f: {  	_ =	shalt  }
0x40: {  	_ =	shalt  }
0x41: {  	_ =	shalt  }
0x42: {  	_ =	shalt  }
0x43: {  	_ =	shalt  }
0x44: {  	_ =	shalt  }
0x45: {  	_ =	shalt  }
0x46: {  	_ =	shalt  }
0x47: {  	_ =	shalt  }
0x48: {  	_ =	shalt  }
0x49: {  	_ =	shalt  }
0x4a: {  	_ =	shalt  }
0x4b: {  	_ =	shalt  }
0x4c: {  	_ =	shalt  }
0x4d: {  	_ =	shalt  }
0x4e: {  	_ =	shalt  }
0x4f: {  	_ =	shalt  }
0x50: {  	_ =	shalt  }
0x51: {  	_ =	shalt  }
0x52: {  	_ =	shalt  }
0x53: {  	_ =	shalt  }
0x54: {  	_ =	shalt  }
0x55: {  	_ =	shalt  }
0x56: {  	_ =	shalt  }
0x57: {  	_ =	shalt  }
0x58: {  	_ =	shalt  }
0x59: {  	_ =	shalt  }
0x5a: {  	_ =	shalt  }
0x5b: {  	_ =	shalt  }
0x5c: {  	_ =	shalt  }
0x5d: {  	_ =	shalt  }
0x5e: {  	_ =	shalt  }
0x5f: {  	_ =	shalt  }
0x60: {  	_ =	shalt  }
0x61: {  	_ =	shalt  }
0x62: {  	_ =	shalt  }
0x63: {  	_ =	shalt  }
0x64: {  	_ =	shalt  }
0x65: {  	_ =	shalt  }
0x66: {  	_ =	shalt  }
0x67: {  	_ =	shalt  }
0x68: {  	_ =	shalt  }
0x69: {  	_ =	shalt  }
0x6a: {  	_ =	shalt  }
0x6b: {  	_ =	shalt  }
0x6c: {  	_ =	shalt  }
0x6d: {  	_ =	shalt  }
0x6e: {  	_ =	shalt  }
0x6f: {  	_ =	shalt  }
0x70: {  	_ =	shalt  }
0x71: {  	_ =	shalt  }
0x72: {  	_ =	shalt  }
0x73: {  	_ =	shalt  }
0x74: {  	_ =	shalt  }
0x75: {  	_ =	shalt  }
0x76: {  	_ =	shalt  }
0x77: {  	_ =	shalt  }
0x78: {  	_ =	shalt  }
0x79: {  	_ =	shalt  }
0x7a: {  	_ =	shalt  }
0x7b: {  	_ =	shalt  }
0x7c: {  	_ =	shalt  }
0x7d: {  	_ =	shalt  }
0x7e: {  	_ =	shalt  }
0x7f: {  	_ =	shalt  }
0x80: {  	_ =	shalt  }
0x81: {  	_ =	shalt  }
0x82: {  	_ =	shalt  }
0x83: {  	_ =	shalt  }
0x84: {  	_ =	shalt  }
0x85: {  	_ =	shalt  }
0x86: {  	_ =	shalt  }
0x87: {  	_ =	shalt  }
.Lfunc_end0:
.L_simem_size_0:
called_computation.1_lowered:
.L_overlay_start_0:
0x88: {  	s2 =	sld [smem:$0x3FD9]  }
0x89: {  	s3 =	sld [smem:$0x3FFE];
	_ =	sdelay $0x1  }
0x8a: {  	s1 =	srdreg.scid  }
0x8b: {  	s0 =	sand.u32 $0x1, s1  }
0x8c: {  	s16 =	sshll.u32 s0, $0xA;
	s2 =	sadd.s32 s3, s2  }
0x8d: {  	s2 =	sadd.s32 s2, s16  }
0x8e: {  	[smem:$0x3FB8] =	sst s2  }
0x8f: {  	_ = 	snop  }
0x90: {  	(tm) =	ssettm $0x1  }
0x91: {  	s17 =	sld [smem:$0x3FFB];
	_ =	sdelay $0x3  }
0x92: {  	_ =	strace s17  }
0x93: {  	s2 =	sld [smem:$0x3FFC];
	_ =	sdelay $0x3  }
0x94: {  	_ =	strace s2  }
0x95: {  	s2 =	sld [smem:$0x3FFD];
	_ =	sdelay $0x3  }
0x96: {  	_ =	strace s2  }
0x97: {  	_ =	strace $0x8FFFFFFF  }
0x98: {  	s18 =	sld [smem:$0x3FDB];
	_ =	sdelay $0x1  }
0x99: {  	s19 =	simm.s32 $_scs_section_size  }
0x9a: {  	s4 =	simm.s32 $_size__tile_overlayer_lowered;
	s5 =	simm.s32 $_tile_overlayer_lowered  }
0x9b: {  	s22 =	simm.s32 $0x1BFF;
	s21 =	sshll.u32 s5, $0x1;
	s2 =	sadd.s32 s19, s18  }
0x9c: {  	s6 =	simm.s32 $0x0;
	s20 =	sshll.u32 s4, $0x1;
	s4 =	sadd.s32 s21, s2  }
0x9d: {  	[timem:s6], [sflag:s22] =	dma.local [hbm:s4], s20  }
0x9e: {  	_ =	swait.ge [sflag:s22], s20  }
0x9f: {  	s3 =	ssub.s32 $0x0, s20;
	[sflag:s22] =	ssyncset.done $0x0  }
0xa0: {  	[sflag:s22] =	ssyncadd.s32 s3;
	_ =	sdelay $0x1  }
0xa1: {  	s23 =	simm.s32 $0x1B8B  }
0xa2: {  	_ =	swait.ge [sflag:s23], $0x1  }
0xa3: {  	[sflag:s23] =	ssyncset.done $0x0  }
0xa4: {  	s25 =	simm.s32 $0x1B8E;
	s24 =	sld [smem:$0x3FFE];
	[sflag:s23] =	ssyncadd.s32 $0xFFFFFFFF  }
0xa5: {  	s26 =	simm.s32 $execute0_lowered;
	[smem:$0x3FD2] =	sst s25  }
0xa6: {  	s4 =	sshll.u32 s26, $0x1;
	_ =	strace $0x80000049;
	[dreg:$0x1] =	wrdreg $0xFFFFFFFF  }
0xa7: {  	s28 =	simm.s32 $_size_execute0_lowered;
	s2 =	sadd.s32 s2, s4;
	[dreg:$0x0] =	wrdreg $0x0  }
0xa8: {  	s4 =	sshll.u32 s28, $0x1;
	[dreg:$0x2] =	wrdreg s2  }
0xa9: {  	[dreg:$0x3] =	wrdreg s4  }
0xaa: {  	[dreg:$0x4] =	wrdreg $0xC0  }
0xab: {  	_ =	task [dreg:s6], $0x5FFFF  }
0xac: {  	[dreg:$0x1] =	wrdreg $0xFFFFFFFF  }
0xad: {  	[dreg:$0x0] =	wrdreg $0x60  }
0xae: {  	[dreg:$0x2] =	wrdreg s24  }
0xaf: {  	[dreg:$0x3] =	wrdreg $0xB4000  }
0xb0: {  	[dreg:$0x4] =	wrdreg $0x152000  }
0xb1: {  	[dreg:$0x5] =	wrdreg $0x9  }
0xb2: {  	_ =	task.clear_ibuf [dreg:s6], $0x6FFFF;
	_ =	strace $0x90000049  }
0xb3: {  	s29 =	simm.s32 $0x9;
	_ =	strace $0x8000004B  }
0xb4: {  	_ =	swait.ge [sflag:s29], $0x1  }
0xb5: {  	[sflag:s29] =	ssyncadd.s32 $0xFFFFFFFF  }
0xb6: {  	_ =	strace $0x9000004B  }
0xb7: {  	_ =	sfence  }
0xb8: {  	s30 =	sld [smem:$0x0];
	_ =	sdelay $0x2  }
0xb9: {  	s31 =	sshll.u32 s1, $0xD;
	s1 =	sshrl.u32 s1, $0x2  }
0xba: {  	s3 =	sand.u32 $0x4000, s31;
	s1 =	sadd.s32 s1, s30  }
0xbb: {  	s0 =	sor.u32 s3, s0;
	s1 =	sshll.u32 s1, $0x11  }
0xbc: {  	s0 =	sor.u32 s1, s0  }
0xbd: {  	s0 =	sadd.s32 $0x8F2B, s0  }
0xbe: {  	[sflag:s0] =	ssyncadd.remote.s32 $0x1  }
0xbf: {  	_ =	sfence.sel $0xFFFF  }
0xc0: {  	[dreg:$0x0] =	wrdreg $0xFFFFFFFF;
	(pc) =	sbr.abs _section_cstart, $3  }
0xc1: {  	[dreg:$0x1] =	wrdreg $0xFFFFFFFF  }
0xc2: {  	_ =	task.clear_ibuf [dreg:s6], $0x2FFFF;
	_ =	strace $0x9FFFFFFF  }
0xc3: {  	(tm) =	ssettm $0x7FFFFFFF  }
tec
execute0_lowered:
.L_overlay_start_1:
0x0: {  	(tag) =	ssettag $0x1  }
0x1: {  	s1 =	rddreg [dreg:$0x0]  }
0x2: {  	s2 =	rddreg [dreg:$0x1]  }
0x3: {  	s3 =	rddreg [dreg:$0x2];
	s4 =	simm.s32 $0x0  }
0x4: {  	s10 =	simm.s32 $0x300;
	[smem:$0x7FF] =	sst s4  }
0x5: {  	s15 =	simm.s32 $0x280;
	_ =	strace $0x8000004A;
	[dreg:$0x4] =	wrdreg s10  }
0x6: {  	s16 =	simm.s32 $0x400;
	[dreg:$0x5] =	wrdreg s15  }
0x7: {  	s17 =	simm.s32 $0x380;
	[dreg:$0x6] =	wrdreg s16  }
0x8: {  	s18 =	simm.s32 $0x500;
	[dreg:$0x7] =	wrdreg s17  }
0x9: {  	s19 =	simm.s32 $0x480;
	[dreg:$0x8] =	wrdreg s18  }
0xa: {  	s20 =	simm.s32 $0x600;
	[dreg:$0x9] =	wrdreg s19  }
0xb: {  	s21 =	simm.s32 $0x580;
	[dreg:$0xa] =	wrdreg s20  }
0xc: {  	s22 =	simm.s32 $0x700;
	[dreg:$0xb] =	wrdreg s21  }
0xd: {  	s0 =	srdreg.scid;
	s24 =	simm.s32 $0x680;
	[dreg:$0xc] =	wrdreg s22  }
0xe: {  	s31 =	stileid.u32;
	s25 =	simm.s32 $0x800;
	[dreg:$0xd] =	wrdreg s24  }
0xf: {  	s26 =	simm.s32 $0x780;
	s7 =	smul.u32 $0x9C40, s31;
	[dreg:$0xe] =	wrdreg s25  }
0x10: {  	s28 =	simm.s32 $0x900;
	s8 =	smul.u32 $0x2800, s31;
	[dreg:$0xf] =	wrdreg s26  }
0x11: {  	s30 =	simm.s32 $0x880;
	s14 =	smul.u32 $0x9E00, s31;
	[dreg:$0x10] =	wrdreg s28  }
0x12: {  	s29 =	sshll.u32 s31, $0x6;
	s31 =	simm.s32 $0x980;
	[dreg:$0x11] =	wrdreg s30  }
0x13: {  	s5 =	sand.u32 $0x1, s0;
	s0 =	simm.s32 $0xB00;
	[dreg:$0x12] =	wrdreg s31  }
0x14: {  	[dreg:$0x13] =	wrdreg s0;
	s15 =	simm.s32 $0xC00  }
0x15: {  	s6 =	smul.u32 $0x9C400, s5;
	s16 =	simm.s32 $0xB80;
	[dreg:$0x15] =	wrdreg s15  }
0x16: {  	s12 =	smul.u32 $0x9E000, s5;
	s17 =	simm.s32 $0xD00;
	[dreg:$0x16] =	wrdreg s16  }
0x17: {  	s5 =	ssub.s32 $0x2, s5;
	s18 =	simm.s32 $0xC80;
	[dreg:$0x17] =	wrdreg s17  }
0x18: {  	s19 =	simm.s32 $0xE00;
	s20 =	simm.s32 $0xD80;
	[dreg:$0x18] =	wrdreg s18  }
0x19: {  	s21 =	simm.s32 $0xF00;
	s22 =	simm.s32 $0xE80;
	[dreg:$0x19] =	wrdreg s19  }
0x1a: {  	s24 =	simm.s32 $0xF80;
	s25 =	simm.s32 $0x1100;
	[dreg:$0x1a] =	wrdreg s20  }
0x1b: {  	s26 =	simm.s32 $0x1080;
	s28 =	simm.s32 $0x1200;
	[dreg:$0x1b] =	wrdreg s21  }
0x1c: {  	s30 =	simm.s32 $0x1300;
	s31 =	simm.s32 $0x1280;
	[dreg:$0x1c] =	wrdreg s22  }
0x1d: {  	s8 =	sadd.s32 s8, s1;
	s11 =	sshrl.u32 s14, $0x3;
	[dreg:$0x1e] =	wrdreg s24  }
0x1e: {  	s23 =	sshrl.u32 s5, $0x1;
	s13 =	sadd.s32 s14, s2;
	[dreg:$0x1f] =	wrdreg s25  }
0x1f: {  	s15 =	simm.s32 $0x1400;
	s17 =	simm.s32 $0x3400;
	[smem:$0x7F9] =	sst s26  }
0x20: {  	s18 =	simm.s32 $0x2;
	s19 =	simm.s32 $0x7400;
	[smem:$0x7FA] =	sst s28  }
0x21: {  	s20 =	simm.s32 $0x5400;
	s21 =	simm.s32 $0x9400;
	[smem:$0x7FC] =	sst s30  }
0x22: {  	s22 =	simm.s32 $0x3;
	s24 =	simm.s32 $0x1;
	[smem:$0x7FD] =	sst s31  }
0x23: {  	s25 =	simm.s32 $0x0;
	s6 =	sadd.s32 s7, s6;
	s11 =	sadd.s32 s11, s1  }
0x24: {  	s12 =	sadd.s32 s14, s12;
	s14 =	sadd.s32 s7, s3;
	s6 =	sshrl.u32 s6, $0x3  }
0x25: {  	s8 =	sadd.s32 $0x5600, s8;
	s12 =	sshrl.u32 s12, $0x3;
	s9 =	sadd.s32 s6, s1  }
0x26: {  	s1 =	sadd.s32 s12, s1;
	s12 =	ssub.s32 s5, s23;
	s5 =	sadd.s32 $0x54800, s11  }
0x27: {  	s6 =	sor.u32 $0x1C04, s29;
	s11 =	simm.s32 $0xA80;
	s23 =	simm.s32 $0x1000  }
0x28: {  	s29 =	simm.s32 $0x1180;
	s7 =	sadd.s32 $0x2D600, s9;
	[dreg:$0x14] =	wrdreg s11  }
0x29: {  	s9 =	sadd.s32 $0x68400, s1;
	s10 =	smax.u32 s12, $0x1;
	s11 =	sshrl.u32 s13, $0x3  }
0x2a: {  	s12 =	simm.s32 $0x4;
	s13 =	sshrl.u32 s14, $0x3;
	[dreg:$0x1d] =	wrdreg s23  }
0x2b: {  	s14 =	simm.s32 $0x80;
	[smem:$0x7FB] =	sst s29;
	s23 =	simm.s32 $0xA00  }
.LBB2_1:
0x2c: {  	[spmem:s11], [sflag:s6] =	dma.local [hbm:s5], $0x13C0  }
0x2d: {  	_ =	swait.ge [sflag:s12], $0x13C0  }
0x2e: {  	[sflag:s12] =	ssyncset.done $0x0  }
0x2f: {  	[sflag:s12] =	ssyncadd.s32 $0xFFFFEC40  }
0x30: {  	[spmem:s13], [sflag:s6] =	dma.local [hbm:s7], $0x1388  }
0x31: {  	_ =	swait.ge [sflag:s12], $0x1388  }
0x32: {  	[sflag:s12] =	ssyncset.done $0x0  }
0x33: {  	[sflag:s12] =	ssyncadd.s32 $0xFFFFEC78  }
0x34: {  	[bflag:$0x0] =	sbarrier.arrive $0xFFFF  }
0x35: {  	[tilespmem:s4], [sflag:$0x1] =	stream.linear.gather [hbm4b:s8+s4], $0xA00, $0x38;
	[tilespmem:$0x1EE40] =	vst v63  }
0x36: {  	_ =	swait.ge [sflag:s24], $0xA00  }
0x37: {  	[sflag:s24] =	ssyncset.done $0x0  }
0x38: {  	[sflag:s24] =	ssyncadd.s32 $0xFFFFF600  }
0x39: {  	[tilespmem:s15], [sflag:$0x2] =	stream.indirect.gather [spmem:s3], $0x40, s4, s14, $0xb8;
	[tilespmem:$0x1EE40] =	vst v63  }
0x3a: {  	s0 =	simm.s32 $0x100  }
0x3b: {  	[tilespmem:s17], [sflag:$0x2] =	stream.indirect.gather [spmem:s3], $0x40, s0, s14, $0xb8;
	[tilespmem:$0x1EE40] =	vst v63  }
0x3c: {  	_ =	swait.ge [sflag:s18], $0x2000  }
0x3d: {  	p0 =	por $0x1, $0x1;
	[sflag:s18] =	ssyncset.done $0x0  }
0x3e: {  	s1 =	simm.s32 @p0 $0x200;
	[sflag:s18] =	ssyncadd.s32 $0xFFFFE000  }
0x3f: {  	[spmem:s2] =	stream.indirect.scatter.add.f32 [tilespmem:s15], [sflag:$0x3], $0x40, s14, s14, $0xb8;
	[tilespmem:$0x1EE40] =	vst v63  }
0x40: {  	s26 =	simm.s32 @p0 $0x5400;
	s28 =	simm.s32 @p0 $0x80;
	s29 =	simm.s32 @p0 $0x2  }
0x41: {  	[tilespmem:s26], [sflag:$0x2] =	stream.indirect.gather @p0 [spmem:s3], $0x40, s1, s28, $0xb8;
	[tilespmem:$0x1EE40] =	vst v63  }
0x42: {  	_ =	swait.ge @p0 [sflag:s29], $0x2000  }
0x43: {  	s1 =	simm.s32 @p0 $0x180;
	[sflag:s29] =	ssyncset.done @p0 $0x0  }
0x44: {  	s26 =	simm.s32 @p0 $0x3400;
	[sflag:s29] =	ssyncadd.s32 @p0 $0xFFFFE000;
	s29 =	simm.s32 @!p0 $0x3  }
0x45: {  	[spmem:s2] =	stream.indirect.scatter.add.f32 @p0 [tilespmem:s26], [sflag:$0x3], $0x40, s1, s28, $0xb8;
	[tilespmem:$0x1EE40] =	vst v63  }
0x46: {  	_ =	swait.ge @!p0 [sflag:s29], $0x2000  }
0x47: {  	s30 =	simm.s32 @!p0 $0x2;
	s1 =	simm.s32 @!p0 $0x5400;
	[sflag:s29] =	ssyncset.done @!p0 $0x0  }
0x48: {  	s26 =	simm.s32 @!p0 $0x80;
	s28 =	simm.s32 @!p0 $0x200;
	[sflag:s29] =	ssyncadd.s32 @!p0 $0xFFFFE000  }
0x49: {  	[tilespmem:s1], [sflag:$0x2] =	stream.indirect.gather @!p0 [spmem:s3], $0x40, s28, s26, $0xb8;
	[tilespmem:$0x1EE40] =	vst v63  }
0x4a: {  	_ =	swait.ge @!p0 [sflag:s30], $0x2000  }
0x4b: {  	[sflag:s30] =	ssyncset.done @!p0 $0x0  }
0x4c: {  	s1 =	simm.s32 @!p0 $0x180;
	s28 =	simm.s32 @!p0 $0x3400;
	[sflag:s30] =	ssyncadd.s32 @!p0 $0xFFFFE000  }
0x4d: {  	[spmem:s2] =	stream.indirect.scatter.add.f32 @!p0 [tilespmem:s28], [sflag:$0x3], $0x40, s1, s26, $0xb8;
	[tilespmem:$0x1EE40] =	vst v63  }
0x4e: {  	_ =	swait.ge @!p0 [sflag:s29], $0x2000  }
0x4f: {  	[sflag:s29] =	ssyncset.done @!p0 $0x0  }
0x50: {  	s26 =	rddreg [dreg:$0x4];
	[sflag:s29] =	ssyncadd.s32 @!p0 $0xFFFFE000  }
0x51: {  	[tilespmem:s19], [sflag:$0x2] =	stream.indirect.gather [spmem:s3], $0x40, s26, s14, $0xb8;
	[tilespmem:$0x1EE40] =	vst v63  }
0x52: {  	_ =	swait.ge [sflag:s18], $0x2000  }
0x53: {  	[sflag:s18] =	ssyncset.done $0x0  }
0x54: {  	s0 =	rddreg [dreg:$0x5];
	[sflag:s18] =	ssyncadd.s32 $0xFFFFE000  }
0x55: {  	[spmem:s2] =	stream.indirect.scatter.add.f32 [tilespmem:s20], [sflag:$0x3], $0x40, s0, s14, $0xb8;
	[tilespmem:$0x1EE40] =	vst v63  }
0x56: {  	_ =	swait.ge @!p0 [sflag:s29], $0x2000  }
0x57: {  	[sflag:s29] =	ssyncset.done @!p0 $0x0  }
0x58: {  	s16 =	rddreg [dreg:$0x6];
	[sflag:s29] =	ssyncadd.s32 @!p0 $0xFFFFE000  }
0x59: {  	[tilespmem:s21], [sflag:$0x2] =	stream.indirect.gather [spmem:s3], $0x40, s16, s14, $0xb8;
	[tilespmem:$0x1EE40] =	vst v63  }
0x5a: {  	_ =	swait.ge [sflag:s18], $0x2000  }
0x5b: {  	[sflag:s18] =	ssyncset.done $0x0  }
0x5c: {  	s26 =	rddreg [dreg:$0x7];
	[sflag:s18] =	ssyncadd.s32 $0xFFFFE000  }
0x5d: {  	[spmem:s2] =	stream.indirect.scatter.add.f32 [tilespmem:s19], [sflag:$0x3], $0x40, s26, s14, $0xb8;
	[tilespmem:$0x1EE40] =	vst v63  }
0x5e: {  	_ =	swait.ge [sflag:s22], $0x2000  }
0x5f: {  	s0 =	sadd.s32 $0x0, s8;
	[sflag:s22] =	ssyncset.done $0x0  }
0x60: {  	s1 =	sadd.s32 $0x140, s0;
	[sflag:s22] =	ssyncadd.s32 $0xFFFFE000  }
0x61: {  	[tilespmem:s23], [sflag:$0x1] =	stream.linear.gather [hbm4b:s1+s4], $0xA00, $0x38;
	[tilespmem:$0x1EE40] =	vst v63  }
0x62: {  	s16 =	rddreg [dreg:$0x8]  }
0x63: {  	[tilespmem:s15], [sflag:$0x2] =	stream.indirect.gather [spmem:s3], $0x40, s16, s14, $0xb8;
	[tilespmem:$0x1EE40] =	vst v63  }
0x64: {  	_ =	swait.ge [sflag:s18], $0x2000  }
0x65: {  	[sflag:s18] =	ssyncset.done $0x0  }
0x66: {  	s0 =	rddreg [dreg:$0x9];
	[sflag:s18] =	ssyncadd.s32 $0xFFFFE000  }
0x67: {  	[spmem:s2] =	stream.indirect.scatter.add.f32 [tilespmem:s21], [sflag:$0x3], $0x40, s0, s14, $0xb8;
	[tilespmem:$0x1EE40] =	vst v63  }
0x68: {  	_ =	swait.ge [sflag:s22], $0x2000  }
0x69: {  	[sflag:s22] =	ssyncset.done $0x0  }
0x6a: {  	s16 =	rddreg [dreg:$0xa];
	[sflag:s22] =	ssyncadd.s32 $0xFFFFE000  }
0x6b: {  	[tilespmem:s17], [sflag:$0x2] =	stream.indirect.gather [spmem:s3], $0x40, s16, s14, $0xb8;
	[tilespmem:$0x1EE40] =	vst v63  }
0x6c: {  	_ =	swait.ge [sflag:s18], $0x2000  }
0x6d: {  	[sflag:s18] =	ssyncset.done $0x0  }
0x6e: {  	s26 =	rddreg [dreg:$0xb];
	[sflag:s18] =	ssyncadd.s32 $0xFFFFE000  }
0x6f: {  	[spmem:s2] =	stream.indirect.scatter.add.f32 [tilespmem:s15], [sflag:$0x3], $0x40, s26, s14, $0xb8;
	[tilespmem:$0x1EE40] =	vst v63  }
0x70: {  	_ =	swait.ge [sflag:s22], $0x2000  }
0x71: {  	[sflag:s22] =	ssyncset.done $0x0  }
0x72: {  	s0 =	rddreg [dreg:$0xc];
	[sflag:s22] =	ssyncadd.s32 $0xFFFFE000  }
0x73: {  	[tilespmem:s20], [sflag:$0x2] =	stream.indirect.gather [spmem:s3], $0x40, s0, s14, $0xb8;
	[tilespmem:$0x1EE40] =	vst v63  }
0x74: {  	_ =	swait.ge [sflag:s18], $0x2000  }
0x75: {  	[sflag:s18] =	ssyncset.done $0x0  }
0x76: {  	s16 =	rddreg [dreg:$0xd];
	[sflag:s18] =	ssyncadd.s32 $0xFFFFE000  }
0x77: {  	[spmem:s2] =	stream.indirect.scatter.add.f32 [tilespmem:s17], [sflag:$0x3], $0x40, s16, s14, $0xb8;
	[tilespmem:$0x1EE40] =	vst v63  }
0x78: {  	_ =	swait.ge [sflag:s22], $0x2000  }
0x79: {  	[sflag:s22] =	ssyncset.done $0x0  }
0x7a: {  	s26 =	rddreg [dreg:$0xe];
	[sflag:s22] =	ssyncadd.s32 $0xFFFFE000  }
0x7b: {  	[tilespmem:s19], [sflag:$0x2] =	stream.indirect.gather [spmem:s3], $0x40, s26, s14, $0xb8;
	[tilespmem:$0x1EE40] =	vst v63  }
0x7c: {  	_ =	swait.ge [sflag:s18], $0x2000  }
0x7d: {  	[sflag:s18] =	ssyncset.done $0x0  }
0x7e: {  	s0 =	rddreg [dreg:$0xf];
	[sflag:s18] =	ssyncadd.s32 $0xFFFFE000  }
0x7f: {  	[spmem:s2] =	stream.indirect.scatter.add.f32 [tilespmem:s20], [sflag:$0x3], $0x40, s0, s14, $0xb8;
	[tilespmem:$0x1EE40] =	vst v63  }
0x80: {  	_ =	swait.ge [sflag:s22], $0x2000  }
0x81: {  	[sflag:s22] =	ssyncset.done $0x0  }
0x82: {  	s16 =	rddreg [dreg:$0x10];
	[sflag:s22] =	ssyncadd.s32 $0xFFFFE000  }
0x83: {  	[tilespmem:s21], [sflag:$0x2] =	stream.indirect.gather [spmem:s3], $0x40, s16, s14, $0xb8;
	[tilespmem:$0x1EE40] =	vst v63  }
0x84: {  	_ =	swait.ge [sflag:s18], $0x2000  }
0x85: {  	[sflag:s18] =	ssyncset.done $0x0  }
0x86: {  	s26 =	rddreg [dreg:$0x11];
	[sflag:s18] =	ssyncadd.s32 $0xFFFFE000  }
0x87: {  	[spmem:s2] =	stream.indirect.scatter.add.f32 [tilespmem:s19], [sflag:$0x3], $0x40, s26, s14, $0xb8;
	[tilespmem:$0x1EE40] =	vst v63  }
0x88: {  	_ =	swait.ge [sflag:s22], $0x2000  }
0x89: {  	[sflag:s22] =	ssyncset.done $0x0  }
0x8a: {  	[sflag:s22] =	ssyncadd.s32 $0xFFFFE000  }
0x8b: {  	_ =	swait.ge [sflag:s24], $0xA00  }
0x8c: {  	[sflag:s24] =	ssyncset.done $0x0  }
0x8d: {  	[sflag:s24] =	ssyncadd.s32 $0xFFFFF600  }
0x8e: {  	[tilespmem:s15], [sflag:$0x2] =	stream.indirect.gather [spmem:s3], $0x40, s23, s14, $0xb8;
	[tilespmem:$0x1EE40] =	vst v63  }
0x8f: {  	_ =	swait.ge [sflag:s18], $0x2000  }
0x90: {  	[sflag:s18] =	ssyncset.done $0x0  }
0x91: {  	s0 =	rddreg [dreg:$0x12];
	[sflag:s18] =	ssyncadd.s32 $0xFFFFE000  }
0x92: {  	[spmem:s2] =	stream.indirect.scatter.add.f32 [tilespmem:s21], [sflag:$0x3], $0x40, s0, s14, $0xb8;
	[tilespmem:$0x1EE40] =	vst v63  }
0x93: {  	_ =	swait.ge [sflag:s22], $0x2000  }
0x94: {  	[sflag:s22] =	ssyncset.done $0x0  }
0x95: {  	s16 =	rddreg [dreg:$0x13];
	[sflag:s22] =	ssyncadd.s32 $0xFFFFE000  }
0x96: {  	[tilespmem:s17], [sflag:$0x2] =	stream.indirect.gather [spmem:s3], $0x40, s16, s14, $0xb8;
	[tilespmem:$0x1EE40] =	vst v63  }
0x97: {  	_ =	swait.ge [sflag:s18], $0x2000  }
0x98: {  	[sflag:s18] =	ssyncset.done $0x0  }
0x99: {  	s26 =	rddreg [dreg:$0x14];
	[sflag:s18] =	ssyncadd.s32 $0xFFFFE000  }
0x9a: {  	[spmem:s2] =	stream.indirect.scatter.add.f32 [tilespmem:s15], [sflag:$0x3], $0x40, s26, s14, $0xb8;
	[tilespmem:$0x1EE40] =	vst v63  }
0x9b: {  	_ =	swait.ge [sflag:s22], $0x2000  }
0x9c: {  	[sflag:s22] =	ssyncset.done $0x0  }
0x9d: {  	s0 =	rddreg [dreg:$0x15];
	[sflag:s22] =	ssyncadd.s32 $0xFFFFE000  }
0x9e: {  	[tilespmem:s20], [sflag:$0x2] =	stream.indirect.gather [spmem:s3], $0x40, s0, s14, $0xb8;
	[tilespmem:$0x1EE40] =	vst v63  }
0x9f: {  	_ =	swait.ge [sflag:s18], $0x2000  }
0xa0: {  	[sflag:s18] =	ssyncset.done $0x0  }
0xa1: {  	s16 =	rddreg [dreg:$0x16];
	[sflag:s18] =	ssyncadd.s32 $0xFFFFE000  }
0xa2: {  	[spmem:s2] =	stream.indirect.scatter.add.f32 [tilespmem:s17], [sflag:$0x3], $0x40, s16, s14, $0xb8;
	[tilespmem:$0x1EE40] =	vst v63  }
0xa3: {  	_ =	swait.ge [sflag:s22], $0x2000  }
0xa4: {  	[sflag:s22] =	ssyncset.done $0x0  }
0xa5: {  	s26 =	rddreg [dreg:$0x17];
	[sflag:s22] =	ssyncadd.s32 $0xFFFFE000  }
0xa6: {  	[tilespmem:s19], [sflag:$0x2] =	stream.indirect.gather [spmem:s3], $0x40, s26, s14, $0xb8;
	[tilespmem:$0x1EE40] =	vst v63  }
0xa7: {  	_ =	swait.ge [sflag:s18], $0x2000  }
0xa8: {  	[sflag:s18] =	ssyncset.done $0x0  }
0xa9: {  	s0 =	rddreg [dreg:$0x18];
	[sflag:s18] =	ssyncadd.s32 $0xFFFFE000  }
0xaa: {  	[spmem:s2] =	stream.indirect.scatter.add.f32 [tilespmem:s20], [sflag:$0x3], $0x40, s0, s14, $0xb8;
	[tilespmem:$0x1EE40] =	vst v63  }
0xab: {  	_ =	swait.ge [sflag:s22], $0x2000  }
0xac: {  	[sflag:s22] =	ssyncset.done $0x0  }
0xad: {  	s16 =	rddreg [dreg:$0x19];
	[sflag:s22] =	ssyncadd.s32 $0xFFFFE000  }
0xae: {  	[tilespmem:s21], [sflag:$0x2] =	stream.indirect.gather [spmem:s3], $0x40, s16, s14, $0xb8;
	[tilespmem:$0x1EE40] =	vst v63  }
0xaf: {  	_ =	swait.ge [sflag:s18], $0x2000  }
0xb0: {  	[sflag:s18] =	ssyncset.done $0x0  }
0xb1: {  	s26 =	rddreg [dreg:$0x1a];
	[sflag:s18] =	ssyncadd.s32 $0xFFFFE000  }
0xb2: {  	[spmem:s2] =	stream.indirect.scatter.add.f32 [tilespmem:s19], [sflag:$0x3], $0x40, s26, s14, $0xb8;
	[tilespmem:$0x1EE40] =	vst v63  }
0xb3: {  	p0 =	por $0x0, $0x0;
	_ =	swait.ge [sflag:s22], $0x2000  }
0xb4: {  	s1 =	sadd.s32 @!p0 $0x0, s8;
	[sflag:s22] =	ssyncset.done $0x0  }
0xb5: {  	s1 =	sadd.s32 @!p0 $0x280, s1;
	s26 =	simm.s32 @!p0 $0x0;
	[sflag:s22] =	ssyncadd.s32 $0xFFFFE000  }
0xb6: {  	[tilespmem:s26], [sflag:$0x1] =	stream.linear.gather @!p0 [hbm4b:s1+s26], $0xA00, $0x38;
	[tilespmem:$0x1EE40] =	vst v63  }
0xb7: {  	s28 =	rddreg [dreg:$0x1b]  }
0xb8: {  	[tilespmem:s15], [sflag:$0x2] =	stream.indirect.gather [spmem:s3], $0x40, s28, s14, $0xb8;
	[tilespmem:$0x1EE40] =	vst v63  }
0xb9: {  	_ =	swait.ge [sflag:s18], $0x2000  }
0xba: {  	[sflag:s18] =	ssyncset.done $0x0  }
0xbb: {  	s0 =	rddreg [dreg:$0x1c];
	[sflag:s18] =	ssyncadd.s32 $0xFFFFE000  }
0xbc: {  	[spmem:s2] =	stream.indirect.scatter.add.f32 [tilespmem:s21], [sflag:$0x3], $0x40, s0, s14, $0xb8;
	[tilespmem:$0x1EE40] =	vst v63  }
0xbd: {  	_ =	swait.ge [sflag:s22], $0x2000  }
0xbe: {  	[sflag:s22] =	ssyncset.done $0x0  }
0xbf: {  	s16 =	rddreg [dreg:$0x1d];
	[sflag:s22] =	ssyncadd.s32 $0xFFFFE000  }
0xc0: {  	[tilespmem:s17], [sflag:$0x2] =	stream.indirect.gather [spmem:s3], $0x40, s16, s14, $0xb8;
	[tilespmem:$0x1EE40] =	vst v63  }
0xc1: {  	_ =	swait.ge [sflag:s18], $0x2000  }
0xc2: {  	[sflag:s18] =	ssyncset.done $0x0  }
0xc3: {  	s26 =	rddreg [dreg:$0x1e];
	[sflag:s18] =	ssyncadd.s32 $0xFFFFE000  }
0xc4: {  	[spmem:s2] =	stream.indirect.scatter.add.f32 [tilespmem:s15], [sflag:$0x3], $0x40, s26, s14, $0xb8;
	[tilespmem:$0x1EE40] =	vst v63  }
0xc5: {  	_ =	swait.ge [sflag:s22], $0x2000  }
0xc6: {  	[sflag:s22] =	ssyncset.done $0x0  }
0xc7: {  	s0 =	rddreg [dreg:$0x1f];
	[sflag:s22] =	ssyncadd.s32 $0xFFFFE000  }
0xc8: {  	[tilespmem:s20], [sflag:$0x2] =	stream.indirect.gather [spmem:s3], $0x40, s0, s14, $0xb8;
	[tilespmem:$0x1EE40] =	vst v63  }
0xc9: {  	_ =	swait.ge [sflag:s18], $0x2000  }
0xca: {  	s16 =	sld [smem:$0x7F9]  }
0xcb: {  	[sflag:s18] =	ssyncset.done $0x0  }
0xcc: {  	[sflag:s18] =	ssyncadd.s32 $0xFFFFE000  }
0xcd: {  	[spmem:s2] =	stream.indirect.scatter.add.f32 [tilespmem:s17], [sflag:$0x3], $0x40, s16, s14, $0xb8;
	[tilespmem:$0x1EE40] =	vst v63  }
0xce: {  	_ =	swait.ge [sflag:s22], $0x2000  }
0xcf: {  	s26 =	sld [smem:$0x7FA]  }
0xd0: {  	[sflag:s22] =	ssyncset.done $0x0  }
0xd1: {  	[sflag:s22] =	ssyncadd.s32 $0xFFFFE000  }
0xd2: {  	[tilespmem:s19], [sflag:$0x2] =	stream.indirect.gather [spmem:s3], $0x40, s26, s14, $0xb8;
	[tilespmem:$0x1EE40] =	vst v63  }
0xd3: {  	_ =	swait.ge [sflag:s18], $0x2000  }
0xd4: {  	s0 =	sld [smem:$0x7FB]  }
0xd5: {  	[sflag:s18] =	ssyncset.done $0x0  }
0xd6: {  	[sflag:s18] =	ssyncadd.s32 $0xFFFFE000  }
0xd7: {  	[spmem:s2] =	stream.indirect.scatter.add.f32 [tilespmem:s20], [sflag:$0x3], $0x40, s0, s14, $0xb8;
	[tilespmem:$0x1EE40] =	vst v63  }
0xd8: {  	_ =	swait.ge [sflag:s22], $0x2000  }
0xd9: {  	s16 =	sld [smem:$0x7FC]  }
0xda: {  	[sflag:s22] =	ssyncset.done $0x0  }
0xdb: {  	[sflag:s22] =	ssyncadd.s32 $0xFFFFE000  }
0xdc: {  	[tilespmem:s21], [sflag:$0x2] =	stream.indirect.gather [spmem:s3], $0x40, s16, s14, $0xb8;
	[tilespmem:$0x1EE40] =	vst v63  }
0xdd: {  	_ =	swait.ge [sflag:s18], $0x2000  }
0xde: {  	s26 =	sld [smem:$0x7FD]  }
0xdf: {  	[sflag:s18] =	ssyncset.done $0x0  }
0xe0: {  	[sflag:s18] =	ssyncadd.s32 $0xFFFFE000  }
0xe1: {  	[spmem:s2] =	stream.indirect.scatter.add.f32 [tilespmem:s19], [sflag:$0x3], $0x40, s26, s14, $0xb8;
	[tilespmem:$0x1EE40] =	vst v63  }
0xe2: {  	_ =	swait.ge [sflag:s22], $0x2000  }
0xe3: {  	[sflag:s22] =	ssyncset.done $0x0  }
0xe4: {  	s1 =	simm.s32 @!p0 $0x1;
	[sflag:s22] =	ssyncadd.s32 $0xFFFFE000  }
0xe5: {  	_ =	swait.ge @!p0 [sflag:s1], $0xA00  }
0xe6: {  	p2 =	por $0x0, $0x0;
	[sflag:s1] =	ssyncset.done @!p0 $0x0  }
0xe7: {  	s26 =	simm.s32 @p2 $0x2;
	[sflag:s1] =	ssyncadd.s32 @!p0 $0xFFFFF600  }
0xe8: {  	_ =	swait.ge @p2 [sflag:s26], $0x2000  }
0xe9: {  	s29 =	simm.s32 @p2 $0x1380;
	s28 =	simm.s32 @p2 $0x80;
	[sflag:s26] =	ssyncset.done @p2 $0x0  }
0xea: {  	s1 =	simm.s32 @p2 $0x9400;
	[sflag:s26] =	ssyncadd.s32 @p2 $0xFFFFE000;
	s26 =	simm.s32 @p2 $0x3  }
0xeb: {  	[spmem:s2] =	stream.indirect.scatter.add.f32 @p2 [tilespmem:s1], [sflag:$0x3], $0x40, s29, s28, $0xb8;
	[tilespmem:$0x1EE40] =	vst v63  }
0xec: {  	_ =	swait.ge @p2 [sflag:s26], $0x2000  }
0xed: {  	s30 =	simm.s32 @!p2 $0x80;
	s1 =	simm.s32 @!p2 $0x1400;
	[sflag:s26] =	ssyncset.done @p2 $0x0  }
0xee: {  	s28 =	simm.s32 @!p2 $0x0;
	[sflag:s26] =	ssyncadd.s32 @p2 $0xFFFFE000;
	s26 =	simm.s32 @!p2 $0x2  }
0xef: {  	[tilespmem:s1], [sflag:$0x2] =	stream.indirect.gather @!p2 [spmem:s3], $0x40, s28, s30, $0xb8;
	[tilespmem:$0x1EE40] =	vst v63  }
0xf0: {  	_ =	swait.ge @!p2 [sflag:s26], $0x2000  }
0xf1: {  	s29 =	simm.s32 @!p2 $0x3;
	[sflag:s26] =	ssyncset.done @!p2 $0x0  }
0xf2: {  	s1 =	simm.s32 @!p2 $0x9400;
	s28 =	simm.s32 @!p2 $0x1380;
	[sflag:s26] =	ssyncadd.s32 @!p2 $0xFFFFE000  }
0xf3: {  	[spmem:s2] =	stream.indirect.scatter.add.f32 @!p2 [tilespmem:s1], [sflag:$0x3], $0x40, s28, s30, $0xb8;
	[tilespmem:$0x1EE40] =	vst v63  }
0xf4: {  	s31 =	simm.s32 @!p2 $0x100;
	s26 =	simm.s32 $0x280;
	_ =	swait.ge @!p2 [sflag:s29], $0x2000  }
0xf5: {  	s1 =	simm.s32 @!p2 $0x3400;
	s28 =	simm.s32 $0x1;
	[sflag:s29] =	ssyncset.done @!p2 $0x0  }
.LBB2_2:
0xf6: {  	[sflag:s29] =	ssyncadd.s32 @!p2 $0xFFFFE000  }
0xf7: {  	[tilespmem:s1], [sflag:$0x2] =	stream.indirect.gather @!p2 [spmem:s3], $0x40, s31, s30, $0xb8;
	[tilespmem:$0x1EE40] =	vst v63  }
0xf8: {  	s29 =	smov.u32 s26;
	_ =	swait.ge [sflag:s18], $0x2000  }
0xf9: {  	p1 =	seq.s32 s29, $0x0;
	[sflag:s18] =	ssyncset.done $0x0  }
0xfa: {  	s1 =	simm.s32 @p1 $0x200;
	[sflag:s18] =	ssyncadd.s32 $0xFFFFE000  }
0xfb: {  	[spmem:s2] =	stream.indirect.scatter.add.f32 [tilespmem:s15], [sflag:$0x3], $0x40, s14, s14, $0xb8;
	[tilespmem:$0x1EE40] =	vst v63  }
0xfc: {  	s30 =	simm.s32 @p1 $0x5400;
	s31 =	simm.s32 @p1 $0x80;
	s0 =	simm.s32 @p1 $0x2  }
0xfd: {  	[tilespmem:s30], [sflag:$0x2] =	stream.indirect.gather @p1 [spmem:s3], $0x40, s1, s31, $0xb8;
	[tilespmem:$0x1EE40] =	vst v63  }
0xfe: {  	_ =	swait.ge @p1 [sflag:s0], $0x2000  }
0xff: {  	s1 =	simm.s32 @p1 $0x180;
	[sflag:s0] =	ssyncset.done @p1 $0x0  }
0x100: {  	s30 =	simm.s32 @p1 $0x3400;
	[sflag:s0] =	ssyncadd.s32 @p1 $0xFFFFE000;
	s0 =	simm.s32 @!p1 $0x3  }
0x101: {  	[spmem:s2] =	stream.indirect.scatter.add.f32 @p1 [tilespmem:s30], [sflag:$0x3], $0x40, s1, s31, $0xb8;
	[tilespmem:$0x1EE40] =	vst v63  }
0x102: {  	_ =	swait.ge @!p1 [sflag:s0], $0x2000  }
0x103: {  	s16 =	simm.s32 @!p1 $0x2;
	s1 =	simm.s32 @!p1 $0x5400;
	[sflag:s0] =	ssyncset.done @!p1 $0x0  }
0x104: {  	s30 =	simm.s32 @!p1 $0x80;
	s31 =	simm.s32 @!p1 $0x200;
	[sflag:s0] =	ssyncadd.s32 @!p1 $0xFFFFE000  }
0x105: {  	[tilespmem:s1], [sflag:$0x2] =	stream.indirect.gather @!p1 [spmem:s3], $0x40, s31, s30, $0xb8;
	[tilespmem:$0x1EE40] =	vst v63  }
0x106: {  	_ =	swait.ge @!p1 [sflag:s16], $0x2000  }
0x107: {  	[sflag:s16] =	ssyncset.done @!p1 $0x0  }
0x108: {  	s1 =	simm.s32 @!p1 $0x180;
	s31 =	simm.s32 @!p1 $0x3400;
	[sflag:s16] =	ssyncadd.s32 @!p1 $0xFFFFE000  }
0x109: {  	[spmem:s2] =	stream.indirect.scatter.add.f32 @!p1 [tilespmem:s31], [sflag:$0x3], $0x40, s1, s30, $0xb8;
	[tilespmem:$0x1EE40] =	vst v63  }
0x10a: {  	_ =	swait.ge @!p1 [sflag:s0], $0x2000  }
0x10b: {  	[sflag:s0] =	ssyncset.done @!p1 $0x0  }
0x10c: {  	s16 =	rddreg [dreg:$0x4];
	[sflag:s0] =	ssyncadd.s32 @!p1 $0xFFFFE000  }
0x10d: {  	[tilespmem:s19], [sflag:$0x2] =	stream.indirect.gather [spmem:s3], $0x40, s16, s14, $0xb8;
	[tilespmem:$0x1EE40] =	vst v63  }
0x10e: {  	_ =	swait.ge [sflag:s18], $0x2000  }
0x10f: {  	[sflag:s18] =	ssyncset.done $0x0  }
0x110: {  	s16 =	rddreg [dreg:$0x5];
	[sflag:s18] =	ssyncadd.s32 $0xFFFFE000  }
0x111: {  	[spmem:s2] =	stream.indirect.scatter.add.f32 [tilespmem:s20], [sflag:$0x3], $0x40, s16, s14, $0xb8;
	[tilespmem:$0x1EE40] =	vst v63  }
0x112: {  	_ =	swait.ge @!p1 [sflag:s0], $0x2000  }
0x113: {  	[sflag:s0] =	ssyncset.done @!p1 $0x0  }
0x114: {  	s16 =	rddreg [dreg:$0x6];
	[sflag:s0] =	ssyncadd.s32 @!p1 $0xFFFFE000  }
0x115: {  	[tilespmem:s21], [sflag:$0x2] =	stream.indirect.gather [spmem:s3], $0x40, s16, s14, $0xb8;
	[tilespmem:$0x1EE40] =	vst v63  }
0x116: {  	_ =	swait.ge [sflag:s18], $0x2000  }
0x117: {  	[sflag:s18] =	ssyncset.done $0x0  }
0x118: {  	s16 =	rddreg [dreg:$0x7];
	[sflag:s18] =	ssyncadd.s32 $0xFFFFE000  }
0x119: {  	[spmem:s2] =	stream.indirect.scatter.add.f32 [tilespmem:s19], [sflag:$0x3], $0x40, s16, s14, $0xb8;
	[tilespmem:$0x1EE40] =	vst v63  }
0x11a: {  	_ =	swait.ge [sflag:s22], $0x2000  }
0x11b: {  	s1 =	sadd.s32 s29, s8;
	[sflag:s22] =	ssyncset.done $0x0  }
0x11c: {  	s0 =	sadd.s32 $0x140, s1;
	[sflag:s22] =	ssyncadd.s32 $0xFFFFE000  }
0x11d: {  	[tilespmem:s23], [sflag:$0x1] =	stream.linear.gather [hbm4b:s0+s4], $0xA00, $0x38;
	[tilespmem:$0x1EE40] =	vst v63  }
0x11e: {  	s16 =	rddreg [dreg:$0x8]  }
0x11f: {  	[tilespmem:s15], [sflag:$0x2] =	stream.indirect.gather [spmem:s3], $0x40, s16, s14, $0xb8;
	[tilespmem:$0x1EE40] =	vst v63  }
0x120: {  	_ =	swait.ge [sflag:s18], $0x2000  }
0x121: {  	[sflag:s18] =	ssyncset.done $0x0  }
0x122: {  	s16 =	rddreg [dreg:$0x9];
	[sflag:s18] =	ssyncadd.s32 $0xFFFFE000  }
0x123: {  	[spmem:s2] =	stream.indirect.scatter.add.f32 [tilespmem:s21], [sflag:$0x3], $0x40, s16, s14, $0xb8;
	[tilespmem:$0x1EE40] =	vst v63  }
0x124: {  	_ =	swait.ge [sflag:s22], $0x2000  }
0x125: {  	[sflag:s22] =	ssyncset.done $0x0  }
0x126: {  	s1 =	rddreg [dreg:$0xa];
	[sflag:s22] =	ssyncadd.s32 $0xFFFFE000  }
0x127: {  	[tilespmem:s17], [sflag:$0x2] =	stream.indirect.gather [spmem:s3], $0x40, s1, s14, $0xb8;
	[tilespmem:$0x1EE40] =	vst v63  }
0x128: {  	_ =	swait.ge [sflag:s18], $0x2000  }
0x129: {  	[sflag:s18] =	ssyncset.done $0x0  }
0x12a: {  	s16 =	rddreg [dreg:$0xb];
	[sflag:s18] =	ssyncadd.s32 $0xFFFFE000  }
0x12b: {  	[spmem:s2] =	stream.indirect.scatter.add.f32 [tilespmem:s15], [sflag:$0x3], $0x40, s16, s14, $0xb8;
	[tilespmem:$0x1EE40] =	vst v63  }
0x12c: {  	_ =	swait.ge [sflag:s22], $0x2000  }
0x12d: {  	[sflag:s22] =	ssyncset.done $0x0  }
0x12e: {  	s1 =	rddreg [dreg:$0xc];
	[sflag:s22] =	ssyncadd.s32 $0xFFFFE000  }
0x12f: {  	[tilespmem:s20], [sflag:$0x2] =	stream.indirect.gather [spmem:s3], $0x40, s1, s14, $0xb8;
	[tilespmem:$0x1EE40] =	vst v63  }
0x130: {  	_ =	swait.ge [sflag:s18], $0x2000  }
0x131: {  	[sflag:s18] =	ssyncset.done $0x0  }
0x132: {  	s16 =	rddreg [dreg:$0xd];
	[sflag:s18] =	ssyncadd.s32 $0xFFFFE000  }
0x133: {  	[spmem:s2] =	stream.indirect.scatter.add.f32 [tilespmem:s17], [sflag:$0x3], $0x40, s16, s14, $0xb8;
	[tilespmem:$0x1EE40] =	vst v63  }
0x134: {  	_ =	swait.ge [sflag:s22], $0x2000  }
0x135: {  	[sflag:s22] =	ssyncset.done $0x0  }
0x136: {  	s1 =	rddreg [dreg:$0xe];
	[sflag:s22] =	ssyncadd.s32 $0xFFFFE000  }
0x137: {  	[tilespmem:s19], [sflag:$0x2] =	stream.indirect.gather [spmem:s3], $0x40, s1, s14, $0xb8;
	[tilespmem:$0x1EE40] =	vst v63  }
0x138: {  	_ =	swait.ge [sflag:s18], $0x2000  }
0x139: {  	[sflag:s18] =	ssyncset.done $0x0  }
0x13a: {  	s16 =	rddreg [dreg:$0xf];
	[sflag:s18] =	ssyncadd.s32 $0xFFFFE000  }
0x13b: {  	[spmem:s2] =	stream.indirect.scatter.add.f32 [tilespmem:s20], [sflag:$0x3], $0x40, s16, s14, $0xb8;
	[tilespmem:$0x1EE40] =	vst v63  }
0x13c: {  	_ =	swait.ge [sflag:s22], $0x2000  }
0x13d: {  	[sflag:s22] =	ssyncset.done $0x0  }
0x13e: {  	s1 =	rddreg [dreg:$0x10];
	[sflag:s22] =	ssyncadd.s32 $0xFFFFE000  }
0x13f: {  	[tilespmem:s21], [sflag:$0x2] =	stream.indirect.gather [spmem:s3], $0x40, s1, s14, $0xb8;
	[tilespmem:$0x1EE40] =	vst v63  }
0x140: {  	_ =	swait.ge [sflag:s18], $0x2000  }
0x141: {  	[sflag:s18] =	ssyncset.done $0x0  }
0x142: {  	s16 =	rddreg [dreg:$0x11];
	[sflag:s18] =	ssyncadd.s32 $0xFFFFE000  }
0x143: {  	[spmem:s2] =	stream.indirect.scatter.add.f32 [tilespmem:s19], [sflag:$0x3], $0x40, s16, s14, $0xb8;
	[tilespmem:$0x1EE40] =	vst v63  }
0x144: {  	_ =	swait.ge [sflag:s22], $0x2000  }
0x145: {  	[sflag:s22] =	ssyncset.done $0x0  }
0x146: {  	[sflag:s22] =	ssyncadd.s32 $0xFFFFE000  }
0x147: {  	_ =	swait.ge [sflag:s24], $0xA00  }
0x148: {  	[sflag:s24] =	ssyncset.done $0x0  }
0x149: {  	[sflag:s24] =	ssyncadd.s32 $0xFFFFF600  }
0x14a: {  	[tilespmem:s15], [sflag:$0x2] =	stream.indirect.gather [spmem:s3], $0x40, s23, s14, $0xb8;
	[tilespmem:$0x1EE40] =	vst v63  }
0x14b: {  	_ =	swait.ge [sflag:s18], $0x2000  }
0x14c: {  	[sflag:s18] =	ssyncset.done $0x0  }
0x14d: {  	s1 =	rddreg [dreg:$0x12];
	[sflag:s18] =	ssyncadd.s32 $0xFFFFE000  }
0x14e: {  	[spmem:s2] =	stream.indirect.scatter.add.f32 [tilespmem:s21], [sflag:$0x3], $0x40, s1, s14, $0xb8;
	[tilespmem:$0x1EE40] =	vst v63  }
0x14f: {  	_ =	swait.ge [sflag:s22], $0x2000  }
0x150: {  	[sflag:s22] =	ssyncset.done $0x0  }
0x151: {  	s16 =	rddreg [dreg:$0x13];
	[sflag:s22] =	ssyncadd.s32 $0xFFFFE000  }
0x152: {  	[tilespmem:s17], [sflag:$0x2] =	stream.indirect.gather [spmem:s3], $0x40, s16, s14, $0xb8;
	[tilespmem:$0x1EE40] =	vst v63  }
0x153: {  	_ =	swait.ge [sflag:s18], $0x2000  }
0x154: {  	[sflag:s18] =	ssyncset.done $0x0  }
0x155: {  	s1 =	rddreg [dreg:$0x14];
	[sflag:s18] =	ssyncadd.s32 $0xFFFFE000  }
0x156: {  	[spmem:s2] =	stream.indirect.scatter.add.f32 [tilespmem:s15], [sflag:$0x3], $0x40, s1, s14, $0xb8;
	[tilespmem:$0x1EE40] =	vst v63  }
0x157: {  	_ =	swait.ge [sflag:s22], $0x2000  }
0x158: {  	[sflag:s22] =	ssyncset.done $0x0  }
0x159: {  	s16 =	rddreg [dreg:$0x15];
	[sflag:s22] =	ssyncadd.s32 $0xFFFFE000  }
0x15a: {  	[tilespmem:s20], [sflag:$0x2] =	stream.indirect.gather [spmem:s3], $0x40, s16, s14, $0xb8;
	[tilespmem:$0x1EE40] =	vst v63  }
0x15b: {  	_ =	swait.ge [sflag:s18], $0x2000  }
0x15c: {  	[sflag:s18] =	ssyncset.done $0x0  }
0x15d: {  	s1 =	rddreg [dreg:$0x16];
	[sflag:s18] =	ssyncadd.s32 $0xFFFFE000  }
0x15e: {  	[spmem:s2] =	stream.indirect.scatter.add.f32 [tilespmem:s17], [sflag:$0x3], $0x40, s1, s14, $0xb8;
	[tilespmem:$0x1EE40] =	vst v63  }
0x15f: {  	_ =	swait.ge [sflag:s22], $0x2000  }
0x160: {  	[sflag:s22] =	ssyncset.done $0x0  }
0x161: {  	s16 =	rddreg [dreg:$0x17];
	[sflag:s22] =	ssyncadd.s32 $0xFFFFE000  }
0x162: {  	[tilespmem:s19], [sflag:$0x2] =	stream.indirect.gather [spmem:s3], $0x40, s16, s14, $0xb8;
	[tilespmem:$0x1EE40] =	vst v63  }
0x163: {  	_ =	swait.ge [sflag:s18], $0x2000  }
0x164: {  	[sflag:s18] =	ssyncset.done $0x0  }
0x165: {  	s1 =	rddreg [dreg:$0x18];
	[sflag:s18] =	ssyncadd.s32 $0xFFFFE000  }
0x166: {  	[spmem:s2] =	stream.indirect.scatter.add.f32 [tilespmem:s20], [sflag:$0x3], $0x40, s1, s14, $0xb8;
	[tilespmem:$0x1EE40] =	vst v63  }
0x167: {  	_ =	swait.ge [sflag:s22], $0x2000  }
0x168: {  	[sflag:s22] =	ssyncset.done $0x0  }
0x169: {  	s16 =	rddreg [dreg:$0x19];
	[sflag:s22] =	ssyncadd.s32 $0xFFFFE000  }
0x16a: {  	[tilespmem:s21], [sflag:$0x2] =	stream.indirect.gather [spmem:s3], $0x40, s16, s14, $0xb8;
	[tilespmem:$0x1EE40] =	vst v63  }
0x16b: {  	_ =	swait.ge [sflag:s18], $0x2000  }
0x16c: {  	[sflag:s18] =	ssyncset.done $0x0  }
0x16d: {  	s1 =	rddreg [dreg:$0x1a];
	[sflag:s18] =	ssyncadd.s32 $0xFFFFE000  }
0x16e: {  	[spmem:s2] =	stream.indirect.scatter.add.f32 [tilespmem:s19], [sflag:$0x3], $0x40, s1, s14, $0xb8;
	[tilespmem:$0x1EE40] =	vst v63  }
0x16f: {  	p1 =	seq.s32 s29, $0x2580;
	_ =	swait.ge [sflag:s22], $0x2000  }
0x170: {  	s0 =	sadd.s32 @!p1 s29, s8;
	[sflag:s22] =	ssyncset.done $0x0  }
0x171: {  	s0 =	sadd.s32 @!p1 $0x280, s0;
	s1 =	simm.s32 @!p1 $0x0;
	[sflag:s22] =	ssyncadd.s32 $0xFFFFE000  }
0x172: {  	[tilespmem:s1], [sflag:$0x1] =	stream.linear.gather @!p1 [hbm4b:s0+s1], $0xA00, $0x38;
	[tilespmem:$0x1EE40] =	vst v63  }
0x173: {  	s16 =	rddreg [dreg:$0x1b]  }
0x174: {  	[tilespmem:s15], [sflag:$0x2] =	stream.indirect.gather [spmem:s3], $0x40, s16, s14, $0xb8;
	[tilespmem:$0x1EE40] =	vst v63  }
0x175: {  	_ =	swait.ge [sflag:s18], $0x2000  }
0x176: {  	[sflag:s18] =	ssyncset.done $0x0  }
0x177: {  	s16 =	rddreg [dreg:$0x1c];
	[sflag:s18] =	ssyncadd.s32 $0xFFFFE000  }
0x178: {  	[spmem:s2] =	stream.indirect.scatter.add.f32 [tilespmem:s21], [sflag:$0x3], $0x40, s16, s14, $0xb8;
	[tilespmem:$0x1EE40] =	vst v63  }
0x179: {  	_ =	swait.ge [sflag:s22], $0x2000  }
0x17a: {  	[sflag:s22] =	ssyncset.done $0x0  }
0x17b: {  	s1 =	rddreg [dreg:$0x1d];
	[sflag:s22] =	ssyncadd.s32 $0xFFFFE000  }
0x17c: {  	[tilespmem:s17], [sflag:$0x2] =	stream.indirect.gather [spmem:s3], $0x40, s1, s14, $0xb8;
	[tilespmem:$0x1EE40] =	vst v63  }
0x17d: {  	_ =	swait.ge [sflag:s18], $0x2000  }
0x17e: {  	[sflag:s18] =	ssyncset.done $0x0  }
0x17f: {  	s16 =	rddreg [dreg:$0x1e];
	[sflag:s18] =	ssyncadd.s32 $0xFFFFE000  }
0x180: {  	[spmem:s2] =	stream.indirect.scatter.add.f32 [tilespmem:s15], [sflag:$0x3], $0x40, s16, s14, $0xb8;
	[tilespmem:$0x1EE40] =	vst v63  }
0x181: {  	_ =	swait.ge [sflag:s22], $0x2000  }
0x182: {  	[sflag:s22] =	ssyncset.done $0x0  }
0x183: {  	s1 =	rddreg [dreg:$0x1f];
	[sflag:s22] =	ssyncadd.s32 $0xFFFFE000  }
0x184: {  	[tilespmem:s20], [sflag:$0x2] =	stream.indirect.gather [spmem:s3], $0x40, s1, s14, $0xb8;
	[tilespmem:$0x1EE40] =	vst v63  }
0x185: {  	_ =	swait.ge [sflag:s18], $0x2000  }
0x186: {  	s16 =	sld [smem:$0x7F9]  }
0x187: {  	[sflag:s18] =	ssyncset.done $0x0  }
0x188: {  	[sflag:s18] =	ssyncadd.s32 $0xFFFFE000  }
0x189: {  	[spmem:s2] =	stream.indirect.scatter.add.f32 [tilespmem:s17], [sflag:$0x3], $0x40, s16, s14, $0xb8;
	[tilespmem:$0x1EE40] =	vst v63  }
0x18a: {  	_ =	swait.ge [sflag:s22], $0x2000  }
0x18b: {  	s1 =	sld [smem:$0x7FA]  }
0x18c: {  	[sflag:s22] =	ssyncset.done $0x0  }
0x18d: {  	[sflag:s22] =	ssyncadd.s32 $0xFFFFE000  }
0x18e: {  	[tilespmem:s19], [sflag:$0x2] =	stream.indirect.gather [spmem:s3], $0x40, s1, s14, $0xb8;
	[tilespmem:$0x1EE40] =	vst v63  }
0x18f: {  	_ =	swait.ge [sflag:s18], $0x2000  }
0x190: {  	s16 =	sld [smem:$0x7FB]  }
0x191: {  	[sflag:s18] =	ssyncset.done $0x0  }
0x192: {  	[sflag:s18] =	ssyncadd.s32 $0xFFFFE000  }
0x193: {  	[spmem:s2] =	stream.indirect.scatter.add.f32 [tilespmem:s20], [sflag:$0x3], $0x40, s16, s14, $0xb8;
	[tilespmem:$0x1EE40] =	vst v63  }
0x194: {  	_ =	swait.ge [sflag:s22], $0x2000  }
0x195: {  	s1 =	sld [smem:$0x7FC]  }
0x196: {  	[sflag:s22] =	ssyncset.done $0x0  }
0x197: {  	[sflag:s22] =	ssyncadd.s32 $0xFFFFE000  }
0x198: {  	[tilespmem:s21], [sflag:$0x2] =	stream.indirect.gather [spmem:s3], $0x40, s1, s14, $0xb8;
	[tilespmem:$0x1EE40] =	vst v63  }
0x199: {  	_ =	swait.ge [sflag:s18], $0x2000  }
0x19a: {  	s16 =	sld [smem:$0x7FD]  }
0x19b: {  	[sflag:s18] =	ssyncset.done $0x0  }
0x19c: {  	[sflag:s18] =	ssyncadd.s32 $0xFFFFE000  }
0x19d: {  	[spmem:s2] =	stream.indirect.scatter.add.f32 [tilespmem:s19], [sflag:$0x3], $0x40, s16, s14, $0xb8;
	[tilespmem:$0x1EE40] =	vst v63  }
0x19e: {  	_ =	swait.ge [sflag:s22], $0x2000  }
0x19f: {  	[sflag:s22] =	ssyncset.done $0x0  }
0x1a0: {  	s0 =	simm.s32 @!p1 $0x1;
	[sflag:s22] =	ssyncadd.s32 $0xFFFFE000  }
0x1a1: {  	s28 =	sadd.s32 $0x2, s28;
	_ =	swait.ge @!p1 [sflag:s0], $0xA00  }
0x1a2: {  	p2 =	sgt.u32 s28, $0x1E;
	[sflag:s0] =	ssyncset.done @!p1 $0x0  }
0x1a3: {  	s1 =	simm.s32 @p2 $0x2;
	[sflag:s0] =	ssyncadd.s32 @!p1 $0xFFFFF600  }
0x1a4: {  	_ =	swait.ge @p2 [sflag:s1], $0x2000  }
0x1a5: {  	s29 =	simm.s32 @p2 $0x1380;
	s16 =	simm.s32 @p2 $0x80;
	[sflag:s1] =	ssyncset.done @p2 $0x0  }
0x1a6: {  	s0 =	simm.s32 @p2 $0x9400;
	[sflag:s1] =	ssyncadd.s32 @p2 $0xFFFFE000;
	s1 =	simm.s32 @p2 $0x3  }
0x1a7: {  	[spmem:s2] =	stream.indirect.scatter.add.f32 @p2 [tilespmem:s0], [sflag:$0x3], $0x40, s29, s16, $0xb8;
	[tilespmem:$0x1EE40] =	vst v63  }
0x1a8: {  	s26 =	sadd.s32 $0x280, s26;
	_ =	swait.ge @p2 [sflag:s1], $0x2000  }
0x1a9: {  	s30 =	simm.s32 @!p2 $0x80;
	s0 =	simm.s32 @!p2 $0x1400;
	[sflag:s1] =	ssyncset.done @p2 $0x0  }
0x1aa: {  	s16 =	simm.s32 @!p2 $0x0;
	[sflag:s1] =	ssyncadd.s32 @p2 $0xFFFFE000;
	s1 =	simm.s32 @!p2 $0x2  }
0x1ab: {  	[tilespmem:s0], [sflag:$0x2] =	stream.indirect.gather @!p2 [spmem:s3], $0x40, s16, s30, $0xb8;
	[tilespmem:$0x1EE40] =	vst v63  }
0x1ac: {  	p0 =	sne.s32 s26, $0x2800;
	_ =	swait.ge @!p2 [sflag:s1], $0x2000  }
.Ltmp0:
0x1ad: {  	s29 =	simm.s32 @!p2 $0x3;
	[sflag:s1] =	ssyncset.done @!p2 $0x0;
	(pc) =	sbr.rel @p0 .LBB2_2-.Ltmp0, $4  }
0x1ae: {  	s0 =	simm.s32 @!p2 $0x9400;
	s16 =	simm.s32 @!p2 $0x1380;
	[sflag:s1] =	ssyncadd.s32 @!p2 $0xFFFFE000  }
0x1af: {  	[spmem:s2] =	stream.indirect.scatter.add.f32 @!p2 [tilespmem:s0], [sflag:$0x3], $0x40, s16, s30, $0xb8;
	[tilespmem:$0x1EE40] =	vst v63  }
0x1b0: {  	_ =	swait.ge @!p2 [sflag:s29], $0x2000  }
0x1b1: {  	s31 =	simm.s32 @!p2 $0x100;
	s1 =	simm.s32 @!p2 $0x3400;
	[sflag:s29] =	ssyncset.done @!p2 $0x0  }
0x1b2: {  	[sflag:s29] =	ssyncadd.s32 @!p2 $0xFFFFE000  }
0x1b3: {  	[tilespmem:s1], [sflag:$0x2] =	stream.indirect.gather @!p2 [spmem:s3], $0x40, s31, s30, $0xb8;
	[tilespmem:$0x1EE40] =	vst v63  }
0x1b4: {  	_ =	swait.ge [sflag:s22], $0x2000  }
0x1b5: {  	[sflag:s22] =	ssyncset.done $0x0  }
0x1b6: {  	[sflag:s22] =	ssyncadd.s32 $0xFFFFE000  }
0x1b7: {  	_ =	swait.ge [sflag:s22], $0x2000  }
0x1b8: {  	[sflag:s22] =	ssyncset.done $0x0  }
0x1b9: {  	[sflag:s22] =	ssyncadd.s32 $0xFFFFE000  }
0x1ba: {  	_ =	swait.ge [sflag:s22], $0x2000  }
0x1bb: {  	s25 =	sadd.s32 $0x1, s25;
	[sflag:s22] =	ssyncset.done $0x0  }
0x1bc: {  	p0 =	sne.s32 s25, s10;
	[sflag:s22] =	ssyncadd.s32 $0xFFFFE000  }
.Ltmp1:
0x1bd: {  	[bflag:$0x0] =	sbarrier.arrive $0xFFFF;
	(pc) =	sbr.rel @p0 .LBB2_1-.Ltmp1, $4  }
0x1be: {  	[hbm:s9], [sflag:s6] =	dma.local [spmem:s11], $0x13C0  }
0x1bf: {  	_ =	swait.ge [sflag:s12], $0x13C0  }
0x1c0: {  	[sflag:s12] =	ssyncset.done $0x0  }
0x1c1: {  	[sflag:s12] =	ssyncadd.s32 $0xFFFFEC40  }
0x1c2: {  	_ =	sfence.sel $0x180000  }
0x1c3: {  	[bflag:$0x0] =	sbarrier.arrive $0xFFFF  }
0x1c4: {  	_ =	strace $0x9000004A  }
0x1c5: {  	s0 =	stileid.u32;
	[bflag:$0x2] =	sbarrier.arrive $0xFFFF  }
0x1c6: {  	p0 =	sne.s32 s0, $0x0;
	s0 =	rddreg [dreg:$0x3]  }
0x1c7: {  	s0 =	sadd.s32 @!p0 $0x100000, s0  }
0x1c8: {  	[sflag:s0] =	ssyncadd.tile.s32 @!p0 $0x1;
	_ =	shalt  }
.Lfunc_end2:
_tile_overlayer_lowered:
.L_overlay_start_2:
0x1c9: {  	(tag) =	ssettag $0x2  }
0x1ca: {  	s0 =	rddreg [dreg:$0x0];
	s2 =	stileid.u32  }
0x1cb: {  	s1 =	rddreg [dreg:$0x1];
	p0 =	sne.s32 s2, $0x0  }
0x1cc: {  	s3 =	rddreg [dreg:$0x2];
	[bflag:$0x3] =	sbarrier.arrive $0xFFFF;
	s2 =	simm.s32 @!p0 $0x1C04  }
0x1cd: {  	[timem:s3], [sflag:s2] =	dma.local @!p0 [hbm:s0], s1  }
0x1ce: {  	s0 =	simm.s32 @!p0 $0x4  }
0x1cf: {  	_ =	swait.ge @!p0 [sflag:s0], s1  }
0x1d0: {  	s1 =	ssub.s32 @!p0 $0x0, s1;
	[sflag:s0] =	ssyncset.done @!p0 $0x0  }
0x1d1: {  	[sflag:s0] =	ssyncadd.s32 @!p0 s1  }
0x1d2: {  	[bflag:$0x3] =	sbarrier.arrive $0xFFFF  }
0x1d3: {  	_ =	shalt  }

</sc_bundles>
